<compile_context>
chip_gen: v7x
topology: tpu7x:2x2x1
jax: 0.10.2.dev20260603
libtpu: 0.0.44.dev20260713+nightly
codegen_flags: <defaults>
</compile_context>

<pallas_src>
import functools

import jax
import jax.numpy as jnp
from jax import lax
from jax.experimental import pallas as pl
from jax.experimental.pallas import tpu as pltpu
from jax.experimental.pallas import tpu_sc as plsc

N = 10000
E = 320000
D = 128
DEGW = 16
NC, NS = 2, 16
NW = NC * NS
EPW = E // NW
CHUNK = 128
NFULL = EPW // CHUNK
REM = EPW - NFULL * CHUNK
RPSA = 624
NTAIL = N - NS * RPSA
NBASE = NS * RPSA


def _sc_agg_body(with_deg, *refs):
    if with_deg:
        (x_hbm, src_hbm, dst_hbm, z_hbm, z16_hbm, ones_hbm,
         out_hbm, deg_hbm,
         idxbuf, idxbuf2, idx_r, idx16, idxz, idxz112,
         rows, rows_b, rows16, ones_v, t16,
         acc, degacc, sem, sem_b, sem_s, sem_sb, sem_d, sem_i) = refs
    else:
        (x_hbm, src_hbm, dst_hbm, z_hbm,
         out_hbm,
         idxbuf, idxbuf2, idx_r, idx16, idxz, idxz112,
         rows, rows_b, rows16,
         acc, sem, sem_b, sem_s, sem_sb, sem_i) = refs
        degacc = ones_v = t16 = deg_hbm = None

    cid = lax.axis_index("c")
    sid = lax.axis_index("s")
    wid = cid * NS + sid
    r0 = pl.multiple_of(sid * RPSA, 16)
    _OFFS = ((0, 128), (128, 128), (256, 128), (384, 128), (512, 112))

    def fill_idx(ref, base, n):
        lanes = lax.iota(jnp.int32, 16)
        for j in range(0, n, 16):
            ref[pl.ds(j, 16)] = lanes + (base + j)

    def load_idx_sync(ib, k):
        pltpu.sync_copy(src_hbm.at[wid, pl.ds(k * 2 * CHUNK, 2 * CHUNK)],
                        ib.at[pl.ds(0, 2 * CHUNK)])
        pltpu.sync_copy(dst_hbm.at[wid, pl.ds(k * 2 * CHUNK, 2 * CHUNK)],
                        ib.at[pl.ds(2 * CHUNK, 2 * CHUNK)])

    def load_idx_async(ib, k):
        pltpu.async_copy(src_hbm.at[wid, pl.ds(k * 2 * CHUNK, 2 * CHUNK)],
                         ib.at[pl.ds(0, 2 * CHUNK)], sem_i)
        return pltpu.async_copy(
            dst_hbm.at[wid, pl.ds(k * 2 * CHUNK, 2 * CHUNK)],
            ib.at[pl.ds(2 * CHUNK, 2 * CHUNK)], sem_i)

    def idx_wait(ib, k):
        pltpu.make_async_copy(
            src_hbm.at[wid, pl.ds(k * 2 * CHUNK, 2 * CHUNK)],
            ib.at[pl.ds(0, 2 * CHUNK)], sem_i).wait()
        pltpu.make_async_copy(
            dst_hbm.at[wid, pl.ds(k * 2 * CHUNK, 2 * CHUNK)],
            ib.at[pl.ds(2 * CHUNK, 2 * CHUNK)], sem_i).wait()

    pltpu.sync_copy(z_hbm, rows)
    if with_deg:
        pltpu.sync_copy(z16_hbm, ones_v)
    for o, s in _OFFS:
        iref = idxz if s == 128 else idxz112
        fill_idx(iref, r0 + o, s)
        pltpu.sync_copy(rows.at[pl.ds(0, s)], acc.at[iref])
        if with_deg:
            pltpu.sync_copy(ones_v.at[pl.ds(0, s)], degacc.at[iref])

    @pl.when(sid == NS - 1)
    def _zero_tail():
        fill_idx(idx16, NBASE, NTAIL)
        pltpu.sync_copy(rows.at[pl.ds(0, NTAIL)], acc.at[idx16])
        if with_deg:
            pltpu.sync_copy(ones_v.at[pl.ds(0, NTAIL)], degacc.at[idx16])

    if with_deg:
        pltpu.sync_copy(ones_hbm, ones_v)
    load_idx_sync(idxbuf, 0)
    load_idx_sync(idxbuf2, 1)
    pltpu.async_copy(x_hbm.at[idxbuf.at[pl.ds(0, CHUNK)]], rows, sem)
    pltpu.async_copy(x_hbm.at[idxbuf.at[pl.ds(CHUNK, CHUNK)]], rows_b, sem_b)
    plsc.subcore_barrier()


    def srcs(ib, half):
        return ib.at[pl.ds(half * CHUNK, CHUNK)]

    def dsts(ib, half):
        return ib.at[pl.ds((2 + half) * CHUNK, CHUNK)]

    def half_step(ib, buf, g_sem, s_sem, half):
        pltpu.make_async_copy(x_hbm.at[srcs(ib, half)], buf, g_sem).wait()
        sc = pltpu.async_copy(buf, acc.at[dsts(ib, half)], s_sem, add=True)
        if with_deg:
            pltpu.async_copy(ones_v, degacc.at[dsts(ib, half)], sem_d,
                             add=True)
        return sc

    def deg_drain(ib):
        if with_deg:
            pltpu.make_async_copy(ones_v, degacc.at[dsts(ib, 0)],
                                  sem_d).wait()
            pltpu.make_async_copy(ones_v, degacc.at[dsts(ib, 1)],
                                  sem_d).wait()

    NIT = NFULL // 2
    NPAIR = (NIT - 1) // 2

    def pair_body(j, carry):
        e = 2 * j
        sa = half_step(idxbuf, rows, sem, sem_s, 0)
        sb = half_step(idxbuf, rows_b, sem_b, sem_sb, 1)
        sa.wait()
        pltpu.async_copy(x_hbm.at[srcs(idxbuf2, 0)], rows, sem)
        sb.wait()
        pltpu.async_copy(x_hbm.at[srcs(idxbuf2, 1)], rows_b, sem_b)
        deg_drain(idxbuf)
        load_idx_async(idxbuf, e + 2)
        sa = half_step(idxbuf2, rows, sem, sem_s, 0)
        sb = half_step(idxbuf2, rows_b, sem_b, sem_sb, 1)
        idx_wait(idxbuf, e + 2)
        sa.wait()
        pltpu.async_copy(x_hbm.at[srcs(idxbuf, 0)], rows, sem)
        sb.wait()
        pltpu.async_copy(x_hbm.at[srcs(idxbuf, 1)], rows_b, sem_b)
        deg_drain(idxbuf2)

        @pl.when(j < NPAIR - 1)
        def _load_next_odd():
            load_idx_async(idxbuf2, e + 3)
            idx_wait(idxbuf2, e + 3)

        return carry

    lax.fori_loop(0, NPAIR, pair_body, 0)

    sa = half_step(idxbuf, rows, sem, sem_s, 0)
    sb = half_step(idxbuf, rows_b, sem_b, sem_sb, 1)
    sa.wait()
    sb.wait()
    deg_drain(idxbuf)

    pltpu.sync_copy(src_hbm.at[wid, pl.ds(NFULL * CHUNK, REM)],
                    idx_r.at[pl.ds(0, REM)])
    pltpu.sync_copy(dst_hbm.at[wid, pl.ds(NFULL * CHUNK, REM)],
                    idx_r.at[pl.ds(REM, REM)])
    pltpu.async_copy(x_hbm.at[idx_r.at[pl.ds(0, REM)]], rows16, sem).wait()
    pltpu.sync_copy(rows16, acc.at[idx_r.at[pl.ds(REM, REM)]], add=True)
    if with_deg:
        pltpu.sync_copy(ones_v.at[pl.ds(0, REM)],
                        degacc.at[idx_r.at[pl.ds(REM, REM)]], add=True)

    plsc.subcore_barrier()

    bufs = (rows, rows_b)
    gsems = (sem, sem_b)
    wsems = (sem_s, sem_sb)
    irefs = (idxz, idxbuf.at[pl.ds(0, CHUNK)])
    gathers = [None] * len(_OFFS)
    writes = [None] * len(_OFFS)
    for k, (o, s) in enumerate(_OFFS):
        p = k % 2
        iref = irefs[p] if s == 128 else idxz112
        if k >= 2 and writes[k - 2] is not None:
            writes[k - 2].wait()
        fill_idx(iref, r0 + o, s)
        gathers[k] = pltpu.async_copy(
            acc.at[iref], bufs[p].at[pl.ds(0, s)], gsems[p])
        if k >= 1:
            gathers[k - 1].wait()
            o1, s1 = _OFFS[k - 1]
            writes[k - 1] = pltpu.async_copy(
                bufs[(k - 1) % 2].at[pl.ds(0, s1)],
                out_hbm.at[cid, pl.ds(r0 + o1, s1)], wsems[(k - 1) % 2])
    gathers[-1].wait()
    o1, s1 = _OFFS[-1]
    writes[-1] = pltpu.async_copy(
        bufs[(len(_OFFS) - 1) % 2].at[pl.ds(0, s1)],
        out_hbm.at[cid, pl.ds(r0 + o1, s1)], wsems[(len(_OFFS) - 1) % 2])
    writes[-2].wait()
    writes[-1].wait()
    if with_deg:
        for o, s in _OFFS:
            iref = idxz if s == 128 else idxz112
            fill_idx(iref, r0 + o, s)
            pltpu.async_copy(degacc.at[iref], ones_v.at[pl.ds(0, s)],
                             sem).wait()
            pltpu.sync_copy(ones_v.at[pl.ds(0, s)],
                            deg_hbm.at[cid, pl.ds(r0 + o, s)])

    @pl.when(sid == NS - 1)
    def _wb_tail():
        fill_idx(idx16, NBASE, NTAIL)
        pltpu.async_copy(acc.at[idx16], rows16, sem).wait()
        pltpu.sync_copy(rows16, out_hbm.at[cid, pl.ds(NBASE, NTAIL)])
        if with_deg:
            pltpu.async_copy(degacc.at[idx16], t16, sem).wait()
            pltpu.sync_copy(t16, deg_hbm.at[cid, pl.ds(NBASE, NTAIL)])


@functools.lru_cache(maxsize=None)
def _build_sc_kernels():
    mesh = plsc.VectorSubcoreMesh(
        core_axis_name="c", subcore_axis_name="s",
        num_cores=NC, num_subcores=NS)

    def idx_scratch():
        return [
            pltpu.VMEM((4 * CHUNK,), jnp.int32),
            pltpu.VMEM((4 * CHUNK,), jnp.int32),
            pltpu.VMEM((2 * REM,), jnp.int32),
            pltpu.VMEM((REM,), jnp.int32),
            pltpu.VMEM((CHUNK,), jnp.int32),
            pltpu.VMEM((112,), jnp.int32),
            pltpu.VMEM((CHUNK, D), jnp.float32),
            pltpu.VMEM((CHUNK, D), jnp.float32),
            pltpu.VMEM((REM, D), jnp.float32),
        ]

    agg_deg = pl.kernel(
        functools.partial(_sc_agg_body, True),
        out_type=(
            jax.ShapeDtypeStruct((NC, N, D), jnp.float32),
            jax.ShapeDtypeStruct((NC, N, DEGW), jnp.float32),
        ),
        mesh=mesh,
        compiler_params=pltpu.CompilerParams(use_tc_tiling_on_sc=False),
        scratch_types=idx_scratch() + [
            pltpu.VMEM((CHUNK, DEGW), jnp.float32),
            pltpu.VMEM((NTAIL, DEGW), jnp.float32),
            pltpu.VMEM_SHARED((N, D), jnp.float32),
            pltpu.VMEM_SHARED((N, DEGW), jnp.float32),
            pltpu.SemaphoreType.DMA,
            pltpu.SemaphoreType.DMA,
            pltpu.SemaphoreType.DMA,
            pltpu.SemaphoreType.DMA,
            pltpu.SemaphoreType.DMA,
            pltpu.SemaphoreType.DMA,
        ],
    )
    agg = pl.kernel(
        functools.partial(_sc_agg_body, False),
        out_type=jax.ShapeDtypeStruct((NC, N, D), jnp.float32),
        mesh=mesh,
        compiler_params=pltpu.CompilerParams(use_tc_tiling_on_sc=False),
        scratch_types=idx_scratch() + [
            pltpu.VMEM_SHARED((N, D), jnp.float32),
            pltpu.SemaphoreType.DMA,
            pltpu.SemaphoreType.DMA,
            pltpu.SemaphoreType.DMA,
            pltpu.SemaphoreType.DMA,
            pltpu.SemaphoreType.DMA,
        ],
    )
    return agg_deg, agg



_R = 1000


def _dense_body(last, p_ref, deg_ref, x_ref, wl_ref, wr_ref, b_ref, o_ref):
    s = jnp.sum(deg_ref[0] + deg_ref[1], axis=1)
    inv = 1.0 / jnp.maximum(s * (1.0 / DEGW), 1.0)
    mean = (p_ref[0] + p_ref[1]) * inv[:, None]
    z = (jnp.dot(mean, wl_ref[...], preferred_element_type=jnp.float32)
         + jnp.dot(x_ref[...], wr_ref[...], preferred_element_type=jnp.float32)
         + b_ref[...])
    if last:
        m = jnp.max(z, axis=1, keepdims=True)
        lse = jnp.log(jnp.sum(jnp.exp(z - m), axis=1, keepdims=True)) + m
        o_ref[...] = z - lse
    else:
        o_ref[...] = jnp.maximum(z, 0.0)


def _make_dense(last):
    return pl.pallas_call(
        functools.partial(_dense_body, last),
        grid=(N // _R,),
        in_specs=[
            pl.BlockSpec((NC, _R, D), lambda i: (0, i, 0)),
            pl.BlockSpec((NC, _R, DEGW), lambda i: (0, i, 0)),
            pl.BlockSpec((_R, D), lambda i: (i, 0)),
            pl.BlockSpec((D, D), lambda i: (0, 0)),
            pl.BlockSpec((D, D), lambda i: (0, 0)),
            pl.BlockSpec((1, D), lambda i: (0, 0)),
        ],
        out_specs=pl.BlockSpec((_R, D), lambda i: (i, 0)),
        out_shape=jax.ShapeDtypeStruct((N, D), jnp.float32),
    )


_dense1 = _make_dense(False)
_dense2 = _make_dense(True)


def kernel(x, edge_index, W1_l, b1_l, W1_r, W2_l, b2_l, W2_r):
    src = edge_index[0].astype(jnp.int32)
    dst = edge_index[1].astype(jnp.int32)
    sw = src.reshape(NW, EPW)
    dw = dst.reshape(NW, EPW)
    z128 = jnp.zeros((CHUNK, D), jnp.float32)
    z16 = jnp.zeros((CHUNK, DEGW), jnp.float32)
    ones16 = jnp.ones((CHUNK, DEGW), jnp.float32)

    agg_deg, agg = _build_sc_kernels()
    p1, deg2 = agg_deg(x, sw, dw, z128, z16, ones16)
    h = _dense1(p1, deg2, x, W1_l.T, W1_r.T, b1_l.reshape(1, D))
    p2 = agg(h, sw, dw, z128)
    out = _dense2(p2, deg2, h, W2_l.T, W2_r.T, b2_l.reshape(1, D))
    return out

# --- scband reference (transcript-rebuilt; emitter-appended) ---
"""Pipeline reference for scband-sage-81716047773789 (READ-ONLY COPY).

The authoritative reference and input builder live on the scoring server;
editing this copy changes nothing except your own understanding.
"""

import jax, jax.numpy as jnp
import numpy as np

N_NODES = 10000
N_EDGES = 320000
D_IN = 128
D_HID = 128
D_OUT = 128

def _xavier(key, shape):
    fan_out, fan_in = shape
    limit = float(np.sqrt(6.0 / (fan_in + fan_out)))
    return jax.random.uniform(key, shape, dtype=jnp.float32, minval=-limit, maxval=limit)

def setup_inputs(seed: int = 0) -> dict:
    key = jax.random.key(seed)
    ks = jax.random.split(key, 8)
    x = jax.random.normal(ks[0], (N_NODES, D_IN), dtype=jnp.float32)
    edge_index = jax.random.randint(ks[1], (2, N_EDGES), 0, N_NODES, dtype=jnp.int64)
    # SAGEConv layer 1: lin_l (neighbor transform, with bias) and lin_r (root transform, no bias)
    W1_l = _xavier(ks[2], (D_HID, D_IN))
    b1_l = jnp.zeros((D_HID,), dtype=jnp.float32)
    W1_r = _xavier(ks[3], (D_HID, D_IN))
    # SAGEConv layer 2
    W2_l = _xavier(ks[4], (D_OUT, D_HID))
    b2_l = jnp.zeros((D_OUT,), dtype=jnp.float32)
    W2_r = _xavier(ks[5], (D_OUT, D_HID))
    return {"x": x, "edge_index": edge_index, "W1_l": W1_l, "b1_l": b1_l, "W1_r": W1_r,
            "W2_l": W2_l, "b2_l": b2_l, "W2_r": W2_r}

def _sage_conv(x, edge_index, W_l, b_l, W_r):
    src = edge_index[0]
    dst = edge_index[1]
    msgs = jnp.take(x, src, axis=0)                       # gather [E, d]
    summed = jax.ops.segment_sum(msgs, dst, num_segments=N_NODES)  # scatter-add
    deg = jax.ops.segment_sum(jnp.ones((msgs.shape[0],), dtype=x.dtype), dst, num_segments=N_NODES)
    mean = summed / jnp.clip(deg, 1.0, None)[:, None]     # mean aggregation
    return mean @ W_l.T + b_l + x @ W_r.T

def reference(x, edge_index, W1_l, b1_l, W1_r, W2_l, b2_l, W2_r):
    h = _sage_conv(x, edge_index, W1_l, b1_l, W1_r)
    h = jax.nn.relu(h)
    # dropout p=0.0 -> identity
    h = _sage_conv(h, edge_index, W2_l, b2_l, W2_r)
    return jax.nn.log_softmax(h, axis=-1)

if __name__ == "__main__":
    import jax
    _d = setup_inputs()
    print(jax.jit(kernel)(*tuple(_d.values())))

</pallas_src>

<mosaic_0001>
#map = affine_map<(d0, d1) -> (0, 0)>
#map1 = affine_map<(d0, d1) -> (0, 0, 0)>
module attributes {stable_mosaic.version = 14 : i64} {
  func.func @_sc_agg_body(%arg0: i32, %arg1: i32, %arg2: memref<10000x128xf32, #tpu.memory_space<hbm>>, %arg3: memref<32x10000xi32, #tpu.memory_space<hbm>>, %arg4: memref<32x10000xi32, #tpu.memory_space<hbm>>, %arg5: memref<128x128xf32, #tpu.memory_space<hbm>>, %arg6: memref<128x16xf32, #tpu.memory_space<hbm>>, %arg7: memref<128x16xf32, #tpu.memory_space<hbm>>, %arg8: memref<2x10000x128xf32, #tpu.memory_space<hbm>>, %arg9: memref<2x10000x16xf32, #tpu.memory_space<hbm>>, %arg10: memref<512xi32, #tpu.memory_space<vmem>>, %arg11: memref<512xi32, #tpu.memory_space<vmem>>, %arg12: memref<32xi32, #tpu.memory_space<vmem>>, %arg13: memref<16xi32, #tpu.memory_space<vmem>>, %arg14: memref<128xi32, #tpu.memory_space<vmem>>, %arg15: memref<112xi32, #tpu.memory_space<vmem>>, %arg16: memref<128x128xf32, #tpu.memory_space<vmem>>, %arg17: memref<128x128xf32, #tpu.memory_space<vmem>>, %arg18: memref<16x128xf32, #tpu.memory_space<vmem>>, %arg19: memref<128x16xf32, #tpu.memory_space<vmem>>, %arg20: memref<16x16xf32, #tpu.memory_space<vmem>>, %arg21: memref<10000x128xf32, #tpu.memory_space<vmem_shared>>, %arg22: memref<10000x16xf32, #tpu.memory_space<vmem_shared>>, %arg23: memref<!tpu.dma_semaphore, #tpu.memory_space<semaphore_mem>>, %arg24: memref<!tpu.dma_semaphore, #tpu.memory_space<semaphore_mem>>, %arg25: memref<!tpu.dma_semaphore, #tpu.memory_space<semaphore_mem>>, %arg26: memref<!tpu.dma_semaphore, #tpu.memory_space<semaphore_mem>>, %arg27: memref<!tpu.dma_semaphore, #tpu.memory_space<semaphore_mem>>, %arg28: memref<!tpu.dma_semaphore, #tpu.memory_space<semaphore_mem>>) attributes {dimension_semantics = [#tpu.dimension_semantics<core_parallel>, #tpu.dimension_semantics<subcore_parallel>], iteration_bounds = array<i64: 2, 16>, scalar_prefetch = 0 : i64, scratch_operands = 19 : i64, tpu.core_type = #tpu.core_type<sc_vector_subcore>, window_params = [{transform_indices = #map}, {transform_indices = #map}, {transform_indices = #map}, {transform_indices = #map}, {transform_indices = #map}, {transform_indices = #map}, {transform_indices = #map1}, {transform_indices = #map1}]} {
    %mul3A = arith.constant 16 : i32
    %mul3A_0 = arith.muli %arg0, %mul3A : i32
    %add3A = arith.addi %mul3A_0, %arg1 : i32
    %mul3A_1 = arith.constant 624 : i32
    %mul3A_2 = arith.muli %arg1, %mul3A_1 : i32
    %multiple_of3A = tpu.assume_multiple %mul3A_2, 16 : i32
    "tpu.region"() ({
      %run_scoped3A = tpu.sem_alloc : memref<!tpu.dma_semaphore, #tpu.memory_space<semaphore_mem>>
      tpu.enqueue_dma source(%arg5 : memref<128x128xf32, #tpu.memory_space<hbm>>) target(%arg16 : memref<128x128xf32, #tpu.memory_space<vmem>>) target_semaphore(%run_scoped3A : memref<!tpu.dma_semaphore, #tpu.memory_space<semaphore_mem>>)
      tpu.wait_dma2 semaphore(%run_scoped3A : memref<!tpu.dma_semaphore, #tpu.memory_space<semaphore_mem>>) src(%arg5 : memref<128x128xf32, #tpu.memory_space<hbm>>) dst(%arg16 : memref<128x128xf32, #tpu.memory_space<vmem>>)
      tpu.yield
    }) : () -> ()
    "tpu.region"() ({
      %run_scoped3A = tpu.sem_alloc : memref<!tpu.dma_semaphore, #tpu.memory_space<semaphore_mem>>
      tpu.enqueue_dma source(%arg6 : memref<128x16xf32, #tpu.memory_space<hbm>>) target(%arg19 : memref<128x16xf32, #tpu.memory_space<vmem>>) target_semaphore(%run_scoped3A : memref<!tpu.dma_semaphore, #tpu.memory_space<semaphore_mem>>)
      tpu.wait_dma2 semaphore(%run_scoped3A : memref<!tpu.dma_semaphore, #tpu.memory_space<semaphore_mem>>) src(%arg6 : memref<128x16xf32, #tpu.memory_space<hbm>>) dst(%arg19 : memref<128x16xf32, #tpu.memory_space<vmem>>)
      tpu.yield
    }) : () -> ()
    %add3A_3 = arith.constant 0 : i32
    %add3A_4 = arith.addi %multiple_of3A, %add3A_3 : i32
    %iota3A = tpu.iota {dimensions = array<i32: 0>} : vector<16xi32>
    %add3A_5 = arith.constant 0 : i32
    %add3A_6 = arith.addi %add3A_4, %add3A_5 : i32
    %add3A_7 = vector.broadcast %add3A_6 : i32 to vector<16xi32>
    %add3A_8 = arith.addi %iota3A, %add3A_7 : vector<16xi32>
    %swap3A = arith.constant 0 : index
    %swap3A_9 = tpu.vector_load %arg14[%swap3A] {strides = array<i32>} : memref<128xi32, #tpu.memory_space<vmem>>, vector<16xi32>,
    %swap3A_10 = vector.shape_cast %swap3A_9 : vector<16xi32> to vector<16xi32>
    %swap3A_11 = vector.shape_cast %add3A_8 : vector<16xi32> to vector<16xi32>
    tpu.vector_store %arg14[%swap3A], %swap3A_11 {strides = array<i32>} : memref<128xi32, #tpu.memory_space<vmem>>, vector<16xi32>,
    %add3A_12 = arith.constant 16 : i32
    %add3A_13 = arith.addi %add3A_4, %add3A_12 : i32
    %add3A_14 = vector.broadcast %add3A_13 : i32 to vector<16xi32>
    %add3A_15 = arith.addi %iota3A, %add3A_14 : vector<16xi32>
    %swap3A_16 = arith.constant 16 : index
    %swap3A_17 = tpu.vector_load %arg14[%swap3A_16] {strides = array<i32>} : memref<128xi32, #tpu.memory_space<vmem>>, vector<16xi32>,
    %swap3A_18 = vector.shape_cast %swap3A_17 : vector<16xi32> to vector<16xi32>
    %swap3A_19 = vector.shape_cast %add3A_15 : vector<16xi32> to vector<16xi32>
    tpu.vector_store %arg14[%swap3A_16], %swap3A_19 {strides = array<i32>} : memref<128xi32, #tpu.memory_space<vmem>>, vector<16xi32>,
    %add3A_20 = arith.constant 32 : i32
    %add3A_21 = arith.addi %add3A_4, %add3A_20 : i32
    %add3A_22 = vector.broadcast %add3A_21 : i32 to vector<16xi32>
    %add3A_23 = arith.addi %iota3A, %add3A_22 : vector<16xi32>
    %swap3A_24 = arith.constant 32 : index
    %swap3A_25 = tpu.vector_load %arg14[%swap3A_24] {strides = array<i32>} : memref<128xi32, #tpu.memory_space<vmem>>, vector<16xi32>,
    %swap3A_26 = vector.shape_cast %swap3A_25 : vector<16xi32> to vector<16xi32>
    %swap3A_27 = vector.shape_cast %add3A_23 : vector<16xi32> to vector<16xi32>
    tpu.vector_store %arg14[%swap3A_24], %swap3A_27 {strides = array<i32>} : memref<128xi32, #tpu.memory_space<vmem>>, vector<16xi32>,
    %add3A_28 = arith.constant 48 : i32
    %add3A_29 = arith.addi %add3A_4, %add3A_28 : i32
    %add3A_30 = vector.broadcast %add3A_29 : i32 to vector<16xi32>
    %add3A_31 = arith.addi %iota3A, %add3A_30 : vector<16xi32>
    %swap3A_32 = arith.constant 48 : index
    %swap3A_33 = tpu.vector_load %arg14[%swap3A_32] {strides = array<i32>} : memref<128xi32, #tpu.memory_space<vmem>>, vector<16xi32>,
    %swap3A_34 = vector.shape_cast %swap3A_33 : vector<16xi32> to vector<16xi32>
    %swap3A_35 = vector.shape_cast %add3A_31 : vector<16xi32> to vector<16xi32>
    tpu.vector_store %arg14[%swap3A_32], %swap3A_35 {strides = array<i32>} : memref<128xi32, #tpu.memory_space<vmem>>, vector<16xi32>,
    %add3A_36 = arith.constant 64 : i32
    %add3A_37 = arith.addi %add3A_4, %add3A_36 : i32
    %add3A_38 = vector.broadcast %add3A_37 : i32 to vector<16xi32>
    %add3A_39 = arith.addi %iota3A, %add3A_38 : vector<16xi32>
    %swap3A_40 = arith.constant 64 : index
    %swap3A_41 = tpu.vector_load %arg14[%swap3A_40] {strides = array<i32>} : memref<128xi32, #tpu.memory_space<vmem>>, vector<16xi32>,
    %swap3A_42 = vector.shape_cast %swap3A_41 : vector<16xi32> to vector<16xi32>
    %swap3A_43 = vector.shape_cast %add3A_39 : vector<16xi32> to vector<16xi32>
    tpu.vector_store %arg14[%swap3A_40], %swap3A_43 {strides = array<i32>} : memref<128xi32, #tpu.memory_space<vmem>>, vector<16xi32>,
    %add3A_44 = arith.constant 80 : i32
    %add3A_45 = arith.addi %add3A_4, %add3A_44 : i32
    %add3A_46 = vector.broadcast %add3A_45 : i32 to vector<16xi32>
    %add3A_47 = arith.addi %iota3A, %add3A_46 : vector<16xi32>
    %swap3A_48 = arith.constant 80 : index
    %swap3A_49 = tpu.vector_load %arg14[%swap3A_48] {strides = array<i32>} : memref<128xi32, #tpu.memory_space<vmem>>, vector<16xi32>,
    %swap3A_50 = vector.shape_cast %swap3A_49 : vector<16xi32> to vector<16xi32>
    %swap3A_51 = vector.shape_cast %add3A_47 : vector<16xi32> to vector<16xi32>
    tpu.vector_store %arg14[%swap3A_48], %swap3A_51 {strides = array<i32>} : memref<128xi32, #tpu.memory_space<vmem>>, vector<16xi32>,
    %add3A_52 = arith.constant 96 : i32
    %add3A_53 = arith.addi %add3A_4, %add3A_52 : i32
    %add3A_54 = vector.broadcast %add3A_53 : i32 to vector<16xi32>
    %add3A_55 = arith.addi %iota3A, %add3A_54 : vector<16xi32>
    %swap3A_56 = arith.constant 96 : index
    %swap3A_57 = tpu.vector_load %arg14[%swap3A_56] {strides = array<i32>} : memref<128xi32, #tpu.memory_space<vmem>>, vector<16xi32>,
    %swap3A_58 = vector.shape_cast %swap3A_57 : vector<16xi32> to vector<16xi32>
    %swap3A_59 = vector.shape_cast %add3A_55 : vector<16xi32> to vector<16xi32>
    tpu.vector_store %arg14[%swap3A_56], %swap3A_59 {strides = array<i32>} : memref<128xi32, #tpu.memory_space<vmem>>, vector<16xi32>,
    %add3A_60 = arith.constant 112 : i32
    %add3A_61 = arith.addi %add3A_4, %add3A_60 : i32
    %add3A_62 = vector.broadcast %add3A_61 : i32 to vector<16xi32>
    %add3A_63 = arith.addi %iota3A, %add3A_62 : vector<16xi32>
    %swap3A_64 = arith.constant 112 : index
    %swap3A_65 = tpu.vector_load %arg14[%swap3A_64] {strides = array<i32>} : memref<128xi32, #tpu.memory_space<vmem>>, vector<16xi32>,
    %swap3A_66 = vector.shape_cast %swap3A_65 : vector<16xi32> to vector<16xi32>
    %swap3A_67 = vector.shape_cast %add3A_63 : vector<16xi32> to vector<16xi32>
    tpu.vector_store %arg14[%swap3A_64], %swap3A_67 {strides = array<i32>} : memref<128xi32, #tpu.memory_space<vmem>>, vector<16xi32>,
    "tpu.region"() ({
      %run_scoped3A = tpu.sem_alloc : memref<!tpu.dma_semaphore, #tpu.memory_space<semaphore_mem>>
      %dma_start3A_1363 = arith.constant 0 : i32
      %dma_start3A_1364 = arith.constant 0 : i32
      %dma_start3A_1365 = tpu.memref_slice %arg16[%dma_start3A_1363, %dma_start3A_1364] : memref<128x128xf32, #tpu.memory_space<vmem>> -> memref<128x128xf32, #tpu.memory_space<vmem>>
      %dma_start3A_1366 = arith.constant 0 : i32
      %dma_start3A_1367 = arith.constant 0 : i32
      %dma_start3A_1368 = tpu.memref_slice %arg21[%dma_start3A_1366, %dma_start3A_1367] : memref<10000x128xf32, #tpu.memory_space<vmem_shared>> -> memref<10000x128xf32, #tpu.memory_space<vmem_shared>>
      tpu.enqueue_indirect_dma source(%dma_start3A_1365 : memref<128x128xf32, #tpu.memory_space<vmem>>) target(%dma_start3A_1368 : memref<10000x128xf32, #tpu.memory_space<vmem_shared>>) offsets(%arg14 : memref<128xi32, #tpu.memory_space<vmem>>) semaphore(%run_scoped3A : memref<!tpu.dma_semaphore, #tpu.memory_space<semaphore_mem>>)
      %dma_wait3A_1369 = arith.constant 0 : i32
      %dma_wait3A_1370 = arith.constant 0 : i32
      %dma_wait3A_1371 = tpu.memref_slice %arg16[%dma_wait3A_1369, %dma_wait3A_1370] : memref<128x128xf32, #tpu.memory_space<vmem>> -> memref<128x128xf32, #tpu.memory_space<vmem>>
      %dma_wait3A_1372 = arith.constant 0 : i32
      %dma_wait3A_1373 = arith.constant 0 : i32
      %dma_wait3A_1374 = tpu.memref_slice %arg21[%dma_wait3A_1372, %dma_wait3A_1373] : memref<10000x128xf32, #tpu.memory_space<vmem_shared>> -> memref<10000x128xf32, #tpu.memory_space<vmem_shared>>
      tpu.wait_indirect_dma semaphore(%run_scoped3A : memref<!tpu.dma_semaphore, #tpu.memory_space<semaphore_mem>>) src(%dma_wait3A_1371 : memref<128x128xf32, #tpu.memory_space<vmem>>) dst(%dma_wait3A_1374 : memref<10000x128xf32, #tpu.memory_space<vmem_shared>>)
      tpu.yield
    }) : () -> ()
    "tpu.region"() ({
      %run_scoped3A = tpu.sem_alloc : memref<!tpu.dma_semaphore, #tpu.memory_space<semaphore_mem>>
      %dma_start3A_1363 = arith.constant 0 : i32
      %dma_start3A_1364 = arith.constant 0 : i32
      %dma_start3A_1365 = tpu.memref_slice %arg19[%dma_start3A_1363, %dma_start3A_1364] : memref<128x16xf32, #tpu.memory_space<vmem>> -> memref<128x16xf32, #tpu.memory_space<vmem>>
      %dma_start3A_1366 = arith.constant 0 : i32
      %dma_start3A_1367 = arith.constant 0 : i32
      %dma_start3A_1368 = tpu.memref_slice %arg22[%dma_start3A_1366, %dma_start3A_1367] : memref<10000x16xf32, #tpu.memory_space<vmem_shared>> -> memref<10000x16xf32, #tpu.memory_space<vmem_shared>>
      tpu.enqueue_indirect_dma source(%dma_start3A_1365 : memref<128x16xf32, #tpu.memory_space<vmem>>) target(%dma_start3A_1368 : memref<10000x16xf32, #tpu.memory_space<vmem_shared>>) offsets(%arg14 : memref<128xi32, #tpu.memory_space<vmem>>) semaphore(%run_scoped3A : memref<!tpu.dma_semaphore, #tpu.memory_space<semaphore_mem>>)
      %dma_wait3A_1369 = arith.constant 0 : i32
      %dma_wait3A_1370 = arith.constant 0 : i32
      %dma_wait3A_1371 = tpu.memref_slice %arg19[%dma_wait3A_1369, %dma_wait3A_1370] : memref<128x16xf32, #tpu.memory_space<vmem>> -> memref<128x16xf32, #tpu.memory_space<vmem>>
      %dma_wait3A_1372 = arith.constant 0 : i32
      %dma_wait3A_1373 = arith.constant 0 : i32
      %dma_wait3A_1374 = tpu.memref_slice %arg22[%dma_wait3A_1372, %dma_wait3A_1373] : memref<10000x16xf32, #tpu.memory_space<vmem_shared>> -> memref<10000x16xf32, #tpu.memory_space<vmem_shared>>
      tpu.wait_indirect_dma semaphore(%run_scoped3A : memref<!tpu.dma_semaphore, #tpu.memory_space<semaphore_mem>>) src(%dma_wait3A_1371 : memref<128x16xf32, #tpu.memory_space<vmem>>) dst(%dma_wait3A_1374 : memref<10000x16xf32, #tpu.memory_space<vmem_shared>>)
      tpu.yield
    }) : () -> ()
    %add3A_68 = arith.constant 128 : i32
    %add3A_69 = arith.addi %multiple_of3A, %add3A_68 : i32
    %iota3A_70 = tpu.iota {dimensions = array<i32: 0>} : vector<16xi32>
    %add3A_71 = arith.constant 0 : i32
    %add3A_72 = arith.addi %add3A_69, %add3A_71 : i32
    %add3A_73 = vector.broadcast %add3A_72 : i32 to vector<16xi32>
    %add3A_74 = arith.addi %iota3A_70, %add3A_73 : vector<16xi32>
    %swap3A_75 = arith.constant 0 : index
    %swap3A_76 = tpu.vector_load %arg14[%swap3A_75] {strides = array<i32>} : memref<128xi32, #tpu.memory_space<vmem>>, vector<16xi32>,
    %swap3A_77 = vector.shape_cast %swap3A_76 : vector<16xi32> to vector<16xi32>
    %swap3A_78 = vector.shape_cast %add3A_74 : vector<16xi32> to vector<16xi32>
    tpu.vector_store %arg14[%swap3A_75], %swap3A_78 {strides = array<i32>} : memref<128xi32, #tpu.memory_space<vmem>>, vector<16xi32>,
    %add3A_79 = arith.constant 16 : i32
    %add3A_80 = arith.addi %add3A_69, %add3A_79 : i32
    %add3A_81 = vector.broadcast %add3A_80 : i32 to vector<16xi32>
    %add3A_82 = arith.addi %iota3A_70, %add3A_81 : vector<16xi32>
    %swap3A_83 = arith.constant 16 : index
    %swap3A_84 = tpu.vector_load %arg14[%swap3A_83] {strides = array<i32>} : memref<128xi32, #tpu.memory_space<vmem>>, vector<16xi32>,
    %swap3A_85 = vector.shape_cast %swap3A_84 : vector<16xi32> to vector<16xi32>
    %swap3A_86 = vector.shape_cast %add3A_82 : vector<16xi32> to vector<16xi32>
    tpu.vector_store %arg14[%swap3A_83], %swap3A_86 {strides = array<i32>} : memref<128xi32, #tpu.memory_space<vmem>>, vector<16xi32>,
    %add3A_87 = arith.constant 32 : i32
    %add3A_88 = arith.addi %add3A_69, %add3A_87 : i32
    %add3A_89 = vector.broadcast %add3A_88 : i32 to vector<16xi32>
    %add3A_90 = arith.addi %iota3A_70, %add3A_89 : vector<16xi32>
    %swap3A_91 = arith.constant 32 : index
    %swap3A_92 = tpu.vector_load %arg14[%swap3A_91] {strides = array<i32>} : memref<128xi32, #tpu.memory_space<vmem>>, vector<16xi32>,
    %swap3A_93 = vector.shape_cast %swap3A_92 : vector<16xi32> to vector<16xi32>
    %swap3A_94 = vector.shape_cast %add3A_90 : vector<16xi32> to vector<16xi32>
    tpu.vector_store %arg14[%swap3A_91], %swap3A_94 {strides = array<i32>} : memref<128xi32, #tpu.memory_space<vmem>>, vector<16xi32>,
    %add3A_95 = arith.constant 48 : i32
    %add3A_96 = arith.addi %add3A_69, %add3A_95 : i32
    %add3A_97 = vector.broadcast %add3A_96 : i32 to vector<16xi32>
    %add3A_98 = arith.addi %iota3A_70, %add3A_97 : vector<16xi32>
    %swap3A_99 = arith.constant 48 : index
    %swap3A_100 = tpu.vector_load %arg14[%swap3A_99] {strides = array<i32>} : memref<128xi32, #tpu.memory_space<vmem>>, vector<16xi32>,
    %swap3A_101 = vector.shape_cast %swap3A_100 : vector<16xi32> to vector<16xi32>
    %swap3A_102 = vector.shape_cast %add3A_98 : vector<16xi32> to vector<16xi32>
    tpu.vector_store %arg14[%swap3A_99], %swap3A_102 {strides = array<i32>} : memref<128xi32, #tpu.memory_space<vmem>>, vector<16xi32>,
    %add3A_103 = arith.constant 64 : i32
    %add3A_104 = arith.addi %add3A_69, %add3A_103 : i32
    %add3A_105 = vector.broadcast %add3A_104 : i32 to vector<16xi32>
    %add3A_106 = arith.addi %iota3A_70, %add3A_105 : vector<16xi32>
    %swap3A_107 = arith.constant 64 : index
    %swap3A_108 = tpu.vector_load %arg14[%swap3A_107] {strides = array<i32>} : memref<128xi32, #tpu.memory_space<vmem>>, vector<16xi32>,
    %swap3A_109 = vector.shape_cast %swap3A_108 : vector<16xi32> to vector<16xi32>
    %swap3A_110 = vector.shape_cast %add3A_106 : vector<16xi32> to vector<16xi32>
    tpu.vector_store %arg14[%swap3A_107], %swap3A_110 {strides = array<i32>} : memref<128xi32, #tpu.memory_space<vmem>>, vector<16xi32>,
    %add3A_111 = arith.constant 80 : i32
    %add3A_112 = arith.addi %add3A_69, %add3A_111 : i32
    %add3A_113 = vector.broadcast %add3A_112 : i32 to vector<16xi32>
    %add3A_114 = arith.addi %iota3A_70, %add3A_113 : vector<16xi32>
    %swap3A_115 = arith.constant 80 : index
    %swap3A_116 = tpu.vector_load %arg14[%swap3A_115] {strides = array<i32>} : memref<128xi32, #tpu.memory_space<vmem>>, vector<16xi32>,
    %swap3A_117 = vector.shape_cast %swap3A_116 : vector<16xi32> to vector<16xi32>
    %swap3A_118 = vector.shape_cast %add3A_114 : vector<16xi32> to vector<16xi32>
    tpu.vector_store %arg14[%swap3A_115], %swap3A_118 {strides = array<i32>} : memref<128xi32, #tpu.memory_space<vmem>>, vector<16xi32>,
    %add3A_119 = arith.constant 96 : i32
    %add3A_120 = arith.addi %add3A_69, %add3A_119 : i32
    %add3A_121 = vector.broadcast %add3A_120 : i32 to vector<16xi32>
    %add3A_122 = arith.addi %iota3A_70, %add3A_121 : vector<16xi32>
    %swap3A_123 = arith.constant 96 : index
    %swap3A_124 = tpu.vector_load %arg14[%swap3A_123] {strides = array<i32>} : memref<128xi32, #tpu.memory_space<vmem>>, vector<16xi32>,
    %swap3A_125 = vector.shape_cast %swap3A_124 : vector<16xi32> to vector<16xi32>
    %swap3A_126 = vector.shape_cast %add3A_122 : vector<16xi32> to vector<16xi32>
    tpu.vector_store %arg14[%swap3A_123], %swap3A_126 {strides = array<i32>} : memref<128xi32, #tpu.memory_space<vmem>>, vector<16xi32>,
    %add3A_127 = arith.constant 112 : i32
    %add3A_128 = arith.addi %add3A_69, %add3A_127 : i32
    %add3A_129 = vector.broadcast %add3A_128 : i32 to vector<16xi32>
    %add3A_130 = arith.addi %iota3A_70, %add3A_129 : vector<16xi32>
    %swap3A_131 = arith.constant 112 : index
    %swap3A_132 = tpu.vector_load %arg14[%swap3A_131] {strides = array<i32>} : memref<128xi32, #tpu.memory_space<vmem>>, vector<16xi32>,
    %swap3A_133 = vector.shape_cast %swap3A_132 : vector<16xi32> to vector<16xi32>
    %swap3A_134 = vector.shape_cast %add3A_130 : vector<16xi32> to vector<16xi32>
    tpu.vector_store %arg14[%swap3A_131], %swap3A_134 {strides = array<i32>} : memref<128xi32, #tpu.memory_space<vmem>>, vector<16xi32>,
    "tpu.region"() ({
      %run_scoped3A = tpu.sem_alloc : memref<!tpu.dma_semaphore, #tpu.memory_space<semaphore_mem>>
      %dma_start3A_1363 = arith.constant 0 : i32
      %dma_start3A_1364 = arith.constant 0 : i32
      %dma_start3A_1365 = tpu.memref_slice %arg16[%dma_start3A_1363, %dma_start3A_1364] : memref<128x128xf32, #tpu.memory_space<vmem>> -> memref<128x128xf32, #tpu.memory_space<vmem>>
      %dma_start3A_1366 = arith.constant 0 : i32
      %dma_start3A_1367 = arith.constant 0 : i32
      %dma_start3A_1368 = tpu.memref_slice %arg21[%dma_start3A_1366, %dma_start3A_1367] : memref<10000x128xf32, #tpu.memory_space<vmem_shared>> -> memref<10000x128xf32, #tpu.memory_space<vmem_shared>>
      tpu.enqueue_indirect_dma source(%dma_start3A_1365 : memref<128x128xf32, #tpu.memory_space<vmem>>) target(%dma_start3A_1368 : memref<10000x128xf32, #tpu.memory_space<vmem_shared>>) offsets(%arg14 : memref<128xi32, #tpu.memory_space<vmem>>) semaphore(%run_scoped3A : memref<!tpu.dma_semaphore, #tpu.memory_space<semaphore_mem>>)
      %dma_wait3A_1369 = arith.constant 0 : i32
      %dma_wait3A_1370 = arith.constant 0 : i32
      %dma_wait3A_1371 = tpu.memref_slice %arg16[%dma_wait3A_1369, %dma_wait3A_1370] : memref<128x128xf32, #tpu.memory_space<vmem>> -> memref<128x128xf32, #tpu.memory_space<vmem>>
      %dma_wait3A_1372 = arith.constant 0 : i32
      %dma_wait3A_1373 = arith.constant 0 : i32
      %dma_wait3A_1374 = tpu.memref_slice %arg21[%dma_wait3A_1372, %dma_wait3A_1373] : memref<10000x128xf32, #tpu.memory_space<vmem_shared>> -> memref<10000x128xf32, #tpu.memory_space<vmem_shared>>
      tpu.wait_indirect_dma semaphore(%run_scoped3A : memref<!tpu.dma_semaphore, #tpu.memory_space<semaphore_mem>>) src(%dma_wait3A_1371 : memref<128x128xf32, #tpu.memory_space<vmem>>) dst(%dma_wait3A_1374 : memref<10000x128xf32, #tpu.memory_space<vmem_shared>>)
      tpu.yield
    }) : () -> ()
    "tpu.region"() ({
      %run_scoped3A = tpu.sem_alloc : memref<!tpu.dma_semaphore, #tpu.memory_space<semaphore_mem>>
      %dma_start3A_1363 = arith.constant 0 : i32
      %dma_start3A_1364 = arith.constant 0 : i32
      %dma_start3A_1365 = tpu.memref_slice %arg19[%dma_start3A_1363, %dma_start3A_1364] : memref<128x16xf32, #tpu.memory_space<vmem>> -> memref<128x16xf32, #tpu.memory_space<vmem>>
      %dma_start3A_1366 = arith.constant 0 : i32
      %dma_start3A_1367 = arith.constant 0 : i32
      %dma_start3A_1368 = tpu.memref_slice %arg22[%dma_start3A_1366, %dma_start3A_1367] : memref<10000x16xf32, #tpu.memory_space<vmem_shared>> -> memref<10000x16xf32, #tpu.memory_space<vmem_shared>>
      tpu.enqueue_indirect_dma source(%dma_start3A_1365 : memref<128x16xf32, #tpu.memory_space<vmem>>) target(%dma_start3A_1368 : memref<10000x16xf32, #tpu.memory_space<vmem_shared>>) offsets(%arg14 : memref<128xi32, #tpu.memory_space<vmem>>) semaphore(%run_scoped3A : memref<!tpu.dma_semaphore, #tpu.memory_space<semaphore_mem>>)
      %dma_wait3A_1369 = arith.constant 0 : i32
      %dma_wait3A_1370 = arith.constant 0 : i32
      %dma_wait3A_1371 = tpu.memref_slice %arg19[%dma_wait3A_1369, %dma_wait3A_1370] : memref<128x16xf32, #tpu.memory_space<vmem>> -> memref<128x16xf32, #tpu.memory_space<vmem>>
      %dma_wait3A_1372 = arith.constant 0 : i32
      %dma_wait3A_1373 = arith.constant 0 : i32
      %dma_wait3A_1374 = tpu.memref_slice %arg22[%dma_wait3A_1372, %dma_wait3A_1373] : memref<10000x16xf32, #tpu.memory_space<vmem_shared>> -> memref<10000x16xf32, #tpu.memory_space<vmem_shared>>
      tpu.wait_indirect_dma semaphore(%run_scoped3A : memref<!tpu.dma_semaphore, #tpu.memory_space<semaphore_mem>>) src(%dma_wait3A_1371 : memref<128x16xf32, #tpu.memory_space<vmem>>) dst(%dma_wait3A_1374 : memref<10000x16xf32, #tpu.memory_space<vmem_shared>>)
      tpu.yield
    }) : () -> ()
    %add3A_135 = arith.constant 256 : i32
    %add3A_136 = arith.addi %multiple_of3A, %add3A_135 : i32
    %iota3A_137 = tpu.iota {dimensions = array<i32: 0>} : vector<16xi32>
    %add3A_138 = arith.constant 0 : i32
    %add3A_139 = arith.addi %add3A_136, %add3A_138 : i32
    %add3A_140 = vector.broadcast %add3A_139 : i32 to vector<16xi32>
    %add3A_141 = arith.addi %iota3A_137, %add3A_140 : vector<16xi32>
    %swap3A_142 = arith.constant 0 : index
    %swap3A_143 = tpu.vector_load %arg14[%swap3A_142] {strides = array<i32>} : memref<128xi32, #tpu.memory_space<vmem>>, vector<16xi32>,
    %swap3A_144 = vector.shape_cast %swap3A_143 : vector<16xi32> to vector<16xi32>
    %swap3A_145 = vector.shape_cast %add3A_141 : vector<16xi32> to vector<16xi32>
    tpu.vector_store %arg14[%swap3A_142], %swap3A_145 {strides = array<i32>} : memref<128xi32, #tpu.memory_space<vmem>>, vector<16xi32>,
    %add3A_146 = arith.constant 16 : i32
    %add3A_147 = arith.addi %add3A_136, %add3A_146 : i32
    %add3A_148 = vector.broadcast %add3A_147 : i32 to vector<16xi32>
    %add3A_149 = arith.addi %iota3A_137, %add3A_148 : vector<16xi32>
    %swap3A_150 = arith.constant 16 : index
    %swap3A_151 = tpu.vector_load %arg14[%swap3A_150] {strides = array<i32>} : memref<128xi32, #tpu.memory_space<vmem>>, vector<16xi32>,
    %swap3A_152 = vector.shape_cast %swap3A_151 : vector<16xi32> to vector<16xi32>
    %swap3A_153 = vector.shape_cast %add3A_149 : vector<16xi32> to vector<16xi32>
    tpu.vector_store %arg14[%swap3A_150], %swap3A_153 {strides = array<i32>} : memref<128xi32, #tpu.memory_space<vmem>>, vector<16xi32>,
    %add3A_154 = arith.constant 32 : i32
    %add3A_155 = arith.addi %add3A_136, %add3A_154 : i32
    %add3A_156 = vector.broadcast %add3A_155 : i32 to vector<16xi32>
    %add3A_157 = arith.addi %iota3A_137, %add3A_156 : vector<16xi32>
    %swap3A_158 = arith.constant 32 : index
    %swap3A_159 = tpu.vector_load %arg14[%swap3A_158] {strides = array<i32>} : memref<128xi32, #tpu.memory_space<vmem>>, vector<16xi32>,
    %swap3A_160 = vector.shape_cast %swap3A_159 : vector<16xi32> to vector<16xi32>
    %swap3A_161 = vector.shape_cast %add3A_157 : vector<16xi32> to vector<16xi32>
    tpu.vector_store %arg14[%swap3A_158], %swap3A_161 {strides = array<i32>} : memref<128xi32, #tpu.memory_space<vmem>>, vector<16xi32>,
    %add3A_162 = arith.constant 48 : i32
    %add3A_163 = arith.addi %add3A_136, %add3A_162 : i32
    %add3A_164 = vector.broadcast %add3A_163 : i32 to vector<16xi32>
    %add3A_165 = arith.addi %iota3A_137, %add3A_164 : vector<16xi32>
    %swap3A_166 = arith.constant 48 : index
    %swap3A_167 = tpu.vector_load %arg14[%swap3A_166] {strides = array<i32>} : memref<128xi32, #tpu.memory_space<vmem>>, vector<16xi32>,
    %swap3A_168 = vector.shape_cast %swap3A_167 : vector<16xi32> to vector<16xi32>
    %swap3A_169 = vector.shape_cast %add3A_165 : vector<16xi32> to vector<16xi32>
    tpu.vector_store %arg14[%swap3A_166], %swap3A_169 {strides = array<i32>} : memref<128xi32, #tpu.memory_space<vmem>>, vector<16xi32>,
    %add3A_170 = arith.constant 64 : i32
    %add3A_171 = arith.addi %add3A_136, %add3A_170 : i32
    %add3A_172 = vector.broadcast %add3A_171 : i32 to vector<16xi32>
    %add3A_173 = arith.addi %iota3A_137, %add3A_172 : vector<16xi32>
    %swap3A_174 = arith.constant 64 : index
    %swap3A_175 = tpu.vector_load %arg14[%swap3A_174] {strides = array<i32>} : memref<128xi32, #tpu.memory_space<vmem>>, vector<16xi32>,
    %swap3A_176 = vector.shape_cast %swap3A_175 : vector<16xi32> to vector<16xi32>
    %swap3A_177 = vector.shape_cast %add3A_173 : vector<16xi32> to vector<16xi32>
    tpu.vector_store %arg14[%swap3A_174], %swap3A_177 {strides = array<i32>} : memref<128xi32, #tpu.memory_space<vmem>>, vector<16xi32>,
    %add3A_178 = arith.constant 80 : i32
    %add3A_179 = arith.addi %add3A_136, %add3A_178 : i32
    %add3A_180 = vector.broadcast %add3A_179 : i32 to vector<16xi32>
    %add3A_181 = arith.addi %iota3A_137, %add3A_180 : vector<16xi32>
    %swap3A_182 = arith.constant 80 : index
    %swap3A_183 = tpu.vector_load %arg14[%swap3A_182] {strides = array<i32>} : memref<128xi32, #tpu.memory_space<vmem>>, vector<16xi32>,
    %swap3A_184 = vector.shape_cast %swap3A_183 : vector<16xi32> to vector<16xi32>
    %swap3A_185 = vector.shape_cast %add3A_181 : vector<16xi32> to vector<16xi32>
    tpu.vector_store %arg14[%swap3A_182], %swap3A_185 {strides = array<i32>} : memref<128xi32, #tpu.memory_space<vmem>>, vector<16xi32>,
    %add3A_186 = arith.constant 96 : i32
    %add3A_187 = arith.addi %add3A_136, %add3A_186 : i32
    %add3A_188 = vector.broadcast %add3A_187 : i32 to vector<16xi32>
    %add3A_189 = arith.addi %iota3A_137, %add3A_188 : vector<16xi32>
    %swap3A_190 = arith.constant 96 : index
    %swap3A_191 = tpu.vector_load %arg14[%swap3A_190] {strides = array<i32>} : memref<128xi32, #tpu.memory_space<vmem>>, vector<16xi32>,
    %swap3A_192 = vector.shape_cast %swap3A_191 : vector<16xi32> to vector<16xi32>
    %swap3A_193 = vector.shape_cast %add3A_189 : vector<16xi32> to vector<16xi32>
    tpu.vector_store %arg14[%swap3A_190], %swap3A_193 {strides = array<i32>} : memref<128xi32, #tpu.memory_space<vmem>>, vector<16xi32>,
    %add3A_194 = arith.constant 112 : i32
    %add3A_195 = arith.addi %add3A_136, %add3A_194 : i32
    %add3A_196 = vector.broadcast %add3A_195 : i32 to vector<16xi32>
    %add3A_197 = arith.addi %iota3A_137, %add3A_196 : vector<16xi32>
    %swap3A_198 = arith.constant 112 : index
    %swap3A_199 = tpu.vector_load %arg14[%swap3A_198] {strides = array<i32>} : memref<128xi32, #tpu.memory_space<vmem>>, vector<16xi32>,
    %swap3A_200 = vector.shape_cast %swap3A_199 : vector<16xi32> to vector<16xi32>
    %swap3A_201 = vector.shape_cast %add3A_197 : vector<16xi32> to vector<16xi32>
    tpu.vector_store %arg14[%swap3A_198], %swap3A_201 {strides = array<i32>} : memref<128xi32, #tpu.memory_space<vmem>>, vector<16xi32>,
    "tpu.region"() ({
      %run_scoped3A = tpu.sem_alloc : memref<!tpu.dma_semaphore, #tpu.memory_space<semaphore_mem>>
      %dma_start3A_1363 = arith.constant 0 : i32
      %dma_start3A_1364 = arith.constant 0 : i32
      %dma_start3A_1365 = tpu.memref_slice %arg16[%dma_start3A_1363, %dma_start3A_1364] : memref<128x128xf32, #tpu.memory_space<vmem>> -> memref<128x128xf32, #tpu.memory_space<vmem>>
      %dma_start3A_1366 = arith.constant 0 : i32
      %dma_start3A_1367 = arith.constant 0 : i32
      %dma_start3A_1368 = tpu.memref_slice %arg21[%dma_start3A_1366, %dma_start3A_1367] : memref<10000x128xf32, #tpu.memory_space<vmem_shared>> -> memref<10000x128xf32, #tpu.memory_space<vmem_shared>>
      tpu.enqueue_indirect_dma source(%dma_start3A_1365 : memref<128x128xf32, #tpu.memory_space<vmem>>) target(%dma_start3A_1368 : memref<10000x128xf32, #tpu.memory_space<vmem_shared>>) offsets(%arg14 : memref<128xi32, #tpu.memory_space<vmem>>) semaphore(%run_scoped3A : memref<!tpu.dma_semaphore, #tpu.memory_space<semaphore_mem>>)
      %dma_wait3A_1369 = arith.constant 0 : i32
      %dma_wait3A_1370 = arith.constant 0 : i32
      %dma_wait3A_1371 = tpu.memref_slice %arg16[%dma_wait3A_1369, %dma_wait3A_1370] : memref<128x128xf32, #tpu.memory_space<vmem>> -> memref<128x128xf32, #tpu.memory_space<vmem>>
      %dma_wait3A_1372 = arith.constant 0 : i32
      %dma_wait3A_1373 = arith.constant 0 : i32
      %dma_wait3A_1374 = tpu.memref_slice %arg21[%dma_wait3A_1372, %dma_wait3A_1373] : memref<10000x128xf32, #tpu.memory_space<vmem_shared>> -> memref<10000x128xf32, #tpu.memory_space<vmem_shared>>
      tpu.wait_indirect_dma semaphore(%run_scoped3A : memref<!tpu.dma_semaphore, #tpu.memory_space<semaphore_mem>>) src(%dma_wait3A_1371 : memref<128x128xf32, #tpu.memory_space<vmem>>) dst(%dma_wait3A_1374 : memref<10000x128xf32, #tpu.memory_space<vmem_shared>>)
      tpu.yield
    }) : () -> ()
    "tpu.region"() ({
      %run_scoped3A = tpu.sem_alloc : memref<!tpu.dma_semaphore, #tpu.memory_space<semaphore_mem>>
      %dma_start3A_1363 = arith.constant 0 : i32
      %dma_start3A_1364 = arith.constant 0 : i32
      %dma_start3A_1365 = tpu.memref_slice %arg19[%dma_start3A_1363, %dma_start3A_1364] : memref<128x16xf32, #tpu.memory_space<vmem>> -> memref<128x16xf32, #tpu.memory_space<vmem>>
      %dma_start3A_1366 = arith.constant 0 : i32
      %dma_start3A_1367 = arith.constant 0 : i32
      %dma_start3A_1368 = tpu.memref_slice %arg22[%dma_start3A_1366, %dma_start3A_1367] : memref<10000x16xf32, #tpu.memory_space<vmem_shared>> -> memref<10000x16xf32, #tpu.memory_space<vmem_shared>>
      tpu.enqueue_indirect_dma source(%dma_start3A_1365 : memref<128x16xf32, #tpu.memory_space<vmem>>) target(%dma_start3A_1368 : memref<10000x16xf32, #tpu.memory_space<vmem_shared>>) offsets(%arg14 : memref<128xi32, #tpu.memory_space<vmem>>) semaphore(%run_scoped3A : memref<!tpu.dma_semaphore, #tpu.memory_space<semaphore_mem>>)
      %dma_wait3A_1369 = arith.constant 0 : i32
      %dma_wait3A_1370 = arith.constant 0 : i32
      %dma_wait3A_1371 = tpu.memref_slice %arg19[%dma_wait3A_1369, %dma_wait3A_1370] : memref<128x16xf32, #tpu.memory_space<vmem>> -> memref<128x16xf32, #tpu.memory_space<vmem>>
      %dma_wait3A_1372 = arith.constant 0 : i32
      %dma_wait3A_1373 = arith.constant 0 : i32
      %dma_wait3A_1374 = tpu.memref_slice %arg22[%dma_wait3A_1372, %dma_wait3A_1373] : memref<10000x16xf32, #tpu.memory_space<vmem_shared>> -> memref<10000x16xf32, #tpu.memory_space<vmem_shared>>
      tpu.wait_indirect_dma semaphore(%run_scoped3A : memref<!tpu.dma_semaphore, #tpu.memory_space<semaphore_mem>>) src(%dma_wait3A_1371 : memref<128x16xf32, #tpu.memory_space<vmem>>) dst(%dma_wait3A_1374 : memref<10000x16xf32, #tpu.memory_space<vmem_shared>>)
      tpu.yield
    }) : () -> ()
    %add3A_202 = arith.constant 384 : i32
    %add3A_203 = arith.addi %multiple_of3A, %add3A_202 : i32
    %iota3A_204 = tpu.iota {dimensions = array<i32: 0>} : vector<16xi32>
    %add3A_205 = arith.constant 0 : i32
    %add3A_206 = arith.addi %add3A_203, %add3A_205 : i32
    %add3A_207 = vector.broadcast %add3A_206 : i32 to vector<16xi32>
    %add3A_208 = arith.addi %iota3A_204, %add3A_207 : vector<16xi32>
    %swap3A_209 = arith.constant 0 : index
    %swap3A_210 = tpu.vector_load %arg14[%swap3A_209] {strides = array<i32>} : memref<128xi32, #tpu.memory_space<vmem>>, vector<16xi32>,
    %swap3A_211 = vector.shape_cast %swap3A_210 : vector<16xi32> to vector<16xi32>
    %swap3A_212 = vector.shape_cast %add3A_208 : vector<16xi32> to vector<16xi32>
    tpu.vector_store %arg14[%swap3A_209], %swap3A_212 {strides = array<i32>} : memref<128xi32, #tpu.memory_space<vmem>>, vector<16xi32>,
    %add3A_213 = arith.constant 16 : i32
    %add3A_214 = arith.addi %add3A_203, %add3A_213 : i32
    %add3A_215 = vector.broadcast %add3A_214 : i32 to vector<16xi32>
    %add3A_216 = arith.addi %iota3A_204, %add3A_215 : vector<16xi32>
    %swap3A_217 = arith.constant 16 : index
    %swap3A_218 = tpu.vector_load %arg14[%swap3A_217] {strides = array<i32>} : memref<128xi32, #tpu.memory_space<vmem>>, vector<16xi32>,
    %swap3A_219 = vector.shape_cast %swap3A_218 : vector<16xi32> to vector<16xi32>
    %swap3A_220 = vector.shape_cast %add3A_216 : vector<16xi32> to vector<16xi32>
    tpu.vector_store %arg14[%swap3A_217], %swap3A_220 {strides = array<i32>} : memref<128xi32, #tpu.memory_space<vmem>>, vector<16xi32>,
    %add3A_221 = arith.constant 32 : i32
    %add3A_222 = arith.addi %add3A_203, %add3A_221 : i32
    %add3A_223 = vector.broadcast %add3A_222 : i32 to vector<16xi32>
    %add3A_224 = arith.addi %iota3A_204, %add3A_223 : vector<16xi32>
    %swap3A_225 = arith.constant 32 : index
    %swap3A_226 = tpu.vector_load %arg14[%swap3A_225] {strides = array<i32>} : memref<128xi32, #tpu.memory_space<vmem>>, vector<16xi32>,
    %swap3A_227 = vector.shape_cast %swap3A_226 : vector<16xi32> to vector<16xi32>
    %swap3A_228 = vector.shape_cast %add3A_224 : vector<16xi32> to vector<16xi32>
    tpu.vector_store %arg14[%swap3A_225], %swap3A_228 {strides = array<i32>} : memref<128xi32, #tpu.memory_space<vmem>>, vector<16xi32>,
    %add3A_229 = arith.constant 48 : i32
    %add3A_230 = arith.addi %add3A_203, %add3A_229 : i32
    %add3A_231 = vector.broadcast %add3A_230 : i32 to vector<16xi32>
    %add3A_232 = arith.addi %iota3A_204, %add3A_231 : vector<16xi32>
    %swap3A_233 = arith.constant 48 : index
    %swap3A_234 = tpu.vector_load %arg14[%swap3A_233] {strides = array<i32>} : memref<128xi32, #tpu.memory_space<vmem>>, vector<16xi32>,
    %swap3A_235 = vector.shape_cast %swap3A_234 : vector<16xi32> to vector<16xi32>
    %swap3A_236 = vector.shape_cast %add3A_232 : vector<16xi32> to vector<16xi32>
    tpu.vector_store %arg14[%swap3A_233], %swap3A_236 {strides = array<i32>} : memref<128xi32, #tpu.memory_space<vmem>>, vector<16xi32>,
    %add3A_237 = arith.constant 64 : i32
    %add3A_238 = arith.addi %add3A_203, %add3A_237 : i32
    %add3A_239 = vector.broadcast %add3A_238 : i32 to vector<16xi32>
    %add3A_240 = arith.addi %iota3A_204, %add3A_239 : vector<16xi32>
    %swap3A_241 = arith.constant 64 : index
    %swap3A_242 = tpu.vector_load %arg14[%swap3A_241] {strides = array<i32>} : memref<128xi32, #tpu.memory_space<vmem>>, vector<16xi32>,
    %swap3A_243 = vector.shape_cast %swap3A_242 : vector<16xi32> to vector<16xi32>
    %swap3A_244 = vector.shape_cast %add3A_240 : vector<16xi32> to vector<16xi32>
    tpu.vector_store %arg14[%swap3A_241], %swap3A_244 {strides = array<i32>} : memref<128xi32, #tpu.memory_space<vmem>>, vector<16xi32>,
    %add3A_245 = arith.constant 80 : i32
    %add3A_246 = arith.addi %add3A_203, %add3A_245 : i32
    %add3A_247 = vector.broadcast %add3A_246 : i32 to vector<16xi32>
    %add3A_248 = arith.addi %iota3A_204, %add3A_247 : vector<16xi32>
    %swap3A_249 = arith.constant 80 : index
    %swap3A_250 = tpu.vector_load %arg14[%swap3A_249] {strides = array<i32>} : memref<128xi32, #tpu.memory_space<vmem>>, vector<16xi32>,
    %swap3A_251 = vector.shape_cast %swap3A_250 : vector<16xi32> to vector<16xi32>
    %swap3A_252 = vector.shape_cast %add3A_248 : vector<16xi32> to vector<16xi32>
    tpu.vector_store %arg14[%swap3A_249], %swap3A_252 {strides = array<i32>} : memref<128xi32, #tpu.memory_space<vmem>>, vector<16xi32>,
    %add3A_253 = arith.constant 96 : i32
    %add3A_254 = arith.addi %add3A_203, %add3A_253 : i32
    %add3A_255 = vector.broadcast %add3A_254 : i32 to vector<16xi32>
    %add3A_256 = arith.addi %iota3A_204, %add3A_255 : vector<16xi32>
    %swap3A_257 = arith.constant 96 : index
    %swap3A_258 = tpu.vector_load %arg14[%swap3A_257] {strides = array<i32>} : memref<128xi32, #tpu.memory_space<vmem>>, vector<16xi32>,
    %swap3A_259 = vector.shape_cast %swap3A_258 : vector<16xi32> to vector<16xi32>
    %swap3A_260 = vector.shape_cast %add3A_256 : vector<16xi32> to vector<16xi32>
    tpu.vector_store %arg14[%swap3A_257], %swap3A_260 {strides = array<i32>} : memref<128xi32, #tpu.memory_space<vmem>>, vector<16xi32>,
    %add3A_261 = arith.constant 112 : i32
    %add3A_262 = arith.addi %add3A_203, %add3A_261 : i32
    %add3A_263 = vector.broadcast %add3A_262 : i32 to vector<16xi32>
    %add3A_264 = arith.addi %iota3A_204, %add3A_263 : vector<16xi32>
    %swap3A_265 = arith.constant 112 : index
    %swap3A_266 = tpu.vector_load %arg14[%swap3A_265] {strides = array<i32>} : memref<128xi32, #tpu.memory_space<vmem>>, vector<16xi32>,
    %swap3A_267 = vector.shape_cast %swap3A_266 : vector<16xi32> to vector<16xi32>
    %swap3A_268 = vector.shape_cast %add3A_264 : vector<16xi32> to vector<16xi32>
    tpu.vector_store %arg14[%swap3A_265], %swap3A_268 {strides = array<i32>} : memref<128xi32, #tpu.memory_space<vmem>>, vector<16xi32>,
    "tpu.region"() ({
      %run_scoped3A = tpu.sem_alloc : memref<!tpu.dma_semaphore, #tpu.memory_space<semaphore_mem>>
      %dma_start3A_1363 = arith.constant 0 : i32
      %dma_start3A_1364 = arith.constant 0 : i32
      %dma_start3A_1365 = tpu.memref_slice %arg16[%dma_start3A_1363, %dma_start3A_1364] : memref<128x128xf32, #tpu.memory_space<vmem>> -> memref<128x128xf32, #tpu.memory_space<vmem>>
      %dma_start3A_1366 = arith.constant 0 : i32
      %dma_start3A_1367 = arith.constant 0 : i32
      %dma_start3A_1368 = tpu.memref_slice %arg21[%dma_start3A_1366, %dma_start3A_1367] : memref<10000x128xf32, #tpu.memory_space<vmem_shared>> -> memref<10000x128xf32, #tpu.memory_space<vmem_shared>>
      tpu.enqueue_indirect_dma source(%dma_start3A_1365 : memref<128x128xf32, #tpu.memory_space<vmem>>) target(%dma_start3A_1368 : memref<10000x128xf32, #tpu.memory_space<vmem_shared>>) offsets(%arg14 : memref<128xi32, #tpu.memory_space<vmem>>) semaphore(%run_scoped3A : memref<!tpu.dma_semaphore, #tpu.memory_space<semaphore_mem>>)
      %dma_wait3A_1369 = arith.constant 0 : i32
      %dma_wait3A_1370 = arith.constant 0 : i32
      %dma_wait3A_1371 = tpu.memref_slice %arg16[%dma_wait3A_1369, %dma_wait3A_1370] : memref<128x128xf32, #tpu.memory_space<vmem>> -> memref<128x128xf32, #tpu.memory_space<vmem>>
      %dma_wait3A_1372 = arith.constant 0 : i32
      %dma_wait3A_1373 = arith.constant 0 : i32
      %dma_wait3A_1374 = tpu.memref_slice %arg21[%dma_wait3A_1372, %dma_wait3A_1373] : memref<10000x128xf32, #tpu.memory_space<vmem_shared>> -> memref<10000x128xf32, #tpu.memory_space<vmem_shared>>
      tpu.wait_indirect_dma semaphore(%run_scoped3A : memref<!tpu.dma_semaphore, #tpu.memory_space<semaphore_mem>>) src(%dma_wait3A_1371 : memref<128x128xf32, #tpu.memory_space<vmem>>) dst(%dma_wait3A_1374 : memref<10000x128xf32, #tpu.memory_space<vmem_shared>>)
      tpu.yield
    }) : () -> ()
    "tpu.region"() ({
      %run_scoped3A = tpu.sem_alloc : memref<!tpu.dma_semaphore, #tpu.memory_space<semaphore_mem>>
      %dma_start3A_1363 = arith.constant 0 : i32
      %dma_start3A_1364 = arith.constant 0 : i32
      %dma_start3A_1365 = tpu.memref_slice %arg19[%dma_start3A_1363, %dma_start3A_1364] : memref<128x16xf32, #tpu.memory_space<vmem>> -> memref<128x16xf32, #tpu.memory_space<vmem>>
      %dma_start3A_1366 = arith.constant 0 : i32
      %dma_start3A_1367 = arith.constant 0 : i32
      %dma_start3A_1368 = tpu.memref_slice %arg22[%dma_start3A_1366, %dma_start3A_1367] : memref<10000x16xf32, #tpu.memory_space<vmem_shared>> -> memref<10000x16xf32, #tpu.memory_space<vmem_shared>>
      tpu.enqueue_indirect_dma source(%dma_start3A_1365 : memref<128x16xf32, #tpu.memory_space<vmem>>) target(%dma_start3A_1368 : memref<10000x16xf32, #tpu.memory_space<vmem_shared>>) offsets(%arg14 : memref<128xi32, #tpu.memory_space<vmem>>) semaphore(%run_scoped3A : memref<!tpu.dma_semaphore, #tpu.memory_space<semaphore_mem>>)
      %dma_wait3A_1369 = arith.constant 0 : i32
      %dma_wait3A_1370 = arith.constant 0 : i32
      %dma_wait3A_1371 = tpu.memref_slice %arg19[%dma_wait3A_1369, %dma_wait3A_1370] : memref<128x16xf32, #tpu.memory_space<vmem>> -> memref<128x16xf32, #tpu.memory_space<vmem>>
      %dma_wait3A_1372 = arith.constant 0 : i32
      %dma_wait3A_1373 = arith.constant 0 : i32
      %dma_wait3A_1374 = tpu.memref_slice %arg22[%dma_wait3A_1372, %dma_wait3A_1373] : memref<10000x16xf32, #tpu.memory_space<vmem_shared>> -> memref<10000x16xf32, #tpu.memory_space<vmem_shared>>
      tpu.wait_indirect_dma semaphore(%run_scoped3A : memref<!tpu.dma_semaphore, #tpu.memory_space<semaphore_mem>>) src(%dma_wait3A_1371 : memref<128x16xf32, #tpu.memory_space<vmem>>) dst(%dma_wait3A_1374 : memref<10000x16xf32, #tpu.memory_space<vmem_shared>>)
      tpu.yield
    }) : () -> ()
    %add3A_269 = arith.constant 512 : i32
    %add3A_270 = arith.addi %multiple_of3A, %add3A_269 : i32
    %iota3A_271 = tpu.iota {dimensions = array<i32: 0>} : vector<16xi32>
    %add3A_272 = arith.constant 0 : i32
    %add3A_273 = arith.addi %add3A_270, %add3A_272 : i32
    %add3A_274 = vector.broadcast %add3A_273 : i32 to vector<16xi32>
    %add3A_275 = arith.addi %iota3A_271, %add3A_274 : vector<16xi32>
    %swap3A_276 = arith.constant 0 : index
    %swap3A_277 = tpu.vector_load %arg15[%swap3A_276] {strides = array<i32>} : memref<112xi32, #tpu.memory_space<vmem>>, vector<16xi32>,
    %swap3A_278 = vector.shape_cast %swap3A_277 : vector<16xi32> to vector<16xi32>
    %swap3A_279 = vector.shape_cast %add3A_275 : vector<16xi32> to vector<16xi32>
    tpu.vector_store %arg15[%swap3A_276], %swap3A_279 {strides = array<i32>} : memref<112xi32, #tpu.memory_space<vmem>>, vector<16xi32>,
    %add3A_280 = arith.constant 16 : i32
    %add3A_281 = arith.addi %add3A_270, %add3A_280 : i32
    %add3A_282 = vector.broadcast %add3A_281 : i32 to vector<16xi32>
    %add3A_283 = arith.addi %iota3A_271, %add3A_282 : vector<16xi32>
    %swap3A_284 = arith.constant 16 : index
    %swap3A_285 = tpu.vector_load %arg15[%swap3A_284] {strides = array<i32>} : memref<112xi32, #tpu.memory_space<vmem>>, vector<16xi32>,
    %swap3A_286 = vector.shape_cast %swap3A_285 : vector<16xi32> to vector<16xi32>
    %swap3A_287 = vector.shape_cast %add3A_283 : vector<16xi32> to vector<16xi32>
    tpu.vector_store %arg15[%swap3A_284], %swap3A_287 {strides = array<i32>} : memref<112xi32, #tpu.memory_space<vmem>>, vector<16xi32>,
    %add3A_288 = arith.constant 32 : i32
    %add3A_289 = arith.addi %add3A_270, %add3A_288 : i32
    %add3A_290 = vector.broadcast %add3A_289 : i32 to vector<16xi32>
    %add3A_291 = arith.addi %iota3A_271, %add3A_290 : vector<16xi32>
    %swap3A_292 = arith.constant 32 : index
    %swap3A_293 = tpu.vector_load %arg15[%swap3A_292] {strides = array<i32>} : memref<112xi32, #tpu.memory_space<vmem>>, vector<16xi32>,
    %swap3A_294 = vector.shape_cast %swap3A_293 : vector<16xi32> to vector<16xi32>
    %swap3A_295 = vector.shape_cast %add3A_291 : vector<16xi32> to vector<16xi32>
    tpu.vector_store %arg15[%swap3A_292], %swap3A_295 {strides = array<i32>} : memref<112xi32, #tpu.memory_space<vmem>>, vector<16xi32>,
    %add3A_296 = arith.constant 48 : i32
    %add3A_297 = arith.addi %add3A_270, %add3A_296 : i32
    %add3A_298 = vector.broadcast %add3A_297 : i32 to vector<16xi32>
    %add3A_299 = arith.addi %iota3A_271, %add3A_298 : vector<16xi32>
    %swap3A_300 = arith.constant 48 : index
    %swap3A_301 = tpu.vector_load %arg15[%swap3A_300] {strides = array<i32>} : memref<112xi32, #tpu.memory_space<vmem>>, vector<16xi32>,
    %swap3A_302 = vector.shape_cast %swap3A_301 : vector<16xi32> to vector<16xi32>
    %swap3A_303 = vector.shape_cast %add3A_299 : vector<16xi32> to vector<16xi32>
    tpu.vector_store %arg15[%swap3A_300], %swap3A_303 {strides = array<i32>} : memref<112xi32, #tpu.memory_space<vmem>>, vector<16xi32>,
    %add3A_304 = arith.constant 64 : i32
    %add3A_305 = arith.addi %add3A_270, %add3A_304 : i32
    %add3A_306 = vector.broadcast %add3A_305 : i32 to vector<16xi32>
    %add3A_307 = arith.addi %iota3A_271, %add3A_306 : vector<16xi32>
    %swap3A_308 = arith.constant 64 : index
    %swap3A_309 = tpu.vector_load %arg15[%swap3A_308] {strides = array<i32>} : memref<112xi32, #tpu.memory_space<vmem>>, vector<16xi32>,
    %swap3A_310 = vector.shape_cast %swap3A_309 : vector<16xi32> to vector<16xi32>
    %swap3A_311 = vector.shape_cast %add3A_307 : vector<16xi32> to vector<16xi32>
    tpu.vector_store %arg15[%swap3A_308], %swap3A_311 {strides = array<i32>} : memref<112xi32, #tpu.memory_space<vmem>>, vector<16xi32>,
    %add3A_312 = arith.constant 80 : i32
    %add3A_313 = arith.addi %add3A_270, %add3A_312 : i32
    %add3A_314 = vector.broadcast %add3A_313 : i32 to vector<16xi32>
    %add3A_315 = arith.addi %iota3A_271, %add3A_314 : vector<16xi32>
    %swap3A_316 = arith.constant 80 : index
    %swap3A_317 = tpu.vector_load %arg15[%swap3A_316] {strides = array<i32>} : memref<112xi32, #tpu.memory_space<vmem>>, vector<16xi32>,
    %swap3A_318 = vector.shape_cast %swap3A_317 : vector<16xi32> to vector<16xi32>
    %swap3A_319 = vector.shape_cast %add3A_315 : vector<16xi32> to vector<16xi32>
    tpu.vector_store %arg15[%swap3A_316], %swap3A_319 {strides = array<i32>} : memref<112xi32, #tpu.memory_space<vmem>>, vector<16xi32>,
    %add3A_320 = arith.constant 96 : i32
    %add3A_321 = arith.addi %add3A_270, %add3A_320 : i32
    %add3A_322 = vector.broadcast %add3A_321 : i32 to vector<16xi32>
    %add3A_323 = arith.addi %iota3A_271, %add3A_322 : vector<16xi32>
    %swap3A_324 = arith.constant 96 : index
    %swap3A_325 = tpu.vector_load %arg15[%swap3A_324] {strides = array<i32>} : memref<112xi32, #tpu.memory_space<vmem>>, vector<16xi32>,
    %swap3A_326 = vector.shape_cast %swap3A_325 : vector<16xi32> to vector<16xi32>
    %swap3A_327 = vector.shape_cast %add3A_323 : vector<16xi32> to vector<16xi32>
    tpu.vector_store %arg15[%swap3A_324], %swap3A_327 {strides = array<i32>} : memref<112xi32, #tpu.memory_space<vmem>>, vector<16xi32>,
    "tpu.region"() ({
      %run_scoped3A = tpu.sem_alloc : memref<!tpu.dma_semaphore, #tpu.memory_space<semaphore_mem>>
      %dma_start3A_1363 = arith.constant 0 : i32
      %dma_start3A_1364 = arith.constant 0 : i32
      %dma_start3A_1365 = tpu.memref_slice %arg16[%dma_start3A_1363, %dma_start3A_1364] : memref<128x128xf32, #tpu.memory_space<vmem>> -> memref<112x128xf32, #tpu.memory_space<vmem>>
      %dma_start3A_1366 = arith.constant 0 : i32
      %dma_start3A_1367 = arith.constant 0 : i32
      %dma_start3A_1368 = tpu.memref_slice %arg21[%dma_start3A_1366, %dma_start3A_1367] : memref<10000x128xf32, #tpu.memory_space<vmem_shared>> -> memref<10000x128xf32, #tpu.memory_space<vmem_shared>>
      tpu.enqueue_indirect_dma source(%dma_start3A_1365 : memref<112x128xf32, #tpu.memory_space<vmem>>) target(%dma_start3A_1368 : memref<10000x128xf32, #tpu.memory_space<vmem_shared>>) offsets(%arg15 : memref<112xi32, #tpu.memory_space<vmem>>) semaphore(%run_scoped3A : memref<!tpu.dma_semaphore, #tpu.memory_space<semaphore_mem>>)
      %dma_wait3A_1369 = arith.constant 0 : i32
      %dma_wait3A_1370 = arith.constant 0 : i32
      %dma_wait3A_1371 = tpu.memref_slice %arg16[%dma_wait3A_1369, %dma_wait3A_1370] : memref<128x128xf32, #tpu.memory_space<vmem>> -> memref<112x128xf32, #tpu.memory_space<vmem>>
      %dma_wait3A_1372 = arith.constant 0 : i32
      %dma_wait3A_1373 = arith.constant 0 : i32
      %dma_wait3A_1374 = tpu.memref_slice %arg21[%dma_wait3A_1372, %dma_wait3A_1373] : memref<10000x128xf32, #tpu.memory_space<vmem_shared>> -> memref<10000x128xf32, #tpu.memory_space<vmem_shared>>
      tpu.wait_indirect_dma semaphore(%run_scoped3A : memref<!tpu.dma_semaphore, #tpu.memory_space<semaphore_mem>>) src(%dma_wait3A_1371 : memref<112x128xf32, #tpu.memory_space<vmem>>) dst(%dma_wait3A_1374 : memref<10000x128xf32, #tpu.memory_space<vmem_shared>>)
      tpu.yield
    }) : () -> ()
    "tpu.region"() ({
      %run_scoped3A = tpu.sem_alloc : memref<!tpu.dma_semaphore, #tpu.memory_space<semaphore_mem>>
      %dma_start3A_1363 = arith.constant 0 : i32
      %dma_start3A_1364 = arith.constant 0 : i32
      %dma_start3A_1365 = tpu.memref_slice %arg19[%dma_start3A_1363, %dma_start3A_1364] : memref<128x16xf32, #tpu.memory_space<vmem>> -> memref<112x16xf32, #tpu.memory_space<vmem>>
      %dma_start3A_1366 = arith.constant 0 : i32
      %dma_start3A_1367 = arith.constant 0 : i32
      %dma_start3A_1368 = tpu.memref_slice %arg22[%dma_start3A_1366, %dma_start3A_1367] : memref<10000x16xf32, #tpu.memory_space<vmem_shared>> -> memref<10000x16xf32, #tpu.memory_space<vmem_shared>>
      tpu.enqueue_indirect_dma source(%dma_start3A_1365 : memref<112x16xf32, #tpu.memory_space<vmem>>) target(%dma_start3A_1368 : memref<10000x16xf32, #tpu.memory_space<vmem_shared>>) offsets(%arg15 : memref<112xi32, #tpu.memory_space<vmem>>) semaphore(%run_scoped3A : memref<!tpu.dma_semaphore, #tpu.memory_space<semaphore_mem>>)
      %dma_wait3A_1369 = arith.constant 0 : i32
      %dma_wait3A_1370 = arith.constant 0 : i32
      %dma_wait3A_1371 = tpu.memref_slice %arg19[%dma_wait3A_1369, %dma_wait3A_1370] : memref<128x16xf32, #tpu.memory_space<vmem>> -> memref<112x16xf32, #tpu.memory_space<vmem>>
      %dma_wait3A_1372 = arith.constant 0 : i32
      %dma_wait3A_1373 = arith.constant 0 : i32
      %dma_wait3A_1374 = tpu.memref_slice %arg22[%dma_wait3A_1372, %dma_wait3A_1373] : memref<10000x16xf32, #tpu.memory_space<vmem_shared>> -> memref<10000x16xf32, #tpu.memory_space<vmem_shared>>
      tpu.wait_indirect_dma semaphore(%run_scoped3A : memref<!tpu.dma_semaphore, #tpu.memory_space<semaphore_mem>>) src(%dma_wait3A_1371 : memref<112x16xf32, #tpu.memory_space<vmem>>) dst(%dma_wait3A_1374 : memref<10000x16xf32, #tpu.memory_space<vmem_shared>>)
      tpu.yield
    }) : () -> ()
    %eq3A = arith.constant 15 : i32
    %eq3A_328 = arith.cmpi eq, %arg1, %eq3A : i32
    %convert_element_type3A = arith.extui %eq3A_328 : i1 to i32
    %cond3A = arith.constant 0 : i32
    %cond3A_329 = arith.cmpi ne, %convert_element_type3A, %cond3A : i32
    scf.if %cond3A_329 {
      %iota3A_1363 = tpu.iota {dimensions = array<i32: 0>} : vector<16xi32>
      %add3A_1364 = arith.constant 9984 : i32
      %add3A_1365 = vector.broadcast %add3A_1364 : i32 to vector<16xi32>
      %add3A_1366 = arith.addi %iota3A_1363, %add3A_1365 : vector<16xi32>
      %swap3A_1367 = arith.constant 0 : index
      %swap3A_1368 = tpu.vector_load %arg13[%swap3A_1367] {strides = array<i32>} : memref<16xi32, #tpu.memory_space<vmem>>, vector<16xi32>,
      %swap3A_1369 = vector.shape_cast %swap3A_1368 : vector<16xi32> to vector<16xi32>
      %swap3A_1370 = vector.shape_cast %add3A_1366 : vector<16xi32> to vector<16xi32>
      tpu.vector_store %arg13[%swap3A_1367], %swap3A_1370 {strides = array<i32>} : memref<16xi32, #tpu.memory_space<vmem>>, vector<16xi32>,
      "tpu.region"() ({
        %run_scoped3A = tpu.sem_alloc : memref<!tpu.dma_semaphore, #tpu.memory_space<semaphore_mem>>
        %dma_start3A_1371 = arith.constant 0 : i32
        %dma_start3A_1372 = arith.constant 0 : i32
        %dma_start3A_1373 = tpu.memref_slice %arg16[%dma_start3A_1371, %dma_start3A_1372] : memref<128x128xf32, #tpu.memory_space<vmem>> -> memref<16x128xf32, #tpu.memory_space<vmem>>
        %dma_start3A_1374 = arith.constant 0 : i32
        %dma_start3A_1375 = arith.constant 0 : i32
        %dma_start3A_1376 = tpu.memref_slice %arg21[%dma_start3A_1374, %dma_start3A_1375] : memref<10000x128xf32, #tpu.memory_space<vmem_shared>> -> memref<10000x128xf32, #tpu.memory_space<vmem_shared>>
        tpu.enqueue_indirect_dma source(%dma_start3A_1373 : memref<16x128xf32, #tpu.memory_space<vmem>>) target(%dma_start3A_1376 : memref<10000x128xf32, #tpu.memory_space<vmem_shared>>) offsets(%arg13 : memref<16xi32, #tpu.memory_space<vmem>>) semaphore(%run_scoped3A : memref<!tpu.dma_semaphore, #tpu.memory_space<semaphore_mem>>)
        %dma_wait3A_1377 = arith.constant 0 : i32
        %dma_wait3A_1378 = arith.constant 0 : i32
        %dma_wait3A_1379 = tpu.memref_slice %arg16[%dma_wait3A_1377, %dma_wait3A_1378] : memref<128x128xf32, #tpu.memory_space<vmem>> -> memref<16x128xf32, #tpu.memory_space<vmem>>
        %dma_wait3A_1380 = arith.constant 0 : i32
        %dma_wait3A_1381 = arith.constant 0 : i32
        %dma_wait3A_1382 = tpu.memref_slice %arg21[%dma_wait3A_1380, %dma_wait3A_1381] : memref<10000x128xf32, #tpu.memory_space<vmem_shared>> -> memref<10000x128xf32, #tpu.memory_space<vmem_shared>>
        tpu.wait_indirect_dma semaphore(%run_scoped3A : memref<!tpu.dma_semaphore, #tpu.memory_space<semaphore_mem>>) src(%dma_wait3A_1379 : memref<16x128xf32, #tpu.memory_space<vmem>>) dst(%dma_wait3A_1382 : memref<10000x128xf32, #tpu.memory_space<vmem_shared>>)
        tpu.yield
      }) : () -> ()
      "tpu.region"() ({
        %run_scoped3A = tpu.sem_alloc : memref<!tpu.dma_semaphore, #tpu.memory_space<semaphore_mem>>
        %dma_start3A_1371 = arith.constant 0 : i32
        %dma_start3A_1372 = arith.constant 0 : i32
        %dma_start3A_1373 = tpu.memref_slice %arg19[%dma_start3A_1371, %dma_start3A_1372] : memref<128x16xf32, #tpu.memory_space<vmem>> -> memref<16x16xf32, #tpu.memory_space<vmem>>
        %dma_start3A_1374 = arith.constant 0 : i32
        %dma_start3A_1375 = arith.constant 0 : i32
        %dma_start3A_1376 = tpu.memref_slice %arg22[%dma_start3A_1374, %dma_start3A_1375] : memref<10000x16xf32, #tpu.memory_space<vmem_shared>> -> memref<10000x16xf32, #tpu.memory_space<vmem_shared>>
        tpu.enqueue_indirect_dma source(%dma_start3A_1373 : memref<16x16xf32, #tpu.memory_space<vmem>>) target(%dma_start3A_1376 : memref<10000x16xf32, #tpu.memory_space<vmem_shared>>) offsets(%arg13 : memref<16xi32, #tpu.memory_space<vmem>>) semaphore(%run_scoped3A : memref<!tpu.dma_semaphore, #tpu.memory_space<semaphore_mem>>)
        %dma_wait3A_1377 = arith.constant 0 : i32
        %dma_wait3A_1378 = arith.constant 0 : i32
        %dma_wait3A_1379 = tpu.memref_slice %arg19[%dma_wait3A_1377, %dma_wait3A_1378] : memref<128x16xf32, #tpu.memory_space<vmem>> -> memref<16x16xf32, #tpu.memory_space<vmem>>
        %dma_wait3A_1380 = arith.constant 0 : i32
        %dma_wait3A_1381 = arith.constant 0 : i32
        %dma_wait3A_1382 = tpu.memref_slice %arg22[%dma_wait3A_1380, %dma_wait3A_1381] : memref<10000x16xf32, #tpu.memory_space<vmem_shared>> -> memref<10000x16xf32, #tpu.memory_space<vmem_shared>>
        tpu.wait_indirect_dma semaphore(%run_scoped3A : memref<!tpu.dma_semaphore, #tpu.memory_space<semaphore_mem>>) src(%dma_wait3A_1379 : memref<16x16xf32, #tpu.memory_space<vmem>>) dst(%dma_wait3A_1382 : memref<10000x16xf32, #tpu.memory_space<vmem_shared>>)
        tpu.yield
      }) : () -> ()
    } else {
    }
    "tpu.region"() ({
      %run_scoped3A = tpu.sem_alloc : memref<!tpu.dma_semaphore, #tpu.memory_space<semaphore_mem>>
      tpu.enqueue_dma source(%arg7 : memref<128x16xf32, #tpu.memory_space<hbm>>) target(%arg19 : memref<128x16xf32, #tpu.memory_space<vmem>>) target_semaphore(%run_scoped3A : memref<!tpu.dma_semaphore, #tpu.memory_space<semaphore_mem>>)
      tpu.wait_dma2 semaphore(%run_scoped3A : memref<!tpu.dma_semaphore, #tpu.memory_space<semaphore_mem>>) src(%arg7 : memref<128x16xf32, #tpu.memory_space<hbm>>) dst(%arg19 : memref<128x16xf32, #tpu.memory_space<vmem>>)
      tpu.yield
    }) : () -> ()
    "tpu.region"() ({
      %run_scoped3A = tpu.sem_alloc : memref<!tpu.dma_semaphore, #tpu.memory_space<semaphore_mem>>
      %dma_start3A_1363 = arith.constant 0 : i32
      %dma_start3A_1364 = tpu.memref_slice %arg10[%dma_start3A_1363] : memref<512xi32, #tpu.memory_space<vmem>> -> memref<256xi32, #tpu.memory_space<vmem>>
      %dma_start3A_1365 = arith.constant 0 : i32
      %dma_start3A_1366 = tpu.memref_slice %arg3[%add3A, %dma_start3A_1365] : memref<32x10000xi32, #tpu.memory_space<hbm>> -> memref<1x256xi32, #tpu.memory_space<hbm>>
      %dma_start3A_1367 = tpu.memref_squeeze %dma_start3A_1366 : memref<1x256xi32, #tpu.memory_space<hbm>> -> memref<256xi32, #tpu.memory_space<hbm>>
      %dma_start3A_1368 = arith.constant 0 : i32
      %dma_start3A_1369 = tpu.memref_slice %arg10[%dma_start3A_1368] : memref<512xi32, #tpu.memory_space<vmem>> -> memref<256xi32, #tpu.memory_space<vmem>>
      %dma_start3A_1370 = arith.constant 0 : i32
      %dma_start3A_1371 = tpu.memref_slice %arg3[%add3A, %dma_start3A_1370] : memref<32x10000xi32, #tpu.memory_space<hbm>> -> memref<1x256xi32, #tpu.memory_space<hbm>>
      %dma_start3A_1372 = tpu.memref_squeeze %dma_start3A_1371 : memref<1x256xi32, #tpu.memory_space<hbm>> -> memref<256xi32, #tpu.memory_space<hbm>>
      tpu.enqueue_dma source(%dma_start3A_1372 : memref<256xi32, #tpu.memory_space<hbm>>) target(%dma_start3A_1369 : memref<256xi32, #tpu.memory_space<vmem>>) target_semaphore(%run_scoped3A : memref<!tpu.dma_semaphore, #tpu.memory_space<semaphore_mem>>)
      %dma_wait3A_1373 = arith.constant 0 : i32
      %dma_wait3A_1374 = tpu.memref_slice %arg10[%dma_wait3A_1373] : memref<512xi32, #tpu.memory_space<vmem>> -> memref<256xi32, #tpu.memory_space<vmem>>
      %dma_wait3A_1375 = arith.constant 0 : i32
      %dma_wait3A_1376 = tpu.memref_slice %arg3[%add3A, %dma_wait3A_1375] : memref<32x10000xi32, #tpu.memory_space<hbm>> -> memref<1x256xi32, #tpu.memory_space<hbm>>
      %dma_wait3A_1377 = tpu.memref_squeeze %dma_wait3A_1376 : memref<1x256xi32, #tpu.memory_space<hbm>> -> memref<256xi32, #tpu.memory_space<hbm>>
      %dma_wait3A_1378 = arith.constant 0 : i32
      %dma_wait3A_1379 = tpu.memref_slice %arg10[%dma_wait3A_1378] : memref<512xi32, #tpu.memory_space<vmem>> -> memref<256xi32, #tpu.memory_space<vmem>>
      %dma_wait3A_1380 = arith.constant 0 : i32
      %dma_wait3A_1381 = tpu.memref_slice %arg3[%add3A, %dma_wait3A_1380] : memref<32x10000xi32, #tpu.memory_space<hbm>> -> memref<1x256xi32, #tpu.memory_space<hbm>>
      %dma_wait3A_1382 = tpu.memref_squeeze %dma_wait3A_1381 : memref<1x256xi32, #tpu.memory_space<hbm>> -> memref<256xi32, #tpu.memory_space<hbm>>
      tpu.wait_dma2 semaphore(%run_scoped3A : memref<!tpu.dma_semaphore, #tpu.memory_space<semaphore_mem>>) src(%dma_wait3A_1382 : memref<256xi32, #tpu.memory_space<hbm>>) dst(%dma_wait3A_1379 : memref<256xi32, #tpu.memory_space<vmem>>)
      tpu.yield
    }) : () -> ()
    "tpu.region"() ({
      %run_scoped3A = tpu.sem_alloc : memref<!tpu.dma_semaphore, #tpu.memory_space<semaphore_mem>>
      %dma_start3A_1363 = arith.constant 256 : i32
      %dma_start3A_1364 = tpu.memref_slice %arg10[%dma_start3A_1363] : memref<512xi32, #tpu.memory_space<vmem>> -> memref<256xi32, #tpu.memory_space<vmem>>
      %dma_start3A_1365 = arith.constant 0 : i32
      %dma_start3A_1366 = tpu.memref_slice %arg4[%add3A, %dma_start3A_1365] : memref<32x10000xi32, #tpu.memory_space<hbm>> -> memref<1x256xi32, #tpu.memory_space<hbm>>
      %dma_start3A_1367 = tpu.memref_squeeze %dma_start3A_1366 : memref<1x256xi32, #tpu.memory_space<hbm>> -> memref<256xi32, #tpu.memory_space<hbm>>
      %dma_start3A_1368 = arith.constant 256 : i32
      %dma_start3A_1369 = tpu.memref_slice %arg10[%dma_start3A_1368] : memref<512xi32, #tpu.memory_space<vmem>> -> memref<256xi32, #tpu.memory_space<vmem>>
      %dma_start3A_1370 = arith.constant 0 : i32
      %dma_start3A_1371 = tpu.memref_slice %arg4[%add3A, %dma_start3A_1370] : memref<32x10000xi32, #tpu.memory_space<hbm>> -> memref<1x256xi32, #tpu.memory_space<hbm>>
      %dma_start3A_1372 = tpu.memref_squeeze %dma_start3A_1371 : memref<1x256xi32, #tpu.memory_space<hbm>> -> memref<256xi32, #tpu.memory_space<hbm>>
      tpu.enqueue_dma source(%dma_start3A_1372 : memref<256xi32, #tpu.memory_space<hbm>>) target(%dma_start3A_1369 : memref<256xi32, #tpu.memory_space<vmem>>) target_semaphore(%run_scoped3A : memref<!tpu.dma_semaphore, #tpu.memory_space<semaphore_mem>>)
      %dma_wait3A_1373 = arith.constant 256 : i32
      %dma_wait3A_1374 = tpu.memref_slice %arg10[%dma_wait3A_1373] : memref<512xi32, #tpu.memory_space<vmem>> -> memref<256xi32, #tpu.memory_space<vmem>>
      %dma_wait3A_1375 = arith.constant 0 : i32
      %dma_wait3A_1376 = tpu.memref_slice %arg4[%add3A, %dma_wait3A_1375] : memref<32x10000xi32, #tpu.memory_space<hbm>> -> memref<1x256xi32, #tpu.memory_space<hbm>>
      %dma_wait3A_1377 = tpu.memref_squeeze %dma_wait3A_1376 : memref<1x256xi32, #tpu.memory_space<hbm>> -> memref<256xi32, #tpu.memory_space<hbm>>
      %dma_wait3A_1378 = arith.constant 256 : i32
      %dma_wait3A_1379 = tpu.memref_slice %arg10[%dma_wait3A_1378] : memref<512xi32, #tpu.memory_space<vmem>> -> memref<256xi32, #tpu.memory_space<vmem>>
      %dma_wait3A_1380 = arith.constant 0 : i32
      %dma_wait3A_1381 = tpu.memref_slice %arg4[%add3A, %dma_wait3A_1380] : memref<32x10000xi32, #tpu.memory_space<hbm>> -> memref<1x256xi32, #tpu.memory_space<hbm>>
      %dma_wait3A_1382 = tpu.memref_squeeze %dma_wait3A_1381 : memref<1x256xi32, #tpu.memory_space<hbm>> -> memref<256xi32, #tpu.memory_space<hbm>>
      tpu.wait_dma2 semaphore(%run_scoped3A : memref<!tpu.dma_semaphore, #tpu.memory_space<semaphore_mem>>) src(%dma_wait3A_1382 : memref<256xi32, #tpu.memory_space<hbm>>) dst(%dma_wait3A_1379 : memref<256xi32, #tpu.memory_space<vmem>>)
      tpu.yield
    }) : () -> ()
    "tpu.region"() ({
      %run_scoped3A = tpu.sem_alloc : memref<!tpu.dma_semaphore, #tpu.memory_space<semaphore_mem>>
      %dma_start3A_1363 = arith.constant 0 : i32
      %dma_start3A_1364 = tpu.memref_slice %arg11[%dma_start3A_1363] : memref<512xi32, #tpu.memory_space<vmem>> -> memref<256xi32, #tpu.memory_space<vmem>>
      %dma_start3A_1365 = arith.constant 256 : i32
      %dma_start3A_1366 = tpu.memref_slice %arg3[%add3A, %dma_start3A_1365] : memref<32x10000xi32, #tpu.memory_space<hbm>> -> memref<1x256xi32, #tpu.memory_space<hbm>>
      %dma_start3A_1367 = tpu.memref_squeeze %dma_start3A_1366 : memref<1x256xi32, #tpu.memory_space<hbm>> -> memref<256xi32, #tpu.memory_space<hbm>>
      %dma_start3A_1368 = arith.constant 0 : i32
      %dma_start3A_1369 = tpu.memref_slice %arg11[%dma_start3A_1368] : memref<512xi32, #tpu.memory_space<vmem>> -> memref<256xi32, #tpu.memory_space<vmem>>
      %dma_start3A_1370 = arith.constant 256 : i32
      %dma_start3A_1371 = tpu.memref_slice %arg3[%add3A, %dma_start3A_1370] : memref<32x10000xi32, #tpu.memory_space<hbm>> -> memref<1x256xi32, #tpu.memory_space<hbm>>
      %dma_start3A_1372 = tpu.memref_squeeze %dma_start3A_1371 : memref<1x256xi32, #tpu.memory_space<hbm>> -> memref<256xi32, #tpu.memory_space<hbm>>
      tpu.enqueue_dma source(%dma_start3A_1372 : memref<256xi32, #tpu.memory_space<hbm>>) target(%dma_start3A_1369 : memref<256xi32, #tpu.memory_space<vmem>>) target_semaphore(%run_scoped3A : memref<!tpu.dma_semaphore, #tpu.memory_space<semaphore_mem>>)
      %dma_wait3A_1373 = arith.constant 0 : i32
      %dma_wait3A_1374 = tpu.memref_slice %arg11[%dma_wait3A_1373] : memref<512xi32, #tpu.memory_space<vmem>> -> memref<256xi32, #tpu.memory_space<vmem>>
      %dma_wait3A_1375 = arith.constant 256 : i32
      %dma_wait3A_1376 = tpu.memref_slice %arg3[%add3A, %dma_wait3A_1375] : memref<32x10000xi32, #tpu.memory_space<hbm>> -> memref<1x256xi32, #tpu.memory_space<hbm>>
      %dma_wait3A_1377 = tpu.memref_squeeze %dma_wait3A_1376 : memref<1x256xi32, #tpu.memory_space<hbm>> -> memref<256xi32, #tpu.memory_space<hbm>>
      %dma_wait3A_1378 = arith.constant 0 : i32
      %dma_wait3A_1379 = tpu.memref_slice %arg11[%dma_wait3A_1378] : memref<512xi32, #tpu.memory_space<vmem>> -> memref<256xi32, #tpu.memory_space<vmem>>
      %dma_wait3A_1380 = arith.constant 256 : i32
      %dma_wait3A_1381 = tpu.memref_slice %arg3[%add3A, %dma_wait3A_1380] : memref<32x10000xi32, #tpu.memory_space<hbm>> -> memref<1x256xi32, #tpu.memory_space<hbm>>
      %dma_wait3A_1382 = tpu.memref_squeeze %dma_wait3A_1381 : memref<1x256xi32, #tpu.memory_space<hbm>> -> memref<256xi32, #tpu.memory_space<hbm>>
      tpu.wait_dma2 semaphore(%run_scoped3A : memref<!tpu.dma_semaphore, #tpu.memory_space<semaphore_mem>>) src(%dma_wait3A_1382 : memref<256xi32, #tpu.memory_space<hbm>>) dst(%dma_wait3A_1379 : memref<256xi32, #tpu.memory_space<vmem>>)
      tpu.yield
    }) : () -> ()
    "tpu.region"() ({
      %run_scoped3A = tpu.sem_alloc : memref<!tpu.dma_semaphore, #tpu.memory_space<semaphore_mem>>
      %dma_start3A_1363 = arith.constant 256 : i32
      %dma_start3A_1364 = tpu.memref_slice %arg11[%dma_start3A_1363] : memref<512xi32, #tpu.memory_space<vmem>> -> memref<256xi32, #tpu.memory_space<vmem>>
      %dma_start3A_1365 = arith.constant 256 : i32
      %dma_start3A_1366 = tpu.memref_slice %arg4[%add3A, %dma_start3A_1365] : memref<32x10000xi32, #tpu.memory_space<hbm>> -> memref<1x256xi32, #tpu.memory_space<hbm>>
      %dma_start3A_1367 = tpu.memref_squeeze %dma_start3A_1366 : memref<1x256xi32, #tpu.memory_space<hbm>> -> memref<256xi32, #tpu.memory_space<hbm>>
      %dma_start3A_1368 = arith.constant 256 : i32
      %dma_start3A_1369 = tpu.memref_slice %arg11[%dma_start3A_1368] : memref<512xi32, #tpu.memory_space<vmem>> -> memref<256xi32, #tpu.memory_space<vmem>>
      %dma_start3A_1370 = arith.constant 256 : i32
      %dma_start3A_1371 = tpu.memref_slice %arg4[%add3A, %dma_start3A_1370] : memref<32x10000xi32, #tpu.memory_space<hbm>> -> memref<1x256xi32, #tpu.memory_space<hbm>>
      %dma_start3A_1372 = tpu.memref_squeeze %dma_start3A_1371 : memref<1x256xi32, #tpu.memory_space<hbm>> -> memref<256xi32, #tpu.memory_space<hbm>>
      tpu.enqueue_dma source(%dma_start3A_1372 : memref<256xi32, #tpu.memory_space<hbm>>) target(%dma_start3A_1369 : memref<256xi32, #tpu.memory_space<vmem>>) target_semaphore(%run_scoped3A : memref<!tpu.dma_semaphore, #tpu.memory_space<semaphore_mem>>)
      %dma_wait3A_1373 = arith.constant 256 : i32
      %dma_wait3A_1374 = tpu.memref_slice %arg11[%dma_wait3A_1373] : memref<512xi32, #tpu.memory_space<vmem>> -> memref<256xi32, #tpu.memory_space<vmem>>
      %dma_wait3A_1375 = arith.constant 256 : i32
      %dma_wait3A_1376 = tpu.memref_slice %arg4[%add3A, %dma_wait3A_1375] : memref<32x10000xi32, #tpu.memory_space<hbm>> -> memref<1x256xi32, #tpu.memory_space<hbm>>
      %dma_wait3A_1377 = tpu.memref_squeeze %dma_wait3A_1376 : memref<1x256xi32, #tpu.memory_space<hbm>> -> memref<256xi32, #tpu.memory_space<hbm>>
      %dma_wait3A_1378 = arith.constant 256 : i32
      %dma_wait3A_1379 = tpu.memref_slice %arg11[%dma_wait3A_1378] : memref<512xi32, #tpu.memory_space<vmem>> -> memref<256xi32, #tpu.memory_space<vmem>>
      %dma_wait3A_1380 = arith.constant 256 : i32
      %dma_wait3A_1381 = tpu.memref_slice %arg4[%add3A, %dma_wait3A_1380] : memref<32x10000xi32, #tpu.memory_space<hbm>> -> memref<1x256xi32, #tpu.memory_space<hbm>>
      %dma_wait3A_1382 = tpu.memref_squeeze %dma_wait3A_1381 : memref<1x256xi32, #tpu.memory_space<hbm>> -> memref<256xi32, #tpu.memory_space<hbm>>
      tpu.wait_dma2 semaphore(%run_scoped3A : memref<!tpu.dma_semaphore, #tpu.memory_space<semaphore_mem>>) src(%dma_wait3A_1382 : memref<256xi32, #tpu.memory_space<hbm>>) dst(%dma_wait3A_1379 : memref<256xi32, #tpu.memory_space<vmem>>)
      tpu.yield
    }) : () -> ()
    %dma_start3A = arith.constant 0 : i32
    %dma_start3A_330 = tpu.memref_slice %arg10[%dma_start3A] : memref<512xi32, #tpu.memory_space<vmem>> -> memref<128xi32, #tpu.memory_space<vmem>>
    %dma_start3A_331 = arith.constant 0 : i32
    %dma_start3A_332 = arith.constant 0 : i32
    %dma_start3A_333 = tpu.memref_slice %arg2[%dma_start3A_331, %dma_start3A_332] : memref<10000x128xf32, #tpu.memory_space<hbm>> -> memref<10000x128xf32, #tpu.memory_space<hbm>>
    tpu.enqueue_indirect_dma source(%dma_start3A_333 : memref<10000x128xf32, #tpu.memory_space<hbm>>) target(%arg16 : memref<128x128xf32, #tpu.memory_space<vmem>>) offsets(%dma_start3A_330 : memref<128xi32, #tpu.memory_space<vmem>>) semaphore(%arg23 : memref<!tpu.dma_semaphore, #tpu.memory_space<semaphore_mem>>)
    %dma_start3A_334 = arith.constant 128 : i32
    %dma_start3A_335 = tpu.memref_slice %arg10[%dma_start3A_334] : memref<512xi32, #tpu.memory_space<vmem>> -> memref<128xi32, #tpu.memory_space<vmem>>
    %dma_start3A_336 = arith.constant 0 : i32
    %dma_start3A_337 = arith.constant 0 : i32
    %dma_start3A_338 = tpu.memref_slice %arg2[%dma_start3A_336, %dma_start3A_337] : memref<10000x128xf32, #tpu.memory_space<hbm>> -> memref<10000x128xf32, #tpu.memory_space<hbm>>
    tpu.enqueue_indirect_dma source(%dma_start3A_338 : memref<10000x128xf32, #tpu.memory_space<hbm>>) target(%arg17 : memref<128x128xf32, #tpu.memory_space<vmem>>) offsets(%dma_start3A_335 : memref<128xi32, #tpu.memory_space<vmem>>) semaphore(%arg24 : memref<!tpu.dma_semaphore, #tpu.memory_space<semaphore_mem>>)
    %barrier3A = arith.constant 0 : index
    tpu.barrier barrier_id(%barrier3A)
    %scan3A = arith.constant 0 : i32
    %scan3A_339 = arith.constant 0 : i32
    %scan3A_340 = arith.constant 19 : i32
    %scan3A_341 = arith.addi %scan3A_339, %scan3A_340 : i32
    %scan3A_342 = arith.constant 1 : i32
    scf.for %scan3A_1363 = %scan3A_339 to %scan3A_341 step %scan3A_342  : i32 {
      %mul3A_1364 = arith.constant 2 : i32
      %mul3A_1365 = arith.muli %mul3A_1364, %scan3A_1363 : i32
      %dma_wait3A_1366 = arith.constant 0 : i32
      %dma_wait3A_1367 = tpu.memref_slice %arg10[%dma_wait3A_1366] : memref<512xi32, #tpu.memory_space<vmem>> -> memref<128xi32, #tpu.memory_space<vmem>>
      %dma_wait3A_1368 = arith.constant 0 : i32
      %dma_wait3A_1369 = arith.constant 0 : i32
      %dma_wait3A_1370 = tpu.memref_slice %arg2[%dma_wait3A_1368, %dma_wait3A_1369] : memref<10000x128xf32, #tpu.memory_space<hbm>> -> memref<10000x128xf32, #tpu.memory_space<hbm>>
      tpu.wait_indirect_dma semaphore(%arg23 : memref<!tpu.dma_semaphore, #tpu.memory_space<semaphore_mem>>) src(%dma_wait3A_1370 : memref<10000x128xf32, #tpu.memory_space<hbm>>) dst(%arg16 : memref<128x128xf32, #tpu.memory_space<vmem>>)
      %dma_start3A_1371 = arith.constant 256 : i32
      %dma_start3A_1372 = tpu.memref_slice %arg10[%dma_start3A_1371] : memref<512xi32, #tpu.memory_space<vmem>> -> memref<128xi32, #tpu.memory_space<vmem>>
      %dma_start3A_1373 = arith.constant 0 : i32
      %dma_start3A_1374 = arith.constant 0 : i32
      %dma_start3A_1375 = tpu.memref_slice %arg21[%dma_start3A_1373, %dma_start3A_1374] : memref<10000x128xf32, #tpu.memory_space<vmem_shared>> -> memref<10000x128xf32, #tpu.memory_space<vmem_shared>>
      tpu.enqueue_indirect_dma source(%arg16 : memref<128x128xf32, #tpu.memory_space<vmem>>) target(%dma_start3A_1375 : memref<10000x128xf32, #tpu.memory_space<vmem_shared>>) offsets(%dma_start3A_1372 : memref<128xi32, #tpu.memory_space<vmem>>) semaphore(%arg25 : memref<!tpu.dma_semaphore, #tpu.memory_space<semaphore_mem>>) {add = true}
      %dma_start3A_1376 = arith.constant 256 : i32
      %dma_start3A_1377 = tpu.memref_slice %arg10[%dma_start3A_1376] : memref<512xi32, #tpu.memory_space<vmem>> -> memref<128xi32, #tpu.memory_space<vmem>>
      %dma_start3A_1378 = arith.constant 0 : i32
      %dma_start3A_1379 = arith.constant 0 : i32
      %dma_start3A_1380 = tpu.memref_slice %arg22[%dma_start3A_1378, %dma_start3A_1379] : memref<10000x16xf32, #tpu.memory_space<vmem_shared>> -> memref<10000x16xf32, #tpu.memory_space<vmem_shared>>
      tpu.enqueue_indirect_dma source(%arg19 : memref<128x16xf32, #tpu.memory_space<vmem>>) target(%dma_start3A_1380 : memref<10000x16xf32, #tpu.memory_space<vmem_shared>>) offsets(%dma_start3A_1377 : memref<128xi32, #tpu.memory_space<vmem>>) semaphore(%arg27 : memref<!tpu.dma_semaphore, #tpu.memory_space<semaphore_mem>>) {add = true}
      %dma_wait3A_1381 = arith.constant 128 : i32
      %dma_wait3A_1382 = tpu.memref_slice %arg10[%dma_wait3A_1381] : memref<512xi32, #tpu.memory_space<vmem>> -> memref<128xi32, #tpu.memory_space<vmem>>
      %dma_wait3A_1383 = arith.constant 0 : i32
      %dma_wait3A_1384 = arith.constant 0 : i32
      %dma_wait3A_1385 = tpu.memref_slice %arg2[%dma_wait3A_1383, %dma_wait3A_1384] : memref<10000x128xf32, #tpu.memory_space<hbm>> -> memref<10000x128xf32, #tpu.memory_space<hbm>>
      tpu.wait_indirect_dma semaphore(%arg24 : memref<!tpu.dma_semaphore, #tpu.memory_space<semaphore_mem>>) src(%dma_wait3A_1385 : memref<10000x128xf32, #tpu.memory_space<hbm>>) dst(%arg17 : memref<128x128xf32, #tpu.memory_space<vmem>>)
      %dma_start3A_1386 = arith.constant 384 : i32
      %dma_start3A_1387 = tpu.memref_slice %arg10[%dma_start3A_1386] : memref<512xi32, #tpu.memory_space<vmem>> -> memref<128xi32, #tpu.memory_space<vmem>>
      %dma_start3A_1388 = arith.constant 0 : i32
      %dma_start3A_1389 = arith.constant 0 : i32
      %dma_start3A_1390 = tpu.memref_slice %arg21[%dma_start3A_1388, %dma_start3A_1389] : memref<10000x128xf32, #tpu.memory_space<vmem_shared>> -> memref<10000x128xf32, #tpu.memory_space<vmem_shared>>
      tpu.enqueue_indirect_dma source(%arg17 : memref<128x128xf32, #tpu.memory_space<vmem>>) target(%dma_start3A_1390 : memref<10000x128xf32, #tpu.memory_space<vmem_shared>>) offsets(%dma_start3A_1387 : memref<128xi32, #tpu.memory_space<vmem>>) semaphore(%arg26 : memref<!tpu.dma_semaphore, #tpu.memory_space<semaphore_mem>>) {add = true}
      %dma_start3A_1391 = arith.constant 384 : i32
      %dma_start3A_1392 = tpu.memref_slice %arg10[%dma_start3A_1391] : memref<512xi32, #tpu.memory_space<vmem>> -> memref<128xi32, #tpu.memory_space<vmem>>
      %dma_start3A_1393 = arith.constant 0 : i32
      %dma_start3A_1394 = arith.constant 0 : i32
      %dma_start3A_1395 = tpu.memref_slice %arg22[%dma_start3A_1393, %dma_start3A_1394] : memref<10000x16xf32, #tpu.memory_space<vmem_shared>> -> memref<10000x16xf32, #tpu.memory_space<vmem_shared>>
      tpu.enqueue_indirect_dma source(%arg19 : memref<128x16xf32, #tpu.memory_space<vmem>>) target(%dma_start3A_1395 : memref<10000x16xf32, #tpu.memory_space<vmem_shared>>) offsets(%dma_start3A_1392 : memref<128xi32, #tpu.memory_space<vmem>>) semaphore(%arg27 : memref<!tpu.dma_semaphore, #tpu.memory_space<semaphore_mem>>) {add = true}
      %dma_wait3A_1396 = arith.constant 256 : i32
      %dma_wait3A_1397 = tpu.memref_slice %arg10[%dma_wait3A_1396] : memref<512xi32, #tpu.memory_space<vmem>> -> memref<128xi32, #tpu.memory_space<vmem>>
      %dma_wait3A_1398 = arith.constant 0 : i32
      %dma_wait3A_1399 = arith.constant 0 : i32
      %dma_wait3A_1400 = tpu.memref_slice %arg21[%dma_wait3A_1398, %dma_wait3A_1399] : memref<10000x128xf32, #tpu.memory_space<vmem_shared>> -> memref<10000x128xf32, #tpu.memory_space<vmem_shared>>
      tpu.wait_indirect_dma semaphore(%arg25 : memref<!tpu.dma_semaphore, #tpu.memory_space<semaphore_mem>>) src(%arg16 : memref<128x128xf32, #tpu.memory_space<vmem>>) dst(%dma_wait3A_1400 : memref<10000x128xf32, #tpu.memory_space<vmem_shared>>)
      %dma_start3A_1401 = arith.constant 0 : i32
      %dma_start3A_1402 = tpu.memref_slice %arg11[%dma_start3A_1401] : memref<512xi32, #tpu.memory_space<vmem>> -> memref<128xi32, #tpu.memory_space<vmem>>
      %dma_start3A_1403 = arith.constant 0 : i32
      %dma_start3A_1404 = arith.constant 0 : i32
      %dma_start3A_1405 = tpu.memref_slice %arg2[%dma_start3A_1403, %dma_start3A_1404] : memref<10000x128xf32, #tpu.memory_space<hbm>> -> memref<10000x128xf32, #tpu.memory_space<hbm>>
      tpu.enqueue_indirect_dma source(%dma_start3A_1405 : memref<10000x128xf32, #tpu.memory_space<hbm>>) target(%arg16 : memref<128x128xf32, #tpu.memory_space<vmem>>) offsets(%dma_start3A_1402 : memref<128xi32, #tpu.memory_space<vmem>>) semaphore(%arg23 : memref<!tpu.dma_semaphore, #tpu.memory_space<semaphore_mem>>)
      %dma_wait3A_1406 = arith.constant 384 : i32
      %dma_wait3A_1407 = tpu.memref_slice %arg10[%dma_wait3A_1406] : memref<512xi32, #tpu.memory_space<vmem>> -> memref<128xi32, #tpu.memory_space<vmem>>
      %dma_wait3A_1408 = arith.constant 0 : i32
      %dma_wait3A_1409 = arith.constant 0 : i32
      %dma_wait3A_1410 = tpu.memref_slice %arg21[%dma_wait3A_1408, %dma_wait3A_1409] : memref<10000x128xf32, #tpu.memory_space<vmem_shared>> -> memref<10000x128xf32, #tpu.memory_space<vmem_shared>>
      tpu.wait_indirect_dma semaphore(%arg26 : memref<!tpu.dma_semaphore, #tpu.memory_space<semaphore_mem>>) src(%arg17 : memref<128x128xf32, #tpu.memory_space<vmem>>) dst(%dma_wait3A_1410 : memref<10000x128xf32, #tpu.memory_space<vmem_shared>>)
      %dma_start3A_1411 = arith.constant 128 : i32
      %dma_start3A_1412 = tpu.memref_slice %arg11[%dma_start3A_1411] : memref<512xi32, #tpu.memory_space<vmem>> -> memref<128xi32, #tpu.memory_space<vmem>>
      %dma_start3A_1413 = arith.constant 0 : i32
      %dma_start3A_1414 = arith.constant 0 : i32
      %dma_start3A_1415 = tpu.memref_slice %arg2[%dma_start3A_1413, %dma_start3A_1414] : memref<10000x128xf32, #tpu.memory_space<hbm>> -> memref<10000x128xf32, #tpu.memory_space<hbm>>
      tpu.enqueue_indirect_dma source(%dma_start3A_1415 : memref<10000x128xf32, #tpu.memory_space<hbm>>) target(%arg17 : memref<128x128xf32, #tpu.memory_space<vmem>>) offsets(%dma_start3A_1412 : memref<128xi32, #tpu.memory_space<vmem>>) semaphore(%arg24 : memref<!tpu.dma_semaphore, #tpu.memory_space<semaphore_mem>>)
      %dma_wait3A_1416 = arith.constant 256 : i32
      %dma_wait3A_1417 = tpu.memref_slice %arg10[%dma_wait3A_1416] : memref<512xi32, #tpu.memory_space<vmem>> -> memref<128xi32, #tpu.memory_space<vmem>>
      %dma_wait3A_1418 = arith.constant 0 : i32
      %dma_wait3A_1419 = arith.constant 0 : i32
      %dma_wait3A_1420 = tpu.memref_slice %arg22[%dma_wait3A_1418, %dma_wait3A_1419] : memref<10000x16xf32, #tpu.memory_space<vmem_shared>> -> memref<10000x16xf32, #tpu.memory_space<vmem_shared>>
      tpu.wait_indirect_dma semaphore(%arg27 : memref<!tpu.dma_semaphore, #tpu.memory_space<semaphore_mem>>) src(%arg19 : memref<128x16xf32, #tpu.memory_space<vmem>>) dst(%dma_wait3A_1420 : memref<10000x16xf32, #tpu.memory_space<vmem_shared>>)
      %dma_wait3A_1421 = arith.constant 384 : i32
      %dma_wait3A_1422 = tpu.memref_slice %arg10[%dma_wait3A_1421] : memref<512xi32, #tpu.memory_space<vmem>> -> memref<128xi32, #tpu.memory_space<vmem>>
      %dma_wait3A_1423 = arith.constant 0 : i32
      %dma_wait3A_1424 = arith.constant 0 : i32
      %dma_wait3A_1425 = tpu.memref_slice %arg22[%dma_wait3A_1423, %dma_wait3A_1424] : memref<10000x16xf32, #tpu.memory_space<vmem_shared>> -> memref<10000x16xf32, #tpu.memory_space<vmem_shared>>
      tpu.wait_indirect_dma semaphore(%arg27 : memref<!tpu.dma_semaphore, #tpu.memory_space<semaphore_mem>>) src(%arg19 : memref<128x16xf32, #tpu.memory_space<vmem>>) dst(%dma_wait3A_1425 : memref<10000x16xf32, #tpu.memory_space<vmem_shared>>)
      %add3A_1426 = arith.constant 2 : i32
      %add3A_1427 = arith.addi %mul3A_1365, %add3A_1426 : i32
      %mul3A_1428 = arith.constant 2 : i32
      %mul3A_1429 = arith.muli %add3A_1427, %mul3A_1428 : i32
      %mul3A_1430 = arith.constant 128 : i32
      %mul3A_1431 = arith.muli %mul3A_1429, %mul3A_1430 : i32
      %dma_start3A_1432 = arith.constant 0 : i32
      %dma_start3A_1433 = tpu.memref_slice %arg10[%dma_start3A_1432] : memref<512xi32, #tpu.memory_space<vmem>> -> memref<256xi32, #tpu.memory_space<vmem>>
      %dma_start3A_1434 = tpu.memref_slice %arg3[%add3A, %mul3A_1431] : memref<32x10000xi32, #tpu.memory_space<hbm>> -> memref<1x256xi32, #tpu.memory_space<hbm>>
      %dma_start3A_1435 = tpu.memref_squeeze %dma_start3A_1434 : memref<1x256xi32, #tpu.memory_space<hbm>> -> memref<256xi32, #tpu.memory_space<hbm>>
      %dma_start3A_1436 = arith.constant 0 : i32
      %dma_start3A_1437 = tpu.memref_slice %arg10[%dma_start3A_1436] : memref<512xi32, #tpu.memory_space<vmem>> -> memref<256xi32, #tpu.memory_space<vmem>>
      %dma_start3A_1438 = tpu.memref_slice %arg3[%add3A, %mul3A_1431] : memref<32x10000xi32, #tpu.memory_space<hbm>> -> memref<1x256xi32, #tpu.memory_space<hbm>>
      %dma_start3A_1439 = tpu.memref_squeeze %dma_start3A_1438 : memref<1x256xi32, #tpu.memory_space<hbm>> -> memref<256xi32, #tpu.memory_space<hbm>>
      tpu.enqueue_dma source(%dma_start3A_1439 : memref<256xi32, #tpu.memory_space<hbm>>) target(%dma_start3A_1437 : memref<256xi32, #tpu.memory_space<vmem>>) target_semaphore(%arg28 : memref<!tpu.dma_semaphore, #tpu.memory_space<semaphore_mem>>)
      %mul3A_1440 = arith.constant 2 : i32
      %mul3A_1441 = arith.muli %add3A_1427, %mul3A_1440 : i32
      %mul3A_1442 = arith.constant 128 : i32
      %mul3A_1443 = arith.muli %mul3A_1441, %mul3A_1442 : i32
      %dma_start3A_1444 = arith.constant 256 : i32
      %dma_start3A_1445 = tpu.memref_slice %arg10[%dma_start3A_1444] : memref<512xi32, #tpu.memory_space<vmem>> -> memref<256xi32, #tpu.memory_space<vmem>>
      %dma_start3A_1446 = tpu.memref_slice %arg4[%add3A, %mul3A_1443] : memref<32x10000xi32, #tpu.memory_space<hbm>> -> memref<1x256xi32, #tpu.memory_space<hbm>>
      %dma_start3A_1447 = tpu.memref_squeeze %dma_start3A_1446 : memref<1x256xi32, #tpu.memory_space<hbm>> -> memref<256xi32, #tpu.memory_space<hbm>>
      %dma_start3A_1448 = arith.constant 256 : i32
      %dma_start3A_1449 = tpu.memref_slice %arg10[%dma_start3A_1448] : memref<512xi32, #tpu.memory_space<vmem>> -> memref<256xi32, #tpu.memory_space<vmem>>
      %dma_start3A_1450 = tpu.memref_slice %arg4[%add3A, %mul3A_1443] : memref<32x10000xi32, #tpu.memory_space<hbm>> -> memref<1x256xi32, #tpu.memory_space<hbm>>
      %dma_start3A_1451 = tpu.memref_squeeze %dma_start3A_1450 : memref<1x256xi32, #tpu.memory_space<hbm>> -> memref<256xi32, #tpu.memory_space<hbm>>
      tpu.enqueue_dma source(%dma_start3A_1451 : memref<256xi32, #tpu.memory_space<hbm>>) target(%dma_start3A_1449 : memref<256xi32, #tpu.memory_space<vmem>>) target_semaphore(%arg28 : memref<!tpu.dma_semaphore, #tpu.memory_space<semaphore_mem>>)
      %dma_wait3A_1452 = arith.constant 0 : i32
      %dma_wait3A_1453 = tpu.memref_slice %arg11[%dma_wait3A_1452] : memref<512xi32, #tpu.memory_space<vmem>> -> memref<128xi32, #tpu.memory_space<vmem>>
      %dma_wait3A_1454 = arith.constant 0 : i32
      %dma_wait3A_1455 = arith.constant 0 : i32
      %dma_wait3A_1456 = tpu.memref_slice %arg2[%dma_wait3A_1454, %dma_wait3A_1455] : memref<10000x128xf32, #tpu.memory_space<hbm>> -> memref<10000x128xf32, #tpu.memory_space<hbm>>
      tpu.wait_indirect_dma semaphore(%arg23 : memref<!tpu.dma_semaphore, #tpu.memory_space<semaphore_mem>>) src(%dma_wait3A_1456 : memref<10000x128xf32, #tpu.memory_space<hbm>>) dst(%arg16 : memref<128x128xf32, #tpu.memory_space<vmem>>)
      %dma_start3A_1457 = arith.constant 256 : i32
      %dma_start3A_1458 = tpu.memref_slice %arg11[%dma_start3A_1457] : memref<512xi32, #tpu.memory_space<vmem>> -> memref<128xi32, #tpu.memory_space<vmem>>
      %dma_start3A_1459 = arith.constant 0 : i32
      %dma_start3A_1460 = arith.constant 0 : i32
      %dma_start3A_1461 = tpu.memref_slice %arg21[%dma_start3A_1459, %dma_start3A_1460] : memref<10000x128xf32, #tpu.memory_space<vmem_shared>> -> memref<10000x128xf32, #tpu.memory_space<vmem_shared>>
      tpu.enqueue_indirect_dma source(%arg16 : memref<128x128xf32, #tpu.memory_space<vmem>>) target(%dma_start3A_1461 : memref<10000x128xf32, #tpu.memory_space<vmem_shared>>) offsets(%dma_start3A_1458 : memref<128xi32, #tpu.memory_space<vmem>>) semaphore(%arg25 : memref<!tpu.dma_semaphore, #tpu.memory_space<semaphore_mem>>) {add = true}
      %dma_start3A_1462 = arith.constant 256 : i32
      %dma_start3A_1463 = tpu.memref_slice %arg11[%dma_start3A_1462] : memref<512xi32, #tpu.memory_space<vmem>> -> memref<128xi32, #tpu.memory_space<vmem>>
      %dma_start3A_1464 = arith.constant 0 : i32
      %dma_start3A_1465 = arith.constant 0 : i32
      %dma_start3A_1466 = tpu.memref_slice %arg22[%dma_start3A_1464, %dma_start3A_1465] : memref<10000x16xf32, #tpu.memory_space<vmem_shared>> -> memref<10000x16xf32, #tpu.memory_space<vmem_shared>>
      tpu.enqueue_indirect_dma source(%arg19 : memref<128x16xf32, #tpu.memory_space<vmem>>) target(%dma_start3A_1466 : memref<10000x16xf32, #tpu.memory_space<vmem_shared>>) offsets(%dma_start3A_1463 : memref<128xi32, #tpu.memory_space<vmem>>) semaphore(%arg27 : memref<!tpu.dma_semaphore, #tpu.memory_space<semaphore_mem>>) {add = true}
      %dma_wait3A_1467 = arith.constant 128 : i32
      %dma_wait3A_1468 = tpu.memref_slice %arg11[%dma_wait3A_1467] : memref<512xi32, #tpu.memory_space<vmem>> -> memref<128xi32, #tpu.memory_space<vmem>>
      %dma_wait3A_1469 = arith.constant 0 : i32
      %dma_wait3A_1470 = arith.constant 0 : i32
      %dma_wait3A_1471 = tpu.memref_slice %arg2[%dma_wait3A_1469, %dma_wait3A_1470] : memref<10000x128xf32, #tpu.memory_space<hbm>> -> memref<10000x128xf32, #tpu.memory_space<hbm>>
      tpu.wait_indirect_dma semaphore(%arg24 : memref<!tpu.dma_semaphore, #tpu.memory_space<semaphore_mem>>) src(%dma_wait3A_1471 : memref<10000x128xf32, #tpu.memory_space<hbm>>) dst(%arg17 : memref<128x128xf32, #tpu.memory_space<vmem>>)
      %dma_start3A_1472 = arith.constant 384 : i32
      %dma_start3A_1473 = tpu.memref_slice %arg11[%dma_start3A_1472] : memref<512xi32, #tpu.memory_space<vmem>> -> memref<128xi32, #tpu.memory_space<vmem>>
      %dma_start3A_1474 = arith.constant 0 : i32
      %dma_start3A_1475 = arith.constant 0 : i32
      %dma_start3A_1476 = tpu.memref_slice %arg21[%dma_start3A_1474, %dma_start3A_1475] : memref<10000x128xf32, #tpu.memory_space<vmem_shared>> -> memref<10000x128xf32, #tpu.memory_space<vmem_shared>>
      tpu.enqueue_indirect_dma source(%arg17 : memref<128x128xf32, #tpu.memory_space<vmem>>) target(%dma_start3A_1476 : memref<10000x128xf32, #tpu.memory_space<vmem_shared>>) offsets(%dma_start3A_1473 : memref<128xi32, #tpu.memory_space<vmem>>) semaphore(%arg26 : memref<!tpu.dma_semaphore, #tpu.memory_space<semaphore_mem>>) {add = true}
      %dma_start3A_1477 = arith.constant 384 : i32
      %dma_start3A_1478 = tpu.memref_slice %arg11[%dma_start3A_1477] : memref<512xi32, #tpu.memory_space<vmem>> -> memref<128xi32, #tpu.memory_space<vmem>>
      %dma_start3A_1479 = arith.constant 0 : i32
      %dma_start3A_1480 = arith.constant 0 : i32
      %dma_start3A_1481 = tpu.memref_slice %arg22[%dma_start3A_1479, %dma_start3A_1480] : memref<10000x16xf32, #tpu.memory_space<vmem_shared>> -> memref<10000x16xf32, #tpu.memory_space<vmem_shared>>
      tpu.enqueue_indirect_dma source(%arg19 : memref<128x16xf32, #tpu.memory_space<vmem>>) target(%dma_start3A_1481 : memref<10000x16xf32, #tpu.memory_space<vmem_shared>>) offsets(%dma_start3A_1478 : memref<128xi32, #tpu.memory_space<vmem>>) semaphore(%arg27 : memref<!tpu.dma_semaphore, #tpu.memory_space<semaphore_mem>>) {add = true}
      %add3A_1482 = arith.constant 2 : i32
      %add3A_1483 = arith.addi %mul3A_1365, %add3A_1482 : i32
      %mul3A_1484 = arith.constant 2 : i32
      %mul3A_1485 = arith.muli %add3A_1483, %mul3A_1484 : i32
      %mul3A_1486 = arith.constant 128 : i32
      %mul3A_1487 = arith.muli %mul3A_1485, %mul3A_1486 : i32
      %dma_wait3A_1488 = arith.constant 0 : i32
      %dma_wait3A_1489 = tpu.memref_slice %arg10[%dma_wait3A_1488] : memref<512xi32, #tpu.memory_space<vmem>> -> memref<256xi32, #tpu.memory_space<vmem>>
      %dma_wait3A_1490 = tpu.memref_slice %arg3[%add3A, %mul3A_1487] : memref<32x10000xi32, #tpu.memory_space<hbm>> -> memref<1x256xi32, #tpu.memory_space<hbm>>
      %dma_wait3A_1491 = tpu.memref_squeeze %dma_wait3A_1490 : memref<1x256xi32, #tpu.memory_space<hbm>> -> memref<256xi32, #tpu.memory_space<hbm>>
      %dma_wait3A_1492 = arith.constant 0 : i32
      %dma_wait3A_1493 = tpu.memref_slice %arg10[%dma_wait3A_1492] : memref<512xi32, #tpu.memory_space<vmem>> -> memref<256xi32, #tpu.memory_space<vmem>>
      %dma_wait3A_1494 = tpu.memref_slice %arg3[%add3A, %mul3A_1487] : memref<32x10000xi32, #tpu.memory_space<hbm>> -> memref<1x256xi32, #tpu.memory_space<hbm>>
      %dma_wait3A_1495 = tpu.memref_squeeze %dma_wait3A_1494 : memref<1x256xi32, #tpu.memory_space<hbm>> -> memref<256xi32, #tpu.memory_space<hbm>>
      tpu.wait_dma2 semaphore(%arg28 : memref<!tpu.dma_semaphore, #tpu.memory_space<semaphore_mem>>) src(%dma_wait3A_1495 : memref<256xi32, #tpu.memory_space<hbm>>) dst(%dma_wait3A_1493 : memref<256xi32, #tpu.memory_space<vmem>>)
      %mul3A_1496 = arith.constant 2 : i32
      %mul3A_1497 = arith.muli %add3A_1483, %mul3A_1496 : i32
      %mul3A_1498 = arith.constant 128 : i32
      %mul3A_1499 = arith.muli %mul3A_1497, %mul3A_1498 : i32
      %dma_wait3A_1500 = arith.constant 256 : i32
      %dma_wait3A_1501 = tpu.memref_slice %arg10[%dma_wait3A_1500] : memref<512xi32, #tpu.memory_space<vmem>> -> memref<256xi32, #tpu.memory_space<vmem>>
      %dma_wait3A_1502 = tpu.memref_slice %arg4[%add3A, %mul3A_1499] : memref<32x10000xi32, #tpu.memory_space<hbm>> -> memref<1x256xi32, #tpu.memory_space<hbm>>
      %dma_wait3A_1503 = tpu.memref_squeeze %dma_wait3A_1502 : memref<1x256xi32, #tpu.memory_space<hbm>> -> memref<256xi32, #tpu.memory_space<hbm>>
      %dma_wait3A_1504 = arith.constant 256 : i32
      %dma_wait3A_1505 = tpu.memref_slice %arg10[%dma_wait3A_1504] : memref<512xi32, #tpu.memory_space<vmem>> -> memref<256xi32, #tpu.memory_space<vmem>>
      %dma_wait3A_1506 = tpu.memref_slice %arg4[%add3A, %mul3A_1499] : memref<32x10000xi32, #tpu.memory_space<hbm>> -> memref<1x256xi32, #tpu.memory_space<hbm>>
      %dma_wait3A_1507 = tpu.memref_squeeze %dma_wait3A_1506 : memref<1x256xi32, #tpu.memory_space<hbm>> -> memref<256xi32, #tpu.memory_space<hbm>>
      tpu.wait_dma2 semaphore(%arg28 : memref<!tpu.dma_semaphore, #tpu.memory_space<semaphore_mem>>) src(%dma_wait3A_1507 : memref<256xi32, #tpu.memory_space<hbm>>) dst(%dma_wait3A_1505 : memref<256xi32, #tpu.memory_space<vmem>>)
      %dma_wait3A_1508 = arith.constant 256 : i32
      %dma_wait3A_1509 = tpu.memref_slice %arg11[%dma_wait3A_1508] : memref<512xi32, #tpu.memory_space<vmem>> -> memref<128xi32, #tpu.memory_space<vmem>>
      %dma_wait3A_1510 = arith.constant 0 : i32
      %dma_wait3A_1511 = arith.constant 0 : i32
      %dma_wait3A_1512 = tpu.memref_slice %arg21[%dma_wait3A_1510, %dma_wait3A_1511] : memref<10000x128xf32, #tpu.memory_space<vmem_shared>> -> memref<10000x128xf32, #tpu.memory_space<vmem_shared>>
      tpu.wait_indirect_dma semaphore(%arg25 : memref<!tpu.dma_semaphore, #tpu.memory_space<semaphore_mem>>) src(%arg16 : memref<128x128xf32, #tpu.memory_space<vmem>>) dst(%dma_wait3A_1512 : memref<10000x128xf32, #tpu.memory_space<vmem_shared>>)
      %dma_start3A_1513 = arith.constant 0 : i32
      %dma_start3A_1514 = tpu.memref_slice %arg10[%dma_start3A_1513] : memref<512xi32, #tpu.memory_space<vmem>> -> memref<128xi32, #tpu.memory_space<vmem>>
      %dma_start3A_1515 = arith.constant 0 : i32
      %dma_start3A_1516 = arith.constant 0 : i32
      %dma_start3A_1517 = tpu.memref_slice %arg2[%dma_start3A_1515, %dma_start3A_1516] : memref<10000x128xf32, #tpu.memory_space<hbm>> -> memref<10000x128xf32, #tpu.memory_space<hbm>>
      tpu.enqueue_indirect_dma source(%dma_start3A_1517 : memref<10000x128xf32, #tpu.memory_space<hbm>>) target(%arg16 : memref<128x128xf32, #tpu.memory_space<vmem>>) offsets(%dma_start3A_1514 : memref<128xi32, #tpu.memory_space<vmem>>) semaphore(%arg23 : memref<!tpu.dma_semaphore, #tpu.memory_space<semaphore_mem>>)
      %dma_wait3A_1518 = arith.constant 384 : i32
      %dma_wait3A_1519 = tpu.memref_slice %arg11[%dma_wait3A_1518] : memref<512xi32, #tpu.memory_space<vmem>> -> memref<128xi32, #tpu.memory_space<vmem>>
      %dma_wait3A_1520 = arith.constant 0 : i32
      %dma_wait3A_1521 = arith.constant 0 : i32
      %dma_wait3A_1522 = tpu.memref_slice %arg21[%dma_wait3A_1520, %dma_wait3A_1521] : memref<10000x128xf32, #tpu.memory_space<vmem_shared>> -> memref<10000x128xf32, #tpu.memory_space<vmem_shared>>
      tpu.wait_indirect_dma semaphore(%arg26 : memref<!tpu.dma_semaphore, #tpu.memory_space<semaphore_mem>>) src(%arg17 : memref<128x128xf32, #tpu.memory_space<vmem>>) dst(%dma_wait3A_1522 : memref<10000x128xf32, #tpu.memory_space<vmem_shared>>)
      %dma_start3A_1523 = arith.constant 128 : i32
      %dma_start3A_1524 = tpu.memref_slice %arg10[%dma_start3A_1523] : memref<512xi32, #tpu.memory_space<vmem>> -> memref<128xi32, #tpu.memory_space<vmem>>
      %dma_start3A_1525 = arith.constant 0 : i32
      %dma_start3A_1526 = arith.constant 0 : i32
      %dma_start3A_1527 = tpu.memref_slice %arg2[%dma_start3A_1525, %dma_start3A_1526] : memref<10000x128xf32, #tpu.memory_space<hbm>> -> memref<10000x128xf32, #tpu.memory_space<hbm>>
      tpu.enqueue_indirect_dma source(%dma_start3A_1527 : memref<10000x128xf32, #tpu.memory_space<hbm>>) target(%arg17 : memref<128x128xf32, #tpu.memory_space<vmem>>) offsets(%dma_start3A_1524 : memref<128xi32, #tpu.memory_space<vmem>>) semaphore(%arg24 : memref<!tpu.dma_semaphore, #tpu.memory_space<semaphore_mem>>)
      %dma_wait3A_1528 = arith.constant 256 : i32
      %dma_wait3A_1529 = tpu.memref_slice %arg11[%dma_wait3A_1528] : memref<512xi32, #tpu.memory_space<vmem>> -> memref<128xi32, #tpu.memory_space<vmem>>
      %dma_wait3A_1530 = arith.constant 0 : i32
      %dma_wait3A_1531 = arith.constant 0 : i32
      %dma_wait3A_1532 = tpu.memref_slice %arg22[%dma_wait3A_1530, %dma_wait3A_1531] : memref<10000x16xf32, #tpu.memory_space<vmem_shared>> -> memref<10000x16xf32, #tpu.memory_space<vmem_shared>>
      tpu.wait_indirect_dma semaphore(%arg27 : memref<!tpu.dma_semaphore, #tpu.memory_space<semaphore_mem>>) src(%arg19 : memref<128x16xf32, #tpu.memory_space<vmem>>) dst(%dma_wait3A_1532 : memref<10000x16xf32, #tpu.memory_space<vmem_shared>>)
      %dma_wait3A_1533 = arith.constant 384 : i32
      %dma_wait3A_1534 = tpu.memref_slice %arg11[%dma_wait3A_1533] : memref<512xi32, #tpu.memory_space<vmem>> -> memref<128xi32, #tpu.memory_space<vmem>>
      %dma_wait3A_1535 = arith.constant 0 : i32
      %dma_wait3A_1536 = arith.constant 0 : i32
      %dma_wait3A_1537 = tpu.memref_slice %arg22[%dma_wait3A_1535, %dma_wait3A_1536] : memref<10000x16xf32, #tpu.memory_space<vmem_shared>> -> memref<10000x16xf32, #tpu.memory_space<vmem_shared>>
      tpu.wait_indirect_dma semaphore(%arg27 : memref<!tpu.dma_semaphore, #tpu.memory_space<semaphore_mem>>) src(%arg19 : memref<128x16xf32, #tpu.memory_space<vmem>>) dst(%dma_wait3A_1537 : memref<10000x16xf32, #tpu.memory_space<vmem_shared>>)
      %lt3A = arith.constant 18 : i32
      %lt3A_1538 = arith.cmpi slt, %scan3A_1363, %lt3A : i32
      %convert_element_type3A_1539 = arith.extui %lt3A_1538 : i1 to i32
      %cond3A_1540 = arith.constant 0 : i32
      %cond3A_1541 = arith.cmpi ne, %convert_element_type3A_1539, %cond3A_1540 : i32
      scf.if %cond3A_1541 {
        %add3A_1542 = arith.constant 3 : i32
        %add3A_1543 = arith.addi %mul3A_1365, %add3A_1542 : i32
        %mul3A_1544 = arith.constant 2 : i32
        %mul3A_1545 = arith.muli %add3A_1543, %mul3A_1544 : i32
        %mul3A_1546 = arith.constant 128 : i32
        %mul3A_1547 = arith.muli %mul3A_1545, %mul3A_1546 : i32
        %dma_start3A_1548 = arith.constant 0 : i32
        %dma_start3A_1549 = tpu.memref_slice %arg11[%dma_start3A_1548] : memref<512xi32, #tpu.memory_space<vmem>> -> memref<256xi32, #tpu.memory_space<vmem>>
        %dma_start3A_1550 = tpu.memref_slice %arg3[%add3A, %mul3A_1547] : memref<32x10000xi32, #tpu.memory_space<hbm>> -> memref<1x256xi32, #tpu.memory_space<hbm>>
        %dma_start3A_1551 = tpu.memref_squeeze %dma_start3A_1550 : memref<1x256xi32, #tpu.memory_space<hbm>> -> memref<256xi32, #tpu.memory_space<hbm>>
        %dma_start3A_1552 = arith.constant 0 : i32
        %dma_start3A_1553 = tpu.memref_slice %arg11[%dma_start3A_1552] : memref<512xi32, #tpu.memory_space<vmem>> -> memref<256xi32, #tpu.memory_space<vmem>>
        %dma_start3A_1554 = tpu.memref_slice %arg3[%add3A, %mul3A_1547] : memref<32x10000xi32, #tpu.memory_space<hbm>> -> memref<1x256xi32, #tpu.memory_space<hbm>>
        %dma_start3A_1555 = tpu.memref_squeeze %dma_start3A_1554 : memref<1x256xi32, #tpu.memory_space<hbm>> -> memref<256xi32, #tpu.memory_space<hbm>>
        tpu.enqueue_dma source(%dma_start3A_1555 : memref<256xi32, #tpu.memory_space<hbm>>) target(%dma_start3A_1553 : memref<256xi32, #tpu.memory_space<vmem>>) target_semaphore(%arg28 : memref<!tpu.dma_semaphore, #tpu.memory_space<semaphore_mem>>)
        %mul3A_1556 = arith.constant 2 : i32
        %mul3A_1557 = arith.muli %add3A_1543, %mul3A_1556 : i32
        %mul3A_1558 = arith.constant 128 : i32
        %mul3A_1559 = arith.muli %mul3A_1557, %mul3A_1558 : i32
        %dma_start3A_1560 = arith.constant 256 : i32
        %dma_start3A_1561 = tpu.memref_slice %arg11[%dma_start3A_1560] : memref<512xi32, #tpu.memory_space<vmem>> -> memref<256xi32, #tpu.memory_space<vmem>>
        %dma_start3A_1562 = tpu.memref_slice %arg4[%add3A, %mul3A_1559] : memref<32x10000xi32, #tpu.memory_space<hbm>> -> memref<1x256xi32, #tpu.memory_space<hbm>>
        %dma_start3A_1563 = tpu.memref_squeeze %dma_start3A_1562 : memref<1x256xi32, #tpu.memory_space<hbm>> -> memref<256xi32, #tpu.memory_space<hbm>>
        %dma_start3A_1564 = arith.constant 256 : i32
        %dma_start3A_1565 = tpu.memref_slice %arg11[%dma_start3A_1564] : memref<512xi32, #tpu.memory_space<vmem>> -> memref<256xi32, #tpu.memory_space<vmem>>
        %dma_start3A_1566 = tpu.memref_slice %arg4[%add3A, %mul3A_1559] : memref<32x10000xi32, #tpu.memory_space<hbm>> -> memref<1x256xi32, #tpu.memory_space<hbm>>
        %dma_start3A_1567 = tpu.memref_squeeze %dma_start3A_1566 : memref<1x256xi32, #tpu.memory_space<hbm>> -> memref<256xi32, #tpu.memory_space<hbm>>
        tpu.enqueue_dma source(%dma_start3A_1567 : memref<256xi32, #tpu.memory_space<hbm>>) target(%dma_start3A_1565 : memref<256xi32, #tpu.memory_space<vmem>>) target_semaphore(%arg28 : memref<!tpu.dma_semaphore, #tpu.memory_space<semaphore_mem>>)
        %add3A_1568 = arith.constant 3 : i32
        %add3A_1569 = arith.addi %mul3A_1365, %add3A_1568 : i32
        %mul3A_1570 = arith.constant 2 : i32
        %mul3A_1571 = arith.muli %add3A_1569, %mul3A_1570 : i32
        %mul3A_1572 = arith.constant 128 : i32
        %mul3A_1573 = arith.muli %mul3A_1571, %mul3A_1572 : i32
        %dma_wait3A_1574 = arith.constant 0 : i32
        %dma_wait3A_1575 = tpu.memref_slice %arg11[%dma_wait3A_1574] : memref<512xi32, #tpu.memory_space<vmem>> -> memref<256xi32, #tpu.memory_space<vmem>>
        %dma_wait3A_1576 = tpu.memref_slice %arg3[%add3A, %mul3A_1573] : memref<32x10000xi32, #tpu.memory_space<hbm>> -> memref<1x256xi32, #tpu.memory_space<hbm>>
        %dma_wait3A_1577 = tpu.memref_squeeze %dma_wait3A_1576 : memref<1x256xi32, #tpu.memory_space<hbm>> -> memref<256xi32, #tpu.memory_space<hbm>>
        %dma_wait3A_1578 = arith.constant 0 : i32
        %dma_wait3A_1579 = tpu.memref_slice %arg11[%dma_wait3A_1578] : memref<512xi32, #tpu.memory_space<vmem>> -> memref<256xi32, #tpu.memory_space<vmem>>
        %dma_wait3A_1580 = tpu.memref_slice %arg3[%add3A, %mul3A_1573] : memref<32x10000xi32, #tpu.memory_space<hbm>> -> memref<1x256xi32, #tpu.memory_space<hbm>>
        %dma_wait3A_1581 = tpu.memref_squeeze %dma_wait3A_1580 : memref<1x256xi32, #tpu.memory_space<hbm>> -> memref<256xi32, #tpu.memory_space<hbm>>
        tpu.wait_dma2 semaphore(%arg28 : memref<!tpu.dma_semaphore, #tpu.memory_space<semaphore_mem>>) src(%dma_wait3A_1581 : memref<256xi32, #tpu.memory_space<hbm>>) dst(%dma_wait3A_1579 : memref<256xi32, #tpu.memory_space<vmem>>)
        %mul3A_1582 = arith.constant 2 : i32
        %mul3A_1583 = arith.muli %add3A_1569, %mul3A_1582 : i32
        %mul3A_1584 = arith.constant 128 : i32
        %mul3A_1585 = arith.muli %mul3A_1583, %mul3A_1584 : i32
        %dma_wait3A_1586 = arith.constant 256 : i32
        %dma_wait3A_1587 = tpu.memref_slice %arg11[%dma_wait3A_1586] : memref<512xi32, #tpu.memory_space<vmem>> -> memref<256xi32, #tpu.memory_space<vmem>>
        %dma_wait3A_1588 = tpu.memref_slice %arg4[%add3A, %mul3A_1585] : memref<32x10000xi32, #tpu.memory_space<hbm>> -> memref<1x256xi32, #tpu.memory_space<hbm>>
        %dma_wait3A_1589 = tpu.memref_squeeze %dma_wait3A_1588 : memref<1x256xi32, #tpu.memory_space<hbm>> -> memref<256xi32, #tpu.memory_space<hbm>>
        %dma_wait3A_1590 = arith.constant 256 : i32
        %dma_wait3A_1591 = tpu.memref_slice %arg11[%dma_wait3A_1590] : memref<512xi32, #tpu.memory_space<vmem>> -> memref<256xi32, #tpu.memory_space<vmem>>
        %dma_wait3A_1592 = tpu.memref_slice %arg4[%add3A, %mul3A_1585] : memref<32x10000xi32, #tpu.memory_space<hbm>> -> memref<1x256xi32, #tpu.memory_space<hbm>>
        %dma_wait3A_1593 = tpu.memref_squeeze %dma_wait3A_1592 : memref<1x256xi32, #tpu.memory_space<hbm>> -> memref<256xi32, #tpu.memory_space<hbm>>
        tpu.wait_dma2 semaphore(%arg28 : memref<!tpu.dma_semaphore, #tpu.memory_space<semaphore_mem>>) src(%dma_wait3A_1593 : memref<256xi32, #tpu.memory_space<hbm>>) dst(%dma_wait3A_1591 : memref<256xi32, #tpu.memory_space<vmem>>)
      } else {
      }
    }
    %scan3A_343 = arith.constant 19 : i32
    %dma_wait3A = arith.constant 0 : i32
    %dma_wait3A_344 = tpu.memref_slice %arg10[%dma_wait3A] : memref<512xi32, #tpu.memory_space<vmem>> -> memref<128xi32, #tpu.memory_space<vmem>>
    %dma_wait3A_345 = arith.constant 0 : i32
    %dma_wait3A_346 = arith.constant 0 : i32
    %dma_wait3A_347 = tpu.memref_slice %arg2[%dma_wait3A_345, %dma_wait3A_346] : memref<10000x128xf32, #tpu.memory_space<hbm>> -> memref<10000x128xf32, #tpu.memory_space<hbm>>
    tpu.wait_indirect_dma semaphore(%arg23 : memref<!tpu.dma_semaphore, #tpu.memory_space<semaphore_mem>>) src(%dma_wait3A_347 : memref<10000x128xf32, #tpu.memory_space<hbm>>) dst(%arg16 : memref<128x128xf32, #tpu.memory_space<vmem>>)
    %dma_start3A_348 = arith.constant 256 : i32
    %dma_start3A_349 = tpu.memref_slice %arg10[%dma_start3A_348] : memref<512xi32, #tpu.memory_space<vmem>> -> memref<128xi32, #tpu.memory_space<vmem>>
    %dma_start3A_350 = arith.constant 0 : i32
    %dma_start3A_351 = arith.constant 0 : i32
    %dma_start3A_352 = tpu.memref_slice %arg21[%dma_start3A_350, %dma_start3A_351] : memref<10000x128xf32, #tpu.memory_space<vmem_shared>> -> memref<10000x128xf32, #tpu.memory_space<vmem_shared>>
    tpu.enqueue_indirect_dma source(%arg16 : memref<128x128xf32, #tpu.memory_space<vmem>>) target(%dma_start3A_352 : memref<10000x128xf32, #tpu.memory_space<vmem_shared>>) offsets(%dma_start3A_349 : memref<128xi32, #tpu.memory_space<vmem>>) semaphore(%arg25 : memref<!tpu.dma_semaphore, #tpu.memory_space<semaphore_mem>>) {add = true}
    %dma_start3A_353 = arith.constant 256 : i32
    %dma_start3A_354 = tpu.memref_slice %arg10[%dma_start3A_353] : memref<512xi32, #tpu.memory_space<vmem>> -> memref<128xi32, #tpu.memory_space<vmem>>
    %dma_start3A_355 = arith.constant 0 : i32
    %dma_start3A_356 = arith.constant 0 : i32
    %dma_start3A_357 = tpu.memref_slice %arg22[%dma_start3A_355, %dma_start3A_356] : memref<10000x16xf32, #tpu.memory_space<vmem_shared>> -> memref<10000x16xf32, #tpu.memory_space<vmem_shared>>
    tpu.enqueue_indirect_dma source(%arg19 : memref<128x16xf32, #tpu.memory_space<vmem>>) target(%dma_start3A_357 : memref<10000x16xf32, #tpu.memory_space<vmem_shared>>) offsets(%dma_start3A_354 : memref<128xi32, #tpu.memory_space<vmem>>) semaphore(%arg27 : memref<!tpu.dma_semaphore, #tpu.memory_space<semaphore_mem>>) {add = true}
    %dma_wait3A_358 = arith.constant 128 : i32
    %dma_wait3A_359 = tpu.memref_slice %arg10[%dma_wait3A_358] : memref<512xi32, #tpu.memory_space<vmem>> -> memref<128xi32, #tpu.memory_space<vmem>>
    %dma_wait3A_360 = arith.constant 0 : i32
    %dma_wait3A_361 = arith.constant 0 : i32
    %dma_wait3A_362 = tpu.memref_slice %arg2[%dma_wait3A_360, %dma_wait3A_361] : memref<10000x128xf32, #tpu.memory_space<hbm>> -> memref<10000x128xf32, #tpu.memory_space<hbm>>
    tpu.wait_indirect_dma semaphore(%arg24 : memref<!tpu.dma_semaphore, #tpu.memory_space<semaphore_mem>>) src(%dma_wait3A_362 : memref<10000x128xf32, #tpu.memory_space<hbm>>) dst(%arg17 : memref<128x128xf32, #tpu.memory_space<vmem>>)
    %dma_start3A_363 = arith.constant 384 : i32
    %dma_start3A_364 = tpu.memref_slice %arg10[%dma_start3A_363] : memref<512xi32, #tpu.memory_space<vmem>> -> memref<128xi32, #tpu.memory_space<vmem>>
    %dma_start3A_365 = arith.constant 0 : i32
    %dma_start3A_366 = arith.constant 0 : i32
    %dma_start3A_367 = tpu.memref_slice %arg21[%dma_start3A_365, %dma_start3A_366] : memref<10000x128xf32, #tpu.memory_space<vmem_shared>> -> memref<10000x128xf32, #tpu.memory_space<vmem_shared>>
    tpu.enqueue_indirect_dma source(%arg17 : memref<128x128xf32, #tpu.memory_space<vmem>>) target(%dma_start3A_367 : memref<10000x128xf32, #tpu.memory_space<vmem_shared>>) offsets(%dma_start3A_364 : memref<128xi32, #tpu.memory_space<vmem>>) semaphore(%arg26 : memref<!tpu.dma_semaphore, #tpu.memory_space<semaphore_mem>>) {add = true}
    %dma_start3A_368 = arith.constant 384 : i32
    %dma_start3A_369 = tpu.memref_slice %arg10[%dma_start3A_368] : memref<512xi32, #tpu.memory_space<vmem>> -> memref<128xi32, #tpu.memory_space<vmem>>
    %dma_start3A_370 = arith.constant 0 : i32
    %dma_start3A_371 = arith.constant 0 : i32
    %dma_start3A_372 = tpu.memref_slice %arg22[%dma_start3A_370, %dma_start3A_371] : memref<10000x16xf32, #tpu.memory_space<vmem_shared>> -> memref<10000x16xf32, #tpu.memory_space<vmem_shared>>
    tpu.enqueue_indirect_dma source(%arg19 : memref<128x16xf32, #tpu.memory_space<vmem>>) target(%dma_start3A_372 : memref<10000x16xf32, #tpu.memory_space<vmem_shared>>) offsets(%dma_start3A_369 : memref<128xi32, #tpu.memory_space<vmem>>) semaphore(%arg27 : memref<!tpu.dma_semaphore, #tpu.memory_space<semaphore_mem>>) {add = true}
    %dma_wait3A_373 = arith.constant 256 : i32
    %dma_wait3A_374 = tpu.memref_slice %arg10[%dma_wait3A_373] : memref<512xi32, #tpu.memory_space<vmem>> -> memref<128xi32, #tpu.memory_space<vmem>>
    %dma_wait3A_375 = arith.constant 0 : i32
    %dma_wait3A_376 = arith.constant 0 : i32
    %dma_wait3A_377 = tpu.memref_slice %arg21[%dma_wait3A_375, %dma_wait3A_376] : memref<10000x128xf32, #tpu.memory_space<vmem_shared>> -> memref<10000x128xf32, #tpu.memory_space<vmem_shared>>
    tpu.wait_indirect_dma semaphore(%arg25 : memref<!tpu.dma_semaphore, #tpu.memory_space<semaphore_mem>>) src(%arg16 : memref<128x128xf32, #tpu.memory_space<vmem>>) dst(%dma_wait3A_377 : memref<10000x128xf32, #tpu.memory_space<vmem_shared>>)
    %dma_wait3A_378 = arith.constant 384 : i32
    %dma_wait3A_379 = tpu.memref_slice %arg10[%dma_wait3A_378] : memref<512xi32, #tpu.memory_space<vmem>> -> memref<128xi32, #tpu.memory_space<vmem>>
    %dma_wait3A_380 = arith.constant 0 : i32
    %dma_wait3A_381 = arith.constant 0 : i32
    %dma_wait3A_382 = tpu.memref_slice %arg21[%dma_wait3A_380, %dma_wait3A_381] : memref<10000x128xf32, #tpu.memory_space<vmem_shared>> -> memref<10000x128xf32, #tpu.memory_space<vmem_shared>>
    tpu.wait_indirect_dma semaphore(%arg26 : memref<!tpu.dma_semaphore, #tpu.memory_space<semaphore_mem>>) src(%arg17 : memref<128x128xf32, #tpu.memory_space<vmem>>) dst(%dma_wait3A_382 : memref<10000x128xf32, #tpu.memory_space<vmem_shared>>)
    %dma_wait3A_383 = arith.constant 256 : i32
    %dma_wait3A_384 = tpu.memref_slice %arg10[%dma_wait3A_383] : memref<512xi32, #tpu.memory_space<vmem>> -> memref<128xi32, #tpu.memory_space<vmem>>
    %dma_wait3A_385 = arith.constant 0 : i32
    %dma_wait3A_386 = arith.constant 0 : i32
    %dma_wait3A_387 = tpu.memref_slice %arg22[%dma_wait3A_385, %dma_wait3A_386] : memref<10000x16xf32, #tpu.memory_space<vmem_shared>> -> memref<10000x16xf32, #tpu.memory_space<vmem_shared>>
    tpu.wait_indirect_dma semaphore(%arg27 : memref<!tpu.dma_semaphore, #tpu.memory_space<semaphore_mem>>) src(%arg19 : memref<128x16xf32, #tpu.memory_space<vmem>>) dst(%dma_wait3A_387 : memref<10000x16xf32, #tpu.memory_space<vmem_shared>>)
    %dma_wait3A_388 = arith.constant 384 : i32
    %dma_wait3A_389 = tpu.memref_slice %arg10[%dma_wait3A_388] : memref<512xi32, #tpu.memory_space<vmem>> -> memref<128xi32, #tpu.memory_space<vmem>>
    %dma_wait3A_390 = arith.constant 0 : i32
    %dma_wait3A_391 = arith.constant 0 : i32
    %dma_wait3A_392 = tpu.memref_slice %arg22[%dma_wait3A_390, %dma_wait3A_391] : memref<10000x16xf32, #tpu.memory_space<vmem_shared>> -> memref<10000x16xf32, #tpu.memory_space<vmem_shared>>
    tpu.wait_indirect_dma semaphore(%arg27 : memref<!tpu.dma_semaphore, #tpu.memory_space<semaphore_mem>>) src(%arg19 : memref<128x16xf32, #tpu.memory_space<vmem>>) dst(%dma_wait3A_392 : memref<10000x16xf32, #tpu.memory_space<vmem_shared>>)
    "tpu.region"() ({
      %run_scoped3A = tpu.sem_alloc : memref<!tpu.dma_semaphore, #tpu.memory_space<semaphore_mem>>
      %dma_start3A_1363 = arith.constant 0 : i32
      %dma_start3A_1364 = tpu.memref_slice %arg12[%dma_start3A_1363] : memref<32xi32, #tpu.memory_space<vmem>> -> memref<16xi32, #tpu.memory_space<vmem>>
      %dma_start3A_1365 = arith.constant 9984 : i32
      %dma_start3A_1366 = tpu.memref_slice %arg3[%add3A, %dma_start3A_1365] : memref<32x10000xi32, #tpu.memory_space<hbm>> -> memref<1x16xi32, #tpu.memory_space<hbm>>
      %dma_start3A_1367 = tpu.memref_squeeze %dma_start3A_1366 : memref<1x16xi32, #tpu.memory_space<hbm>> -> memref<16xi32, #tpu.memory_space<hbm>>
      %dma_start3A_1368 = arith.constant 0 : i32
      %dma_start3A_1369 = tpu.memref_slice %arg12[%dma_start3A_1368] : memref<32xi32, #tpu.memory_space<vmem>> -> memref<16xi32, #tpu.memory_space<vmem>>
      %dma_start3A_1370 = arith.constant 9984 : i32
      %dma_start3A_1371 = tpu.memref_slice %arg3[%add3A, %dma_start3A_1370] : memref<32x10000xi32, #tpu.memory_space<hbm>> -> memref<1x16xi32, #tpu.memory_space<hbm>>
      %dma_start3A_1372 = tpu.memref_squeeze %dma_start3A_1371 : memref<1x16xi32, #tpu.memory_space<hbm>> -> memref<16xi32, #tpu.memory_space<hbm>>
      tpu.enqueue_dma source(%dma_start3A_1372 : memref<16xi32, #tpu.memory_space<hbm>>) target(%dma_start3A_1369 : memref<16xi32, #tpu.memory_space<vmem>>) target_semaphore(%run_scoped3A : memref<!tpu.dma_semaphore, #tpu.memory_space<semaphore_mem>>)
      %dma_wait3A_1373 = arith.constant 0 : i32
      %dma_wait3A_1374 = tpu.memref_slice %arg12[%dma_wait3A_1373] : memref<32xi32, #tpu.memory_space<vmem>> -> memref<16xi32, #tpu.memory_space<vmem>>
      %dma_wait3A_1375 = arith.constant 9984 : i32
      %dma_wait3A_1376 = tpu.memref_slice %arg3[%add3A, %dma_wait3A_1375] : memref<32x10000xi32, #tpu.memory_space<hbm>> -> memref<1x16xi32, #tpu.memory_space<hbm>>
      %dma_wait3A_1377 = tpu.memref_squeeze %dma_wait3A_1376 : memref<1x16xi32, #tpu.memory_space<hbm>> -> memref<16xi32, #tpu.memory_space<hbm>>
      %dma_wait3A_1378 = arith.constant 0 : i32
      %dma_wait3A_1379 = tpu.memref_slice %arg12[%dma_wait3A_1378] : memref<32xi32, #tpu.memory_space<vmem>> -> memref<16xi32, #tpu.memory_space<vmem>>
      %dma_wait3A_1380 = arith.constant 9984 : i32
      %dma_wait3A_1381 = tpu.memref_slice %arg3[%add3A, %dma_wait3A_1380] : memref<32x10000xi32, #tpu.memory_space<hbm>> -> memref<1x16xi32, #tpu.memory_space<hbm>>
      %dma_wait3A_1382 = tpu.memref_squeeze %dma_wait3A_1381 : memref<1x16xi32, #tpu.memory_space<hbm>> -> memref<16xi32, #tpu.memory_space<hbm>>
      tpu.wait_dma2 semaphore(%run_scoped3A : memref<!tpu.dma_semaphore, #tpu.memory_space<semaphore_mem>>) src(%dma_wait3A_1382 : memref<16xi32, #tpu.memory_space<hbm>>) dst(%dma_wait3A_1379 : memref<16xi32, #tpu.memory_space<vmem>>)
      tpu.yield
    }) : () -> ()
    "tpu.region"() ({
      %run_scoped3A = tpu.sem_alloc : memref<!tpu.dma_semaphore, #tpu.memory_space<semaphore_mem>>
      %dma_start3A_1363 = arith.constant 16 : i32
      %dma_start3A_1364 = tpu.memref_slice %arg12[%dma_start3A_1363] : memref<32xi32, #tpu.memory_space<vmem>> -> memref<16xi32, #tpu.memory_space<vmem>>
      %dma_start3A_1365 = arith.constant 9984 : i32
      %dma_start3A_1366 = tpu.memref_slice %arg4[%add3A, %dma_start3A_1365] : memref<32x10000xi32, #tpu.memory_space<hbm>> -> memref<1x16xi32, #tpu.memory_space<hbm>>
      %dma_start3A_1367 = tpu.memref_squeeze %dma_start3A_1366 : memref<1x16xi32, #tpu.memory_space<hbm>> -> memref<16xi32, #tpu.memory_space<hbm>>
      %dma_start3A_1368 = arith.constant 16 : i32
      %dma_start3A_1369 = tpu.memref_slice %arg12[%dma_start3A_1368] : memref<32xi32, #tpu.memory_space<vmem>> -> memref<16xi32, #tpu.memory_space<vmem>>
      %dma_start3A_1370 = arith.constant 9984 : i32
      %dma_start3A_1371 = tpu.memref_slice %arg4[%add3A, %dma_start3A_1370] : memref<32x10000xi32, #tpu.memory_space<hbm>> -> memref<1x16xi32, #tpu.memory_space<hbm>>
      %dma_start3A_1372 = tpu.memref_squeeze %dma_start3A_1371 : memref<1x16xi32, #tpu.memory_space<hbm>> -> memref<16xi32, #tpu.memory_space<hbm>>
      tpu.enqueue_dma source(%dma_start3A_1372 : memref<16xi32, #tpu.memory_space<hbm>>) target(%dma_start3A_1369 : memref<16xi32, #tpu.memory_space<vmem>>) target_semaphore(%run_scoped3A : memref<!tpu.dma_semaphore, #tpu.memory_space<semaphore_mem>>)
      %dma_wait3A_1373 = arith.constant 16 : i32
      %dma_wait3A_1374 = tpu.memref_slice %arg12[%dma_wait3A_1373] : memref<32xi32, #tpu.memory_space<vmem>> -> memref<16xi32, #tpu.memory_space<vmem>>
      %dma_wait3A_1375 = arith.constant 9984 : i32
      %dma_wait3A_1376 = tpu.memref_slice %arg4[%add3A, %dma_wait3A_1375] : memref<32x10000xi32, #tpu.memory_space<hbm>> -> memref<1x16xi32, #tpu.memory_space<hbm>>
      %dma_wait3A_1377 = tpu.memref_squeeze %dma_wait3A_1376 : memref<1x16xi32, #tpu.memory_space<hbm>> -> memref<16xi32, #tpu.memory_space<hbm>>
      %dma_wait3A_1378 = arith.constant 16 : i32
      %dma_wait3A_1379 = tpu.memref_slice %arg12[%dma_wait3A_1378] : memref<32xi32, #tpu.memory_space<vmem>> -> memref<16xi32, #tpu.memory_space<vmem>>
      %dma_wait3A_1380 = arith.constant 9984 : i32
      %dma_wait3A_1381 = tpu.memref_slice %arg4[%add3A, %dma_wait3A_1380] : memref<32x10000xi32, #tpu.memory_space<hbm>> -> memref<1x16xi32, #tpu.memory_space<hbm>>
      %dma_wait3A_1382 = tpu.memref_squeeze %dma_wait3A_1381 : memref<1x16xi32, #tpu.memory_space<hbm>> -> memref<16xi32, #tpu.memory_space<hbm>>
      tpu.wait_dma2 semaphore(%run_scoped3A : memref<!tpu.dma_semaphore, #tpu.memory_space<semaphore_mem>>) src(%dma_wait3A_1382 : memref<16xi32, #tpu.memory_space<hbm>>) dst(%dma_wait3A_1379 : memref<16xi32, #tpu.memory_space<vmem>>)
      tpu.yield
    }) : () -> ()
    %dma_start3A_393 = arith.constant 0 : i32
    %dma_start3A_394 = tpu.memref_slice %arg12[%dma_start3A_393] : memref<32xi32, #tpu.memory_space<vmem>> -> memref<16xi32, #tpu.memory_space<vmem>>
    %dma_start3A_395 = arith.constant 0 : i32
    %dma_start3A_396 = arith.constant 0 : i32
    %dma_start3A_397 = tpu.memref_slice %arg2[%dma_start3A_395, %dma_start3A_396] : memref<10000x128xf32, #tpu.memory_space<hbm>> -> memref<10000x128xf32, #tpu.memory_space<hbm>>
    tpu.enqueue_indirect_dma source(%dma_start3A_397 : memref<10000x128xf32, #tpu.memory_space<hbm>>) target(%arg18 : memref<16x128xf32, #tpu.memory_space<vmem>>) offsets(%dma_start3A_394 : memref<16xi32, #tpu.memory_space<vmem>>) semaphore(%arg23 : memref<!tpu.dma_semaphore, #tpu.memory_space<semaphore_mem>>)
    %dma_wait3A_398 = arith.constant 0 : i32
    %dma_wait3A_399 = tpu.memref_slice %arg12[%dma_wait3A_398] : memref<32xi32, #tpu.memory_space<vmem>> -> memref<16xi32, #tpu.memory_space<vmem>>
    %dma_wait3A_400 = arith.constant 0 : i32
    %dma_wait3A_401 = arith.constant 0 : i32
    %dma_wait3A_402 = tpu.memref_slice %arg2[%dma_wait3A_400, %dma_wait3A_401] : memref<10000x128xf32, #tpu.memory_space<hbm>> -> memref<10000x128xf32, #tpu.memory_space<hbm>>
    tpu.wait_indirect_dma semaphore(%arg23 : memref<!tpu.dma_semaphore, #tpu.memory_space<semaphore_mem>>) src(%dma_wait3A_402 : memref<10000x128xf32, #tpu.memory_space<hbm>>) dst(%arg18 : memref<16x128xf32, #tpu.memory_space<vmem>>)
    "tpu.region"() ({
      %run_scoped3A = tpu.sem_alloc : memref<!tpu.dma_semaphore, #tpu.memory_space<semaphore_mem>>
      %dma_start3A_1363 = arith.constant 16 : i32
      %dma_start3A_1364 = tpu.memref_slice %arg12[%dma_start3A_1363] : memref<32xi32, #tpu.memory_space<vmem>> -> memref<16xi32, #tpu.memory_space<vmem>>
      %dma_start3A_1365 = arith.constant 0 : i32
      %dma_start3A_1366 = arith.constant 0 : i32
      %dma_start3A_1367 = tpu.memref_slice %arg21[%dma_start3A_1365, %dma_start3A_1366] : memref<10000x128xf32, #tpu.memory_space<vmem_shared>> -> memref<10000x128xf32, #tpu.memory_space<vmem_shared>>
      tpu.enqueue_indirect_dma source(%arg18 : memref<16x128xf32, #tpu.memory_space<vmem>>) target(%dma_start3A_1367 : memref<10000x128xf32, #tpu.memory_space<vmem_shared>>) offsets(%dma_start3A_1364 : memref<16xi32, #tpu.memory_space<vmem>>) semaphore(%run_scoped3A : memref<!tpu.dma_semaphore, #tpu.memory_space<semaphore_mem>>) {add = true}
      %dma_wait3A_1368 = arith.constant 16 : i32
      %dma_wait3A_1369 = tpu.memref_slice %arg12[%dma_wait3A_1368] : memref<32xi32, #tpu.memory_space<vmem>> -> memref<16xi32, #tpu.memory_space<vmem>>
      %dma_wait3A_1370 = arith.constant 0 : i32
      %dma_wait3A_1371 = arith.constant 0 : i32
      %dma_wait3A_1372 = tpu.memref_slice %arg21[%dma_wait3A_1370, %dma_wait3A_1371] : memref<10000x128xf32, #tpu.memory_space<vmem_shared>> -> memref<10000x128xf32, #tpu.memory_space<vmem_shared>>
      tpu.wait_indirect_dma semaphore(%run_scoped3A : memref<!tpu.dma_semaphore, #tpu.memory_space<semaphore_mem>>) src(%arg18 : memref<16x128xf32, #tpu.memory_space<vmem>>) dst(%dma_wait3A_1372 : memref<10000x128xf32, #tpu.memory_space<vmem_shared>>)
      tpu.yield
    }) : () -> ()
    "tpu.region"() ({
      %run_scoped3A = tpu.sem_alloc : memref<!tpu.dma_semaphore, #tpu.memory_space<semaphore_mem>>
      %dma_start3A_1363 = arith.constant 0 : i32
      %dma_start3A_1364 = arith.constant 0 : i32
      %dma_start3A_1365 = tpu.memref_slice %arg19[%dma_start3A_1363, %dma_start3A_1364] : memref<128x16xf32, #tpu.memory_space<vmem>> -> memref<16x16xf32, #tpu.memory_space<vmem>>
      %dma_start3A_1366 = arith.constant 16 : i32
      %dma_start3A_1367 = tpu.memref_slice %arg12[%dma_start3A_1366] : memref<32xi32, #tpu.memory_space<vmem>> -> memref<16xi32, #tpu.memory_space<vmem>>
      %dma_start3A_1368 = arith.constant 0 : i32
      %dma_start3A_1369 = arith.constant 0 : i32
      %dma_start3A_1370 = tpu.memref_slice %arg22[%dma_start3A_1368, %dma_start3A_1369] : memref<10000x16xf32, #tpu.memory_space<vmem_shared>> -> memref<10000x16xf32, #tpu.memory_space<vmem_shared>>
      tpu.enqueue_indirect_dma source(%dma_start3A_1365 : memref<16x16xf32, #tpu.memory_space<vmem>>) target(%dma_start3A_1370 : memref<10000x16xf32, #tpu.memory_space<vmem_shared>>) offsets(%dma_start3A_1367 : memref<16xi32, #tpu.memory_space<vmem>>) semaphore(%run_scoped3A : memref<!tpu.dma_semaphore, #tpu.memory_space<semaphore_mem>>) {add = true}
      %dma_wait3A_1371 = arith.constant 0 : i32
      %dma_wait3A_1372 = arith.constant 0 : i32
      %dma_wait3A_1373 = tpu.memref_slice %arg19[%dma_wait3A_1371, %dma_wait3A_1372] : memref<128x16xf32, #tpu.memory_space<vmem>> -> memref<16x16xf32, #tpu.memory_space<vmem>>
      %dma_wait3A_1374 = arith.constant 16 : i32
      %dma_wait3A_1375 = tpu.memref_slice %arg12[%dma_wait3A_1374] : memref<32xi32, #tpu.memory_space<vmem>> -> memref<16xi32, #tpu.memory_space<vmem>>
      %dma_wait3A_1376 = arith.constant 0 : i32
      %dma_wait3A_1377 = arith.constant 0 : i32
      %dma_wait3A_1378 = tpu.memref_slice %arg22[%dma_wait3A_1376, %dma_wait3A_1377] : memref<10000x16xf32, #tpu.memory_space<vmem_shared>> -> memref<10000x16xf32, #tpu.memory_space<vmem_shared>>
      tpu.wait_indirect_dma semaphore(%run_scoped3A : memref<!tpu.dma_semaphore, #tpu.memory_space<semaphore_mem>>) src(%dma_wait3A_1373 : memref<16x16xf32, #tpu.memory_space<vmem>>) dst(%dma_wait3A_1378 : memref<10000x16xf32, #tpu.memory_space<vmem_shared>>)
      tpu.yield
    }) : () -> ()
    %barrier3A_403 = arith.constant 0 : index
    tpu.barrier barrier_id(%barrier3A_403)
    %add3A_404 = arith.constant 0 : i32
    %add3A_405 = arith.addi %multiple_of3A, %add3A_404 : i32
    %iota3A_406 = tpu.iota {dimensions = array<i32: 0>} : vector<16xi32>
    %add3A_407 = arith.constant 0 : i32
    %add3A_408 = arith.addi %add3A_405, %add3A_407 : i32
    %add3A_409 = vector.broadcast %add3A_408 : i32 to vector<16xi32>
    %add3A_410 = arith.addi %iota3A_406, %add3A_409 : vector<16xi32>
    %swap3A_411 = arith.constant 0 : index
    %swap3A_412 = tpu.vector_load %arg14[%swap3A_411] {strides = array<i32>} : memref<128xi32, #tpu.memory_space<vmem>>, vector<16xi32>,
    %swap3A_413 = vector.shape_cast %swap3A_412 : vector<16xi32> to vector<16xi32>
    %swap3A_414 = vector.shape_cast %add3A_410 : vector<16xi32> to vector<16xi32>
    tpu.vector_store %arg14[%swap3A_411], %swap3A_414 {strides = array<i32>} : memref<128xi32, #tpu.memory_space<vmem>>, vector<16xi32>,
    %add3A_415 = arith.constant 16 : i32
    %add3A_416 = arith.addi %add3A_405, %add3A_415 : i32
    %add3A_417 = vector.broadcast %add3A_416 : i32 to vector<16xi32>
    %add3A_418 = arith.addi %iota3A_406, %add3A_417 : vector<16xi32>
    %swap3A_419 = arith.constant 16 : index
    %swap3A_420 = tpu.vector_load %arg14[%swap3A_419] {strides = array<i32>} : memref<128xi32, #tpu.memory_space<vmem>>, vector<16xi32>,
    %swap3A_421 = vector.shape_cast %swap3A_420 : vector<16xi32> to vector<16xi32>
    %swap3A_422 = vector.shape_cast %add3A_418 : vector<16xi32> to vector<16xi32>
    tpu.vector_store %arg14[%swap3A_419], %swap3A_422 {strides = array<i32>} : memref<128xi32, #tpu.memory_space<vmem>>, vector<16xi32>,
    %add3A_423 = arith.constant 32 : i32
    %add3A_424 = arith.addi %add3A_405, %add3A_423 : i32
    %add3A_425 = vector.broadcast %add3A_424 : i32 to vector<16xi32>
    %add3A_426 = arith.addi %iota3A_406, %add3A_425 : vector<16xi32>
    %swap3A_427 = arith.constant 32 : index
    %swap3A_428 = tpu.vector_load %arg14[%swap3A_427] {strides = array<i32>} : memref<128xi32, #tpu.memory_space<vmem>>, vector<16xi32>,
    %swap3A_429 = vector.shape_cast %swap3A_428 : vector<16xi32> to vector<16xi32>
    %swap3A_430 = vector.shape_cast %add3A_426 : vector<16xi32> to vector<16xi32>
    tpu.vector_store %arg14[%swap3A_427], %swap3A_430 {strides = array<i32>} : memref<128xi32, #tpu.memory_space<vmem>>, vector<16xi32>,
    %add3A_431 = arith.constant 48 : i32
    %add3A_432 = arith.addi %add3A_405, %add3A_431 : i32
    %add3A_433 = vector.broadcast %add3A_432 : i32 to vector<16xi32>
    %add3A_434 = arith.addi %iota3A_406, %add3A_433 : vector<16xi32>
    %swap3A_435 = arith.constant 48 : index
    %swap3A_436 = tpu.vector_load %arg14[%swap3A_435] {strides = array<i32>} : memref<128xi32, #tpu.memory_space<vmem>>, vector<16xi32>,
    %swap3A_437 = vector.shape_cast %swap3A_436 : vector<16xi32> to vector<16xi32>
    %swap3A_438 = vector.shape_cast %add3A_434 : vector<16xi32> to vector<16xi32>
    tpu.vector_store %arg14[%swap3A_435], %swap3A_438 {strides = array<i32>} : memref<128xi32, #tpu.memory_space<vmem>>, vector<16xi32>,
    %add3A_439 = arith.constant 64 : i32
    %add3A_440 = arith.addi %add3A_405, %add3A_439 : i32
    %add3A_441 = vector.broadcast %add3A_440 : i32 to vector<16xi32>
    %add3A_442 = arith.addi %iota3A_406, %add3A_441 : vector<16xi32>
    %swap3A_443 = arith.constant 64 : index
    %swap3A_444 = tpu.vector_load %arg14[%swap3A_443] {strides = array<i32>} : memref<128xi32, #tpu.memory_space<vmem>>, vector<16xi32>,
    %swap3A_445 = vector.shape_cast %swap3A_444 : vector<16xi32> to vector<16xi32>
    %swap3A_446 = vector.shape_cast %add3A_442 : vector<16xi32> to vector<16xi32>
    tpu.vector_store %arg14[%swap3A_443], %swap3A_446 {strides = array<i32>} : memref<128xi32, #tpu.memory_space<vmem>>, vector<16xi32>,
    %add3A_447 = arith.constant 80 : i32
    %add3A_448 = arith.addi %add3A_405, %add3A_447 : i32
    %add3A_449 = vector.broadcast %add3A_448 : i32 to vector<16xi32>
    %add3A_450 = arith.addi %iota3A_406, %add3A_449 : vector<16xi32>
    %swap3A_451 = arith.constant 80 : index
    %swap3A_452 = tpu.vector_load %arg14[%swap3A_451] {strides = array<i32>} : memref<128xi32, #tpu.memory_space<vmem>>, vector<16xi32>,
    %swap3A_453 = vector.shape_cast %swap3A_452 : vector<16xi32> to vector<16xi32>
    %swap3A_454 = vector.shape_cast %add3A_450 : vector<16xi32> to vector<16xi32>
    tpu.vector_store %arg14[%swap3A_451], %swap3A_454 {strides = array<i32>} : memref<128xi32, #tpu.memory_space<vmem>>, vector<16xi32>,
    %add3A_455 = arith.constant 96 : i32
    %add3A_456 = arith.addi %add3A_405, %add3A_455 : i32
    %add3A_457 = vector.broadcast %add3A_456 : i32 to vector<16xi32>
    %add3A_458 = arith.addi %iota3A_406, %add3A_457 : vector<16xi32>
    %swap3A_459 = arith.constant 96 : index
    %swap3A_460 = tpu.vector_load %arg14[%swap3A_459] {strides = array<i32>} : memref<128xi32, #tpu.memory_space<vmem>>, vector<16xi32>,
    %swap3A_461 = vector.shape_cast %swap3A_460 : vector<16xi32> to vector<16xi32>
    %swap3A_462 = vector.shape_cast %add3A_458 : vector<16xi32> to vector<16xi32>
    tpu.vector_store %arg14[%swap3A_459], %swap3A_462 {strides = array<i32>} : memref<128xi32, #tpu.memory_space<vmem>>, vector<16xi32>,
    %add3A_463 = arith.constant 112 : i32
    %add3A_464 = arith.addi %add3A_405, %add3A_463 : i32
    %add3A_465 = vector.broadcast %add3A_464 : i32 to vector<16xi32>
    %add3A_466 = arith.addi %iota3A_406, %add3A_465 : vector<16xi32>
    %swap3A_467 = arith.constant 112 : index
    %swap3A_468 = tpu.vector_load %arg14[%swap3A_467] {strides = array<i32>} : memref<128xi32, #tpu.memory_space<vmem>>, vector<16xi32>,
    %swap3A_469 = vector.shape_cast %swap3A_468 : vector<16xi32> to vector<16xi32>
    %swap3A_470 = vector.shape_cast %add3A_466 : vector<16xi32> to vector<16xi32>
    tpu.vector_store %arg14[%swap3A_467], %swap3A_470 {strides = array<i32>} : memref<128xi32, #tpu.memory_space<vmem>>, vector<16xi32>,
    %dma_start3A_471 = arith.constant 0 : i32
    %dma_start3A_472 = arith.constant 0 : i32
    %dma_start3A_473 = tpu.memref_slice %arg16[%dma_start3A_471, %dma_start3A_472] : memref<128x128xf32, #tpu.memory_space<vmem>> -> memref<128x128xf32, #tpu.memory_space<vmem>>
    %dma_start3A_474 = arith.constant 0 : i32
    %dma_start3A_475 = arith.constant 0 : i32
    %dma_start3A_476 = tpu.memref_slice %arg21[%dma_start3A_474, %dma_start3A_475] : memref<10000x128xf32, #tpu.memory_space<vmem_shared>> -> memref<10000x128xf32, #tpu.memory_space<vmem_shared>>
    tpu.enqueue_indirect_dma source(%dma_start3A_476 : memref<10000x128xf32, #tpu.memory_space<vmem_shared>>) target(%dma_start3A_473 : memref<128x128xf32, #tpu.memory_space<vmem>>) offsets(%arg14 : memref<128xi32, #tpu.memory_space<vmem>>) semaphore(%arg23 : memref<!tpu.dma_semaphore, #tpu.memory_space<semaphore_mem>>)
    %add3A_477 = arith.constant 128 : i32
    %add3A_478 = arith.addi %multiple_of3A, %add3A_477 : i32
    %iota3A_479 = tpu.iota {dimensions = array<i32: 0>} : vector<16xi32>
    %add3A_480 = arith.constant 0 : i32
    %add3A_481 = arith.addi %add3A_478, %add3A_480 : i32
    %add3A_482 = vector.broadcast %add3A_481 : i32 to vector<16xi32>
    %add3A_483 = arith.addi %iota3A_479, %add3A_482 : vector<16xi32>
    %swap3A_484 = arith.constant 0 : i32
    %swap3A_485 = tpu.memref_slice %arg10[%swap3A_484] : memref<512xi32, #tpu.memory_space<vmem>> -> memref<128xi32, #tpu.memory_space<vmem>>
    %swap3A_486 = arith.constant 0 : index
    %swap3A_487 = tpu.vector_load %swap3A_485[%swap3A_486] {strides = array<i32>} : memref<128xi32, #tpu.memory_space<vmem>>, vector<16xi32>,
    %swap3A_488 = vector.shape_cast %swap3A_487 : vector<16xi32> to vector<16xi32>
    %swap3A_489 = vector.shape_cast %add3A_483 : vector<16xi32> to vector<16xi32>
    tpu.vector_store %swap3A_485[%swap3A_486], %swap3A_489 {strides = array<i32>} : memref<128xi32, #tpu.memory_space<vmem>>, vector<16xi32>,
    %add3A_490 = arith.constant 16 : i32
    %add3A_491 = arith.addi %add3A_478, %add3A_490 : i32
    %add3A_492 = vector.broadcast %add3A_491 : i32 to vector<16xi32>
    %add3A_493 = arith.addi %iota3A_479, %add3A_492 : vector<16xi32>
    %swap3A_494 = arith.constant 0 : i32
    %swap3A_495 = tpu.memref_slice %arg10[%swap3A_494] : memref<512xi32, #tpu.memory_space<vmem>> -> memref<128xi32, #tpu.memory_space<vmem>>
    %swap3A_496 = arith.constant 16 : index
    %swap3A_497 = tpu.vector_load %swap3A_495[%swap3A_496] {strides = array<i32>} : memref<128xi32, #tpu.memory_space<vmem>>, vector<16xi32>,
    %swap3A_498 = vector.shape_cast %swap3A_497 : vector<16xi32> to vector<16xi32>
    %swap3A_499 = vector.shape_cast %add3A_493 : vector<16xi32> to vector<16xi32>
    tpu.vector_store %swap3A_495[%swap3A_496], %swap3A_499 {strides = array<i32>} : memref<128xi32, #tpu.memory_space<vmem>>, vector<16xi32>,
    %add3A_500 = arith.constant 32 : i32
    %add3A_501 = arith.addi %add3A_478, %add3A_500 : i32
    %add3A_502 = vector.broadcast %add3A_501 : i32 to vector<16xi32>
    %add3A_503 = arith.addi %iota3A_479, %add3A_502 : vector<16xi32>
    %swap3A_504 = arith.constant 0 : i32
    %swap3A_505 = tpu.memref_slice %arg10[%swap3A_504] : memref<512xi32, #tpu.memory_space<vmem>> -> memref<128xi32, #tpu.memory_space<vmem>>
    %swap3A_506 = arith.constant 32 : index
    %swap3A_507 = tpu.vector_load %swap3A_505[%swap3A_506] {strides = array<i32>} : memref<128xi32, #tpu.memory_space<vmem>>, vector<16xi32>,
    %swap3A_508 = vector.shape_cast %swap3A_507 : vector<16xi32> to vector<16xi32>
    %swap3A_509 = vector.shape_cast %add3A_503 : vector<16xi32> to vector<16xi32>
    tpu.vector_store %swap3A_505[%swap3A_506], %swap3A_509 {strides = array<i32>} : memref<128xi32, #tpu.memory_space<vmem>>, vector<16xi32>,
    %add3A_510 = arith.constant 48 : i32
    %add3A_511 = arith.addi %add3A_478, %add3A_510 : i32
    %add3A_512 = vector.broadcast %add3A_511 : i32 to vector<16xi32>
    %add3A_513 = arith.addi %iota3A_479, %add3A_512 : vector<16xi32>
    %swap3A_514 = arith.constant 0 : i32
    %swap3A_515 = tpu.memref_slice %arg10[%swap3A_514] : memref<512xi32, #tpu.memory_space<vmem>> -> memref<128xi32, #tpu.memory_space<vmem>>
    %swap3A_516 = arith.constant 48 : index
    %swap3A_517 = tpu.vector_load %swap3A_515[%swap3A_516] {strides = array<i32>} : memref<128xi32, #tpu.memory_space<vmem>>, vector<16xi32>,
    %swap3A_518 = vector.shape_cast %swap3A_517 : vector<16xi32> to vector<16xi32>
    %swap3A_519 = vector.shape_cast %add3A_513 : vector<16xi32> to vector<16xi32>
    tpu.vector_store %swap3A_515[%swap3A_516], %swap3A_519 {strides = array<i32>} : memref<128xi32, #tpu.memory_space<vmem>>, vector<16xi32>,
    %add3A_520 = arith.constant 64 : i32
    %add3A_521 = arith.addi %add3A_478, %add3A_520 : i32
    %add3A_522 = vector.broadcast %add3A_521 : i32 to vector<16xi32>
    %add3A_523 = arith.addi %iota3A_479, %add3A_522 : vector<16xi32>
    %swap3A_524 = arith.constant 0 : i32
    %swap3A_525 = tpu.memref_slice %arg10[%swap3A_524] : memref<512xi32, #tpu.memory_space<vmem>> -> memref<128xi32, #tpu.memory_space<vmem>>
    %swap3A_526 = arith.constant 64 : index
    %swap3A_527 = tpu.vector_load %swap3A_525[%swap3A_526] {strides = array<i32>} : memref<128xi32, #tpu.memory_space<vmem>>, vector<16xi32>,
    %swap3A_528 = vector.shape_cast %swap3A_527 : vector<16xi32> to vector<16xi32>
    %swap3A_529 = vector.shape_cast %add3A_523 : vector<16xi32> to vector<16xi32>
    tpu.vector_store %swap3A_525[%swap3A_526], %swap3A_529 {strides = array<i32>} : memref<128xi32, #tpu.memory_space<vmem>>, vector<16xi32>,
    %add3A_530 = arith.constant 80 : i32
    %add3A_531 = arith.addi %add3A_478, %add3A_530 : i32
    %add3A_532 = vector.broadcast %add3A_531 : i32 to vector<16xi32>
    %add3A_533 = arith.addi %iota3A_479, %add3A_532 : vector<16xi32>
    %swap3A_534 = arith.constant 0 : i32
    %swap3A_535 = tpu.memref_slice %arg10[%swap3A_534] : memref<512xi32, #tpu.memory_space<vmem>> -> memref<128xi32, #tpu.memory_space<vmem>>
    %swap3A_536 = arith.constant 80 : index
    %swap3A_537 = tpu.vector_load %swap3A_535[%swap3A_536] {strides = array<i32>} : memref<128xi32, #tpu.memory_space<vmem>>, vector<16xi32>,
    %swap3A_538 = vector.shape_cast %swap3A_537 : vector<16xi32> to vector<16xi32>
    %swap3A_539 = vector.shape_cast %add3A_533 : vector<16xi32> to vector<16xi32>
    tpu.vector_store %swap3A_535[%swap3A_536], %swap3A_539 {strides = array<i32>} : memref<128xi32, #tpu.memory_space<vmem>>, vector<16xi32>,
    %add3A_540 = arith.constant 96 : i32
    %add3A_541 = arith.addi %add3A_478, %add3A_540 : i32
    %add3A_542 = vector.broadcast %add3A_541 : i32 to vector<16xi32>
    %add3A_543 = arith.addi %iota3A_479, %add3A_542 : vector<16xi32>
    %swap3A_544 = arith.constant 0 : i32
    %swap3A_545 = tpu.memref_slice %arg10[%swap3A_544] : memref<512xi32, #tpu.memory_space<vmem>> -> memref<128xi32, #tpu.memory_space<vmem>>
    %swap3A_546 = arith.constant 96 : index
    %swap3A_547 = tpu.vector_load %swap3A_545[%swap3A_546] {strides = array<i32>} : memref<128xi32, #tpu.memory_space<vmem>>, vector<16xi32>,
    %swap3A_548 = vector.shape_cast %swap3A_547 : vector<16xi32> to vector<16xi32>
    %swap3A_549 = vector.shape_cast %add3A_543 : vector<16xi32> to vector<16xi32>
    tpu.vector_store %swap3A_545[%swap3A_546], %swap3A_549 {strides = array<i32>} : memref<128xi32, #tpu.memory_space<vmem>>, vector<16xi32>,
    %add3A_550 = arith.constant 112 : i32
    %add3A_551 = arith.addi %add3A_478, %add3A_550 : i32
    %add3A_552 = vector.broadcast %add3A_551 : i32 to vector<16xi32>
    %add3A_553 = arith.addi %iota3A_479, %add3A_552 : vector<16xi32>
    %swap3A_554 = arith.constant 0 : i32
    %swap3A_555 = tpu.memref_slice %arg10[%swap3A_554] : memref<512xi32, #tpu.memory_space<vmem>> -> memref<128xi32, #tpu.memory_space<vmem>>
    %swap3A_556 = arith.constant 112 : index
    %swap3A_557 = tpu.vector_load %swap3A_555[%swap3A_556] {strides = array<i32>} : memref<128xi32, #tpu.memory_space<vmem>>, vector<16xi32>,
    %swap3A_558 = vector.shape_cast %swap3A_557 : vector<16xi32> to vector<16xi32>
    %swap3A_559 = vector.shape_cast %add3A_553 : vector<16xi32> to vector<16xi32>
    tpu.vector_store %swap3A_555[%swap3A_556], %swap3A_559 {strides = array<i32>} : memref<128xi32, #tpu.memory_space<vmem>>, vector<16xi32>,
    %dma_start3A_560 = arith.constant 0 : i32
    %dma_start3A_561 = arith.constant 0 : i32
    %dma_start3A_562 = tpu.memref_slice %arg17[%dma_start3A_560, %dma_start3A_561] : memref<128x128xf32, #tpu.memory_space<vmem>> -> memref<128x128xf32, #tpu.memory_space<vmem>>
    %dma_start3A_563 = arith.constant 0 : i32
    %dma_start3A_564 = tpu.memref_slice %arg10[%dma_start3A_563] : memref<512xi32, #tpu.memory_space<vmem>> -> memref<128xi32, #tpu.memory_space<vmem>>
    %dma_start3A_565 = arith.constant 0 : i32
    %dma_start3A_566 = arith.constant 0 : i32
    %dma_start3A_567 = tpu.memref_slice %arg21[%dma_start3A_565, %dma_start3A_566] : memref<10000x128xf32, #tpu.memory_space<vmem_shared>> -> memref<10000x128xf32, #tpu.memory_space<vmem_shared>>
    tpu.enqueue_indirect_dma source(%dma_start3A_567 : memref<10000x128xf32, #tpu.memory_space<vmem_shared>>) target(%dma_start3A_562 : memref<128x128xf32, #tpu.memory_space<vmem>>) offsets(%dma_start3A_564 : memref<128xi32, #tpu.memory_space<vmem>>) semaphore(%arg24 : memref<!tpu.dma_semaphore, #tpu.memory_space<semaphore_mem>>)
    %dma_wait3A_568 = arith.constant 0 : i32
    %dma_wait3A_569 = arith.constant 0 : i32
    %dma_wait3A_570 = tpu.memref_slice %arg16[%dma_wait3A_568, %dma_wait3A_569] : memref<128x128xf32, #tpu.memory_space<vmem>> -> memref<128x128xf32, #tpu.memory_space<vmem>>
    %dma_wait3A_571 = arith.constant 0 : i32
    %dma_wait3A_572 = arith.constant 0 : i32
    %dma_wait3A_573 = tpu.memref_slice %arg21[%dma_wait3A_571, %dma_wait3A_572] : memref<10000x128xf32, #tpu.memory_space<vmem_shared>> -> memref<10000x128xf32, #tpu.memory_space<vmem_shared>>
    tpu.wait_indirect_dma semaphore(%arg23 : memref<!tpu.dma_semaphore, #tpu.memory_space<semaphore_mem>>) src(%dma_wait3A_573 : memref<10000x128xf32, #tpu.memory_space<vmem_shared>>) dst(%dma_wait3A_570 : memref<128x128xf32, #tpu.memory_space<vmem>>)
    %add3A_574 = arith.constant 0 : i32
    %add3A_575 = arith.addi %multiple_of3A, %add3A_574 : i32
    %dma_start3A_576 = arith.constant 0 : i32
    %dma_start3A_577 = arith.constant 0 : i32
    %dma_start3A_578 = tpu.memref_slice %arg16[%dma_start3A_576, %dma_start3A_577] : memref<128x128xf32, #tpu.memory_space<vmem>> -> memref<128x128xf32, #tpu.memory_space<vmem>>
    %dma_start3A_579 = arith.constant 0 : i32
    %dma_start3A_580 = tpu.memref_slice %arg8[%arg0, %add3A_575, %dma_start3A_579] : memref<2x10000x128xf32, #tpu.memory_space<hbm>> -> memref<1x128x128xf32, #tpu.memory_space<hbm>>
    %dma_start3A_581 = tpu.memref_squeeze %dma_start3A_580 : memref<1x128x128xf32, #tpu.memory_space<hbm>> -> memref<128x128xf32, #tpu.memory_space<hbm>>
    %dma_start3A_582 = arith.constant 0 : i32
    %dma_start3A_583 = tpu.memref_slice %arg8[%arg0, %add3A_575, %dma_start3A_582] : memref<2x10000x128xf32, #tpu.memory_space<hbm>> -> memref<1x128x128xf32, #tpu.memory_space<hbm>>
    %dma_start3A_584 = tpu.memref_squeeze %dma_start3A_583 : memref<1x128x128xf32, #tpu.memory_space<hbm>> -> memref<128x128xf32, #tpu.memory_space<hbm>>
    %dma_start3A_585 = arith.constant 0 : i32
    %dma_start3A_586 = arith.constant 0 : i32
    %dma_start3A_587 = tpu.memref_slice %arg16[%dma_start3A_585, %dma_start3A_586] : memref<128x128xf32, #tpu.memory_space<vmem>> -> memref<128x128xf32, #tpu.memory_space<vmem>>
    tpu.enqueue_dma source(%dma_start3A_587 : memref<128x128xf32, #tpu.memory_space<vmem>>) target(%dma_start3A_584 : memref<128x128xf32, #tpu.memory_space<hbm>>) target_semaphore(%arg25 : memref<!tpu.dma_semaphore, #tpu.memory_space<semaphore_mem>>)
    %dma_wait3A_588 = arith.constant 0 : i32
    %dma_wait3A_589 = arith.constant 0 : i32
    %dma_wait3A_590 = tpu.memref_slice %arg16[%dma_wait3A_588, %dma_wait3A_589] : memref<128x128xf32, #tpu.memory_space<vmem>> -> memref<128x128xf32, #tpu.memory_space<vmem>>
    %dma_wait3A_591 = arith.constant 0 : i32
    %dma_wait3A_592 = tpu.memref_slice %arg8[%arg0, %add3A_575, %dma_wait3A_591] : memref<2x10000x128xf32, #tpu.memory_space<hbm>> -> memref<1x128x128xf32, #tpu.memory_space<hbm>>
    %dma_wait3A_593 = tpu.memref_squeeze %dma_wait3A_592 : memref<1x128x128xf32, #tpu.memory_space<hbm>> -> memref<128x128xf32, #tpu.memory_space<hbm>>
    %dma_wait3A_594 = arith.constant 0 : i32
    %dma_wait3A_595 = tpu.memref_slice %arg8[%arg0, %add3A_575, %dma_wait3A_594] : memref<2x10000x128xf32, #tpu.memory_space<hbm>> -> memref<1x128x128xf32, #tpu.memory_space<hbm>>
    %dma_wait3A_596 = tpu.memref_squeeze %dma_wait3A_595 : memref<1x128x128xf32, #tpu.memory_space<hbm>> -> memref<128x128xf32, #tpu.memory_space<hbm>>
    %dma_wait3A_597 = arith.constant 0 : i32
    %dma_wait3A_598 = arith.constant 0 : i32
    %dma_wait3A_599 = tpu.memref_slice %arg16[%dma_wait3A_597, %dma_wait3A_598] : memref<128x128xf32, #tpu.memory_space<vmem>> -> memref<128x128xf32, #tpu.memory_space<vmem>>
    tpu.wait_dma2 semaphore(%arg25 : memref<!tpu.dma_semaphore, #tpu.memory_space<semaphore_mem>>) src(%dma_wait3A_599 : memref<128x128xf32, #tpu.memory_space<vmem>>) dst(%dma_wait3A_596 : memref<128x128xf32, #tpu.memory_space<hbm>>)
    %add3A_600 = arith.constant 256 : i32
    %add3A_601 = arith.addi %multiple_of3A, %add3A_600 : i32
    %iota3A_602 = tpu.iota {dimensions = array<i32: 0>} : vector<16xi32>
    %add3A_603 = arith.constant 0 : i32
    %add3A_604 = arith.addi %add3A_601, %add3A_603 : i32
    %add3A_605 = vector.broadcast %add3A_604 : i32 to vector<16xi32>
    %add3A_606 = arith.addi %iota3A_602, %add3A_605 : vector<16xi32>
    %swap3A_607 = arith.constant 0 : index
    %swap3A_608 = tpu.vector_load %arg14[%swap3A_607] {strides = array<i32>} : memref<128xi32, #tpu.memory_space<vmem>>, vector<16xi32>,
    %swap3A_609 = vector.shape_cast %swap3A_608 : vector<16xi32> to vector<16xi32>
    %swap3A_610 = vector.shape_cast %add3A_606 : vector<16xi32> to vector<16xi32>
    tpu.vector_store %arg14[%swap3A_607], %swap3A_610 {strides = array<i32>} : memref<128xi32, #tpu.memory_space<vmem>>, vector<16xi32>,
    %add3A_611 = arith.constant 16 : i32
    %add3A_612 = arith.addi %add3A_601, %add3A_611 : i32
    %add3A_613 = vector.broadcast %add3A_612 : i32 to vector<16xi32>
    %add3A_614 = arith.addi %iota3A_602, %add3A_613 : vector<16xi32>
    %swap3A_615 = arith.constant 16 : index
    %swap3A_616 = tpu.vector_load %arg14[%swap3A_615] {strides = array<i32>} : memref<128xi32, #tpu.memory_space<vmem>>, vector<16xi32>,
    %swap3A_617 = vector.shape_cast %swap3A_616 : vector<16xi32> to vector<16xi32>
    %swap3A_618 = vector.shape_cast %add3A_614 : vector<16xi32> to vector<16xi32>
    tpu.vector_store %arg14[%swap3A_615], %swap3A_618 {strides = array<i32>} : memref<128xi32, #tpu.memory_space<vmem>>, vector<16xi32>,
    %add3A_619 = arith.constant 32 : i32
    %add3A_620 = arith.addi %add3A_601, %add3A_619 : i32
    %add3A_621 = vector.broadcast %add3A_620 : i32 to vector<16xi32>
    %add3A_622 = arith.addi %iota3A_602, %add3A_621 : vector<16xi32>
    %swap3A_623 = arith.constant 32 : index
    %swap3A_624 = tpu.vector_load %arg14[%swap3A_623] {strides = array<i32>} : memref<128xi32, #tpu.memory_space<vmem>>, vector<16xi32>,
    %swap3A_625 = vector.shape_cast %swap3A_624 : vector<16xi32> to vector<16xi32>
    %swap3A_626 = vector.shape_cast %add3A_622 : vector<16xi32> to vector<16xi32>
    tpu.vector_store %arg14[%swap3A_623], %swap3A_626 {strides = array<i32>} : memref<128xi32, #tpu.memory_space<vmem>>, vector<16xi32>,
    %add3A_627 = arith.constant 48 : i32
    %add3A_628 = arith.addi %add3A_601, %add3A_627 : i32
    %add3A_629 = vector.broadcast %add3A_628 : i32 to vector<16xi32>
    %add3A_630 = arith.addi %iota3A_602, %add3A_629 : vector<16xi32>
    %swap3A_631 = arith.constant 48 : index
    %swap3A_632 = tpu.vector_load %arg14[%swap3A_631] {strides = array<i32>} : memref<128xi32, #tpu.memory_space<vmem>>, vector<16xi32>,
    %swap3A_633 = vector.shape_cast %swap3A_632 : vector<16xi32> to vector<16xi32>
    %swap3A_634 = vector.shape_cast %add3A_630 : vector<16xi32> to vector<16xi32>
    tpu.vector_store %arg14[%swap3A_631], %swap3A_634 {strides = array<i32>} : memref<128xi32, #tpu.memory_space<vmem>>, vector<16xi32>,
    %add3A_635 = arith.constant 64 : i32
    %add3A_636 = arith.addi %add3A_601, %add3A_635 : i32
    %add3A_637 = vector.broadcast %add3A_636 : i32 to vector<16xi32>
    %add3A_638 = arith.addi %iota3A_602, %add3A_637 : vector<16xi32>
    %swap3A_639 = arith.constant 64 : index
    %swap3A_640 = tpu.vector_load %arg14[%swap3A_639] {strides = array<i32>} : memref<128xi32, #tpu.memory_space<vmem>>, vector<16xi32>,
    %swap3A_641 = vector.shape_cast %swap3A_640 : vector<16xi32> to vector<16xi32>
    %swap3A_642 = vector.shape_cast %add3A_638 : vector<16xi32> to vector<16xi32>
    tpu.vector_store %arg14[%swap3A_639], %swap3A_642 {strides = array<i32>} : memref<128xi32, #tpu.memory_space<vmem>>, vector<16xi32>,
    %add3A_643 = arith.constant 80 : i32
    %add3A_644 = arith.addi %add3A_601, %add3A_643 : i32
    %add3A_645 = vector.broadcast %add3A_644 : i32 to vector<16xi32>
    %add3A_646 = arith.addi %iota3A_602, %add3A_645 : vector<16xi32>
    %swap3A_647 = arith.constant 80 : index
    %swap3A_648 = tpu.vector_load %arg14[%swap3A_647] {strides = array<i32>} : memref<128xi32, #tpu.memory_space<vmem>>, vector<16xi32>,
    %swap3A_649 = vector.shape_cast %swap3A_648 : vector<16xi32> to vector<16xi32>
    %swap3A_650 = vector.shape_cast %add3A_646 : vector<16xi32> to vector<16xi32>
    tpu.vector_store %arg14[%swap3A_647], %swap3A_650 {strides = array<i32>} : memref<128xi32, #tpu.memory_space<vmem>>, vector<16xi32>,
    %add3A_651 = arith.constant 96 : i32
    %add3A_652 = arith.addi %add3A_601, %add3A_651 : i32
    %add3A_653 = vector.broadcast %add3A_652 : i32 to vector<16xi32>
    %add3A_654 = arith.addi %iota3A_602, %add3A_653 : vector<16xi32>
    %swap3A_655 = arith.constant 96 : index
    %swap3A_656 = tpu.vector_load %arg14[%swap3A_655] {strides = array<i32>} : memref<128xi32, #tpu.memory_space<vmem>>, vector<16xi32>,
    %swap3A_657 = vector.shape_cast %swap3A_656 : vector<16xi32> to vector<16xi32>
    %swap3A_658 = vector.shape_cast %add3A_654 : vector<16xi32> to vector<16xi32>
    tpu.vector_store %arg14[%swap3A_655], %swap3A_658 {strides = array<i32>} : memref<128xi32, #tpu.memory_space<vmem>>, vector<16xi32>,
    %add3A_659 = arith.constant 112 : i32
    %add3A_660 = arith.addi %add3A_601, %add3A_659 : i32
    %add3A_661 = vector.broadcast %add3A_660 : i32 to vector<16xi32>
    %add3A_662 = arith.addi %iota3A_602, %add3A_661 : vector<16xi32>
    %swap3A_663 = arith.constant 112 : index
    %swap3A_664 = tpu.vector_load %arg14[%swap3A_663] {strides = array<i32>} : memref<128xi32, #tpu.memory_space<vmem>>, vector<16xi32>,
    %swap3A_665 = vector.shape_cast %swap3A_664 : vector<16xi32> to vector<16xi32>
    %swap3A_666 = vector.shape_cast %add3A_662 : vector<16xi32> to vector<16xi32>
    tpu.vector_store %arg14[%swap3A_663], %swap3A_666 {strides = array<i32>} : memref<128xi32, #tpu.memory_space<vmem>>, vector<16xi32>,
    %dma_start3A_667 = arith.constant 0 : i32
    %dma_start3A_668 = arith.constant 0 : i32
    %dma_start3A_669 = tpu.memref_slice %arg16[%dma_start3A_667, %dma_start3A_668] : memref<128x128xf32, #tpu.memory_space<vmem>> -> memref<128x128xf32, #tpu.memory_space<vmem>>
    %dma_start3A_670 = arith.constant 0 : i32
    %dma_start3A_671 = arith.constant 0 : i32
    %dma_start3A_672 = tpu.memref_slice %arg21[%dma_start3A_670, %dma_start3A_671] : memref<10000x128xf32, #tpu.memory_space<vmem_shared>> -> memref<10000x128xf32, #tpu.memory_space<vmem_shared>>
    tpu.enqueue_indirect_dma source(%dma_start3A_672 : memref<10000x128xf32, #tpu.memory_space<vmem_shared>>) target(%dma_start3A_669 : memref<128x128xf32, #tpu.memory_space<vmem>>) offsets(%arg14 : memref<128xi32, #tpu.memory_space<vmem>>) semaphore(%arg23 : memref<!tpu.dma_semaphore, #tpu.memory_space<semaphore_mem>>)
    %dma_wait3A_673 = arith.constant 0 : i32
    %dma_wait3A_674 = arith.constant 0 : i32
    %dma_wait3A_675 = tpu.memref_slice %arg17[%dma_wait3A_673, %dma_wait3A_674] : memref<128x128xf32, #tpu.memory_space<vmem>> -> memref<128x128xf32, #tpu.memory_space<vmem>>
    %dma_wait3A_676 = arith.constant 0 : i32
    %dma_wait3A_677 = tpu.memref_slice %arg10[%dma_wait3A_676] : memref<512xi32, #tpu.memory_space<vmem>> -> memref<128xi32, #tpu.memory_space<vmem>>
    %dma_wait3A_678 = arith.constant 0 : i32
    %dma_wait3A_679 = arith.constant 0 : i32
    %dma_wait3A_680 = tpu.memref_slice %arg21[%dma_wait3A_678, %dma_wait3A_679] : memref<10000x128xf32, #tpu.memory_space<vmem_shared>> -> memref<10000x128xf32, #tpu.memory_space<vmem_shared>>
    tpu.wait_indirect_dma semaphore(%arg24 : memref<!tpu.dma_semaphore, #tpu.memory_space<semaphore_mem>>) src(%dma_wait3A_680 : memref<10000x128xf32, #tpu.memory_space<vmem_shared>>) dst(%dma_wait3A_675 : memref<128x128xf32, #tpu.memory_space<vmem>>)
    %add3A_681 = arith.constant 128 : i32
    %add3A_682 = arith.addi %multiple_of3A, %add3A_681 : i32
    %dma_start3A_683 = arith.constant 0 : i32
    %dma_start3A_684 = arith.constant 0 : i32
    %dma_start3A_685 = tpu.memref_slice %arg17[%dma_start3A_683, %dma_start3A_684] : memref<128x128xf32, #tpu.memory_space<vmem>> -> memref<128x128xf32, #tpu.memory_space<vmem>>
    %dma_start3A_686 = arith.constant 0 : i32
    %dma_start3A_687 = tpu.memref_slice %arg8[%arg0, %add3A_682, %dma_start3A_686] : memref<2x10000x128xf32, #tpu.memory_space<hbm>> -> memref<1x128x128xf32, #tpu.memory_space<hbm>>
    %dma_start3A_688 = tpu.memref_squeeze %dma_start3A_687 : memref<1x128x128xf32, #tpu.memory_space<hbm>> -> memref<128x128xf32, #tpu.memory_space<hbm>>
    %dma_start3A_689 = arith.constant 0 : i32
    %dma_start3A_690 = tpu.memref_slice %arg8[%arg0, %add3A_682, %dma_start3A_689] : memref<2x10000x128xf32, #tpu.memory_space<hbm>> -> memref<1x128x128xf32, #tpu.memory_space<hbm>>
    %dma_start3A_691 = tpu.memref_squeeze %dma_start3A_690 : memref<1x128x128xf32, #tpu.memory_space<hbm>> -> memref<128x128xf32, #tpu.memory_space<hbm>>
    %dma_start3A_692 = arith.constant 0 : i32
    %dma_start3A_693 = arith.constant 0 : i32
    %dma_start3A_694 = tpu.memref_slice %arg17[%dma_start3A_692, %dma_start3A_693] : memref<128x128xf32, #tpu.memory_space<vmem>> -> memref<128x128xf32, #tpu.memory_space<vmem>>
    tpu.enqueue_dma source(%dma_start3A_694 : memref<128x128xf32, #tpu.memory_space<vmem>>) target(%dma_start3A_691 : memref<128x128xf32, #tpu.memory_space<hbm>>) target_semaphore(%arg26 : memref<!tpu.dma_semaphore, #tpu.memory_space<semaphore_mem>>)
    %dma_wait3A_695 = arith.constant 0 : i32
    %dma_wait3A_696 = arith.constant 0 : i32
    %dma_wait3A_697 = tpu.memref_slice %arg17[%dma_wait3A_695, %dma_wait3A_696] : memref<128x128xf32, #tpu.memory_space<vmem>> -> memref<128x128xf32, #tpu.memory_space<vmem>>
    %dma_wait3A_698 = arith.constant 0 : i32
    %dma_wait3A_699 = tpu.memref_slice %arg8[%arg0, %add3A_682, %dma_wait3A_698] : memref<2x10000x128xf32, #tpu.memory_space<hbm>> -> memref<1x128x128xf32, #tpu.memory_space<hbm>>
    %dma_wait3A_700 = tpu.memref_squeeze %dma_wait3A_699 : memref<1x128x128xf32, #tpu.memory_space<hbm>> -> memref<128x128xf32, #tpu.memory_space<hbm>>
    %dma_wait3A_701 = arith.constant 0 : i32
    %dma_wait3A_702 = tpu.memref_slice %arg8[%arg0, %add3A_682, %dma_wait3A_701] : memref<2x10000x128xf32, #tpu.memory_space<hbm>> -> memref<1x128x128xf32, #tpu.memory_space<hbm>>
    %dma_wait3A_703 = tpu.memref_squeeze %dma_wait3A_702 : memref<1x128x128xf32, #tpu.memory_space<hbm>> -> memref<128x128xf32, #tpu.memory_space<hbm>>
    %dma_wait3A_704 = arith.constant 0 : i32
    %dma_wait3A_705 = arith.constant 0 : i32
    %dma_wait3A_706 = tpu.memref_slice %arg17[%dma_wait3A_704, %dma_wait3A_705] : memref<128x128xf32, #tpu.memory_space<vmem>> -> memref<128x128xf32, #tpu.memory_space<vmem>>
    tpu.wait_dma2 semaphore(%arg26 : memref<!tpu.dma_semaphore, #tpu.memory_space<semaphore_mem>>) src(%dma_wait3A_706 : memref<128x128xf32, #tpu.memory_space<vmem>>) dst(%dma_wait3A_703 : memref<128x128xf32, #tpu.memory_space<hbm>>)
    %add3A_707 = arith.constant 384 : i32
    %add3A_708 = arith.addi %multiple_of3A, %add3A_707 : i32
    %iota3A_709 = tpu.iota {dimensions = array<i32: 0>} : vector<16xi32>
    %add3A_710 = arith.constant 0 : i32
    %add3A_711 = arith.addi %add3A_708, %add3A_710 : i32
    %add3A_712 = vector.broadcast %add3A_711 : i32 to vector<16xi32>
    %add3A_713 = arith.addi %iota3A_709, %add3A_712 : vector<16xi32>
    %swap3A_714 = arith.constant 0 : i32
    %swap3A_715 = tpu.memref_slice %arg10[%swap3A_714] : memref<512xi32, #tpu.memory_space<vmem>> -> memref<128xi32, #tpu.memory_space<vmem>>
    %swap3A_716 = arith.constant 0 : index
    %swap3A_717 = tpu.vector_load %swap3A_715[%swap3A_716] {strides = array<i32>} : memref<128xi32, #tpu.memory_space<vmem>>, vector<16xi32>,
    %swap3A_718 = vector.shape_cast %swap3A_717 : vector<16xi32> to vector<16xi32>
    %swap3A_719 = vector.shape_cast %add3A_713 : vector<16xi32> to vector<16xi32>
    tpu.vector_store %swap3A_715[%swap3A_716], %swap3A_719 {strides = array<i32>} : memref<128xi32, #tpu.memory_space<vmem>>, vector<16xi32>,
    %add3A_720 = arith.constant 16 : i32
    %add3A_721 = arith.addi %add3A_708, %add3A_720 : i32
    %add3A_722 = vector.broadcast %add3A_721 : i32 to vector<16xi32>
    %add3A_723 = arith.addi %iota3A_709, %add3A_722 : vector<16xi32>
    %swap3A_724 = arith.constant 0 : i32
    %swap3A_725 = tpu.memref_slice %arg10[%swap3A_724] : memref<512xi32, #tpu.memory_space<vmem>> -> memref<128xi32, #tpu.memory_space<vmem>>
    %swap3A_726 = arith.constant 16 : index
    %swap3A_727 = tpu.vector_load %swap3A_725[%swap3A_726] {strides = array<i32>} : memref<128xi32, #tpu.memory_space<vmem>>, vector<16xi32>,
    %swap3A_728 = vector.shape_cast %swap3A_727 : vector<16xi32> to vector<16xi32>
    %swap3A_729 = vector.shape_cast %add3A_723 : vector<16xi32> to vector<16xi32>
    tpu.vector_store %swap3A_725[%swap3A_726], %swap3A_729 {strides = array<i32>} : memref<128xi32, #tpu.memory_space<vmem>>, vector<16xi32>,
    %add3A_730 = arith.constant 32 : i32
    %add3A_731 = arith.addi %add3A_708, %add3A_730 : i32
    %add3A_732 = vector.broadcast %add3A_731 : i32 to vector<16xi32>
    %add3A_733 = arith.addi %iota3A_709, %add3A_732 : vector<16xi32>
    %swap3A_734 = arith.constant 0 : i32
    %swap3A_735 = tpu.memref_slice %arg10[%swap3A_734] : memref<512xi32, #tpu.memory_space<vmem>> -> memref<128xi32, #tpu.memory_space<vmem>>
    %swap3A_736 = arith.constant 32 : index
    %swap3A_737 = tpu.vector_load %swap3A_735[%swap3A_736] {strides = array<i32>} : memref<128xi32, #tpu.memory_space<vmem>>, vector<16xi32>,
    %swap3A_738 = vector.shape_cast %swap3A_737 : vector<16xi32> to vector<16xi32>
    %swap3A_739 = vector.shape_cast %add3A_733 : vector<16xi32> to vector<16xi32>
    tpu.vector_store %swap3A_735[%swap3A_736], %swap3A_739 {strides = array<i32>} : memref<128xi32, #tpu.memory_space<vmem>>, vector<16xi32>,
    %add3A_740 = arith.constant 48 : i32
    %add3A_741 = arith.addi %add3A_708, %add3A_740 : i32
    %add3A_742 = vector.broadcast %add3A_741 : i32 to vector<16xi32>
    %add3A_743 = arith.addi %iota3A_709, %add3A_742 : vector<16xi32>
    %swap3A_744 = arith.constant 0 : i32
    %swap3A_745 = tpu.memref_slice %arg10[%swap3A_744] : memref<512xi32, #tpu.memory_space<vmem>> -> memref<128xi32, #tpu.memory_space<vmem>>
    %swap3A_746 = arith.constant 48 : index
    %swap3A_747 = tpu.vector_load %swap3A_745[%swap3A_746] {strides = array<i32>} : memref<128xi32, #tpu.memory_space<vmem>>, vector<16xi32>,
    %swap3A_748 = vector.shape_cast %swap3A_747 : vector<16xi32> to vector<16xi32>
    %swap3A_749 = vector.shape_cast %add3A_743 : vector<16xi32> to vector<16xi32>
    tpu.vector_store %swap3A_745[%swap3A_746], %swap3A_749 {strides = array<i32>} : memref<128xi32, #tpu.memory_space<vmem>>, vector<16xi32>,
    %add3A_750 = arith.constant 64 : i32
    %add3A_751 = arith.addi %add3A_708, %add3A_750 : i32
    %add3A_752 = vector.broadcast %add3A_751 : i32 to vector<16xi32>
    %add3A_753 = arith.addi %iota3A_709, %add3A_752 : vector<16xi32>
    %swap3A_754 = arith.constant 0 : i32
    %swap3A_755 = tpu.memref_slice %arg10[%swap3A_754] : memref<512xi32, #tpu.memory_space<vmem>> -> memref<128xi32, #tpu.memory_space<vmem>>
    %swap3A_756 = arith.constant 64 : index
    %swap3A_757 = tpu.vector_load %swap3A_755[%swap3A_756] {strides = array<i32>} : memref<128xi32, #tpu.memory_space<vmem>>, vector<16xi32>,
    %swap3A_758 = vector.shape_cast %swap3A_757 : vector<16xi32> to vector<16xi32>
    %swap3A_759 = vector.shape_cast %add3A_753 : vector<16xi32> to vector<16xi32>
    tpu.vector_store %swap3A_755[%swap3A_756], %swap3A_759 {strides = array<i32>} : memref<128xi32, #tpu.memory_space<vmem>>, vector<16xi32>,
    %add3A_760 = arith.constant 80 : i32
    %add3A_761 = arith.addi %add3A_708, %add3A_760 : i32
    %add3A_762 = vector.broadcast %add3A_761 : i32 to vector<16xi32>
    %add3A_763 = arith.addi %iota3A_709, %add3A_762 : vector<16xi32>
    %swap3A_764 = arith.constant 0 : i32
    %swap3A_765 = tpu.memref_slice %arg10[%swap3A_764] : memref<512xi32, #tpu.memory_space<vmem>> -> memref<128xi32, #tpu.memory_space<vmem>>
    %swap3A_766 = arith.constant 80 : index
    %swap3A_767 = tpu.vector_load %swap3A_765[%swap3A_766] {strides = array<i32>} : memref<128xi32, #tpu.memory_space<vmem>>, vector<16xi32>,
    %swap3A_768 = vector.shape_cast %swap3A_767 : vector<16xi32> to vector<16xi32>
    %swap3A_769 = vector.shape_cast %add3A_763 : vector<16xi32> to vector<16xi32>
    tpu.vector_store %swap3A_765[%swap3A_766], %swap3A_769 {strides = array<i32>} : memref<128xi32, #tpu.memory_space<vmem>>, vector<16xi32>,
    %add3A_770 = arith.constant 96 : i32
    %add3A_771 = arith.addi %add3A_708, %add3A_770 : i32
    %add3A_772 = vector.broadcast %add3A_771 : i32 to vector<16xi32>
    %add3A_773 = arith.addi %iota3A_709, %add3A_772 : vector<16xi32>
    %swap3A_774 = arith.constant 0 : i32
    %swap3A_775 = tpu.memref_slice %arg10[%swap3A_774] : memref<512xi32, #tpu.memory_space<vmem>> -> memref<128xi32, #tpu.memory_space<vmem>>
    %swap3A_776 = arith.constant 96 : index
    %swap3A_777 = tpu.vector_load %swap3A_775[%swap3A_776] {strides = array<i32>} : memref<128xi32, #tpu.memory_space<vmem>>, vector<16xi32>,
    %swap3A_778 = vector.shape_cast %swap3A_777 : vector<16xi32> to vector<16xi32>
    %swap3A_779 = vector.shape_cast %add3A_773 : vector<16xi32> to vector<16xi32>
    tpu.vector_store %swap3A_775[%swap3A_776], %swap3A_779 {strides = array<i32>} : memref<128xi32, #tpu.memory_space<vmem>>, vector<16xi32>,
    %add3A_780 = arith.constant 112 : i32
    %add3A_781 = arith.addi %add3A_708, %add3A_780 : i32
    %add3A_782 = vector.broadcast %add3A_781 : i32 to vector<16xi32>
    %add3A_783 = arith.addi %iota3A_709, %add3A_782 : vector<16xi32>
    %swap3A_784 = arith.constant 0 : i32
    %swap3A_785 = tpu.memref_slice %arg10[%swap3A_784] : memref<512xi32, #tpu.memory_space<vmem>> -> memref<128xi32, #tpu.memory_space<vmem>>
    %swap3A_786 = arith.constant 112 : index
    %swap3A_787 = tpu.vector_load %swap3A_785[%swap3A_786] {strides = array<i32>} : memref<128xi32, #tpu.memory_space<vmem>>, vector<16xi32>,
    %swap3A_788 = vector.shape_cast %swap3A_787 : vector<16xi32> to vector<16xi32>
    %swap3A_789 = vector.shape_cast %add3A_783 : vector<16xi32> to vector<16xi32>
    tpu.vector_store %swap3A_785[%swap3A_786], %swap3A_789 {strides = array<i32>} : memref<128xi32, #tpu.memory_space<vmem>>, vector<16xi32>,
    %dma_start3A_790 = arith.constant 0 : i32
    %dma_start3A_791 = arith.constant 0 : i32
    %dma_start3A_792 = tpu.memref_slice %arg17[%dma_start3A_790, %dma_start3A_791] : memref<128x128xf32, #tpu.memory_space<vmem>> -> memref<128x128xf32, #tpu.memory_space<vmem>>
    %dma_start3A_793 = arith.constant 0 : i32
    %dma_start3A_794 = tpu.memref_slice %arg10[%dma_start3A_793] : memref<512xi32, #tpu.memory_space<vmem>> -> memref<128xi32, #tpu.memory_space<vmem>>
    %dma_start3A_795 = arith.constant 0 : i32
    %dma_start3A_796 = arith.constant 0 : i32
    %dma_start3A_797 = tpu.memref_slice %arg21[%dma_start3A_795, %dma_start3A_796] : memref<10000x128xf32, #tpu.memory_space<vmem_shared>> -> memref<10000x128xf32, #tpu.memory_space<vmem_shared>>
    tpu.enqueue_indirect_dma source(%dma_start3A_797 : memref<10000x128xf32, #tpu.memory_space<vmem_shared>>) target(%dma_start3A_792 : memref<128x128xf32, #tpu.memory_space<vmem>>) offsets(%dma_start3A_794 : memref<128xi32, #tpu.memory_space<vmem>>) semaphore(%arg24 : memref<!tpu.dma_semaphore, #tpu.memory_space<semaphore_mem>>)
    %dma_wait3A_798 = arith.constant 0 : i32
    %dma_wait3A_799 = arith.constant 0 : i32
    %dma_wait3A_800 = tpu.memref_slice %arg16[%dma_wait3A_798, %dma_wait3A_799] : memref<128x128xf32, #tpu.memory_space<vmem>> -> memref<128x128xf32, #tpu.memory_space<vmem>>
    %dma_wait3A_801 = arith.constant 0 : i32
    %dma_wait3A_802 = arith.constant 0 : i32
    %dma_wait3A_803 = tpu.memref_slice %arg21[%dma_wait3A_801, %dma_wait3A_802] : memref<10000x128xf32, #tpu.memory_space<vmem_shared>> -> memref<10000x128xf32, #tpu.memory_space<vmem_shared>>
    tpu.wait_indirect_dma semaphore(%arg23 : memref<!tpu.dma_semaphore, #tpu.memory_space<semaphore_mem>>) src(%dma_wait3A_803 : memref<10000x128xf32, #tpu.memory_space<vmem_shared>>) dst(%dma_wait3A_800 : memref<128x128xf32, #tpu.memory_space<vmem>>)
    %add3A_804 = arith.constant 256 : i32
    %add3A_805 = arith.addi %multiple_of3A, %add3A_804 : i32
    %dma_start3A_806 = arith.constant 0 : i32
    %dma_start3A_807 = arith.constant 0 : i32
    %dma_start3A_808 = tpu.memref_slice %arg16[%dma_start3A_806, %dma_start3A_807] : memref<128x128xf32, #tpu.memory_space<vmem>> -> memref<128x128xf32, #tpu.memory_space<vmem>>
    %dma_start3A_809 = arith.constant 0 : i32
    %dma_start3A_810 = tpu.memref_slice %arg8[%arg0, %add3A_805, %dma_start3A_809] : memref<2x10000x128xf32, #tpu.memory_space<hbm>> -> memref<1x128x128xf32, #tpu.memory_space<hbm>>
    %dma_start3A_811 = tpu.memref_squeeze %dma_start3A_810 : memref<1x128x128xf32, #tpu.memory_space<hbm>> -> memref<128x128xf32, #tpu.memory_space<hbm>>
    %dma_start3A_812 = arith.constant 0 : i32
    %dma_start3A_813 = tpu.memref_slice %arg8[%arg0, %add3A_805, %dma_start3A_812] : memref<2x10000x128xf32, #tpu.memory_space<hbm>> -> memref<1x128x128xf32, #tpu.memory_space<hbm>>
    %dma_start3A_814 = tpu.memref_squeeze %dma_start3A_813 : memref<1x128x128xf32, #tpu.memory_space<hbm>> -> memref<128x128xf32, #tpu.memory_space<hbm>>
    %dma_start3A_815 = arith.constant 0 : i32
    %dma_start3A_816 = arith.constant 0 : i32
    %dma_start3A_817 = tpu.memref_slice %arg16[%dma_start3A_815, %dma_start3A_816] : memref<128x128xf32, #tpu.memory_space<vmem>> -> memref<128x128xf32, #tpu.memory_space<vmem>>
    tpu.enqueue_dma source(%dma_start3A_817 : memref<128x128xf32, #tpu.memory_space<vmem>>) target(%dma_start3A_814 : memref<128x128xf32, #tpu.memory_space<hbm>>) target_semaphore(%arg25 : memref<!tpu.dma_semaphore, #tpu.memory_space<semaphore_mem>>)
    %dma_wait3A_818 = arith.constant 0 : i32
    %dma_wait3A_819 = arith.constant 0 : i32
    %dma_wait3A_820 = tpu.memref_slice %arg16[%dma_wait3A_818, %dma_wait3A_819] : memref<128x128xf32, #tpu.memory_space<vmem>> -> memref<128x128xf32, #tpu.memory_space<vmem>>
    %dma_wait3A_821 = arith.constant 0 : i32
    %dma_wait3A_822 = tpu.memref_slice %arg8[%arg0, %add3A_805, %dma_wait3A_821] : memref<2x10000x128xf32, #tpu.memory_space<hbm>> -> memref<1x128x128xf32, #tpu.memory_space<hbm>>
    %dma_wait3A_823 = tpu.memref_squeeze %dma_wait3A_822 : memref<1x128x128xf32, #tpu.memory_space<hbm>> -> memref<128x128xf32, #tpu.memory_space<hbm>>
    %dma_wait3A_824 = arith.constant 0 : i32
    %dma_wait3A_825 = tpu.memref_slice %arg8[%arg0, %add3A_805, %dma_wait3A_824] : memref<2x10000x128xf32, #tpu.memory_space<hbm>> -> memref<1x128x128xf32, #tpu.memory_space<hbm>>
    %dma_wait3A_826 = tpu.memref_squeeze %dma_wait3A_825 : memref<1x128x128xf32, #tpu.memory_space<hbm>> -> memref<128x128xf32, #tpu.memory_space<hbm>>
    %dma_wait3A_827 = arith.constant 0 : i32
    %dma_wait3A_828 = arith.constant 0 : i32
    %dma_wait3A_829 = tpu.memref_slice %arg16[%dma_wait3A_827, %dma_wait3A_828] : memref<128x128xf32, #tpu.memory_space<vmem>> -> memref<128x128xf32, #tpu.memory_space<vmem>>
    tpu.wait_dma2 semaphore(%arg25 : memref<!tpu.dma_semaphore, #tpu.memory_space<semaphore_mem>>) src(%dma_wait3A_829 : memref<128x128xf32, #tpu.memory_space<vmem>>) dst(%dma_wait3A_826 : memref<128x128xf32, #tpu.memory_space<hbm>>)
    %add3A_830 = arith.constant 512 : i32
    %add3A_831 = arith.addi %multiple_of3A, %add3A_830 : i32
    %iota3A_832 = tpu.iota {dimensions = array<i32: 0>} : vector<16xi32>
    %add3A_833 = arith.constant 0 : i32
    %add3A_834 = arith.addi %add3A_831, %add3A_833 : i32
    %add3A_835 = vector.broadcast %add3A_834 : i32 to vector<16xi32>
    %add3A_836 = arith.addi %iota3A_832, %add3A_835 : vector<16xi32>
    %swap3A_837 = arith.constant 0 : index
    %swap3A_838 = tpu.vector_load %arg15[%swap3A_837] {strides = array<i32>} : memref<112xi32, #tpu.memory_space<vmem>>, vector<16xi32>,
    %swap3A_839 = vector.shape_cast %swap3A_838 : vector<16xi32> to vector<16xi32>
    %swap3A_840 = vector.shape_cast %add3A_836 : vector<16xi32> to vector<16xi32>
    tpu.vector_store %arg15[%swap3A_837], %swap3A_840 {strides = array<i32>} : memref<112xi32, #tpu.memory_space<vmem>>, vector<16xi32>,
    %add3A_841 = arith.constant 16 : i32
    %add3A_842 = arith.addi %add3A_831, %add3A_841 : i32
    %add3A_843 = vector.broadcast %add3A_842 : i32 to vector<16xi32>
    %add3A_844 = arith.addi %iota3A_832, %add3A_843 : vector<16xi32>
    %swap3A_845 = arith.constant 16 : index
    %swap3A_846 = tpu.vector_load %arg15[%swap3A_845] {strides = array<i32>} : memref<112xi32, #tpu.memory_space<vmem>>, vector<16xi32>,
    %swap3A_847 = vector.shape_cast %swap3A_846 : vector<16xi32> to vector<16xi32>
    %swap3A_848 = vector.shape_cast %add3A_844 : vector<16xi32> to vector<16xi32>
    tpu.vector_store %arg15[%swap3A_845], %swap3A_848 {strides = array<i32>} : memref<112xi32, #tpu.memory_space<vmem>>, vector<16xi32>,
    %add3A_849 = arith.constant 32 : i32
    %add3A_850 = arith.addi %add3A_831, %add3A_849 : i32
    %add3A_851 = vector.broadcast %add3A_850 : i32 to vector<16xi32>
    %add3A_852 = arith.addi %iota3A_832, %add3A_851 : vector<16xi32>
    %swap3A_853 = arith.constant 32 : index
    %swap3A_854 = tpu.vector_load %arg15[%swap3A_853] {strides = array<i32>} : memref<112xi32, #tpu.memory_space<vmem>>, vector<16xi32>,
    %swap3A_855 = vector.shape_cast %swap3A_854 : vector<16xi32> to vector<16xi32>
    %swap3A_856 = vector.shape_cast %add3A_852 : vector<16xi32> to vector<16xi32>
    tpu.vector_store %arg15[%swap3A_853], %swap3A_856 {strides = array<i32>} : memref<112xi32, #tpu.memory_space<vmem>>, vector<16xi32>,
    %add3A_857 = arith.constant 48 : i32
    %add3A_858 = arith.addi %add3A_831, %add3A_857 : i32
    %add3A_859 = vector.broadcast %add3A_858 : i32 to vector<16xi32>
    %add3A_860 = arith.addi %iota3A_832, %add3A_859 : vector<16xi32>
    %swap3A_861 = arith.constant 48 : index
    %swap3A_862 = tpu.vector_load %arg15[%swap3A_861] {strides = array<i32>} : memref<112xi32, #tpu.memory_space<vmem>>, vector<16xi32>,
    %swap3A_863 = vector.shape_cast %swap3A_862 : vector<16xi32> to vector<16xi32>
    %swap3A_864 = vector.shape_cast %add3A_860 : vector<16xi32> to vector<16xi32>
    tpu.vector_store %arg15[%swap3A_861], %swap3A_864 {strides = array<i32>} : memref<112xi32, #tpu.memory_space<vmem>>, vector<16xi32>,
    %add3A_865 = arith.constant 64 : i32
    %add3A_866 = arith.addi %add3A_831, %add3A_865 : i32
    %add3A_867 = vector.broadcast %add3A_866 : i32 to vector<16xi32>
    %add3A_868 = arith.addi %iota3A_832, %add3A_867 : vector<16xi32>
    %swap3A_869 = arith.constant 64 : index
    %swap3A_870 = tpu.vector_load %arg15[%swap3A_869] {strides = array<i32>} : memref<112xi32, #tpu.memory_space<vmem>>, vector<16xi32>,
    %swap3A_871 = vector.shape_cast %swap3A_870 : vector<16xi32> to vector<16xi32>
    %swap3A_872 = vector.shape_cast %add3A_868 : vector<16xi32> to vector<16xi32>
    tpu.vector_store %arg15[%swap3A_869], %swap3A_872 {strides = array<i32>} : memref<112xi32, #tpu.memory_space<vmem>>, vector<16xi32>,
    %add3A_873 = arith.constant 80 : i32
    %add3A_874 = arith.addi %add3A_831, %add3A_873 : i32
    %add3A_875 = vector.broadcast %add3A_874 : i32 to vector<16xi32>
    %add3A_876 = arith.addi %iota3A_832, %add3A_875 : vector<16xi32>
    %swap3A_877 = arith.constant 80 : index
    %swap3A_878 = tpu.vector_load %arg15[%swap3A_877] {strides = array<i32>} : memref<112xi32, #tpu.memory_space<vmem>>, vector<16xi32>,
    %swap3A_879 = vector.shape_cast %swap3A_878 : vector<16xi32> to vector<16xi32>
    %swap3A_880 = vector.shape_cast %add3A_876 : vector<16xi32> to vector<16xi32>
    tpu.vector_store %arg15[%swap3A_877], %swap3A_880 {strides = array<i32>} : memref<112xi32, #tpu.memory_space<vmem>>, vector<16xi32>,
    %add3A_881 = arith.constant 96 : i32
    %add3A_882 = arith.addi %add3A_831, %add3A_881 : i32
    %add3A_883 = vector.broadcast %add3A_882 : i32 to vector<16xi32>
    %add3A_884 = arith.addi %iota3A_832, %add3A_883 : vector<16xi32>
    %swap3A_885 = arith.constant 96 : index
    %swap3A_886 = tpu.vector_load %arg15[%swap3A_885] {strides = array<i32>} : memref<112xi32, #tpu.memory_space<vmem>>, vector<16xi32>,
    %swap3A_887 = vector.shape_cast %swap3A_886 : vector<16xi32> to vector<16xi32>
    %swap3A_888 = vector.shape_cast %add3A_884 : vector<16xi32> to vector<16xi32>
    tpu.vector_store %arg15[%swap3A_885], %swap3A_888 {strides = array<i32>} : memref<112xi32, #tpu.memory_space<vmem>>, vector<16xi32>,
    %dma_start3A_889 = arith.constant 0 : i32
    %dma_start3A_890 = arith.constant 0 : i32
    %dma_start3A_891 = tpu.memref_slice %arg16[%dma_start3A_889, %dma_start3A_890] : memref<128x128xf32, #tpu.memory_space<vmem>> -> memref<112x128xf32, #tpu.memory_space<vmem>>
    %dma_start3A_892 = arith.constant 0 : i32
    %dma_start3A_893 = arith.constant 0 : i32
    %dma_start3A_894 = tpu.memref_slice %arg21[%dma_start3A_892, %dma_start3A_893] : memref<10000x128xf32, #tpu.memory_space<vmem_shared>> -> memref<10000x128xf32, #tpu.memory_space<vmem_shared>>
    tpu.enqueue_indirect_dma source(%dma_start3A_894 : memref<10000x128xf32, #tpu.memory_space<vmem_shared>>) target(%dma_start3A_891 : memref<112x128xf32, #tpu.memory_space<vmem>>) offsets(%arg15 : memref<112xi32, #tpu.memory_space<vmem>>) semaphore(%arg23 : memref<!tpu.dma_semaphore, #tpu.memory_space<semaphore_mem>>)
    %dma_wait3A_895 = arith.constant 0 : i32
    %dma_wait3A_896 = arith.constant 0 : i32
    %dma_wait3A_897 = tpu.memref_slice %arg17[%dma_wait3A_895, %dma_wait3A_896] : memref<128x128xf32, #tpu.memory_space<vmem>> -> memref<128x128xf32, #tpu.memory_space<vmem>>
    %dma_wait3A_898 = arith.constant 0 : i32
    %dma_wait3A_899 = tpu.memref_slice %arg10[%dma_wait3A_898] : memref<512xi32, #tpu.memory_space<vmem>> -> memref<128xi32, #tpu.memory_space<vmem>>
    %dma_wait3A_900 = arith.constant 0 : i32
    %dma_wait3A_901 = arith.constant 0 : i32
    %dma_wait3A_902 = tpu.memref_slice %arg21[%dma_wait3A_900, %dma_wait3A_901] : memref<10000x128xf32, #tpu.memory_space<vmem_shared>> -> memref<10000x128xf32, #tpu.memory_space<vmem_shared>>
    tpu.wait_indirect_dma semaphore(%arg24 : memref<!tpu.dma_semaphore, #tpu.memory_space<semaphore_mem>>) src(%dma_wait3A_902 : memref<10000x128xf32, #tpu.memory_space<vmem_shared>>) dst(%dma_wait3A_897 : memref<128x128xf32, #tpu.memory_space<vmem>>)
    %add3A_903 = arith.constant 384 : i32
    %add3A_904 = arith.addi %multiple_of3A, %add3A_903 : i32
    %dma_start3A_905 = arith.constant 0 : i32
    %dma_start3A_906 = arith.constant 0 : i32
    %dma_start3A_907 = tpu.memref_slice %arg17[%dma_start3A_905, %dma_start3A_906] : memref<128x128xf32, #tpu.memory_space<vmem>> -> memref<128x128xf32, #tpu.memory_space<vmem>>
    %dma_start3A_908 = arith.constant 0 : i32
    %dma_start3A_909 = tpu.memref_slice %arg8[%arg0, %add3A_904, %dma_start3A_908] : memref<2x10000x128xf32, #tpu.memory_space<hbm>> -> memref<1x128x128xf32, #tpu.memory_space<hbm>>
    %dma_start3A_910 = tpu.memref_squeeze %dma_start3A_909 : memref<1x128x128xf32, #tpu.memory_space<hbm>> -> memref<128x128xf32, #tpu.memory_space<hbm>>
    %dma_start3A_911 = arith.constant 0 : i32
    %dma_start3A_912 = tpu.memref_slice %arg8[%arg0, %add3A_904, %dma_start3A_911] : memref<2x10000x128xf32, #tpu.memory_space<hbm>> -> memref<1x128x128xf32, #tpu.memory_space<hbm>>
    %dma_start3A_913 = tpu.memref_squeeze %dma_start3A_912 : memref<1x128x128xf32, #tpu.memory_space<hbm>> -> memref<128x128xf32, #tpu.memory_space<hbm>>
    %dma_start3A_914 = arith.constant 0 : i32
    %dma_start3A_915 = arith.constant 0 : i32
    %dma_start3A_916 = tpu.memref_slice %arg17[%dma_start3A_914, %dma_start3A_915] : memref<128x128xf32, #tpu.memory_space<vmem>> -> memref<128x128xf32, #tpu.memory_space<vmem>>
    tpu.enqueue_dma source(%dma_start3A_916 : memref<128x128xf32, #tpu.memory_space<vmem>>) target(%dma_start3A_913 : memref<128x128xf32, #tpu.memory_space<hbm>>) target_semaphore(%arg26 : memref<!tpu.dma_semaphore, #tpu.memory_space<semaphore_mem>>)
    %dma_wait3A_917 = arith.constant 0 : i32
    %dma_wait3A_918 = arith.constant 0 : i32
    %dma_wait3A_919 = tpu.memref_slice %arg16[%dma_wait3A_917, %dma_wait3A_918] : memref<128x128xf32, #tpu.memory_space<vmem>> -> memref<112x128xf32, #tpu.memory_space<vmem>>
    %dma_wait3A_920 = arith.constant 0 : i32
    %dma_wait3A_921 = arith.constant 0 : i32
    %dma_wait3A_922 = tpu.memref_slice %arg21[%dma_wait3A_920, %dma_wait3A_921] : memref<10000x128xf32, #tpu.memory_space<vmem_shared>> -> memref<10000x128xf32, #tpu.memory_space<vmem_shared>>
    tpu.wait_indirect_dma semaphore(%arg23 : memref<!tpu.dma_semaphore, #tpu.memory_space<semaphore_mem>>) src(%dma_wait3A_922 : memref<10000x128xf32, #tpu.memory_space<vmem_shared>>) dst(%dma_wait3A_919 : memref<112x128xf32, #tpu.memory_space<vmem>>)
    %add3A_923 = arith.constant 512 : i32
    %add3A_924 = arith.addi %multiple_of3A, %add3A_923 : i32
    %dma_start3A_925 = arith.constant 0 : i32
    %dma_start3A_926 = arith.constant 0 : i32
    %dma_start3A_927 = tpu.memref_slice %arg16[%dma_start3A_925, %dma_start3A_926] : memref<128x128xf32, #tpu.memory_space<vmem>> -> memref<112x128xf32, #tpu.memory_space<vmem>>
    %dma_start3A_928 = arith.constant 0 : i32
    %dma_start3A_929 = tpu.memref_slice %arg8[%arg0, %add3A_924, %dma_start3A_928] : memref<2x10000x128xf32, #tpu.memory_space<hbm>> -> memref<1x112x128xf32, #tpu.memory_space<hbm>>
    %dma_start3A_930 = tpu.memref_squeeze %dma_start3A_929 : memref<1x112x128xf32, #tpu.memory_space<hbm>> -> memref<112x128xf32, #tpu.memory_space<hbm>>
    %dma_start3A_931 = arith.constant 0 : i32
    %dma_start3A_932 = tpu.memref_slice %arg8[%arg0, %add3A_924, %dma_start3A_931] : memref<2x10000x128xf32, #tpu.memory_space<hbm>> -> memref<1x112x128xf32, #tpu.memory_space<hbm>>
    %dma_start3A_933 = tpu.memref_squeeze %dma_start3A_932 : memref<1x112x128xf32, #tpu.memory_space<hbm>> -> memref<112x128xf32, #tpu.memory_space<hbm>>
    %dma_start3A_934 = arith.constant 0 : i32
    %dma_start3A_935 = arith.constant 0 : i32
    %dma_start3A_936 = tpu.memref_slice %arg16[%dma_start3A_934, %dma_start3A_935] : memref<128x128xf32, #tpu.memory_space<vmem>> -> memref<112x128xf32, #tpu.memory_space<vmem>>
    tpu.enqueue_dma source(%dma_start3A_936 : memref<112x128xf32, #tpu.memory_space<vmem>>) target(%dma_start3A_933 : memref<112x128xf32, #tpu.memory_space<hbm>>) target_semaphore(%arg25 : memref<!tpu.dma_semaphore, #tpu.memory_space<semaphore_mem>>)
    %dma_wait3A_937 = arith.constant 0 : i32
    %dma_wait3A_938 = arith.constant 0 : i32
    %dma_wait3A_939 = tpu.memref_slice %arg17[%dma_wait3A_937, %dma_wait3A_938] : memref<128x128xf32, #tpu.memory_space<vmem>> -> memref<128x128xf32, #tpu.memory_space<vmem>>
    %dma_wait3A_940 = arith.constant 0 : i32
    %dma_wait3A_941 = tpu.memref_slice %arg8[%arg0, %add3A_904, %dma_wait3A_940] : memref<2x10000x128xf32, #tpu.memory_space<hbm>> -> memref<1x128x128xf32, #tpu.memory_space<hbm>>
    %dma_wait3A_942 = tpu.memref_squeeze %dma_wait3A_941 : memref<1x128x128xf32, #tpu.memory_space<hbm>> -> memref<128x128xf32, #tpu.memory_space<hbm>>
    %dma_wait3A_943 = arith.constant 0 : i32
    %dma_wait3A_944 = tpu.memref_slice %arg8[%arg0, %add3A_904, %dma_wait3A_943] : memref<2x10000x128xf32, #tpu.memory_space<hbm>> -> memref<1x128x128xf32, #tpu.memory_space<hbm>>
    %dma_wait3A_945 = tpu.memref_squeeze %dma_wait3A_944 : memref<1x128x128xf32, #tpu.memory_space<hbm>> -> memref<128x128xf32, #tpu.memory_space<hbm>>
    %dma_wait3A_946 = arith.constant 0 : i32
    %dma_wait3A_947 = arith.constant 0 : i32
    %dma_wait3A_948 = tpu.memref_slice %arg17[%dma_wait3A_946, %dma_wait3A_947] : memref<128x128xf32, #tpu.memory_space<vmem>> -> memref<128x128xf32, #tpu.memory_space<vmem>>
    tpu.wait_dma2 semaphore(%arg26 : memref<!tpu.dma_semaphore, #tpu.memory_space<semaphore_mem>>) src(%dma_wait3A_948 : memref<128x128xf32, #tpu.memory_space<vmem>>) dst(%dma_wait3A_945 : memref<128x128xf32, #tpu.memory_space<hbm>>)
    %dma_wait3A_949 = arith.constant 0 : i32
    %dma_wait3A_950 = arith.constant 0 : i32
    %dma_wait3A_951 = tpu.memref_slice %arg16[%dma_wait3A_949, %dma_wait3A_950] : memref<128x128xf32, #tpu.memory_space<vmem>> -> memref<112x128xf32, #tpu.memory_space<vmem>>
    %dma_wait3A_952 = arith.constant 0 : i32
    %dma_wait3A_953 = tpu.memref_slice %arg8[%arg0, %add3A_924, %dma_wait3A_952] : memref<2x10000x128xf32, #tpu.memory_space<hbm>> -> memref<1x112x128xf32, #tpu.memory_space<hbm>>
    %dma_wait3A_954 = tpu.memref_squeeze %dma_wait3A_953 : memref<1x112x128xf32, #tpu.memory_space<hbm>> -> memref<112x128xf32, #tpu.memory_space<hbm>>
    %dma_wait3A_955 = arith.constant 0 : i32
    %dma_wait3A_956 = tpu.memref_slice %arg8[%arg0, %add3A_924, %dma_wait3A_955] : memref<2x10000x128xf32, #tpu.memory_space<hbm>> -> memref<1x112x128xf32, #tpu.memory_space<hbm>>
    %dma_wait3A_957 = tpu.memref_squeeze %dma_wait3A_956 : memref<1x112x128xf32, #tpu.memory_space<hbm>> -> memref<112x128xf32, #tpu.memory_space<hbm>>
    %dma_wait3A_958 = arith.constant 0 : i32
    %dma_wait3A_959 = arith.constant 0 : i32
    %dma_wait3A_960 = tpu.memref_slice %arg16[%dma_wait3A_958, %dma_wait3A_959] : memref<128x128xf32, #tpu.memory_space<vmem>> -> memref<112x128xf32, #tpu.memory_space<vmem>>
    tpu.wait_dma2 semaphore(%arg25 : memref<!tpu.dma_semaphore, #tpu.memory_space<semaphore_mem>>) src(%dma_wait3A_960 : memref<112x128xf32, #tpu.memory_space<vmem>>) dst(%dma_wait3A_957 : memref<112x128xf32, #tpu.memory_space<hbm>>)
    %add3A_961 = arith.constant 0 : i32
    %add3A_962 = arith.addi %multiple_of3A, %add3A_961 : i32
    %iota3A_963 = tpu.iota {dimensions = array<i32: 0>} : vector<16xi32>
    %add3A_964 = arith.constant 0 : i32
    %add3A_965 = arith.addi %add3A_962, %add3A_964 : i32
    %add3A_966 = vector.broadcast %add3A_965 : i32 to vector<16xi32>
    %add3A_967 = arith.addi %iota3A_963, %add3A_966 : vector<16xi32>
    %swap3A_968 = arith.constant 0 : index
    %swap3A_969 = tpu.vector_load %arg14[%swap3A_968] {strides = array<i32>} : memref<128xi32, #tpu.memory_space<vmem>>, vector<16xi32>,
    %swap3A_970 = vector.shape_cast %swap3A_969 : vector<16xi32> to vector<16xi32>
    %swap3A_971 = vector.shape_cast %add3A_967 : vector<16xi32> to vector<16xi32>
    tpu.vector_store %arg14[%swap3A_968], %swap3A_971 {strides = array<i32>} : memref<128xi32, #tpu.memory_space<vmem>>, vector<16xi32>,
    %add3A_972 = arith.constant 16 : i32
    %add3A_973 = arith.addi %add3A_962, %add3A_972 : i32
    %add3A_974 = vector.broadcast %add3A_973 : i32 to vector<16xi32>
    %add3A_975 = arith.addi %iota3A_963, %add3A_974 : vector<16xi32>
    %swap3A_976 = arith.constant 16 : index
    %swap3A_977 = tpu.vector_load %arg14[%swap3A_976] {strides = array<i32>} : memref<128xi32, #tpu.memory_space<vmem>>, vector<16xi32>,
    %swap3A_978 = vector.shape_cast %swap3A_977 : vector<16xi32> to vector<16xi32>
    %swap3A_979 = vector.shape_cast %add3A_975 : vector<16xi32> to vector<16xi32>
    tpu.vector_store %arg14[%swap3A_976], %swap3A_979 {strides = array<i32>} : memref<128xi32, #tpu.memory_space<vmem>>, vector<16xi32>,
    %add3A_980 = arith.constant 32 : i32
    %add3A_981 = arith.addi %add3A_962, %add3A_980 : i32
    %add3A_982 = vector.broadcast %add3A_981 : i32 to vector<16xi32>
    %add3A_983 = arith.addi %iota3A_963, %add3A_982 : vector<16xi32>
    %swap3A_984 = arith.constant 32 : index
    %swap3A_985 = tpu.vector_load %arg14[%swap3A_984] {strides = array<i32>} : memref<128xi32, #tpu.memory_space<vmem>>, vector<16xi32>,
    %swap3A_986 = vector.shape_cast %swap3A_985 : vector<16xi32> to vector<16xi32>
    %swap3A_987 = vector.shape_cast %add3A_983 : vector<16xi32> to vector<16xi32>
    tpu.vector_store %arg14[%swap3A_984], %swap3A_987 {strides = array<i32>} : memref<128xi32, #tpu.memory_space<vmem>>, vector<16xi32>,
    %add3A_988 = arith.constant 48 : i32
    %add3A_989 = arith.addi %add3A_962, %add3A_988 : i32
    %add3A_990 = vector.broadcast %add3A_989 : i32 to vector<16xi32>
    %add3A_991 = arith.addi %iota3A_963, %add3A_990 : vector<16xi32>
    %swap3A_992 = arith.constant 48 : index
    %swap3A_993 = tpu.vector_load %arg14[%swap3A_992] {strides = array<i32>} : memref<128xi32, #tpu.memory_space<vmem>>, vector<16xi32>,
    %swap3A_994 = vector.shape_cast %swap3A_993 : vector<16xi32> to vector<16xi32>
    %swap3A_995 = vector.shape_cast %add3A_991 : vector<16xi32> to vector<16xi32>
    tpu.vector_store %arg14[%swap3A_992], %swap3A_995 {strides = array<i32>} : memref<128xi32, #tpu.memory_space<vmem>>, vector<16xi32>,
    %add3A_996 = arith.constant 64 : i32
    %add3A_997 = arith.addi %add3A_962, %add3A_996 : i32
    %add3A_998 = vector.broadcast %add3A_997 : i32 to vector<16xi32>
    %add3A_999 = arith.addi %iota3A_963, %add3A_998 : vector<16xi32>
    %swap3A_1000 = arith.constant 64 : index
    %swap3A_1001 = tpu.vector_load %arg14[%swap3A_1000] {strides = array<i32>} : memref<128xi32, #tpu.memory_space<vmem>>, vector<16xi32>,
    %swap3A_1002 = vector.shape_cast %swap3A_1001 : vector<16xi32> to vector<16xi32>
    %swap3A_1003 = vector.shape_cast %add3A_999 : vector<16xi32> to vector<16xi32>
    tpu.vector_store %arg14[%swap3A_1000], %swap3A_1003 {strides = array<i32>} : memref<128xi32, #tpu.memory_space<vmem>>, vector<16xi32>,
    %add3A_1004 = arith.constant 80 : i32
    %add3A_1005 = arith.addi %add3A_962, %add3A_1004 : i32
    %add3A_1006 = vector.broadcast %add3A_1005 : i32 to vector<16xi32>
    %add3A_1007 = arith.addi %iota3A_963, %add3A_1006 : vector<16xi32>
    %swap3A_1008 = arith.constant 80 : index
    %swap3A_1009 = tpu.vector_load %arg14[%swap3A_1008] {strides = array<i32>} : memref<128xi32, #tpu.memory_space<vmem>>, vector<16xi32>,
    %swap3A_1010 = vector.shape_cast %swap3A_1009 : vector<16xi32> to vector<16xi32>
    %swap3A_1011 = vector.shape_cast %add3A_1007 : vector<16xi32> to vector<16xi32>
    tpu.vector_store %arg14[%swap3A_1008], %swap3A_1011 {strides = array<i32>} : memref<128xi32, #tpu.memory_space<vmem>>, vector<16xi32>,
    %add3A_1012 = arith.constant 96 : i32
    %add3A_1013 = arith.addi %add3A_962, %add3A_1012 : i32
    %add3A_1014 = vector.broadcast %add3A_1013 : i32 to vector<16xi32>
    %add3A_1015 = arith.addi %iota3A_963, %add3A_1014 : vector<16xi32>
    %swap3A_1016 = arith.constant 96 : index
    %swap3A_1017 = tpu.vector_load %arg14[%swap3A_1016] {strides = array<i32>} : memref<128xi32, #tpu.memory_space<vmem>>, vector<16xi32>,
    %swap3A_1018 = vector.shape_cast %swap3A_1017 : vector<16xi32> to vector<16xi32>
    %swap3A_1019 = vector.shape_cast %add3A_1015 : vector<16xi32> to vector<16xi32>
    tpu.vector_store %arg14[%swap3A_1016], %swap3A_1019 {strides = array<i32>} : memref<128xi32, #tpu.memory_space<vmem>>, vector<16xi32>,
    %add3A_1020 = arith.constant 112 : i32
    %add3A_1021 = arith.addi %add3A_962, %add3A_1020 : i32
    %add3A_1022 = vector.broadcast %add3A_1021 : i32 to vector<16xi32>
    %add3A_1023 = arith.addi %iota3A_963, %add3A_1022 : vector<16xi32>
    %swap3A_1024 = arith.constant 112 : index
    %swap3A_1025 = tpu.vector_load %arg14[%swap3A_1024] {strides = array<i32>} : memref<128xi32, #tpu.memory_space<vmem>>, vector<16xi32>,
    %swap3A_1026 = vector.shape_cast %swap3A_1025 : vector<16xi32> to vector<16xi32>
    %swap3A_1027 = vector.shape_cast %add3A_1023 : vector<16xi32> to vector<16xi32>
    tpu.vector_store %arg14[%swap3A_1024], %swap3A_1027 {strides = array<i32>} : memref<128xi32, #tpu.memory_space<vmem>>, vector<16xi32>,
    %dma_start3A_1028 = arith.constant 0 : i32
    %dma_start3A_1029 = arith.constant 0 : i32
    %dma_start3A_1030 = tpu.memref_slice %arg19[%dma_start3A_1028, %dma_start3A_1029] : memref<128x16xf32, #tpu.memory_space<vmem>> -> memref<128x16xf32, #tpu.memory_space<vmem>>
    %dma_start3A_1031 = arith.constant 0 : i32
    %dma_start3A_1032 = arith.constant 0 : i32
    %dma_start3A_1033 = tpu.memref_slice %arg22[%dma_start3A_1031, %dma_start3A_1032] : memref<10000x16xf32, #tpu.memory_space<vmem_shared>> -> memref<10000x16xf32, #tpu.memory_space<vmem_shared>>
    tpu.enqueue_indirect_dma source(%dma_start3A_1033 : memref<10000x16xf32, #tpu.memory_space<vmem_shared>>) target(%dma_start3A_1030 : memref<128x16xf32, #tpu.memory_space<vmem>>) offsets(%arg14 : memref<128xi32, #tpu.memory_space<vmem>>) semaphore(%arg23 : memref<!tpu.dma_semaphore, #tpu.memory_space<semaphore_mem>>)
    %dma_wait3A_1034 = arith.constant 0 : i32
    %dma_wait3A_1035 = arith.constant 0 : i32
    %dma_wait3A_1036 = tpu.memref_slice %arg19[%dma_wait3A_1034, %dma_wait3A_1035] : memref<128x16xf32, #tpu.memory_space<vmem>> -> memref<128x16xf32, #tpu.memory_space<vmem>>
    %dma_wait3A_1037 = arith.constant 0 : i32
    %dma_wait3A_1038 = arith.constant 0 : i32
    %dma_wait3A_1039 = tpu.memref_slice %arg22[%dma_wait3A_1037, %dma_wait3A_1038] : memref<10000x16xf32, #tpu.memory_space<vmem_shared>> -> memref<10000x16xf32, #tpu.memory_space<vmem_shared>>
    tpu.wait_indirect_dma semaphore(%arg23 : memref<!tpu.dma_semaphore, #tpu.memory_space<semaphore_mem>>) src(%dma_wait3A_1039 : memref<10000x16xf32, #tpu.memory_space<vmem_shared>>) dst(%dma_wait3A_1036 : memref<128x16xf32, #tpu.memory_space<vmem>>)
    %add3A_1040 = arith.constant 0 : i32
    %add3A_1041 = arith.addi %multiple_of3A, %add3A_1040 : i32
    "tpu.region"() ({
      %run_scoped3A = tpu.sem_alloc : memref<!tpu.dma_semaphore, #tpu.memory_space<semaphore_mem>>
      %dma_start3A_1363 = arith.constant 0 : i32
      %dma_start3A_1364 = arith.constant 0 : i32
      %dma_start3A_1365 = tpu.memref_slice %arg19[%dma_start3A_1363, %dma_start3A_1364] : memref<128x16xf32, #tpu.memory_space<vmem>> -> memref<128x16xf32, #tpu.memory_space<vmem>>
      %dma_start3A_1366 = arith.constant 0 : i32
      %dma_start3A_1367 = tpu.memref_slice %arg9[%arg0, %add3A_1041, %dma_start3A_1366] : memref<2x10000x16xf32, #tpu.memory_space<hbm>> -> memref<1x128x16xf32, #tpu.memory_space<hbm>>
      %dma_start3A_1368 = tpu.memref_squeeze %dma_start3A_1367 : memref<1x128x16xf32, #tpu.memory_space<hbm>> -> memref<128x16xf32, #tpu.memory_space<hbm>>
      %dma_start3A_1369 = arith.constant 0 : i32
      %dma_start3A_1370 = tpu.memref_slice %arg9[%arg0, %add3A_1041, %dma_start3A_1369] : memref<2x10000x16xf32, #tpu.memory_space<hbm>> -> memref<1x128x16xf32, #tpu.memory_space<hbm>>
      %dma_start3A_1371 = tpu.memref_squeeze %dma_start3A_1370 : memref<1x128x16xf32, #tpu.memory_space<hbm>> -> memref<128x16xf32, #tpu.memory_space<hbm>>
      %dma_start3A_1372 = arith.constant 0 : i32
      %dma_start3A_1373 = arith.constant 0 : i32
      %dma_start3A_1374 = tpu.memref_slice %arg19[%dma_start3A_1372, %dma_start3A_1373] : memref<128x16xf32, #tpu.memory_space<vmem>> -> memref<128x16xf32, #tpu.memory_space<vmem>>
      tpu.enqueue_dma source(%dma_start3A_1374 : memref<128x16xf32, #tpu.memory_space<vmem>>) target(%dma_start3A_1371 : memref<128x16xf32, #tpu.memory_space<hbm>>) target_semaphore(%run_scoped3A : memref<!tpu.dma_semaphore, #tpu.memory_space<semaphore_mem>>)
      %dma_wait3A_1375 = arith.constant 0 : i32
      %dma_wait3A_1376 = arith.constant 0 : i32
      %dma_wait3A_1377 = tpu.memref_slice %arg19[%dma_wait3A_1375, %dma_wait3A_1376] : memref<128x16xf32, #tpu.memory_space<vmem>> -> memref<128x16xf32, #tpu.memory_space<vmem>>
      %dma_wait3A_1378 = arith.constant 0 : i32
      %dma_wait3A_1379 = tpu.memref_slice %arg9[%arg0, %add3A_1041, %dma_wait3A_1378] : memref<2x10000x16xf32, #tpu.memory_space<hbm>> -> memref<1x128x16xf32, #tpu.memory_space<hbm>>
      %dma_wait3A_1380 = tpu.memref_squeeze %dma_wait3A_1379 : memref<1x128x16xf32, #tpu.memory_space<hbm>> -> memref<128x16xf32, #tpu.memory_space<hbm>>
      %dma_wait3A_1381 = arith.constant 0 : i32
      %dma_wait3A_1382 = tpu.memref_slice %arg9[%arg0, %add3A_1041, %dma_wait3A_1381] : memref<2x10000x16xf32, #tpu.memory_space<hbm>> -> memref<1x128x16xf32, #tpu.memory_space<hbm>>
      %dma_wait3A_1383 = tpu.memref_squeeze %dma_wait3A_1382 : memref<1x128x16xf32, #tpu.memory_space<hbm>> -> memref<128x16xf32, #tpu.memory_space<hbm>>
      %dma_wait3A_1384 = arith.constant 0 : i32
      %dma_wait3A_1385 = arith.constant 0 : i32
      %dma_wait3A_1386 = tpu.memref_slice %arg19[%dma_wait3A_1384, %dma_wait3A_1385] : memref<128x16xf32, #tpu.memory_space<vmem>> -> memref<128x16xf32, #tpu.memory_space<vmem>>
      tpu.wait_dma2 semaphore(%run_scoped3A : memref<!tpu.dma_semaphore, #tpu.memory_space<semaphore_mem>>) src(%dma_wait3A_1386 : memref<128x16xf32, #tpu.memory_space<vmem>>) dst(%dma_wait3A_1383 : memref<128x16xf32, #tpu.memory_space<hbm>>)
      tpu.yield
    }) : () -> ()
    %add3A_1042 = arith.constant 128 : i32
    %add3A_1043 = arith.addi %multiple_of3A, %add3A_1042 : i32
    %iota3A_1044 = tpu.iota {dimensions = array<i32: 0>} : vector<16xi32>
    %add3A_1045 = arith.constant 0 : i32
    %add3A_1046 = arith.addi %add3A_1043, %add3A_1045 : i32
    %add3A_1047 = vector.broadcast %add3A_1046 : i32 to vector<16xi32>
    %add3A_1048 = arith.addi %iota3A_1044, %add3A_1047 : vector<16xi32>
    %swap3A_1049 = arith.constant 0 : index
    %swap3A_1050 = tpu.vector_load %arg14[%swap3A_1049] {strides = array<i32>} : memref<128xi32, #tpu.memory_space<vmem>>, vector<16xi32>,
    %swap3A_1051 = vector.shape_cast %swap3A_1050 : vector<16xi32> to vector<16xi32>
    %swap3A_1052 = vector.shape_cast %add3A_1048 : vector<16xi32> to vector<16xi32>
    tpu.vector_store %arg14[%swap3A_1049], %swap3A_1052 {strides = array<i32>} : memref<128xi32, #tpu.memory_space<vmem>>, vector<16xi32>,
    %add3A_1053 = arith.constant 16 : i32
    %add3A_1054 = arith.addi %add3A_1043, %add3A_1053 : i32
    %add3A_1055 = vector.broadcast %add3A_1054 : i32 to vector<16xi32>
    %add3A_1056 = arith.addi %iota3A_1044, %add3A_1055 : vector<16xi32>
    %swap3A_1057 = arith.constant 16 : index
    %swap3A_1058 = tpu.vector_load %arg14[%swap3A_1057] {strides = array<i32>} : memref<128xi32, #tpu.memory_space<vmem>>, vector<16xi32>,
    %swap3A_1059 = vector.shape_cast %swap3A_1058 : vector<16xi32> to vector<16xi32>
    %swap3A_1060 = vector.shape_cast %add3A_1056 : vector<16xi32> to vector<16xi32>
    tpu.vector_store %arg14[%swap3A_1057], %swap3A_1060 {strides = array<i32>} : memref<128xi32, #tpu.memory_space<vmem>>, vector<16xi32>,
    %add3A_1061 = arith.constant 32 : i32
    %add3A_1062 = arith.addi %add3A_1043, %add3A_1061 : i32
    %add3A_1063 = vector.broadcast %add3A_1062 : i32 to vector<16xi32>
    %add3A_1064 = arith.addi %iota3A_1044, %add3A_1063 : vector<16xi32>
    %swap3A_1065 = arith.constant 32 : index
    %swap3A_1066 = tpu.vector_load %arg14[%swap3A_1065] {strides = array<i32>} : memref<128xi32, #tpu.memory_space<vmem>>, vector<16xi32>,
    %swap3A_1067 = vector.shape_cast %swap3A_1066 : vector<16xi32> to vector<16xi32>
    %swap3A_1068 = vector.shape_cast %add3A_1064 : vector<16xi32> to vector<16xi32>
    tpu.vector_store %arg14[%swap3A_1065], %swap3A_1068 {strides = array<i32>} : memref<128xi32, #tpu.memory_space<vmem>>, vector<16xi32>,
    %add3A_1069 = arith.constant 48 : i32
    %add3A_1070 = arith.addi %add3A_1043, %add3A_1069 : i32
    %add3A_1071 = vector.broadcast %add3A_1070 : i32 to vector<16xi32>
    %add3A_1072 = arith.addi %iota3A_1044, %add3A_1071 : vector<16xi32>
    %swap3A_1073 = arith.constant 48 : index
    %swap3A_1074 = tpu.vector_load %arg14[%swap3A_1073] {strides = array<i32>} : memref<128xi32, #tpu.memory_space<vmem>>, vector<16xi32>,
    %swap3A_1075 = vector.shape_cast %swap3A_1074 : vector<16xi32> to vector<16xi32>
    %swap3A_1076 = vector.shape_cast %add3A_1072 : vector<16xi32> to vector<16xi32>
    tpu.vector_store %arg14[%swap3A_1073], %swap3A_1076 {strides = array<i32>} : memref<128xi32, #tpu.memory_space<vmem>>, vector<16xi32>,
    %add3A_1077 = arith.constant 64 : i32
    %add3A_1078 = arith.addi %add3A_1043, %add3A_1077 : i32
    %add3A_1079 = vector.broadcast %add3A_1078 : i32 to vector<16xi32>
    %add3A_1080 = arith.addi %iota3A_1044, %add3A_1079 : vector<16xi32>
    %swap3A_1081 = arith.constant 64 : index
    %swap3A_1082 = tpu.vector_load %arg14[%swap3A_1081] {strides = array<i32>} : memref<128xi32, #tpu.memory_space<vmem>>, vector<16xi32>,
    %swap3A_1083 = vector.shape_cast %swap3A_1082 : vector<16xi32> to vector<16xi32>
    %swap3A_1084 = vector.shape_cast %add3A_1080 : vector<16xi32> to vector<16xi32>
    tpu.vector_store %arg14[%swap3A_1081], %swap3A_1084 {strides = array<i32>} : memref<128xi32, #tpu.memory_space<vmem>>, vector<16xi32>,
    %add3A_1085 = arith.constant 80 : i32
    %add3A_1086 = arith.addi %add3A_1043, %add3A_1085 : i32
    %add3A_1087 = vector.broadcast %add3A_1086 : i32 to vector<16xi32>
    %add3A_1088 = arith.addi %iota3A_1044, %add3A_1087 : vector<16xi32>
    %swap3A_1089 = arith.constant 80 : index
    %swap3A_1090 = tpu.vector_load %arg14[%swap3A_1089] {strides = array<i32>} : memref<128xi32, #tpu.memory_space<vmem>>, vector<16xi32>,
    %swap3A_1091 = vector.shape_cast %swap3A_1090 : vector<16xi32> to vector<16xi32>
    %swap3A_1092 = vector.shape_cast %add3A_1088 : vector<16xi32> to vector<16xi32>
    tpu.vector_store %arg14[%swap3A_1089], %swap3A_1092 {strides = array<i32>} : memref<128xi32, #tpu.memory_space<vmem>>, vector<16xi32>,
    %add3A_1093 = arith.constant 96 : i32
    %add3A_1094 = arith.addi %add3A_1043, %add3A_1093 : i32
    %add3A_1095 = vector.broadcast %add3A_1094 : i32 to vector<16xi32>
    %add3A_1096 = arith.addi %iota3A_1044, %add3A_1095 : vector<16xi32>
    %swap3A_1097 = arith.constant 96 : index
    %swap3A_1098 = tpu.vector_load %arg14[%swap3A_1097] {strides = array<i32>} : memref<128xi32, #tpu.memory_space<vmem>>, vector<16xi32>,
    %swap3A_1099 = vector.shape_cast %swap3A_1098 : vector<16xi32> to vector<16xi32>
    %swap3A_1100 = vector.shape_cast %add3A_1096 : vector<16xi32> to vector<16xi32>
    tpu.vector_store %arg14[%swap3A_1097], %swap3A_1100 {strides = array<i32>} : memref<128xi32, #tpu.memory_space<vmem>>, vector<16xi32>,
    %add3A_1101 = arith.constant 112 : i32
    %add3A_1102 = arith.addi %add3A_1043, %add3A_1101 : i32
    %add3A_1103 = vector.broadcast %add3A_1102 : i32 to vector<16xi32>
    %add3A_1104 = arith.addi %iota3A_1044, %add3A_1103 : vector<16xi32>
    %swap3A_1105 = arith.constant 112 : index
    %swap3A_1106 = tpu.vector_load %arg14[%swap3A_1105] {strides = array<i32>} : memref<128xi32, #tpu.memory_space<vmem>>, vector<16xi32>,
    %swap3A_1107 = vector.shape_cast %swap3A_1106 : vector<16xi32> to vector<16xi32>
    %swap3A_1108 = vector.shape_cast %add3A_1104 : vector<16xi32> to vector<16xi32>
    tpu.vector_store %arg14[%swap3A_1105], %swap3A_1108 {strides = array<i32>} : memref<128xi32, #tpu.memory_space<vmem>>, vector<16xi32>,
    %dma_start3A_1109 = arith.constant 0 : i32
    %dma_start3A_1110 = arith.constant 0 : i32
    %dma_start3A_1111 = tpu.memref_slice %arg19[%dma_start3A_1109, %dma_start3A_1110] : memref<128x16xf32, #tpu.memory_space<vmem>> -> memref<128x16xf32, #tpu.memory_space<vmem>>
    %dma_start3A_1112 = arith.constant 0 : i32
    %dma_start3A_1113 = arith.constant 0 : i32
    %dma_start3A_1114 = tpu.memref_slice %arg22[%dma_start3A_1112, %dma_start3A_1113] : memref<10000x16xf32, #tpu.memory_space<vmem_shared>> -> memref<10000x16xf32, #tpu.memory_space<vmem_shared>>
    tpu.enqueue_indirect_dma source(%dma_start3A_1114 : memref<10000x16xf32, #tpu.memory_space<vmem_shared>>) target(%dma_start3A_1111 : memref<128x16xf32, #tpu.memory_space<vmem>>) offsets(%arg14 : memref<128xi32, #tpu.memory_space<vmem>>) semaphore(%arg23 : memref<!tpu.dma_semaphore, #tpu.memory_space<semaphore_mem>>)
    %dma_wait3A_1115 = arith.constant 0 : i32
    %dma_wait3A_1116 = arith.constant 0 : i32
    %dma_wait3A_1117 = tpu.memref_slice %arg19[%dma_wait3A_1115, %dma_wait3A_1116] : memref<128x16xf32, #tpu.memory_space<vmem>> -> memref<128x16xf32, #tpu.memory_space<vmem>>
    %dma_wait3A_1118 = arith.constant 0 : i32
    %dma_wait3A_1119 = arith.constant 0 : i32
    %dma_wait3A_1120 = tpu.memref_slice %arg22[%dma_wait3A_1118, %dma_wait3A_1119] : memref<10000x16xf32, #tpu.memory_space<vmem_shared>> -> memref<10000x16xf32, #tpu.memory_space<vmem_shared>>
    tpu.wait_indirect_dma semaphore(%arg23 : memref<!tpu.dma_semaphore, #tpu.memory_space<semaphore_mem>>) src(%dma_wait3A_1120 : memref<10000x16xf32, #tpu.memory_space<vmem_shared>>) dst(%dma_wait3A_1117 : memref<128x16xf32, #tpu.memory_space<vmem>>)
    %add3A_1121 = arith.constant 128 : i32
    %add3A_1122 = arith.addi %multiple_of3A, %add3A_1121 : i32
    "tpu.region"() ({
      %run_scoped3A = tpu.sem_alloc : memref<!tpu.dma_semaphore, #tpu.memory_space<semaphore_mem>>
      %dma_start3A_1363 = arith.constant 0 : i32
      %dma_start3A_1364 = arith.constant 0 : i32
      %dma_start3A_1365 = tpu.memref_slice %arg19[%dma_start3A_1363, %dma_start3A_1364] : memref<128x16xf32, #tpu.memory_space<vmem>> -> memref<128x16xf32, #tpu.memory_space<vmem>>
      %dma_start3A_1366 = arith.constant 0 : i32
      %dma_start3A_1367 = tpu.memref_slice %arg9[%arg0, %add3A_1122, %dma_start3A_1366] : memref<2x10000x16xf32, #tpu.memory_space<hbm>> -> memref<1x128x16xf32, #tpu.memory_space<hbm>>
      %dma_start3A_1368 = tpu.memref_squeeze %dma_start3A_1367 : memref<1x128x16xf32, #tpu.memory_space<hbm>> -> memref<128x16xf32, #tpu.memory_space<hbm>>
      %dma_start3A_1369 = arith.constant 0 : i32
      %dma_start3A_1370 = tpu.memref_slice %arg9[%arg0, %add3A_1122, %dma_start3A_1369] : memref<2x10000x16xf32, #tpu.memory_space<hbm>> -> memref<1x128x16xf32, #tpu.memory_space<hbm>>
      %dma_start3A_1371 = tpu.memref_squeeze %dma_start3A_1370 : memref<1x128x16xf32, #tpu.memory_space<hbm>> -> memref<128x16xf32, #tpu.memory_space<hbm>>
      %dma_start3A_1372 = arith.constant 0 : i32
      %dma_start3A_1373 = arith.constant 0 : i32
      %dma_start3A_1374 = tpu.memref_slice %arg19[%dma_start3A_1372, %dma_start3A_1373] : memref<128x16xf32, #tpu.memory_space<vmem>> -> memref<128x16xf32, #tpu.memory_space<vmem>>
      tpu.enqueue_dma source(%dma_start3A_1374 : memref<128x16xf32, #tpu.memory_space<vmem>>) target(%dma_start3A_1371 : memref<128x16xf32, #tpu.memory_space<hbm>>) target_semaphore(%run_scoped3A : memref<!tpu.dma_semaphore, #tpu.memory_space<semaphore_mem>>)
      %dma_wait3A_1375 = arith.constant 0 : i32
      %dma_wait3A_1376 = arith.constant 0 : i32
      %dma_wait3A_1377 = tpu.memref_slice %arg19[%dma_wait3A_1375, %dma_wait3A_1376] : memref<128x16xf32, #tpu.memory_space<vmem>> -> memref<128x16xf32, #tpu.memory_space<vmem>>
      %dma_wait3A_1378 = arith.constant 0 : i32
      %dma_wait3A_1379 = tpu.memref_slice %arg9[%arg0, %add3A_1122, %dma_wait3A_1378] : memref<2x10000x16xf32, #tpu.memory_space<hbm>> -> memref<1x128x16xf32, #tpu.memory_space<hbm>>
      %dma_wait3A_1380 = tpu.memref_squeeze %dma_wait3A_1379 : memref<1x128x16xf32, #tpu.memory_space<hbm>> -> memref<128x16xf32, #tpu.memory_space<hbm>>
      %dma_wait3A_1381 = arith.constant 0 : i32
      %dma_wait3A_1382 = tpu.memref_slice %arg9[%arg0, %add3A_1122, %dma_wait3A_1381] : memref<2x10000x16xf32, #tpu.memory_space<hbm>> -> memref<1x128x16xf32, #tpu.memory_space<hbm>>
      %dma_wait3A_1383 = tpu.memref_squeeze %dma_wait3A_1382 : memref<1x128x16xf32, #tpu.memory_space<hbm>> -> memref<128x16xf32, #tpu.memory_space<hbm>>
      %dma_wait3A_1384 = arith.constant 0 : i32
      %dma_wait3A_1385 = arith.constant 0 : i32
      %dma_wait3A_1386 = tpu.memref_slice %arg19[%dma_wait3A_1384, %dma_wait3A_1385] : memref<128x16xf32, #tpu.memory_space<vmem>> -> memref<128x16xf32, #tpu.memory_space<vmem>>
      tpu.wait_dma2 semaphore(%run_scoped3A : memref<!tpu.dma_semaphore, #tpu.memory_space<semaphore_mem>>) src(%dma_wait3A_1386 : memref<128x16xf32, #tpu.memory_space<vmem>>) dst(%dma_wait3A_1383 : memref<128x16xf32, #tpu.memory_space<hbm>>)
      tpu.yield
    }) : () -> ()
    %add3A_1123 = arith.constant 256 : i32
    %add3A_1124 = arith.addi %multiple_of3A, %add3A_1123 : i32
    %iota3A_1125 = tpu.iota {dimensions = array<i32: 0>} : vector<16xi32>
    %add3A_1126 = arith.constant 0 : i32
    %add3A_1127 = arith.addi %add3A_1124, %add3A_1126 : i32
    %add3A_1128 = vector.broadcast %add3A_1127 : i32 to vector<16xi32>
    %add3A_1129 = arith.addi %iota3A_1125, %add3A_1128 : vector<16xi32>
    %swap3A_1130 = arith.constant 0 : index
    %swap3A_1131 = tpu.vector_load %arg14[%swap3A_1130] {strides = array<i32>} : memref<128xi32, #tpu.memory_space<vmem>>, vector<16xi32>,
    %swap3A_1132 = vector.shape_cast %swap3A_1131 : vector<16xi32> to vector<16xi32>
    %swap3A_1133 = vector.shape_cast %add3A_1129 : vector<16xi32> to vector<16xi32>
    tpu.vector_store %arg14[%swap3A_1130], %swap3A_1133 {strides = array<i32>} : memref<128xi32, #tpu.memory_space<vmem>>, vector<16xi32>,
    %add3A_1134 = arith.constant 16 : i32
    %add3A_1135 = arith.addi %add3A_1124, %add3A_1134 : i32
    %add3A_1136 = vector.broadcast %add3A_1135 : i32 to vector<16xi32>
    %add3A_1137 = arith.addi %iota3A_1125, %add3A_1136 : vector<16xi32>
    %swap3A_1138 = arith.constant 16 : index
    %swap3A_1139 = tpu.vector_load %arg14[%swap3A_1138] {strides = array<i32>} : memref<128xi32, #tpu.memory_space<vmem>>, vector<16xi32>,
    %swap3A_1140 = vector.shape_cast %swap3A_1139 : vector<16xi32> to vector<16xi32>
    %swap3A_1141 = vector.shape_cast %add3A_1137 : vector<16xi32> to vector<16xi32>
    tpu.vector_store %arg14[%swap3A_1138], %swap3A_1141 {strides = array<i32>} : memref<128xi32, #tpu.memory_space<vmem>>, vector<16xi32>,
    %add3A_1142 = arith.constant 32 : i32
    %add3A_1143 = arith.addi %add3A_1124, %add3A_1142 : i32
    %add3A_1144 = vector.broadcast %add3A_1143 : i32 to vector<16xi32>
    %add3A_1145 = arith.addi %iota3A_1125, %add3A_1144 : vector<16xi32>
    %swap3A_1146 = arith.constant 32 : index
    %swap3A_1147 = tpu.vector_load %arg14[%swap3A_1146] {strides = array<i32>} : memref<128xi32, #tpu.memory_space<vmem>>, vector<16xi32>,
    %swap3A_1148 = vector.shape_cast %swap3A_1147 : vector<16xi32> to vector<16xi32>
    %swap3A_1149 = vector.shape_cast %add3A_1145 : vector<16xi32> to vector<16xi32>
    tpu.vector_store %arg14[%swap3A_1146], %swap3A_1149 {strides = array<i32>} : memref<128xi32, #tpu.memory_space<vmem>>, vector<16xi32>,
    %add3A_1150 = arith.constant 48 : i32
    %add3A_1151 = arith.addi %add3A_1124, %add3A_1150 : i32
    %add3A_1152 = vector.broadcast %add3A_1151 : i32 to vector<16xi32>
    %add3A_1153 = arith.addi %iota3A_1125, %add3A_1152 : vector<16xi32>
    %swap3A_1154 = arith.constant 48 : index
    %swap3A_1155 = tpu.vector_load %arg14[%swap3A_1154] {strides = array<i32>} : memref<128xi32, #tpu.memory_space<vmem>>, vector<16xi32>,
    %swap3A_1156 = vector.shape_cast %swap3A_1155 : vector<16xi32> to vector<16xi32>
    %swap3A_1157 = vector.shape_cast %add3A_1153 : vector<16xi32> to vector<16xi32>
    tpu.vector_store %arg14[%swap3A_1154], %swap3A_1157 {strides = array<i32>} : memref<128xi32, #tpu.memory_space<vmem>>, vector<16xi32>,
    %add3A_1158 = arith.constant 64 : i32
    %add3A_1159 = arith.addi %add3A_1124, %add3A_1158 : i32
    %add3A_1160 = vector.broadcast %add3A_1159 : i32 to vector<16xi32>
    %add3A_1161 = arith.addi %iota3A_1125, %add3A_1160 : vector<16xi32>
    %swap3A_1162 = arith.constant 64 : index
    %swap3A_1163 = tpu.vector_load %arg14[%swap3A_1162] {strides = array<i32>} : memref<128xi32, #tpu.memory_space<vmem>>, vector<16xi32>,
    %swap3A_1164 = vector.shape_cast %swap3A_1163 : vector<16xi32> to vector<16xi32>
    %swap3A_1165 = vector.shape_cast %add3A_1161 : vector<16xi32> to vector<16xi32>
    tpu.vector_store %arg14[%swap3A_1162], %swap3A_1165 {strides = array<i32>} : memref<128xi32, #tpu.memory_space<vmem>>, vector<16xi32>,
    %add3A_1166 = arith.constant 80 : i32
    %add3A_1167 = arith.addi %add3A_1124, %add3A_1166 : i32
    %add3A_1168 = vector.broadcast %add3A_1167 : i32 to vector<16xi32>
    %add3A_1169 = arith.addi %iota3A_1125, %add3A_1168 : vector<16xi32>
    %swap3A_1170 = arith.constant 80 : index
    %swap3A_1171 = tpu.vector_load %arg14[%swap3A_1170] {strides = array<i32>} : memref<128xi32, #tpu.memory_space<vmem>>, vector<16xi32>,
    %swap3A_1172 = vector.shape_cast %swap3A_1171 : vector<16xi32> to vector<16xi32>
    %swap3A_1173 = vector.shape_cast %add3A_1169 : vector<16xi32> to vector<16xi32>
    tpu.vector_store %arg14[%swap3A_1170], %swap3A_1173 {strides = array<i32>} : memref<128xi32, #tpu.memory_space<vmem>>, vector<16xi32>,
    %add3A_1174 = arith.constant 96 : i32
    %add3A_1175 = arith.addi %add3A_1124, %add3A_1174 : i32
    %add3A_1176 = vector.broadcast %add3A_1175 : i32 to vector<16xi32>
    %add3A_1177 = arith.addi %iota3A_1125, %add3A_1176 : vector<16xi32>
    %swap3A_1178 = arith.constant 96 : index
    %swap3A_1179 = tpu.vector_load %arg14[%swap3A_1178] {strides = array<i32>} : memref<128xi32, #tpu.memory_space<vmem>>, vector<16xi32>,
    %swap3A_1180 = vector.shape_cast %swap3A_1179 : vector<16xi32> to vector<16xi32>
    %swap3A_1181 = vector.shape_cast %add3A_1177 : vector<16xi32> to vector<16xi32>
    tpu.vector_store %arg14[%swap3A_1178], %swap3A_1181 {strides = array<i32>} : memref<128xi32, #tpu.memory_space<vmem>>, vector<16xi32>,
    %add3A_1182 = arith.constant 112 : i32
    %add3A_1183 = arith.addi %add3A_1124, %add3A_1182 : i32
    %add3A_1184 = vector.broadcast %add3A_1183 : i32 to vector<16xi32>
    %add3A_1185 = arith.addi %iota3A_1125, %add3A_1184 : vector<16xi32>
    %swap3A_1186 = arith.constant 112 : index
    %swap3A_1187 = tpu.vector_load %arg14[%swap3A_1186] {strides = array<i32>} : memref<128xi32, #tpu.memory_space<vmem>>, vector<16xi32>,
    %swap3A_1188 = vector.shape_cast %swap3A_1187 : vector<16xi32> to vector<16xi32>
    %swap3A_1189 = vector.shape_cast %add3A_1185 : vector<16xi32> to vector<16xi32>
    tpu.vector_store %arg14[%swap3A_1186], %swap3A_1189 {strides = array<i32>} : memref<128xi32, #tpu.memory_space<vmem>>, vector<16xi32>,
    %dma_start3A_1190 = arith.constant 0 : i32
    %dma_start3A_1191 = arith.constant 0 : i32
    %dma_start3A_1192 = tpu.memref_slice %arg19[%dma_start3A_1190, %dma_start3A_1191] : memref<128x16xf32, #tpu.memory_space<vmem>> -> memref<128x16xf32, #tpu.memory_space<vmem>>
    %dma_start3A_1193 = arith.constant 0 : i32
    %dma_start3A_1194 = arith.constant 0 : i32
    %dma_start3A_1195 = tpu.memref_slice %arg22[%dma_start3A_1193, %dma_start3A_1194] : memref<10000x16xf32, #tpu.memory_space<vmem_shared>> -> memref<10000x16xf32, #tpu.memory_space<vmem_shared>>
    tpu.enqueue_indirect_dma source(%dma_start3A_1195 : memref<10000x16xf32, #tpu.memory_space<vmem_shared>>) target(%dma_start3A_1192 : memref<128x16xf32, #tpu.memory_space<vmem>>) offsets(%arg14 : memref<128xi32, #tpu.memory_space<vmem>>) semaphore(%arg23 : memref<!tpu.dma_semaphore, #tpu.memory_space<semaphore_mem>>)
    %dma_wait3A_1196 = arith.constant 0 : i32
    %dma_wait3A_1197 = arith.constant 0 : i32
    %dma_wait3A_1198 = tpu.memref_slice %arg19[%dma_wait3A_1196, %dma_wait3A_1197] : memref<128x16xf32, #tpu.memory_space<vmem>> -> memref<128x16xf32, #tpu.memory_space<vmem>>
    %dma_wait3A_1199 = arith.constant 0 : i32
    %dma_wait3A_1200 = arith.constant 0 : i32
    %dma_wait3A_1201 = tpu.memref_slice %arg22[%dma_wait3A_1199, %dma_wait3A_1200] : memref<10000x16xf32, #tpu.memory_space<vmem_shared>> -> memref<10000x16xf32, #tpu.memory_space<vmem_shared>>
    tpu.wait_indirect_dma semaphore(%arg23 : memref<!tpu.dma_semaphore, #tpu.memory_space<semaphore_mem>>) src(%dma_wait3A_1201 : memref<10000x16xf32, #tpu.memory_space<vmem_shared>>) dst(%dma_wait3A_1198 : memref<128x16xf32, #tpu.memory_space<vmem>>)
    %add3A_1202 = arith.constant 256 : i32
    %add3A_1203 = arith.addi %multiple_of3A, %add3A_1202 : i32
    "tpu.region"() ({
      %run_scoped3A = tpu.sem_alloc : memref<!tpu.dma_semaphore, #tpu.memory_space<semaphore_mem>>
      %dma_start3A_1363 = arith.constant 0 : i32
      %dma_start3A_1364 = arith.constant 0 : i32
      %dma_start3A_1365 = tpu.memref_slice %arg19[%dma_start3A_1363, %dma_start3A_1364] : memref<128x16xf32, #tpu.memory_space<vmem>> -> memref<128x16xf32, #tpu.memory_space<vmem>>
      %dma_start3A_1366 = arith.constant 0 : i32
      %dma_start3A_1367 = tpu.memref_slice %arg9[%arg0, %add3A_1203, %dma_start3A_1366] : memref<2x10000x16xf32, #tpu.memory_space<hbm>> -> memref<1x128x16xf32, #tpu.memory_space<hbm>>
      %dma_start3A_1368 = tpu.memref_squeeze %dma_start3A_1367 : memref<1x128x16xf32, #tpu.memory_space<hbm>> -> memref<128x16xf32, #tpu.memory_space<hbm>>
      %dma_start3A_1369 = arith.constant 0 : i32
      %dma_start3A_1370 = tpu.memref_slice %arg9[%arg0, %add3A_1203, %dma_start3A_1369] : memref<2x10000x16xf32, #tpu.memory_space<hbm>> -> memref<1x128x16xf32, #tpu.memory_space<hbm>>
      %dma_start3A_1371 = tpu.memref_squeeze %dma_start3A_1370 : memref<1x128x16xf32, #tpu.memory_space<hbm>> -> memref<128x16xf32, #tpu.memory_space<hbm>>
      %dma_start3A_1372 = arith.constant 0 : i32
      %dma_start3A_1373 = arith.constant 0 : i32
      %dma_start3A_1374 = tpu.memref_slice %arg19[%dma_start3A_1372, %dma_start3A_1373] : memref<128x16xf32, #tpu.memory_space<vmem>> -> memref<128x16xf32, #tpu.memory_space<vmem>>
      tpu.enqueue_dma source(%dma_start3A_1374 : memref<128x16xf32, #tpu.memory_space<vmem>>) target(%dma_start3A_1371 : memref<128x16xf32, #tpu.memory_space<hbm>>) target_semaphore(%run_scoped3A : memref<!tpu.dma_semaphore, #tpu.memory_space<semaphore_mem>>)
      %dma_wait3A_1375 = arith.constant 0 : i32
      %dma_wait3A_1376 = arith.constant 0 : i32
      %dma_wait3A_1377 = tpu.memref_slice %arg19[%dma_wait3A_1375, %dma_wait3A_1376] : memref<128x16xf32, #tpu.memory_space<vmem>> -> memref<128x16xf32, #tpu.memory_space<vmem>>
      %dma_wait3A_1378 = arith.constant 0 : i32
      %dma_wait3A_1379 = tpu.memref_slice %arg9[%arg0, %add3A_1203, %dma_wait3A_1378] : memref<2x10000x16xf32, #tpu.memory_space<hbm>> -> memref<1x128x16xf32, #tpu.memory_space<hbm>>
      %dma_wait3A_1380 = tpu.memref_squeeze %dma_wait3A_1379 : memref<1x128x16xf32, #tpu.memory_space<hbm>> -> memref<128x16xf32, #tpu.memory_space<hbm>>
      %dma_wait3A_1381 = arith.constant 0 : i32
      %dma_wait3A_1382 = tpu.memref_slice %arg9[%arg0, %add3A_1203, %dma_wait3A_1381] : memref<2x10000x16xf32, #tpu.memory_space<hbm>> -> memref<1x128x16xf32, #tpu.memory_space<hbm>>
      %dma_wait3A_1383 = tpu.memref_squeeze %dma_wait3A_1382 : memref<1x128x16xf32, #tpu.memory_space<hbm>> -> memref<128x16xf32, #tpu.memory_space<hbm>>
      %dma_wait3A_1384 = arith.constant 0 : i32
      %dma_wait3A_1385 = arith.constant 0 : i32
      %dma_wait3A_1386 = tpu.memref_slice %arg19[%dma_wait3A_1384, %dma_wait3A_1385] : memref<128x16xf32, #tpu.memory_space<vmem>> -> memref<128x16xf32, #tpu.memory_space<vmem>>
      tpu.wait_dma2 semaphore(%run_scoped3A : memref<!tpu.dma_semaphore, #tpu.memory_space<semaphore_mem>>) src(%dma_wait3A_1386 : memref<128x16xf32, #tpu.memory_space<vmem>>) dst(%dma_wait3A_1383 : memref<128x16xf32, #tpu.memory_space<hbm>>)
      tpu.yield
    }) : () -> ()
    %add3A_1204 = arith.constant 384 : i32
    %add3A_1205 = arith.addi %multiple_of3A, %add3A_1204 : i32
    %iota3A_1206 = tpu.iota {dimensions = array<i32: 0>} : vector<16xi32>
    %add3A_1207 = arith.constant 0 : i32
    %add3A_1208 = arith.addi %add3A_1205, %add3A_1207 : i32
    %add3A_1209 = vector.broadcast %add3A_1208 : i32 to vector<16xi32>
    %add3A_1210 = arith.addi %iota3A_1206, %add3A_1209 : vector<16xi32>
    %swap3A_1211 = arith.constant 0 : index
    %swap3A_1212 = tpu.vector_load %arg14[%swap3A_1211] {strides = array<i32>} : memref<128xi32, #tpu.memory_space<vmem>>, vector<16xi32>,
    %swap3A_1213 = vector.shape_cast %swap3A_1212 : vector<16xi32> to vector<16xi32>
    %swap3A_1214 = vector.shape_cast %add3A_1210 : vector<16xi32> to vector<16xi32>
    tpu.vector_store %arg14[%swap3A_1211], %swap3A_1214 {strides = array<i32>} : memref<128xi32, #tpu.memory_space<vmem>>, vector<16xi32>,
    %add3A_1215 = arith.constant 16 : i32
    %add3A_1216 = arith.addi %add3A_1205, %add3A_1215 : i32
    %add3A_1217 = vector.broadcast %add3A_1216 : i32 to vector<16xi32>
    %add3A_1218 = arith.addi %iota3A_1206, %add3A_1217 : vector<16xi32>
    %swap3A_1219 = arith.constant 16 : index
    %swap3A_1220 = tpu.vector_load %arg14[%swap3A_1219] {strides = array<i32>} : memref<128xi32, #tpu.memory_space<vmem>>, vector<16xi32>,
    %swap3A_1221 = vector.shape_cast %swap3A_1220 : vector<16xi32> to vector<16xi32>
    %swap3A_1222 = vector.shape_cast %add3A_1218 : vector<16xi32> to vector<16xi32>
    tpu.vector_store %arg14[%swap3A_1219], %swap3A_1222 {strides = array<i32>} : memref<128xi32, #tpu.memory_space<vmem>>, vector<16xi32>,
    %add3A_1223 = arith.constant 32 : i32
    %add3A_1224 = arith.addi %add3A_1205, %add3A_1223 : i32
    %add3A_1225 = vector.broadcast %add3A_1224 : i32 to vector<16xi32>
    %add3A_1226 = arith.addi %iota3A_1206, %add3A_1225 : vector<16xi32>
    %swap3A_1227 = arith.constant 32 : index
    %swap3A_1228 = tpu.vector_load %arg14[%swap3A_1227] {strides = array<i32>} : memref<128xi32, #tpu.memory_space<vmem>>, vector<16xi32>,
    %swap3A_1229 = vector.shape_cast %swap3A_1228 : vector<16xi32> to vector<16xi32>
    %swap3A_1230 = vector.shape_cast %add3A_1226 : vector<16xi32> to vector<16xi32>
    tpu.vector_store %arg14[%swap3A_1227], %swap3A_1230 {strides = array<i32>} : memref<128xi32, #tpu.memory_space<vmem>>, vector<16xi32>,
    %add3A_1231 = arith.constant 48 : i32
    %add3A_1232 = arith.addi %add3A_1205, %add3A_1231 : i32
    %add3A_1233 = vector.broadcast %add3A_1232 : i32 to vector<16xi32>
    %add3A_1234 = arith.addi %iota3A_1206, %add3A_1233 : vector<16xi32>
    %swap3A_1235 = arith.constant 48 : index
    %swap3A_1236 = tpu.vector_load %arg14[%swap3A_1235] {strides = array<i32>} : memref<128xi32, #tpu.memory_space<vmem>>, vector<16xi32>,
    %swap3A_1237 = vector.shape_cast %swap3A_1236 : vector<16xi32> to vector<16xi32>
    %swap3A_1238 = vector.shape_cast %add3A_1234 : vector<16xi32> to vector<16xi32>
    tpu.vector_store %arg14[%swap3A_1235], %swap3A_1238 {strides = array<i32>} : memref<128xi32, #tpu.memory_space<vmem>>, vector<16xi32>,
    %add3A_1239 = arith.constant 64 : i32
    %add3A_1240 = arith.addi %add3A_1205, %add3A_1239 : i32
    %add3A_1241 = vector.broadcast %add3A_1240 : i32 to vector<16xi32>
    %add3A_1242 = arith.addi %iota3A_1206, %add3A_1241 : vector<16xi32>
    %swap3A_1243 = arith.constant 64 : index
    %swap3A_1244 = tpu.vector_load %arg14[%swap3A_1243] {strides = array<i32>} : memref<128xi32, #tpu.memory_space<vmem>>, vector<16xi32>,
    %swap3A_1245 = vector.shape_cast %swap3A_1244 : vector<16xi32> to vector<16xi32>
    %swap3A_1246 = vector.shape_cast %add3A_1242 : vector<16xi32> to vector<16xi32>
    tpu.vector_store %arg14[%swap3A_1243], %swap3A_1246 {strides = array<i32>} : memref<128xi32, #tpu.memory_space<vmem>>, vector<16xi32>,
    %add3A_1247 = arith.constant 80 : i32
    %add3A_1248 = arith.addi %add3A_1205, %add3A_1247 : i32
    %add3A_1249 = vector.broadcast %add3A_1248 : i32 to vector<16xi32>
    %add3A_1250 = arith.addi %iota3A_1206, %add3A_1249 : vector<16xi32>
    %swap3A_1251 = arith.constant 80 : index
    %swap3A_1252 = tpu.vector_load %arg14[%swap3A_1251] {strides = array<i32>} : memref<128xi32, #tpu.memory_space<vmem>>, vector<16xi32>,
    %swap3A_1253 = vector.shape_cast %swap3A_1252 : vector<16xi32> to vector<16xi32>
    %swap3A_1254 = vector.shape_cast %add3A_1250 : vector<16xi32> to vector<16xi32>
    tpu.vector_store %arg14[%swap3A_1251], %swap3A_1254 {strides = array<i32>} : memref<128xi32, #tpu.memory_space<vmem>>, vector<16xi32>,
    %add3A_1255 = arith.constant 96 : i32
    %add3A_1256 = arith.addi %add3A_1205, %add3A_1255 : i32
    %add3A_1257 = vector.broadcast %add3A_1256 : i32 to vector<16xi32>
    %add3A_1258 = arith.addi %iota3A_1206, %add3A_1257 : vector<16xi32>
    %swap3A_1259 = arith.constant 96 : index
    %swap3A_1260 = tpu.vector_load %arg14[%swap3A_1259] {strides = array<i32>} : memref<128xi32, #tpu.memory_space<vmem>>, vector<16xi32>,
    %swap3A_1261 = vector.shape_cast %swap3A_1260 : vector<16xi32> to vector<16xi32>
    %swap3A_1262 = vector.shape_cast %add3A_1258 : vector<16xi32> to vector<16xi32>
    tpu.vector_store %arg14[%swap3A_1259], %swap3A_1262 {strides = array<i32>} : memref<128xi32, #tpu.memory_space<vmem>>, vector<16xi32>,
    %add3A_1263 = arith.constant 112 : i32
    %add3A_1264 = arith.addi %add3A_1205, %add3A_1263 : i32
    %add3A_1265 = vector.broadcast %add3A_1264 : i32 to vector<16xi32>
    %add3A_1266 = arith.addi %iota3A_1206, %add3A_1265 : vector<16xi32>
    %swap3A_1267 = arith.constant 112 : index
    %swap3A_1268 = tpu.vector_load %arg14[%swap3A_1267] {strides = array<i32>} : memref<128xi32, #tpu.memory_space<vmem>>, vector<16xi32>,
    %swap3A_1269 = vector.shape_cast %swap3A_1268 : vector<16xi32> to vector<16xi32>
    %swap3A_1270 = vector.shape_cast %add3A_1266 : vector<16xi32> to vector<16xi32>
    tpu.vector_store %arg14[%swap3A_1267], %swap3A_1270 {strides = array<i32>} : memref<128xi32, #tpu.memory_space<vmem>>, vector<16xi32>,
    %dma_start3A_1271 = arith.constant 0 : i32
    %dma_start3A_1272 = arith.constant 0 : i32
    %dma_start3A_1273 = tpu.memref_slice %arg19[%dma_start3A_1271, %dma_start3A_1272] : memref<128x16xf32, #tpu.memory_space<vmem>> -> memref<128x16xf32, #tpu.memory_space<vmem>>
    %dma_start3A_1274 = arith.constant 0 : i32
    %dma_start3A_1275 = arith.constant 0 : i32
    %dma_start3A_1276 = tpu.memref_slice %arg22[%dma_start3A_1274, %dma_start3A_1275] : memref<10000x16xf32, #tpu.memory_space<vmem_shared>> -> memref<10000x16xf32, #tpu.memory_space<vmem_shared>>
    tpu.enqueue_indirect_dma source(%dma_start3A_1276 : memref<10000x16xf32, #tpu.memory_space<vmem_shared>>) target(%dma_start3A_1273 : memref<128x16xf32, #tpu.memory_space<vmem>>) offsets(%arg14 : memref<128xi32, #tpu.memory_space<vmem>>) semaphore(%arg23 : memref<!tpu.dma_semaphore, #tpu.memory_space<semaphore_mem>>)
    %dma_wait3A_1277 = arith.constant 0 : i32
    %dma_wait3A_1278 = arith.constant 0 : i32
    %dma_wait3A_1279 = tpu.memref_slice %arg19[%dma_wait3A_1277, %dma_wait3A_1278] : memref<128x16xf32, #tpu.memory_space<vmem>> -> memref<128x16xf32, #tpu.memory_space<vmem>>
    %dma_wait3A_1280 = arith.constant 0 : i32
    %dma_wait3A_1281 = arith.constant 0 : i32
    %dma_wait3A_1282 = tpu.memref_slice %arg22[%dma_wait3A_1280, %dma_wait3A_1281] : memref<10000x16xf32, #tpu.memory_space<vmem_shared>> -> memref<10000x16xf32, #tpu.memory_space<vmem_shared>>
    tpu.wait_indirect_dma semaphore(%arg23 : memref<!tpu.dma_semaphore, #tpu.memory_space<semaphore_mem>>) src(%dma_wait3A_1282 : memref<10000x16xf32, #tpu.memory_space<vmem_shared>>) dst(%dma_wait3A_1279 : memref<128x16xf32, #tpu.memory_space<vmem>>)
    %add3A_1283 = arith.constant 384 : i32
    %add3A_1284 = arith.addi %multiple_of3A, %add3A_1283 : i32
    "tpu.region"() ({
      %run_scoped3A = tpu.sem_alloc : memref<!tpu.dma_semaphore, #tpu.memory_space<semaphore_mem>>
      %dma_start3A_1363 = arith.constant 0 : i32
      %dma_start3A_1364 = arith.constant 0 : i32
      %dma_start3A_1365 = tpu.memref_slice %arg19[%dma_start3A_1363, %dma_start3A_1364] : memref<128x16xf32, #tpu.memory_space<vmem>> -> memref<128x16xf32, #tpu.memory_space<vmem>>
      %dma_start3A_1366 = arith.constant 0 : i32
      %dma_start3A_1367 = tpu.memref_slice %arg9[%arg0, %add3A_1284, %dma_start3A_1366] : memref<2x10000x16xf32, #tpu.memory_space<hbm>> -> memref<1x128x16xf32, #tpu.memory_space<hbm>>
      %dma_start3A_1368 = tpu.memref_squeeze %dma_start3A_1367 : memref<1x128x16xf32, #tpu.memory_space<hbm>> -> memref<128x16xf32, #tpu.memory_space<hbm>>
      %dma_start3A_1369 = arith.constant 0 : i32
      %dma_start3A_1370 = tpu.memref_slice %arg9[%arg0, %add3A_1284, %dma_start3A_1369] : memref<2x10000x16xf32, #tpu.memory_space<hbm>> -> memref<1x128x16xf32, #tpu.memory_space<hbm>>
      %dma_start3A_1371 = tpu.memref_squeeze %dma_start3A_1370 : memref<1x128x16xf32, #tpu.memory_space<hbm>> -> memref<128x16xf32, #tpu.memory_space<hbm>>
      %dma_start3A_1372 = arith.constant 0 : i32
      %dma_start3A_1373 = arith.constant 0 : i32
      %dma_start3A_1374 = tpu.memref_slice %arg19[%dma_start3A_1372, %dma_start3A_1373] : memref<128x16xf32, #tpu.memory_space<vmem>> -> memref<128x16xf32, #tpu.memory_space<vmem>>
      tpu.enqueue_dma source(%dma_start3A_1374 : memref<128x16xf32, #tpu.memory_space<vmem>>) target(%dma_start3A_1371 : memref<128x16xf32, #tpu.memory_space<hbm>>) target_semaphore(%run_scoped3A : memref<!tpu.dma_semaphore, #tpu.memory_space<semaphore_mem>>)
      %dma_wait3A_1375 = arith.constant 0 : i32
      %dma_wait3A_1376 = arith.constant 0 : i32
      %dma_wait3A_1377 = tpu.memref_slice %arg19[%dma_wait3A_1375, %dma_wait3A_1376] : memref<128x16xf32, #tpu.memory_space<vmem>> -> memref<128x16xf32, #tpu.memory_space<vmem>>
      %dma_wait3A_1378 = arith.constant 0 : i32
      %dma_wait3A_1379 = tpu.memref_slice %arg9[%arg0, %add3A_1284, %dma_wait3A_1378] : memref<2x10000x16xf32, #tpu.memory_space<hbm>> -> memref<1x128x16xf32, #tpu.memory_space<hbm>>
      %dma_wait3A_1380 = tpu.memref_squeeze %dma_wait3A_1379 : memref<1x128x16xf32, #tpu.memory_space<hbm>> -> memref<128x16xf32, #tpu.memory_space<hbm>>
      %dma_wait3A_1381 = arith.constant 0 : i32
      %dma_wait3A_1382 = tpu.memref_slice %arg9[%arg0, %add3A_1284, %dma_wait3A_1381] : memref<2x10000x16xf32, #tpu.memory_space<hbm>> -> memref<1x128x16xf32, #tpu.memory_space<hbm>>
      %dma_wait3A_1383 = tpu.memref_squeeze %dma_wait3A_1382 : memref<1x128x16xf32, #tpu.memory_space<hbm>> -> memref<128x16xf32, #tpu.memory_space<hbm>>
      %dma_wait3A_1384 = arith.constant 0 : i32
      %dma_wait3A_1385 = arith.constant 0 : i32
      %dma_wait3A_1386 = tpu.memref_slice %arg19[%dma_wait3A_1384, %dma_wait3A_1385] : memref<128x16xf32, #tpu.memory_space<vmem>> -> memref<128x16xf32, #tpu.memory_space<vmem>>
      tpu.wait_dma2 semaphore(%run_scoped3A : memref<!tpu.dma_semaphore, #tpu.memory_space<semaphore_mem>>) src(%dma_wait3A_1386 : memref<128x16xf32, #tpu.memory_space<vmem>>) dst(%dma_wait3A_1383 : memref<128x16xf32, #tpu.memory_space<hbm>>)
      tpu.yield
    }) : () -> ()
    %add3A_1285 = arith.constant 512 : i32
    %add3A_1286 = arith.addi %multiple_of3A, %add3A_1285 : i32
    %iota3A_1287 = tpu.iota {dimensions = array<i32: 0>} : vector<16xi32>
    %add3A_1288 = arith.constant 0 : i32
    %add3A_1289 = arith.addi %add3A_1286, %add3A_1288 : i32
    %add3A_1290 = vector.broadcast %add3A_1289 : i32 to vector<16xi32>
    %add3A_1291 = arith.addi %iota3A_1287, %add3A_1290 : vector<16xi32>
    %swap3A_1292 = arith.constant 0 : index
    %swap3A_1293 = tpu.vector_load %arg15[%swap3A_1292] {strides = array<i32>} : memref<112xi32, #tpu.memory_space<vmem>>, vector<16xi32>,
    %swap3A_1294 = vector.shape_cast %swap3A_1293 : vector<16xi32> to vector<16xi32>
    %swap3A_1295 = vector.shape_cast %add3A_1291 : vector<16xi32> to vector<16xi32>
    tpu.vector_store %arg15[%swap3A_1292], %swap3A_1295 {strides = array<i32>} : memref<112xi32, #tpu.memory_space<vmem>>, vector<16xi32>,
    %add3A_1296 = arith.constant 16 : i32
    %add3A_1297 = arith.addi %add3A_1286, %add3A_1296 : i32
    %add3A_1298 = vector.broadcast %add3A_1297 : i32 to vector<16xi32>
    %add3A_1299 = arith.addi %iota3A_1287, %add3A_1298 : vector<16xi32>
    %swap3A_1300 = arith.constant 16 : index
    %swap3A_1301 = tpu.vector_load %arg15[%swap3A_1300] {strides = array<i32>} : memref<112xi32, #tpu.memory_space<vmem>>, vector<16xi32>,
    %swap3A_1302 = vector.shape_cast %swap3A_1301 : vector<16xi32> to vector<16xi32>
    %swap3A_1303 = vector.shape_cast %add3A_1299 : vector<16xi32> to vector<16xi32>
    tpu.vector_store %arg15[%swap3A_1300], %swap3A_1303 {strides = array<i32>} : memref<112xi32, #tpu.memory_space<vmem>>, vector<16xi32>,
    %add3A_1304 = arith.constant 32 : i32
    %add3A_1305 = arith.addi %add3A_1286, %add3A_1304 : i32
    %add3A_1306 = vector.broadcast %add3A_1305 : i32 to vector<16xi32>
    %add3A_1307 = arith.addi %iota3A_1287, %add3A_1306 : vector<16xi32>
    %swap3A_1308 = arith.constant 32 : index
    %swap3A_1309 = tpu.vector_load %arg15[%swap3A_1308] {strides = array<i32>} : memref<112xi32, #tpu.memory_space<vmem>>, vector<16xi32>,
    %swap3A_1310 = vector.shape_cast %swap3A_1309 : vector<16xi32> to vector<16xi32>
    %swap3A_1311 = vector.shape_cast %add3A_1307 : vector<16xi32> to vector<16xi32>
    tpu.vector_store %arg15[%swap3A_1308], %swap3A_1311 {strides = array<i32>} : memref<112xi32, #tpu.memory_space<vmem>>, vector<16xi32>,
    %add3A_1312 = arith.constant 48 : i32
    %add3A_1313 = arith.addi %add3A_1286, %add3A_1312 : i32
    %add3A_1314 = vector.broadcast %add3A_1313 : i32 to vector<16xi32>
    %add3A_1315 = arith.addi %iota3A_1287, %add3A_1314 : vector<16xi32>
    %swap3A_1316 = arith.constant 48 : index
    %swap3A_1317 = tpu.vector_load %arg15[%swap3A_1316] {strides = array<i32>} : memref<112xi32, #tpu.memory_space<vmem>>, vector<16xi32>,
    %swap3A_1318 = vector.shape_cast %swap3A_1317 : vector<16xi32> to vector<16xi32>
    %swap3A_1319 = vector.shape_cast %add3A_1315 : vector<16xi32> to vector<16xi32>
    tpu.vector_store %arg15[%swap3A_1316], %swap3A_1319 {strides = array<i32>} : memref<112xi32, #tpu.memory_space<vmem>>, vector<16xi32>,
    %add3A_1320 = arith.constant 64 : i32
    %add3A_1321 = arith.addi %add3A_1286, %add3A_1320 : i32
    %add3A_1322 = vector.broadcast %add3A_1321 : i32 to vector<16xi32>
    %add3A_1323 = arith.addi %iota3A_1287, %add3A_1322 : vector<16xi32>
    %swap3A_1324 = arith.constant 64 : index
    %swap3A_1325 = tpu.vector_load %arg15[%swap3A_1324] {strides = array<i32>} : memref<112xi32, #tpu.memory_space<vmem>>, vector<16xi32>,
    %swap3A_1326 = vector.shape_cast %swap3A_1325 : vector<16xi32> to vector<16xi32>
    %swap3A_1327 = vector.shape_cast %add3A_1323 : vector<16xi32> to vector<16xi32>
    tpu.vector_store %arg15[%swap3A_1324], %swap3A_1327 {strides = array<i32>} : memref<112xi32, #tpu.memory_space<vmem>>, vector<16xi32>,
    %add3A_1328 = arith.constant 80 : i32
    %add3A_1329 = arith.addi %add3A_1286, %add3A_1328 : i32
    %add3A_1330 = vector.broadcast %add3A_1329 : i32 to vector<16xi32>
    %add3A_1331 = arith.addi %iota3A_1287, %add3A_1330 : vector<16xi32>
    %swap3A_1332 = arith.constant 80 : index
    %swap3A_1333 = tpu.vector_load %arg15[%swap3A_1332] {strides = array<i32>} : memref<112xi32, #tpu.memory_space<vmem>>, vector<16xi32>,
    %swap3A_1334 = vector.shape_cast %swap3A_1333 : vector<16xi32> to vector<16xi32>
    %swap3A_1335 = vector.shape_cast %add3A_1331 : vector<16xi32> to vector<16xi32>
    tpu.vector_store %arg15[%swap3A_1332], %swap3A_1335 {strides = array<i32>} : memref<112xi32, #tpu.memory_space<vmem>>, vector<16xi32>,
    %add3A_1336 = arith.constant 96 : i32
    %add3A_1337 = arith.addi %add3A_1286, %add3A_1336 : i32
    %add3A_1338 = vector.broadcast %add3A_1337 : i32 to vector<16xi32>
    %add3A_1339 = arith.addi %iota3A_1287, %add3A_1338 : vector<16xi32>
    %swap3A_1340 = arith.constant 96 : index
    %swap3A_1341 = tpu.vector_load %arg15[%swap3A_1340] {strides = array<i32>} : memref<112xi32, #tpu.memory_space<vmem>>, vector<16xi32>,
    %swap3A_1342 = vector.shape_cast %swap3A_1341 : vector<16xi32> to vector<16xi32>
    %swap3A_1343 = vector.shape_cast %add3A_1339 : vector<16xi32> to vector<16xi32>
    tpu.vector_store %arg15[%swap3A_1340], %swap3A_1343 {strides = array<i32>} : memref<112xi32, #tpu.memory_space<vmem>>, vector<16xi32>,
    %dma_start3A_1344 = arith.constant 0 : i32
    %dma_start3A_1345 = arith.constant 0 : i32
    %dma_start3A_1346 = tpu.memref_slice %arg19[%dma_start3A_1344, %dma_start3A_1345] : memref<128x16xf32, #tpu.memory_space<vmem>> -> memref<112x16xf32, #tpu.memory_space<vmem>>
    %dma_start3A_1347 = arith.constant 0 : i32
    %dma_start3A_1348 = arith.constant 0 : i32
    %dma_start3A_1349 = tpu.memref_slice %arg22[%dma_start3A_1347, %dma_start3A_1348] : memref<10000x16xf32, #tpu.memory_space<vmem_shared>> -> memref<10000x16xf32, #tpu.memory_space<vmem_shared>>
    tpu.enqueue_indirect_dma source(%dma_start3A_1349 : memref<10000x16xf32, #tpu.memory_space<vmem_shared>>) target(%dma_start3A_1346 : memref<112x16xf32, #tpu.memory_space<vmem>>) offsets(%arg15 : memref<112xi32, #tpu.memory_space<vmem>>) semaphore(%arg23 : memref<!tpu.dma_semaphore, #tpu.memory_space<semaphore_mem>>)
    %dma_wait3A_1350 = arith.constant 0 : i32
    %dma_wait3A_1351 = arith.constant 0 : i32
    %dma_wait3A_1352 = tpu.memref_slice %arg19[%dma_wait3A_1350, %dma_wait3A_1351] : memref<128x16xf32, #tpu.memory_space<vmem>> -> memref<112x16xf32, #tpu.memory_space<vmem>>
    %dma_wait3A_1353 = arith.constant 0 : i32
    %dma_wait3A_1354 = arith.constant 0 : i32
    %dma_wait3A_1355 = tpu.memref_slice %arg22[%dma_wait3A_1353, %dma_wait3A_1354] : memref<10000x16xf32, #tpu.memory_space<vmem_shared>> -> memref<10000x16xf32, #tpu.memory_space<vmem_shared>>
    tpu.wait_indirect_dma semaphore(%arg23 : memref<!tpu.dma_semaphore, #tpu.memory_space<semaphore_mem>>) src(%dma_wait3A_1355 : memref<10000x16xf32, #tpu.memory_space<vmem_shared>>) dst(%dma_wait3A_1352 : memref<112x16xf32, #tpu.memory_space<vmem>>)
    %add3A_1356 = arith.constant 512 : i32
    %add3A_1357 = arith.addi %multiple_of3A, %add3A_1356 : i32
    "tpu.region"() ({
      %run_scoped3A = tpu.sem_alloc : memref<!tpu.dma_semaphore, #tpu.memory_space<semaphore_mem>>
      %dma_start3A_1363 = arith.constant 0 : i32
      %dma_start3A_1364 = arith.constant 0 : i32
      %dma_start3A_1365 = tpu.memref_slice %arg19[%dma_start3A_1363, %dma_start3A_1364] : memref<128x16xf32, #tpu.memory_space<vmem>> -> memref<112x16xf32, #tpu.memory_space<vmem>>
      %dma_start3A_1366 = arith.constant 0 : i32
      %dma_start3A_1367 = tpu.memref_slice %arg9[%arg0, %add3A_1357, %dma_start3A_1366] : memref<2x10000x16xf32, #tpu.memory_space<hbm>> -> memref<1x112x16xf32, #tpu.memory_space<hbm>>
      %dma_start3A_1368 = tpu.memref_squeeze %dma_start3A_1367 : memref<1x112x16xf32, #tpu.memory_space<hbm>> -> memref<112x16xf32, #tpu.memory_space<hbm>>
      %dma_start3A_1369 = arith.constant 0 : i32
      %dma_start3A_1370 = tpu.memref_slice %arg9[%arg0, %add3A_1357, %dma_start3A_1369] : memref<2x10000x16xf32, #tpu.memory_space<hbm>> -> memref<1x112x16xf32, #tpu.memory_space<hbm>>
      %dma_start3A_1371 = tpu.memref_squeeze %dma_start3A_1370 : memref<1x112x16xf32, #tpu.memory_space<hbm>> -> memref<112x16xf32, #tpu.memory_space<hbm>>
      %dma_start3A_1372 = arith.constant 0 : i32
      %dma_start3A_1373 = arith.constant 0 : i32
      %dma_start3A_1374 = tpu.memref_slice %arg19[%dma_start3A_1372, %dma_start3A_1373] : memref<128x16xf32, #tpu.memory_space<vmem>> -> memref<112x16xf32, #tpu.memory_space<vmem>>
      tpu.enqueue_dma source(%dma_start3A_1374 : memref<112x16xf32, #tpu.memory_space<vmem>>) target(%dma_start3A_1371 : memref<112x16xf32, #tpu.memory_space<hbm>>) target_semaphore(%run_scoped3A : memref<!tpu.dma_semaphore, #tpu.memory_space<semaphore_mem>>)
      %dma_wait3A_1375 = arith.constant 0 : i32
      %dma_wait3A_1376 = arith.constant 0 : i32
      %dma_wait3A_1377 = tpu.memref_slice %arg19[%dma_wait3A_1375, %dma_wait3A_1376] : memref<128x16xf32, #tpu.memory_space<vmem>> -> memref<112x16xf32, #tpu.memory_space<vmem>>
      %dma_wait3A_1378 = arith.constant 0 : i32
      %dma_wait3A_1379 = tpu.memref_slice %arg9[%arg0, %add3A_1357, %dma_wait3A_1378] : memref<2x10000x16xf32, #tpu.memory_space<hbm>> -> memref<1x112x16xf32, #tpu.memory_space<hbm>>
      %dma_wait3A_1380 = tpu.memref_squeeze %dma_wait3A_1379 : memref<1x112x16xf32, #tpu.memory_space<hbm>> -> memref<112x16xf32, #tpu.memory_space<hbm>>
      %dma_wait3A_1381 = arith.constant 0 : i32
      %dma_wait3A_1382 = tpu.memref_slice %arg9[%arg0, %add3A_1357, %dma_wait3A_1381] : memref<2x10000x16xf32, #tpu.memory_space<hbm>> -> memref<1x112x16xf32, #tpu.memory_space<hbm>>
      %dma_wait3A_1383 = tpu.memref_squeeze %dma_wait3A_1382 : memref<1x112x16xf32, #tpu.memory_space<hbm>> -> memref<112x16xf32, #tpu.memory_space<hbm>>
      %dma_wait3A_1384 = arith.constant 0 : i32
      %dma_wait3A_1385 = arith.constant 0 : i32
      %dma_wait3A_1386 = tpu.memref_slice %arg19[%dma_wait3A_1384, %dma_wait3A_1385] : memref<128x16xf32, #tpu.memory_space<vmem>> -> memref<112x16xf32, #tpu.memory_space<vmem>>
      tpu.wait_dma2 semaphore(%run_scoped3A : memref<!tpu.dma_semaphore, #tpu.memory_space<semaphore_mem>>) src(%dma_wait3A_1386 : memref<112x16xf32, #tpu.memory_space<vmem>>) dst(%dma_wait3A_1383 : memref<112x16xf32, #tpu.memory_space<hbm>>)
      tpu.yield
    }) : () -> ()
    %eq3A_1358 = arith.constant 15 : i32
    %eq3A_1359 = arith.cmpi eq, %arg1, %eq3A_1358 : i32
    %convert_element_type3A_1360 = arith.extui %eq3A_1359 : i1 to i32
    %cond3A_1361 = arith.constant 0 : i32
    %cond3A_1362 = arith.cmpi ne, %convert_element_type3A_1360, %cond3A_1361 : i32
    scf.if %cond3A_1362 {
      %iota3A_1363 = tpu.iota {dimensions = array<i32: 0>} : vector<16xi32>
      %add3A_1364 = arith.constant 9984 : i32
      %add3A_1365 = vector.broadcast %add3A_1364 : i32 to vector<16xi32>
      %add3A_1366 = arith.addi %iota3A_1363, %add3A_1365 : vector<16xi32>
      %swap3A_1367 = arith.constant 0 : index
      %swap3A_1368 = tpu.vector_load %arg13[%swap3A_1367] {strides = array<i32>} : memref<16xi32, #tpu.memory_space<vmem>>, vector<16xi32>,
      %swap3A_1369 = vector.shape_cast %swap3A_1368 : vector<16xi32> to vector<16xi32>
      %swap3A_1370 = vector.shape_cast %add3A_1366 : vector<16xi32> to vector<16xi32>
      tpu.vector_store %arg13[%swap3A_1367], %swap3A_1370 {strides = array<i32>} : memref<16xi32, #tpu.memory_space<vmem>>, vector<16xi32>,
      %dma_start3A_1371 = arith.constant 0 : i32
      %dma_start3A_1372 = arith.constant 0 : i32
      %dma_start3A_1373 = tpu.memref_slice %arg21[%dma_start3A_1371, %dma_start3A_1372] : memref<10000x128xf32, #tpu.memory_space<vmem_shared>> -> memref<10000x128xf32, #tpu.memory_space<vmem_shared>>
      tpu.enqueue_indirect_dma source(%dma_start3A_1373 : memref<10000x128xf32, #tpu.memory_space<vmem_shared>>) target(%arg18 : memref<16x128xf32, #tpu.memory_space<vmem>>) offsets(%arg13 : memref<16xi32, #tpu.memory_space<vmem>>) semaphore(%arg23 : memref<!tpu.dma_semaphore, #tpu.memory_space<semaphore_mem>>)
      %dma_wait3A_1374 = arith.constant 0 : i32
      %dma_wait3A_1375 = arith.constant 0 : i32
      %dma_wait3A_1376 = tpu.memref_slice %arg21[%dma_wait3A_1374, %dma_wait3A_1375] : memref<10000x128xf32, #tpu.memory_space<vmem_shared>> -> memref<10000x128xf32, #tpu.memory_space<vmem_shared>>
      tpu.wait_indirect_dma semaphore(%arg23 : memref<!tpu.dma_semaphore, #tpu.memory_space<semaphore_mem>>) src(%dma_wait3A_1376 : memref<10000x128xf32, #tpu.memory_space<vmem_shared>>) dst(%arg18 : memref<16x128xf32, #tpu.memory_space<vmem>>)
      "tpu.region"() ({
        %run_scoped3A = tpu.sem_alloc : memref<!tpu.dma_semaphore, #tpu.memory_space<semaphore_mem>>
        %dma_start3A_1383 = arith.constant 9984 : i32
        %dma_start3A_1384 = arith.constant 0 : i32
        %dma_start3A_1385 = tpu.memref_slice %arg8[%arg0, %dma_start3A_1383, %dma_start3A_1384] : memref<2x10000x128xf32, #tpu.memory_space<hbm>> -> memref<1x16x128xf32, #tpu.memory_space<hbm>>
        %dma_start3A_1386 = tpu.memref_squeeze %dma_start3A_1385 : memref<1x16x128xf32, #tpu.memory_space<hbm>> -> memref<16x128xf32, #tpu.memory_space<hbm>>
        %dma_start3A_1387 = arith.constant 9984 : i32
        %dma_start3A_1388 = arith.constant 0 : i32
        %dma_start3A_1389 = tpu.memref_slice %arg8[%arg0, %dma_start3A_1387, %dma_start3A_1388] : memref<2x10000x128xf32, #tpu.memory_space<hbm>> -> memref<1x16x128xf32, #tpu.memory_space<hbm>>
        %dma_start3A_1390 = tpu.memref_squeeze %dma_start3A_1389 : memref<1x16x128xf32, #tpu.memory_space<hbm>> -> memref<16x128xf32, #tpu.memory_space<hbm>>
        tpu.enqueue_dma source(%arg18 : memref<16x128xf32, #tpu.memory_space<vmem>>) target(%dma_start3A_1390 : memref<16x128xf32, #tpu.memory_space<hbm>>) target_semaphore(%run_scoped3A : memref<!tpu.dma_semaphore, #tpu.memory_space<semaphore_mem>>)
        %dma_wait3A_1391 = arith.constant 9984 : i32
        %dma_wait3A_1392 = arith.constant 0 : i32
        %dma_wait3A_1393 = tpu.memref_slice %arg8[%arg0, %dma_wait3A_1391, %dma_wait3A_1392] : memref<2x10000x128xf32, #tpu.memory_space<hbm>> -> memref<1x16x128xf32, #tpu.memory_space<hbm>>
        %dma_wait3A_1394 = tpu.memref_squeeze %dma_wait3A_1393 : memref<1x16x128xf32, #tpu.memory_space<hbm>> -> memref<16x128xf32, #tpu.memory_space<hbm>>
        %dma_wait3A_1395 = arith.constant 9984 : i32
        %dma_wait3A_1396 = arith.constant 0 : i32
        %dma_wait3A_1397 = tpu.memref_slice %arg8[%arg0, %dma_wait3A_1395, %dma_wait3A_1396] : memref<2x10000x128xf32, #tpu.memory_space<hbm>> -> memref<1x16x128xf32, #tpu.memory_space<hbm>>
        %dma_wait3A_1398 = tpu.memref_squeeze %dma_wait3A_1397 : memref<1x16x128xf32, #tpu.memory_space<hbm>> -> memref<16x128xf32, #tpu.memory_space<hbm>>
        tpu.wait_dma2 semaphore(%run_scoped3A : memref<!tpu.dma_semaphore, #tpu.memory_space<semaphore_mem>>) src(%arg18 : memref<16x128xf32, #tpu.memory_space<vmem>>) dst(%dma_wait3A_1398 : memref<16x128xf32, #tpu.memory_space<hbm>>)
        tpu.yield
      }) : () -> ()
      %dma_start3A_1377 = arith.constant 0 : i32
      %dma_start3A_1378 = arith.constant 0 : i32
      %dma_start3A_1379 = tpu.memref_slice %arg22[%dma_start3A_1377, %dma_start3A_1378] : memref<10000x16xf32, #tpu.memory_space<vmem_shared>> -> memref<10000x16xf32, #tpu.memory_space<vmem_shared>>
      tpu.enqueue_indirect_dma source(%dma_start3A_1379 : memref<10000x16xf32, #tpu.memory_space<vmem_shared>>) target(%arg20 : memref<16x16xf32, #tpu.memory_space<vmem>>) offsets(%arg13 : memref<16xi32, #tpu.memory_space<vmem>>) semaphore(%arg23 : memref<!tpu.dma_semaphore, #tpu.memory_space<semaphore_mem>>)
      %dma_wait3A_1380 = arith.constant 0 : i32
      %dma_wait3A_1381 = arith.constant 0 : i32
      %dma_wait3A_1382 = tpu.memref_slice %arg22[%dma_wait3A_1380, %dma_wait3A_1381] : memref<10000x16xf32, #tpu.memory_space<vmem_shared>> -> memref<10000x16xf32, #tpu.memory_space<vmem_shared>>
      tpu.wait_indirect_dma semaphore(%arg23 : memref<!tpu.dma_semaphore, #tpu.memory_space<semaphore_mem>>) src(%dma_wait3A_1382 : memref<10000x16xf32, #tpu.memory_space<vmem_shared>>) dst(%arg20 : memref<16x16xf32, #tpu.memory_space<vmem>>)
      "tpu.region"() ({
        %run_scoped3A = tpu.sem_alloc : memref<!tpu.dma_semaphore, #tpu.memory_space<semaphore_mem>>
        %dma_start3A_1383 = arith.constant 9984 : i32
        %dma_start3A_1384 = arith.constant 0 : i32
        %dma_start3A_1385 = tpu.memref_slice %arg9[%arg0, %dma_start3A_1383, %dma_start3A_1384] : memref<2x10000x16xf32, #tpu.memory_space<hbm>> -> memref<1x16x16xf32, #tpu.memory_space<hbm>>
        %dma_start3A_1386 = tpu.memref_squeeze %dma_start3A_1385 : memref<1x16x16xf32, #tpu.memory_space<hbm>> -> memref<16x16xf32, #tpu.memory_space<hbm>>
        %dma_start3A_1387 = arith.constant 9984 : i32
        %dma_start3A_1388 = arith.constant 0 : i32
        %dma_start3A_1389 = tpu.memref_slice %arg9[%arg0, %dma_start3A_1387, %dma_start3A_1388] : memref<2x10000x16xf32, #tpu.memory_space<hbm>> -> memref<1x16x16xf32, #tpu.memory_space<hbm>>
        %dma_start3A_1390 = tpu.memref_squeeze %dma_start3A_1389 : memref<1x16x16xf32, #tpu.memory_space<hbm>> -> memref<16x16xf32, #tpu.memory_space<hbm>>
        tpu.enqueue_dma source(%arg20 : memref<16x16xf32, #tpu.memory_space<vmem>>) target(%dma_start3A_1390 : memref<16x16xf32, #tpu.memory_space<hbm>>) target_semaphore(%run_scoped3A : memref<!tpu.dma_semaphore, #tpu.memory_space<semaphore_mem>>)
        %dma_wait3A_1391 = arith.constant 9984 : i32
        %dma_wait3A_1392 = arith.constant 0 : i32
        %dma_wait3A_1393 = tpu.memref_slice %arg9[%arg0, %dma_wait3A_1391, %dma_wait3A_1392] : memref<2x10000x16xf32, #tpu.memory_space<hbm>> -> memref<1x16x16xf32, #tpu.memory_space<hbm>>
        %dma_wait3A_1394 = tpu.memref_squeeze %dma_wait3A_1393 : memref<1x16x16xf32, #tpu.memory_space<hbm>> -> memref<16x16xf32, #tpu.memory_space<hbm>>
        %dma_wait3A_1395 = arith.constant 9984 : i32
        %dma_wait3A_1396 = arith.constant 0 : i32
        %dma_wait3A_1397 = tpu.memref_slice %arg9[%arg0, %dma_wait3A_1395, %dma_wait3A_1396] : memref<2x10000x16xf32, #tpu.memory_space<hbm>> -> memref<1x16x16xf32, #tpu.memory_space<hbm>>
        %dma_wait3A_1398 = tpu.memref_squeeze %dma_wait3A_1397 : memref<1x16x16xf32, #tpu.memory_space<hbm>> -> memref<16x16xf32, #tpu.memory_space<hbm>>
        tpu.wait_dma2 semaphore(%run_scoped3A : memref<!tpu.dma_semaphore, #tpu.memory_space<semaphore_mem>>) src(%arg20 : memref<16x16xf32, #tpu.memory_space<vmem>>) dst(%dma_wait3A_1398 : memref<16x16xf32, #tpu.memory_space<hbm>>)
        tpu.yield
      }) : () -> ()
    } else {
    }
    return
  }
}

#map = affine_map<(d0, d1) -> (0, 0)>
#map1 = affine_map<(d0, d1) -> (0, 0, 0)>
module attributes {stable_mosaic.version = 14 : i64} {
  func.func @_sc_agg_body(%arg0: i32, %arg1: i32, %arg2: memref<10000x128xf32, #tpu.memory_space<hbm>>, %arg3: memref<32x10000xi32, #tpu.memory_space<hbm>>, %arg4: memref<32x10000xi32, #tpu.memory_space<hbm>>, %arg5: memref<128x128xf32, #tpu.memory_space<hbm>>, %arg6: memref<2x10000x128xf32, #tpu.memory_space<hbm>>, %arg7: memref<512xi32, #tpu.memory_space<vmem>>, %arg8: memref<512xi32, #tpu.memory_space<vmem>>, %arg9: memref<32xi32, #tpu.memory_space<vmem>>, %arg10: memref<16xi32, #tpu.memory_space<vmem>>, %arg11: memref<128xi32, #tpu.memory_space<vmem>>, %arg12: memref<112xi32, #tpu.memory_space<vmem>>, %arg13: memref<128x128xf32, #tpu.memory_space<vmem>>, %arg14: memref<128x128xf32, #tpu.memory_space<vmem>>, %arg15: memref<16x128xf32, #tpu.memory_space<vmem>>, %arg16: memref<10000x128xf32, #tpu.memory_space<vmem_shared>>, %arg17: memref<!tpu.dma_semaphore, #tpu.memory_space<semaphore_mem>>, %arg18: memref<!tpu.dma_semaphore, #tpu.memory_space<semaphore_mem>>, %arg19: memref<!tpu.dma_semaphore, #tpu.memory_space<semaphore_mem>>, %arg20: memref<!tpu.dma_semaphore, #tpu.memory_space<semaphore_mem>>, %arg21: memref<!tpu.dma_semaphore, #tpu.memory_space<semaphore_mem>>) attributes {dimension_semantics = [#tpu.dimension_semantics<core_parallel>, #tpu.dimension_semantics<subcore_parallel>], iteration_bounds = array<i64: 2, 16>, scalar_prefetch = 0 : i64, scratch_operands = 15 : i64, tpu.core_type = #tpu.core_type<sc_vector_subcore>, window_params = [{transform_indices = #map}, {transform_indices = #map}, {transform_indices = #map}, {transform_indices = #map}, {transform_indices = #map1}]} {
    %mul3A = arith.constant 16 : i32
    %mul3A_0 = arith.muli %arg0, %mul3A : i32
    %add3A = arith.addi %mul3A_0, %arg1 : i32
    %mul3A_1 = arith.constant 624 : i32
    %mul3A_2 = arith.muli %arg1, %mul3A_1 : i32
    %multiple_of3A = tpu.assume_multiple %mul3A_2, 16 : i32
    "tpu.region"() ({
      %run_scoped3A = tpu.sem_alloc : memref<!tpu.dma_semaphore, #tpu.memory_space<semaphore_mem>>
      tpu.enqueue_dma source(%arg5 : memref<128x128xf32, #tpu.memory_space<hbm>>) target(%arg13 : memref<128x128xf32, #tpu.memory_space<vmem>>) target_semaphore(%run_scoped3A : memref<!tpu.dma_semaphore, #tpu.memory_space<semaphore_mem>>)
      tpu.wait_dma2 semaphore(%run_scoped3A : memref<!tpu.dma_semaphore, #tpu.memory_space<semaphore_mem>>) src(%arg5 : memref<128x128xf32, #tpu.memory_space<hbm>>) dst(%arg13 : memref<128x128xf32, #tpu.memory_space<vmem>>)
      tpu.yield
    }) : () -> ()
    %add3A_3 = arith.constant 0 : i32
    %add3A_4 = arith.addi %multiple_of3A, %add3A_3 : i32
    %iota3A = tpu.iota {dimensions = array<i32: 0>} : vector<16xi32>
    %add3A_5 = arith.constant 0 : i32
    %add3A_6 = arith.addi %add3A_4, %add3A_5 : i32
    %add3A_7 = vector.broadcast %add3A_6 : i32 to vector<16xi32>
    %add3A_8 = arith.addi %iota3A, %add3A_7 : vector<16xi32>
    %swap3A = arith.constant 0 : index
    %swap3A_9 = tpu.vector_load %arg11[%swap3A] {strides = array<i32>} : memref<128xi32, #tpu.memory_space<vmem>>, vector<16xi32>,
    %swap3A_10 = vector.shape_cast %swap3A_9 : vector<16xi32> to vector<16xi32>
    %swap3A_11 = vector.shape_cast %add3A_8 : vector<16xi32> to vector<16xi32>
    tpu.vector_store %arg11[%swap3A], %swap3A_11 {strides = array<i32>} : memref<128xi32, #tpu.memory_space<vmem>>, vector<16xi32>,
    %add3A_12 = arith.constant 16 : i32
    %add3A_13 = arith.addi %add3A_4, %add3A_12 : i32
    %add3A_14 = vector.broadcast %add3A_13 : i32 to vector<16xi32>
    %add3A_15 = arith.addi %iota3A, %add3A_14 : vector<16xi32>
    %swap3A_16 = arith.constant 16 : index
    %swap3A_17 = tpu.vector_load %arg11[%swap3A_16] {strides = array<i32>} : memref<128xi32, #tpu.memory_space<vmem>>, vector<16xi32>,
    %swap3A_18 = vector.shape_cast %swap3A_17 : vector<16xi32> to vector<16xi32>
    %swap3A_19 = vector.shape_cast %add3A_15 : vector<16xi32> to vector<16xi32>
    tpu.vector_store %arg11[%swap3A_16], %swap3A_19 {strides = array<i32>} : memref<128xi32, #tpu.memory_space<vmem>>, vector<16xi32>,
    %add3A_20 = arith.constant 32 : i32
    %add3A_21 = arith.addi %add3A_4, %add3A_20 : i32
    %add3A_22 = vector.broadcast %add3A_21 : i32 to vector<16xi32>
    %add3A_23 = arith.addi %iota3A, %add3A_22 : vector<16xi32>
    %swap3A_24 = arith.constant 32 : index
    %swap3A_25 = tpu.vector_load %arg11[%swap3A_24] {strides = array<i32>} : memref<128xi32, #tpu.memory_space<vmem>>, vector<16xi32>,
    %swap3A_26 = vector.shape_cast %swap3A_25 : vector<16xi32> to vector<16xi32>
    %swap3A_27 = vector.shape_cast %add3A_23 : vector<16xi32> to vector<16xi32>
    tpu.vector_store %arg11[%swap3A_24], %swap3A_27 {strides = array<i32>} : memref<128xi32, #tpu.memory_space<vmem>>, vector<16xi32>,
    %add3A_28 = arith.constant 48 : i32
    %add3A_29 = arith.addi %add3A_4, %add3A_28 : i32
    %add3A_30 = vector.broadcast %add3A_29 : i32 to vector<16xi32>
    %add3A_31 = arith.addi %iota3A, %add3A_30 : vector<16xi32>
    %swap3A_32 = arith.constant 48 : index
    %swap3A_33 = tpu.vector_load %arg11[%swap3A_32] {strides = array<i32>} : memref<128xi32, #tpu.memory_space<vmem>>, vector<16xi32>,
    %swap3A_34 = vector.shape_cast %swap3A_33 : vector<16xi32> to vector<16xi32>
    %swap3A_35 = vector.shape_cast %add3A_31 : vector<16xi32> to vector<16xi32>
    tpu.vector_store %arg11[%swap3A_32], %swap3A_35 {strides = array<i32>} : memref<128xi32, #tpu.memory_space<vmem>>, vector<16xi32>,
    %add3A_36 = arith.constant 64 : i32
    %add3A_37 = arith.addi %add3A_4, %add3A_36 : i32
    %add3A_38 = vector.broadcast %add3A_37 : i32 to vector<16xi32>
    %add3A_39 = arith.addi %iota3A, %add3A_38 : vector<16xi32>
    %swap3A_40 = arith.constant 64 : index
    %swap3A_41 = tpu.vector_load %arg11[%swap3A_40] {strides = array<i32>} : memref<128xi32, #tpu.memory_space<vmem>>, vector<16xi32>,
    %swap3A_42 = vector.shape_cast %swap3A_41 : vector<16xi32> to vector<16xi32>
    %swap3A_43 = vector.shape_cast %add3A_39 : vector<16xi32> to vector<16xi32>
    tpu.vector_store %arg11[%swap3A_40], %swap3A_43 {strides = array<i32>} : memref<128xi32, #tpu.memory_space<vmem>>, vector<16xi32>,
    %add3A_44 = arith.constant 80 : i32
    %add3A_45 = arith.addi %add3A_4, %add3A_44 : i32
    %add3A_46 = vector.broadcast %add3A_45 : i32 to vector<16xi32>
    %add3A_47 = arith.addi %iota3A, %add3A_46 : vector<16xi32>
    %swap3A_48 = arith.constant 80 : index
    %swap3A_49 = tpu.vector_load %arg11[%swap3A_48] {strides = array<i32>} : memref<128xi32, #tpu.memory_space<vmem>>, vector<16xi32>,
    %swap3A_50 = vector.shape_cast %swap3A_49 : vector<16xi32> to vector<16xi32>
    %swap3A_51 = vector.shape_cast %add3A_47 : vector<16xi32> to vector<16xi32>
    tpu.vector_store %arg11[%swap3A_48], %swap3A_51 {strides = array<i32>} : memref<128xi32, #tpu.memory_space<vmem>>, vector<16xi32>,
    %add3A_52 = arith.constant 96 : i32
    %add3A_53 = arith.addi %add3A_4, %add3A_52 : i32
    %add3A_54 = vector.broadcast %add3A_53 : i32 to vector<16xi32>
    %add3A_55 = arith.addi %iota3A, %add3A_54 : vector<16xi32>
    %swap3A_56 = arith.constant 96 : index
    %swap3A_57 = tpu.vector_load %arg11[%swap3A_56] {strides = array<i32>} : memref<128xi32, #tpu.memory_space<vmem>>, vector<16xi32>,
    %swap3A_58 = vector.shape_cast %swap3A_57 : vector<16xi32> to vector<16xi32>
    %swap3A_59 = vector.shape_cast %add3A_55 : vector<16xi32> to vector<16xi32>
    tpu.vector_store %arg11[%swap3A_56], %swap3A_59 {strides = array<i32>} : memref<128xi32, #tpu.memory_space<vmem>>, vector<16xi32>,
    %add3A_60 = arith.constant 112 : i32
    %add3A_61 = arith.addi %add3A_4, %add3A_60 : i32
    %add3A_62 = vector.broadcast %add3A_61 : i32 to vector<16xi32>
    %add3A_63 = arith.addi %iota3A, %add3A_62 : vector<16xi32>
    %swap3A_64 = arith.constant 112 : index
    %swap3A_65 = tpu.vector_load %arg11[%swap3A_64] {strides = array<i32>} : memref<128xi32, #tpu.memory_space<vmem>>, vector<16xi32>,
    %swap3A_66 = vector.shape_cast %swap3A_65 : vector<16xi32> to vector<16xi32>
    %swap3A_67 = vector.shape_cast %add3A_63 : vector<16xi32> to vector<16xi32>
    tpu.vector_store %arg11[%swap3A_64], %swap3A_67 {strides = array<i32>} : memref<128xi32, #tpu.memory_space<vmem>>, vector<16xi32>,
    "tpu.region"() ({
      %run_scoped3A = tpu.sem_alloc : memref<!tpu.dma_semaphore, #tpu.memory_space<semaphore_mem>>
      %dma_start3A_946 = arith.constant 0 : i32
      %dma_start3A_947 = arith.constant 0 : i32
      %dma_start3A_948 = tpu.memref_slice %arg13[%dma_start3A_946, %dma_start3A_947] : memref<128x128xf32, #tpu.memory_space<vmem>> -> memref<128x128xf32, #tpu.memory_space<vmem>>
      %dma_start3A_949 = arith.constant 0 : i32
      %dma_start3A_950 = arith.constant 0 : i32
      %dma_start3A_951 = tpu.memref_slice %arg16[%dma_start3A_949, %dma_start3A_950] : memref<10000x128xf32, #tpu.memory_space<vmem_shared>> -> memref<10000x128xf32, #tpu.memory_space<vmem_shared>>
      tpu.enqueue_indirect_dma source(%dma_start3A_948 : memref<128x128xf32, #tpu.memory_space<vmem>>) target(%dma_start3A_951 : memref<10000x128xf32, #tpu.memory_space<vmem_shared>>) offsets(%arg11 : memref<128xi32, #tpu.memory_space<vmem>>) semaphore(%run_scoped3A : memref<!tpu.dma_semaphore, #tpu.memory_space<semaphore_mem>>)
      %dma_wait3A_952 = arith.constant 0 : i32
      %dma_wait3A_953 = arith.constant 0 : i32
      %dma_wait3A_954 = tpu.memref_slice %arg13[%dma_wait3A_952, %dma_wait3A_953] : memref<128x128xf32, #tpu.memory_space<vmem>> -> memref<128x128xf32, #tpu.memory_space<vmem>>
      %dma_wait3A_955 = arith.constant 0 : i32
      %dma_wait3A_956 = arith.constant 0 : i32
      %dma_wait3A_957 = tpu.memref_slice %arg16[%dma_wait3A_955, %dma_wait3A_956] : memref<10000x128xf32, #tpu.memory_space<vmem_shared>> -> memref<10000x128xf32, #tpu.memory_space<vmem_shared>>
      tpu.wait_indirect_dma semaphore(%run_scoped3A : memref<!tpu.dma_semaphore, #tpu.memory_space<semaphore_mem>>) src(%dma_wait3A_954 : memref<128x128xf32, #tpu.memory_space<vmem>>) dst(%dma_wait3A_957 : memref<10000x128xf32, #tpu.memory_space<vmem_shared>>)
      tpu.yield
    }) : () -> ()
    %add3A_68 = arith.constant 128 : i32
    %add3A_69 = arith.addi %multiple_of3A, %add3A_68 : i32
    %iota3A_70 = tpu.iota {dimensions = array<i32: 0>} : vector<16xi32>
    %add3A_71 = arith.constant 0 : i32
    %add3A_72 = arith.addi %add3A_69, %add3A_71 : i32
    %add3A_73 = vector.broadcast %add3A_72 : i32 to vector<16xi32>
    %add3A_74 = arith.addi %iota3A_70, %add3A_73 : vector<16xi32>
    %swap3A_75 = arith.constant 0 : index
    %swap3A_76 = tpu.vector_load %arg11[%swap3A_75] {strides = array<i32>} : memref<128xi32, #tpu.memory_space<vmem>>, vector<16xi32>,
    %swap3A_77 = vector.shape_cast %swap3A_76 : vector<16xi32> to vector<16xi32>
    %swap3A_78 = vector.shape_cast %add3A_74 : vector<16xi32> to vector<16xi32>
    tpu.vector_store %arg11[%swap3A_75], %swap3A_78 {strides = array<i32>} : memref<128xi32, #tpu.memory_space<vmem>>, vector<16xi32>,
    %add3A_79 = arith.constant 16 : i32
    %add3A_80 = arith.addi %add3A_69, %add3A_79 : i32
    %add3A_81 = vector.broadcast %add3A_80 : i32 to vector<16xi32>
    %add3A_82 = arith.addi %iota3A_70, %add3A_81 : vector<16xi32>
    %swap3A_83 = arith.constant 16 : index
    %swap3A_84 = tpu.vector_load %arg11[%swap3A_83] {strides = array<i32>} : memref<128xi32, #tpu.memory_space<vmem>>, vector<16xi32>,
    %swap3A_85 = vector.shape_cast %swap3A_84 : vector<16xi32> to vector<16xi32>
    %swap3A_86 = vector.shape_cast %add3A_82 : vector<16xi32> to vector<16xi32>
    tpu.vector_store %arg11[%swap3A_83], %swap3A_86 {strides = array<i32>} : memref<128xi32, #tpu.memory_space<vmem>>, vector<16xi32>,
    %add3A_87 = arith.constant 32 : i32
    %add3A_88 = arith.addi %add3A_69, %add3A_87 : i32
    %add3A_89 = vector.broadcast %add3A_88 : i32 to vector<16xi32>
    %add3A_90 = arith.addi %iota3A_70, %add3A_89 : vector<16xi32>
    %swap3A_91 = arith.constant 32 : index
    %swap3A_92 = tpu.vector_load %arg11[%swap3A_91] {strides = array<i32>} : memref<128xi32, #tpu.memory_space<vmem>>, vector<16xi32>,
    %swap3A_93 = vector.shape_cast %swap3A_92 : vector<16xi32> to vector<16xi32>
    %swap3A_94 = vector.shape_cast %add3A_90 : vector<16xi32> to vector<16xi32>
    tpu.vector_store %arg11[%swap3A_91], %swap3A_94 {strides = array<i32>} : memref<128xi32, #tpu.memory_space<vmem>>, vector<16xi32>,
    %add3A_95 = arith.constant 48 : i32
    %add3A_96 = arith.addi %add3A_69, %add3A_95 : i32
    %add3A_97 = vector.broadcast %add3A_96 : i32 to vector<16xi32>
    %add3A_98 = arith.addi %iota3A_70, %add3A_97 : vector<16xi32>
    %swap3A_99 = arith.constant 48 : index
    %swap3A_100 = tpu.vector_load %arg11[%swap3A_99] {strides = array<i32>} : memref<128xi32, #tpu.memory_space<vmem>>, vector<16xi32>,
    %swap3A_101 = vector.shape_cast %swap3A_100 : vector<16xi32> to vector<16xi32>
    %swap3A_102 = vector.shape_cast %add3A_98 : vector<16xi32> to vector<16xi32>
    tpu.vector_store %arg11[%swap3A_99], %swap3A_102 {strides = array<i32>} : memref<128xi32, #tpu.memory_space<vmem>>, vector<16xi32>,
    %add3A_103 = arith.constant 64 : i32
    %add3A_104 = arith.addi %add3A_69, %add3A_103 : i32
    %add3A_105 = vector.broadcast %add3A_104 : i32 to vector<16xi32>
    %add3A_106 = arith.addi %iota3A_70, %add3A_105 : vector<16xi32>
    %swap3A_107 = arith.constant 64 : index
    %swap3A_108 = tpu.vector_load %arg11[%swap3A_107] {strides = array<i32>} : memref<128xi32, #tpu.memory_space<vmem>>, vector<16xi32>,
    %swap3A_109 = vector.shape_cast %swap3A_108 : vector<16xi32> to vector<16xi32>
    %swap3A_110 = vector.shape_cast %add3A_106 : vector<16xi32> to vector<16xi32>
    tpu.vector_store %arg11[%swap3A_107], %swap3A_110 {strides = array<i32>} : memref<128xi32, #tpu.memory_space<vmem>>, vector<16xi32>,
    %add3A_111 = arith.constant 80 : i32
    %add3A_112 = arith.addi %add3A_69, %add3A_111 : i32
    %add3A_113 = vector.broadcast %add3A_112 : i32 to vector<16xi32>
    %add3A_114 = arith.addi %iota3A_70, %add3A_113 : vector<16xi32>
    %swap3A_115 = arith.constant 80 : index
    %swap3A_116 = tpu.vector_load %arg11[%swap3A_115] {strides = array<i32>} : memref<128xi32, #tpu.memory_space<vmem>>, vector<16xi32>,
    %swap3A_117 = vector.shape_cast %swap3A_116 : vector<16xi32> to vector<16xi32>
    %swap3A_118 = vector.shape_cast %add3A_114 : vector<16xi32> to vector<16xi32>
    tpu.vector_store %arg11[%swap3A_115], %swap3A_118 {strides = array<i32>} : memref<128xi32, #tpu.memory_space<vmem>>, vector<16xi32>,
    %add3A_119 = arith.constant 96 : i32
    %add3A_120 = arith.addi %add3A_69, %add3A_119 : i32
    %add3A_121 = vector.broadcast %add3A_120 : i32 to vector<16xi32>
    %add3A_122 = arith.addi %iota3A_70, %add3A_121 : vector<16xi32>
    %swap3A_123 = arith.constant 96 : index
    %swap3A_124 = tpu.vector_load %arg11[%swap3A_123] {strides = array<i32>} : memref<128xi32, #tpu.memory_space<vmem>>, vector<16xi32>,
    %swap3A_125 = vector.shape_cast %swap3A_124 : vector<16xi32> to vector<16xi32>
    %swap3A_126 = vector.shape_cast %add3A_122 : vector<16xi32> to vector<16xi32>
    tpu.vector_store %arg11[%swap3A_123], %swap3A_126 {strides = array<i32>} : memref<128xi32, #tpu.memory_space<vmem>>, vector<16xi32>,
    %add3A_127 = arith.constant 112 : i32
    %add3A_128 = arith.addi %add3A_69, %add3A_127 : i32
    %add3A_129 = vector.broadcast %add3A_128 : i32 to vector<16xi32>
    %add3A_130 = arith.addi %iota3A_70, %add3A_129 : vector<16xi32>
    %swap3A_131 = arith.constant 112 : index
    %swap3A_132 = tpu.vector_load %arg11[%swap3A_131] {strides = array<i32>} : memref<128xi32, #tpu.memory_space<vmem>>, vector<16xi32>,
    %swap3A_133 = vector.shape_cast %swap3A_132 : vector<16xi32> to vector<16xi32>
    %swap3A_134 = vector.shape_cast %add3A_130 : vector<16xi32> to vector<16xi32>
    tpu.vector_store %arg11[%swap3A_131], %swap3A_134 {strides = array<i32>} : memref<128xi32, #tpu.memory_space<vmem>>, vector<16xi32>,
    "tpu.region"() ({
      %run_scoped3A = tpu.sem_alloc : memref<!tpu.dma_semaphore, #tpu.memory_space<semaphore_mem>>
      %dma_start3A_946 = arith.constant 0 : i32
      %dma_start3A_947 = arith.constant 0 : i32
      %dma_start3A_948 = tpu.memref_slice %arg13[%dma_start3A_946, %dma_start3A_947] : memref<128x128xf32, #tpu.memory_space<vmem>> -> memref<128x128xf32, #tpu.memory_space<vmem>>
      %dma_start3A_949 = arith.constant 0 : i32
      %dma_start3A_950 = arith.constant 0 : i32
      %dma_start3A_951 = tpu.memref_slice %arg16[%dma_start3A_949, %dma_start3A_950] : memref<10000x128xf32, #tpu.memory_space<vmem_shared>> -> memref<10000x128xf32, #tpu.memory_space<vmem_shared>>
      tpu.enqueue_indirect_dma source(%dma_start3A_948 : memref<128x128xf32, #tpu.memory_space<vmem>>) target(%dma_start3A_951 : memref<10000x128xf32, #tpu.memory_space<vmem_shared>>) offsets(%arg11 : memref<128xi32, #tpu.memory_space<vmem>>) semaphore(%run_scoped3A : memref<!tpu.dma_semaphore, #tpu.memory_space<semaphore_mem>>)
      %dma_wait3A_952 = arith.constant 0 : i32
      %dma_wait3A_953 = arith.constant 0 : i32
      %dma_wait3A_954 = tpu.memref_slice %arg13[%dma_wait3A_952, %dma_wait3A_953] : memref<128x128xf32, #tpu.memory_space<vmem>> -> memref<128x128xf32, #tpu.memory_space<vmem>>
      %dma_wait3A_955 = arith.constant 0 : i32
      %dma_wait3A_956 = arith.constant 0 : i32
      %dma_wait3A_957 = tpu.memref_slice %arg16[%dma_wait3A_955, %dma_wait3A_956] : memref<10000x128xf32, #tpu.memory_space<vmem_shared>> -> memref<10000x128xf32, #tpu.memory_space<vmem_shared>>
      tpu.wait_indirect_dma semaphore(%run_scoped3A : memref<!tpu.dma_semaphore, #tpu.memory_space<semaphore_mem>>) src(%dma_wait3A_954 : memref<128x128xf32, #tpu.memory_space<vmem>>) dst(%dma_wait3A_957 : memref<10000x128xf32, #tpu.memory_space<vmem_shared>>)
      tpu.yield
    }) : () -> ()
    %add3A_135 = arith.constant 256 : i32
    %add3A_136 = arith.addi %multiple_of3A, %add3A_135 : i32
    %iota3A_137 = tpu.iota {dimensions = array<i32: 0>} : vector<16xi32>
    %add3A_138 = arith.constant 0 : i32
    %add3A_139 = arith.addi %add3A_136, %add3A_138 : i32
    %add3A_140 = vector.broadcast %add3A_139 : i32 to vector<16xi32>
    %add3A_141 = arith.addi %iota3A_137, %add3A_140 : vector<16xi32>
    %swap3A_142 = arith.constant 0 : index
    %swap3A_143 = tpu.vector_load %arg11[%swap3A_142] {strides = array<i32>} : memref<128xi32, #tpu.memory_space<vmem>>, vector<16xi32>,
    %swap3A_144 = vector.shape_cast %swap3A_143 : vector<16xi32> to vector<16xi32>
    %swap3A_145 = vector.shape_cast %add3A_141 : vector<16xi32> to vector<16xi32>
    tpu.vector_store %arg11[%swap3A_142], %swap3A_145 {strides = array<i32>} : memref<128xi32, #tpu.memory_space<vmem>>, vector<16xi32>,
    %add3A_146 = arith.constant 16 : i32
    %add3A_147 = arith.addi %add3A_136, %add3A_146 : i32
    %add3A_148 = vector.broadcast %add3A_147 : i32 to vector<16xi32>
    %add3A_149 = arith.addi %iota3A_137, %add3A_148 : vector<16xi32>
    %swap3A_150 = arith.constant 16 : index
    %swap3A_151 = tpu.vector_load %arg11[%swap3A_150] {strides = array<i32>} : memref<128xi32, #tpu.memory_space<vmem>>, vector<16xi32>,
    %swap3A_152 = vector.shape_cast %swap3A_151 : vector<16xi32> to vector<16xi32>
    %swap3A_153 = vector.shape_cast %add3A_149 : vector<16xi32> to vector<16xi32>
    tpu.vector_store %arg11[%swap3A_150], %swap3A_153 {strides = array<i32>} : memref<128xi32, #tpu.memory_space<vmem>>, vector<16xi32>,
    %add3A_154 = arith.constant 32 : i32
    %add3A_155 = arith.addi %add3A_136, %add3A_154 : i32
    %add3A_156 = vector.broadcast %add3A_155 : i32 to vector<16xi32>
    %add3A_157 = arith.addi %iota3A_137, %add3A_156 : vector<16xi32>
    %swap3A_158 = arith.constant 32 : index
    %swap3A_159 = tpu.vector_load %arg11[%swap3A_158] {strides = array<i32>} : memref<128xi32, #tpu.memory_space<vmem>>, vector<16xi32>,
    %swap3A_160 = vector.shape_cast %swap3A_159 : vector<16xi32> to vector<16xi32>
    %swap3A_161 = vector.shape_cast %add3A_157 : vector<16xi32> to vector<16xi32>
    tpu.vector_store %arg11[%swap3A_158], %swap3A_161 {strides = array<i32>} : memref<128xi32, #tpu.memory_space<vmem>>, vector<16xi32>,
    %add3A_162 = arith.constant 48 : i32
    %add3A_163 = arith.addi %add3A_136, %add3A_162 : i32
    %add3A_164 = vector.broadcast %add3A_163 : i32 to vector<16xi32>
    %add3A_165 = arith.addi %iota3A_137, %add3A_164 : vector<16xi32>
    %swap3A_166 = arith.constant 48 : index
    %swap3A_167 = tpu.vector_load %arg11[%swap3A_166] {strides = array<i32>} : memref<128xi32, #tpu.memory_space<vmem>>, vector<16xi32>,
    %swap3A_168 = vector.shape_cast %swap3A_167 : vector<16xi32> to vector<16xi32>
    %swap3A_169 = vector.shape_cast %add3A_165 : vector<16xi32> to vector<16xi32>
    tpu.vector_store %arg11[%swap3A_166], %swap3A_169 {strides = array<i32>} : memref<128xi32, #tpu.memory_space<vmem>>, vector<16xi32>,
    %add3A_170 = arith.constant 64 : i32
    %add3A_171 = arith.addi %add3A_136, %add3A_170 : i32
    %add3A_172 = vector.broadcast %add3A_171 : i32 to vector<16xi32>
    %add3A_173 = arith.addi %iota3A_137, %add3A_172 : vector<16xi32>
    %swap3A_174 = arith.constant 64 : index
    %swap3A_175 = tpu.vector_load %arg11[%swap3A_174] {strides = array<i32>} : memref<128xi32, #tpu.memory_space<vmem>>, vector<16xi32>,
    %swap3A_176 = vector.shape_cast %swap3A_175 : vector<16xi32> to vector<16xi32>
    %swap3A_177 = vector.shape_cast %add3A_173 : vector<16xi32> to vector<16xi32>
    tpu.vector_store %arg11[%swap3A_174], %swap3A_177 {strides = array<i32>} : memref<128xi32, #tpu.memory_space<vmem>>, vector<16xi32>,
    %add3A_178 = arith.constant 80 : i32
    %add3A_179 = arith.addi %add3A_136, %add3A_178 : i32
    %add3A_180 = vector.broadcast %add3A_179 : i32 to vector<16xi32>
    %add3A_181 = arith.addi %iota3A_137, %add3A_180 : vector<16xi32>
    %swap3A_182 = arith.constant 80 : index
    %swap3A_183 = tpu.vector_load %arg11[%swap3A_182] {strides = array<i32>} : memref<128xi32, #tpu.memory_space<vmem>>, vector<16xi32>,
    %swap3A_184 = vector.shape_cast %swap3A_183 : vector<16xi32> to vector<16xi32>
    %swap3A_185 = vector.shape_cast %add3A_181 : vector<16xi32> to vector<16xi32>
    tpu.vector_store %arg11[%swap3A_182], %swap3A_185 {strides = array<i32>} : memref<128xi32, #tpu.memory_space<vmem>>, vector<16xi32>,
    %add3A_186 = arith.constant 96 : i32
    %add3A_187 = arith.addi %add3A_136, %add3A_186 : i32
    %add3A_188 = vector.broadcast %add3A_187 : i32 to vector<16xi32>
    %add3A_189 = arith.addi %iota3A_137, %add3A_188 : vector<16xi32>
    %swap3A_190 = arith.constant 96 : index
    %swap3A_191 = tpu.vector_load %arg11[%swap3A_190] {strides = array<i32>} : memref<128xi32, #tpu.memory_space<vmem>>, vector<16xi32>,
    %swap3A_192 = vector.shape_cast %swap3A_191 : vector<16xi32> to vector<16xi32>
    %swap3A_193 = vector.shape_cast %add3A_189 : vector<16xi32> to vector<16xi32>
    tpu.vector_store %arg11[%swap3A_190], %swap3A_193 {strides = array<i32>} : memref<128xi32, #tpu.memory_space<vmem>>, vector<16xi32>,
    %add3A_194 = arith.constant 112 : i32
    %add3A_195 = arith.addi %add3A_136, %add3A_194 : i32
    %add3A_196 = vector.broadcast %add3A_195 : i32 to vector<16xi32>
    %add3A_197 = arith.addi %iota3A_137, %add3A_196 : vector<16xi32>
    %swap3A_198 = arith.constant 112 : index
    %swap3A_199 = tpu.vector_load %arg11[%swap3A_198] {strides = array<i32>} : memref<128xi32, #tpu.memory_space<vmem>>, vector<16xi32>,
    %swap3A_200 = vector.shape_cast %swap3A_199 : vector<16xi32> to vector<16xi32>
    %swap3A_201 = vector.shape_cast %add3A_197 : vector<16xi32> to vector<16xi32>
    tpu.vector_store %arg11[%swap3A_198], %swap3A_201 {strides = array<i32>} : memref<128xi32, #tpu.memory_space<vmem>>, vector<16xi32>,
    "tpu.region"() ({
      %run_scoped3A = tpu.sem_alloc : memref<!tpu.dma_semaphore, #tpu.memory_space<semaphore_mem>>
      %dma_start3A_946 = arith.constant 0 : i32
      %dma_start3A_947 = arith.constant 0 : i32
      %dma_start3A_948 = tpu.memref_slice %arg13[%dma_start3A_946, %dma_start3A_947] : memref<128x128xf32, #tpu.memory_space<vmem>> -> memref<128x128xf32, #tpu.memory_space<vmem>>
      %dma_start3A_949 = arith.constant 0 : i32
      %dma_start3A_950 = arith.constant 0 : i32
      %dma_start3A_951 = tpu.memref_slice %arg16[%dma_start3A_949, %dma_start3A_950] : memref<10000x128xf32, #tpu.memory_space<vmem_shared>> -> memref<10000x128xf32, #tpu.memory_space<vmem_shared>>
      tpu.enqueue_indirect_dma source(%dma_start3A_948 : memref<128x128xf32, #tpu.memory_space<vmem>>) target(%dma_start3A_951 : memref<10000x128xf32, #tpu.memory_space<vmem_shared>>) offsets(%arg11 : memref<128xi32, #tpu.memory_space<vmem>>) semaphore(%run_scoped3A : memref<!tpu.dma_semaphore, #tpu.memory_space<semaphore_mem>>)
      %dma_wait3A_952 = arith.constant 0 : i32
      %dma_wait3A_953 = arith.constant 0 : i32
      %dma_wait3A_954 = tpu.memref_slice %arg13[%dma_wait3A_952, %dma_wait3A_953] : memref<128x128xf32, #tpu.memory_space<vmem>> -> memref<128x128xf32, #tpu.memory_space<vmem>>
      %dma_wait3A_955 = arith.constant 0 : i32
      %dma_wait3A_956 = arith.constant 0 : i32
      %dma_wait3A_957 = tpu.memref_slice %arg16[%dma_wait3A_955, %dma_wait3A_956] : memref<10000x128xf32, #tpu.memory_space<vmem_shared>> -> memref<10000x128xf32, #tpu.memory_space<vmem_shared>>
      tpu.wait_indirect_dma semaphore(%run_scoped3A : memref<!tpu.dma_semaphore, #tpu.memory_space<semaphore_mem>>) src(%dma_wait3A_954 : memref<128x128xf32, #tpu.memory_space<vmem>>) dst(%dma_wait3A_957 : memref<10000x128xf32, #tpu.memory_space<vmem_shared>>)
      tpu.yield
    }) : () -> ()
    %add3A_202 = arith.constant 384 : i32
    %add3A_203 = arith.addi %multiple_of3A, %add3A_202 : i32
    %iota3A_204 = tpu.iota {dimensions = array<i32: 0>} : vector<16xi32>
    %add3A_205 = arith.constant 0 : i32
    %add3A_206 = arith.addi %add3A_203, %add3A_205 : i32
    %add3A_207 = vector.broadcast %add3A_206 : i32 to vector<16xi32>
    %add3A_208 = arith.addi %iota3A_204, %add3A_207 : vector<16xi32>
    %swap3A_209 = arith.constant 0 : index
    %swap3A_210 = tpu.vector_load %arg11[%swap3A_209] {strides = array<i32>} : memref<128xi32, #tpu.memory_space<vmem>>, vector<16xi32>,
    %swap3A_211 = vector.shape_cast %swap3A_210 : vector<16xi32> to vector<16xi32>
    %swap3A_212 = vector.shape_cast %add3A_208 : vector<16xi32> to vector<16xi32>
    tpu.vector_store %arg11[%swap3A_209], %swap3A_212 {strides = array<i32>} : memref<128xi32, #tpu.memory_space<vmem>>, vector<16xi32>,
    %add3A_213 = arith.constant 16 : i32
    %add3A_214 = arith.addi %add3A_203, %add3A_213 : i32
    %add3A_215 = vector.broadcast %add3A_214 : i32 to vector<16xi32>
    %add3A_216 = arith.addi %iota3A_204, %add3A_215 : vector<16xi32>
    %swap3A_217 = arith.constant 16 : index
    %swap3A_218 = tpu.vector_load %arg11[%swap3A_217] {strides = array<i32>} : memref<128xi32, #tpu.memory_space<vmem>>, vector<16xi32>,
    %swap3A_219 = vector.shape_cast %swap3A_218 : vector<16xi32> to vector<16xi32>
    %swap3A_220 = vector.shape_cast %add3A_216 : vector<16xi32> to vector<16xi32>
    tpu.vector_store %arg11[%swap3A_217], %swap3A_220 {strides = array<i32>} : memref<128xi32, #tpu.memory_space<vmem>>, vector<16xi32>,
    %add3A_221 = arith.constant 32 : i32
    %add3A_222 = arith.addi %add3A_203, %add3A_221 : i32
    %add3A_223 = vector.broadcast %add3A_222 : i32 to vector<16xi32>
    %add3A_224 = arith.addi %iota3A_204, %add3A_223 : vector<16xi32>
    %swap3A_225 = arith.constant 32 : index
    %swap3A_226 = tpu.vector_load %arg11[%swap3A_225] {strides = array<i32>} : memref<128xi32, #tpu.memory_space<vmem>>, vector<16xi32>,
    %swap3A_227 = vector.shape_cast %swap3A_226 : vector<16xi32> to vector<16xi32>
    %swap3A_228 = vector.shape_cast %add3A_224 : vector<16xi32> to vector<16xi32>
    tpu.vector_store %arg11[%swap3A_225], %swap3A_228 {strides = array<i32>} : memref<128xi32, #tpu.memory_space<vmem>>, vector<16xi32>,
    %add3A_229 = arith.constant 48 : i32
    %add3A_230 = arith.addi %add3A_203, %add3A_229 : i32
    %add3A_231 = vector.broadcast %add3A_230 : i32 to vector<16xi32>
    %add3A_232 = arith.addi %iota3A_204, %add3A_231 : vector<16xi32>
    %swap3A_233 = arith.constant 48 : index
    %swap3A_234 = tpu.vector_load %arg11[%swap3A_233] {strides = array<i32>} : memref<128xi32, #tpu.memory_space<vmem>>, vector<16xi32>,
    %swap3A_235 = vector.shape_cast %swap3A_234 : vector<16xi32> to vector<16xi32>
    %swap3A_236 = vector.shape_cast %add3A_232 : vector<16xi32> to vector<16xi32>
    tpu.vector_store %arg11[%swap3A_233], %swap3A_236 {strides = array<i32>} : memref<128xi32, #tpu.memory_space<vmem>>, vector<16xi32>,
    %add3A_237 = arith.constant 64 : i32
    %add3A_238 = arith.addi %add3A_203, %add3A_237 : i32
    %add3A_239 = vector.broadcast %add3A_238 : i32 to vector<16xi32>
    %add3A_240 = arith.addi %iota3A_204, %add3A_239 : vector<16xi32>
    %swap3A_241 = arith.constant 64 : index
    %swap3A_242 = tpu.vector_load %arg11[%swap3A_241] {strides = array<i32>} : memref<128xi32, #tpu.memory_space<vmem>>, vector<16xi32>,
    %swap3A_243 = vector.shape_cast %swap3A_242 : vector<16xi32> to vector<16xi32>
    %swap3A_244 = vector.shape_cast %add3A_240 : vector<16xi32> to vector<16xi32>
    tpu.vector_store %arg11[%swap3A_241], %swap3A_244 {strides = array<i32>} : memref<128xi32, #tpu.memory_space<vmem>>, vector<16xi32>,
    %add3A_245 = arith.constant 80 : i32
    %add3A_246 = arith.addi %add3A_203, %add3A_245 : i32
    %add3A_247 = vector.broadcast %add3A_246 : i32 to vector<16xi32>
    %add3A_248 = arith.addi %iota3A_204, %add3A_247 : vector<16xi32>
    %swap3A_249 = arith.constant 80 : index
    %swap3A_250 = tpu.vector_load %arg11[%swap3A_249] {strides = array<i32>} : memref<128xi32, #tpu.memory_space<vmem>>, vector<16xi32>,
    %swap3A_251 = vector.shape_cast %swap3A_250 : vector<16xi32> to vector<16xi32>
    %swap3A_252 = vector.shape_cast %add3A_248 : vector<16xi32> to vector<16xi32>
    tpu.vector_store %arg11[%swap3A_249], %swap3A_252 {strides = array<i32>} : memref<128xi32, #tpu.memory_space<vmem>>, vector<16xi32>,
    %add3A_253 = arith.constant 96 : i32
    %add3A_254 = arith.addi %add3A_203, %add3A_253 : i32
    %add3A_255 = vector.broadcast %add3A_254 : i32 to vector<16xi32>
    %add3A_256 = arith.addi %iota3A_204, %add3A_255 : vector<16xi32>
    %swap3A_257 = arith.constant 96 : index
    %swap3A_258 = tpu.vector_load %arg11[%swap3A_257] {strides = array<i32>} : memref<128xi32, #tpu.memory_space<vmem>>, vector<16xi32>,
    %swap3A_259 = vector.shape_cast %swap3A_258 : vector<16xi32> to vector<16xi32>
    %swap3A_260 = vector.shape_cast %add3A_256 : vector<16xi32> to vector<16xi32>
    tpu.vector_store %arg11[%swap3A_257], %swap3A_260 {strides = array<i32>} : memref<128xi32, #tpu.memory_space<vmem>>, vector<16xi32>,
    %add3A_261 = arith.constant 112 : i32
    %add3A_262 = arith.addi %add3A_203, %add3A_261 : i32
    %add3A_263 = vector.broadcast %add3A_262 : i32 to vector<16xi32>
    %add3A_264 = arith.addi %iota3A_204, %add3A_263 : vector<16xi32>
    %swap3A_265 = arith.constant 112 : index
    %swap3A_266 = tpu.vector_load %arg11[%swap3A_265] {strides = array<i32>} : memref<128xi32, #tpu.memory_space<vmem>>, vector<16xi32>,
    %swap3A_267 = vector.shape_cast %swap3A_266 : vector<16xi32> to vector<16xi32>
    %swap3A_268 = vector.shape_cast %add3A_264 : vector<16xi32> to vector<16xi32>
    tpu.vector_store %arg11[%swap3A_265], %swap3A_268 {strides = array<i32>} : memref<128xi32, #tpu.memory_space<vmem>>, vector<16xi32>,
    "tpu.region"() ({
      %run_scoped3A = tpu.sem_alloc : memref<!tpu.dma_semaphore, #tpu.memory_space<semaphore_mem>>
      %dma_start3A_946 = arith.constant 0 : i32
      %dma_start3A_947 = arith.constant 0 : i32
      %dma_start3A_948 = tpu.memref_slice %arg13[%dma_start3A_946, %dma_start3A_947] : memref<128x128xf32, #tpu.memory_space<vmem>> -> memref<128x128xf32, #tpu.memory_space<vmem>>
      %dma_start3A_949 = arith.constant 0 : i32
      %dma_start3A_950 = arith.constant 0 : i32
      %dma_start3A_951 = tpu.memref_slice %arg16[%dma_start3A_949, %dma_start3A_950] : memref<10000x128xf32, #tpu.memory_space<vmem_shared>> -> memref<10000x128xf32, #tpu.memory_space<vmem_shared>>
      tpu.enqueue_indirect_dma source(%dma_start3A_948 : memref<128x128xf32, #tpu.memory_space<vmem>>) target(%dma_start3A_951 : memref<10000x128xf32, #tpu.memory_space<vmem_shared>>) offsets(%arg11 : memref<128xi32, #tpu.memory_space<vmem>>) semaphore(%run_scoped3A : memref<!tpu.dma_semaphore, #tpu.memory_space<semaphore_mem>>)
      %dma_wait3A_952 = arith.constant 0 : i32
      %dma_wait3A_953 = arith.constant 0 : i32
      %dma_wait3A_954 = tpu.memref_slice %arg13[%dma_wait3A_952, %dma_wait3A_953] : memref<128x128xf32, #tpu.memory_space<vmem>> -> memref<128x128xf32, #tpu.memory_space<vmem>>
      %dma_wait3A_955 = arith.constant 0 : i32
      %dma_wait3A_956 = arith.constant 0 : i32
      %dma_wait3A_957 = tpu.memref_slice %arg16[%dma_wait3A_955, %dma_wait3A_956] : memref<10000x128xf32, #tpu.memory_space<vmem_shared>> -> memref<10000x128xf32, #tpu.memory_space<vmem_shared>>
      tpu.wait_indirect_dma semaphore(%run_scoped3A : memref<!tpu.dma_semaphore, #tpu.memory_space<semaphore_mem>>) src(%dma_wait3A_954 : memref<128x128xf32, #tpu.memory_space<vmem>>) dst(%dma_wait3A_957 : memref<10000x128xf32, #tpu.memory_space<vmem_shared>>)
      tpu.yield
    }) : () -> ()
    %add3A_269 = arith.constant 512 : i32
    %add3A_270 = arith.addi %multiple_of3A, %add3A_269 : i32
    %iota3A_271 = tpu.iota {dimensions = array<i32: 0>} : vector<16xi32>
    %add3A_272 = arith.constant 0 : i32
    %add3A_273 = arith.addi %add3A_270, %add3A_272 : i32
    %add3A_274 = vector.broadcast %add3A_273 : i32 to vector<16xi32>
    %add3A_275 = arith.addi %iota3A_271, %add3A_274 : vector<16xi32>
    %swap3A_276 = arith.constant 0 : index
    %swap3A_277 = tpu.vector_load %arg12[%swap3A_276] {strides = array<i32>} : memref<112xi32, #tpu.memory_space<vmem>>, vector<16xi32>,
    %swap3A_278 = vector.shape_cast %swap3A_277 : vector<16xi32> to vector<16xi32>
    %swap3A_279 = vector.shape_cast %add3A_275 : vector<16xi32> to vector<16xi32>
    tpu.vector_store %arg12[%swap3A_276], %swap3A_279 {strides = array<i32>} : memref<112xi32, #tpu.memory_space<vmem>>, vector<16xi32>,
    %add3A_280 = arith.constant 16 : i32
    %add3A_281 = arith.addi %add3A_270, %add3A_280 : i32
    %add3A_282 = vector.broadcast %add3A_281 : i32 to vector<16xi32>
    %add3A_283 = arith.addi %iota3A_271, %add3A_282 : vector<16xi32>
    %swap3A_284 = arith.constant 16 : index
    %swap3A_285 = tpu.vector_load %arg12[%swap3A_284] {strides = array<i32>} : memref<112xi32, #tpu.memory_space<vmem>>, vector<16xi32>,
    %swap3A_286 = vector.shape_cast %swap3A_285 : vector<16xi32> to vector<16xi32>
    %swap3A_287 = vector.shape_cast %add3A_283 : vector<16xi32> to vector<16xi32>
    tpu.vector_store %arg12[%swap3A_284], %swap3A_287 {strides = array<i32>} : memref<112xi32, #tpu.memory_space<vmem>>, vector<16xi32>,
    %add3A_288 = arith.constant 32 : i32
    %add3A_289 = arith.addi %add3A_270, %add3A_288 : i32
    %add3A_290 = vector.broadcast %add3A_289 : i32 to vector<16xi32>
    %add3A_291 = arith.addi %iota3A_271, %add3A_290 : vector<16xi32>
    %swap3A_292 = arith.constant 32 : index
    %swap3A_293 = tpu.vector_load %arg12[%swap3A_292] {strides = array<i32>} : memref<112xi32, #tpu.memory_space<vmem>>, vector<16xi32>,
    %swap3A_294 = vector.shape_cast %swap3A_293 : vector<16xi32> to vector<16xi32>
    %swap3A_295 = vector.shape_cast %add3A_291 : vector<16xi32> to vector<16xi32>
    tpu.vector_store %arg12[%swap3A_292], %swap3A_295 {strides = array<i32>} : memref<112xi32, #tpu.memory_space<vmem>>, vector<16xi32>,
    %add3A_296 = arith.constant 48 : i32
    %add3A_297 = arith.addi %add3A_270, %add3A_296 : i32
    %add3A_298 = vector.broadcast %add3A_297 : i32 to vector<16xi32>
    %add3A_299 = arith.addi %iota3A_271, %add3A_298 : vector<16xi32>
    %swap3A_300 = arith.constant 48 : index
    %swap3A_301 = tpu.vector_load %arg12[%swap3A_300] {strides = array<i32>} : memref<112xi32, #tpu.memory_space<vmem>>, vector<16xi32>,
    %swap3A_302 = vector.shape_cast %swap3A_301 : vector<16xi32> to vector<16xi32>
    %swap3A_303 = vector.shape_cast %add3A_299 : vector<16xi32> to vector<16xi32>
    tpu.vector_store %arg12[%swap3A_300], %swap3A_303 {strides = array<i32>} : memref<112xi32, #tpu.memory_space<vmem>>, vector<16xi32>,
    %add3A_304 = arith.constant 64 : i32
    %add3A_305 = arith.addi %add3A_270, %add3A_304 : i32
    %add3A_306 = vector.broadcast %add3A_305 : i32 to vector<16xi32>
    %add3A_307 = arith.addi %iota3A_271, %add3A_306 : vector<16xi32>
    %swap3A_308 = arith.constant 64 : index
    %swap3A_309 = tpu.vector_load %arg12[%swap3A_308] {strides = array<i32>} : memref<112xi32, #tpu.memory_space<vmem>>, vector<16xi32>,
    %swap3A_310 = vector.shape_cast %swap3A_309 : vector<16xi32> to vector<16xi32>
    %swap3A_311 = vector.shape_cast %add3A_307 : vector<16xi32> to vector<16xi32>
    tpu.vector_store %arg12[%swap3A_308], %swap3A_311 {strides = array<i32>} : memref<112xi32, #tpu.memory_space<vmem>>, vector<16xi32>,
    %add3A_312 = arith.constant 80 : i32
    %add3A_313 = arith.addi %add3A_270, %add3A_312 : i32
    %add3A_314 = vector.broadcast %add3A_313 : i32 to vector<16xi32>
    %add3A_315 = arith.addi %iota3A_271, %add3A_314 : vector<16xi32>
    %swap3A_316 = arith.constant 80 : index
    %swap3A_317 = tpu.vector_load %arg12[%swap3A_316] {strides = array<i32>} : memref<112xi32, #tpu.memory_space<vmem>>, vector<16xi32>,
    %swap3A_318 = vector.shape_cast %swap3A_317 : vector<16xi32> to vector<16xi32>
    %swap3A_319 = vector.shape_cast %add3A_315 : vector<16xi32> to vector<16xi32>
    tpu.vector_store %arg12[%swap3A_316], %swap3A_319 {strides = array<i32>} : memref<112xi32, #tpu.memory_space<vmem>>, vector<16xi32>,
    %add3A_320 = arith.constant 96 : i32
    %add3A_321 = arith.addi %add3A_270, %add3A_320 : i32
    %add3A_322 = vector.broadcast %add3A_321 : i32 to vector<16xi32>
    %add3A_323 = arith.addi %iota3A_271, %add3A_322 : vector<16xi32>
    %swap3A_324 = arith.constant 96 : index
    %swap3A_325 = tpu.vector_load %arg12[%swap3A_324] {strides = array<i32>} : memref<112xi32, #tpu.memory_space<vmem>>, vector<16xi32>,
    %swap3A_326 = vector.shape_cast %swap3A_325 : vector<16xi32> to vector<16xi32>
    %swap3A_327 = vector.shape_cast %add3A_323 : vector<16xi32> to vector<16xi32>
    tpu.vector_store %arg12[%swap3A_324], %swap3A_327 {strides = array<i32>} : memref<112xi32, #tpu.memory_space<vmem>>, vector<16xi32>,
    "tpu.region"() ({
      %run_scoped3A = tpu.sem_alloc : memref<!tpu.dma_semaphore, #tpu.memory_space<semaphore_mem>>
      %dma_start3A_946 = arith.constant 0 : i32
      %dma_start3A_947 = arith.constant 0 : i32
      %dma_start3A_948 = tpu.memref_slice %arg13[%dma_start3A_946, %dma_start3A_947] : memref<128x128xf32, #tpu.memory_space<vmem>> -> memref<112x128xf32, #tpu.memory_space<vmem>>
      %dma_start3A_949 = arith.constant 0 : i32
      %dma_start3A_950 = arith.constant 0 : i32
      %dma_start3A_951 = tpu.memref_slice %arg16[%dma_start3A_949, %dma_start3A_950] : memref<10000x128xf32, #tpu.memory_space<vmem_shared>> -> memref<10000x128xf32, #tpu.memory_space<vmem_shared>>
      tpu.enqueue_indirect_dma source(%dma_start3A_948 : memref<112x128xf32, #tpu.memory_space<vmem>>) target(%dma_start3A_951 : memref<10000x128xf32, #tpu.memory_space<vmem_shared>>) offsets(%arg12 : memref<112xi32, #tpu.memory_space<vmem>>) semaphore(%run_scoped3A : memref<!tpu.dma_semaphore, #tpu.memory_space<semaphore_mem>>)
      %dma_wait3A_952 = arith.constant 0 : i32
      %dma_wait3A_953 = arith.constant 0 : i32
      %dma_wait3A_954 = tpu.memref_slice %arg13[%dma_wait3A_952, %dma_wait3A_953] : memref<128x128xf32, #tpu.memory_space<vmem>> -> memref<112x128xf32, #tpu.memory_space<vmem>>
      %dma_wait3A_955 = arith.constant 0 : i32
      %dma_wait3A_956 = arith.constant 0 : i32
      %dma_wait3A_957 = tpu.memref_slice %arg16[%dma_wait3A_955, %dma_wait3A_956] : memref<10000x128xf32, #tpu.memory_space<vmem_shared>> -> memref<10000x128xf32, #tpu.memory_space<vmem_shared>>
      tpu.wait_indirect_dma semaphore(%run_scoped3A : memref<!tpu.dma_semaphore, #tpu.memory_space<semaphore_mem>>) src(%dma_wait3A_954 : memref<112x128xf32, #tpu.memory_space<vmem>>) dst(%dma_wait3A_957 : memref<10000x128xf32, #tpu.memory_space<vmem_shared>>)
      tpu.yield
    }) : () -> ()
    %eq3A = arith.constant 15 : i32
    %eq3A_328 = arith.cmpi eq, %arg1, %eq3A : i32
    %convert_element_type3A = arith.extui %eq3A_328 : i1 to i32
    %cond3A = arith.constant 0 : i32
    %cond3A_329 = arith.cmpi ne, %convert_element_type3A, %cond3A : i32
    scf.if %cond3A_329 {
      %iota3A_946 = tpu.iota {dimensions = array<i32: 0>} : vector<16xi32>
      %add3A_947 = arith.constant 9984 : i32
      %add3A_948 = vector.broadcast %add3A_947 : i32 to vector<16xi32>
      %add3A_949 = arith.addi %iota3A_946, %add3A_948 : vector<16xi32>
      %swap3A_950 = arith.constant 0 : index
      %swap3A_951 = tpu.vector_load %arg10[%swap3A_950] {strides = array<i32>} : memref<16xi32, #tpu.memory_space<vmem>>, vector<16xi32>,
      %swap3A_952 = vector.shape_cast %swap3A_951 : vector<16xi32> to vector<16xi32>
      %swap3A_953 = vector.shape_cast %add3A_949 : vector<16xi32> to vector<16xi32>
      tpu.vector_store %arg10[%swap3A_950], %swap3A_953 {strides = array<i32>} : memref<16xi32, #tpu.memory_space<vmem>>, vector<16xi32>,
      "tpu.region"() ({
        %run_scoped3A = tpu.sem_alloc : memref<!tpu.dma_semaphore, #tpu.memory_space<semaphore_mem>>
        %dma_start3A_954 = arith.constant 0 : i32
        %dma_start3A_955 = arith.constant 0 : i32
        %dma_start3A_956 = tpu.memref_slice %arg13[%dma_start3A_954, %dma_start3A_955] : memref<128x128xf32, #tpu.memory_space<vmem>> -> memref<16x128xf32, #tpu.memory_space<vmem>>
        %dma_start3A_957 = arith.constant 0 : i32
        %dma_start3A_958 = arith.constant 0 : i32
        %dma_start3A_959 = tpu.memref_slice %arg16[%dma_start3A_957, %dma_start3A_958] : memref<10000x128xf32, #tpu.memory_space<vmem_shared>> -> memref<10000x128xf32, #tpu.memory_space<vmem_shared>>
        tpu.enqueue_indirect_dma source(%dma_start3A_956 : memref<16x128xf32, #tpu.memory_space<vmem>>) target(%dma_start3A_959 : memref<10000x128xf32, #tpu.memory_space<vmem_shared>>) offsets(%arg10 : memref<16xi32, #tpu.memory_space<vmem>>) semaphore(%run_scoped3A : memref<!tpu.dma_semaphore, #tpu.memory_space<semaphore_mem>>)
        %dma_wait3A_960 = arith.constant 0 : i32
        %dma_wait3A_961 = arith.constant 0 : i32
        %dma_wait3A_962 = tpu.memref_slice %arg13[%dma_wait3A_960, %dma_wait3A_961] : memref<128x128xf32, #tpu.memory_space<vmem>> -> memref<16x128xf32, #tpu.memory_space<vmem>>
        %dma_wait3A_963 = arith.constant 0 : i32
        %dma_wait3A_964 = arith.constant 0 : i32
        %dma_wait3A_965 = tpu.memref_slice %arg16[%dma_wait3A_963, %dma_wait3A_964] : memref<10000x128xf32, #tpu.memory_space<vmem_shared>> -> memref<10000x128xf32, #tpu.memory_space<vmem_shared>>
        tpu.wait_indirect_dma semaphore(%run_scoped3A : memref<!tpu.dma_semaphore, #tpu.memory_space<semaphore_mem>>) src(%dma_wait3A_962 : memref<16x128xf32, #tpu.memory_space<vmem>>) dst(%dma_wait3A_965 : memref<10000x128xf32, #tpu.memory_space<vmem_shared>>)
        tpu.yield
      }) : () -> ()
    } else {
    }
    "tpu.region"() ({
      %run_scoped3A = tpu.sem_alloc : memref<!tpu.dma_semaphore, #tpu.memory_space<semaphore_mem>>
      %dma_start3A_946 = arith.constant 0 : i32
      %dma_start3A_947 = tpu.memref_slice %arg7[%dma_start3A_946] : memref<512xi32, #tpu.memory_space<vmem>> -> memref<256xi32, #tpu.memory_space<vmem>>
      %dma_start3A_948 = arith.constant 0 : i32
      %dma_start3A_949 = tpu.memref_slice %arg3[%add3A, %dma_start3A_948] : memref<32x10000xi32, #tpu.memory_space<hbm>> -> memref<1x256xi32, #tpu.memory_space<hbm>>
      %dma_start3A_950 = tpu.memref_squeeze %dma_start3A_949 : memref<1x256xi32, #tpu.memory_space<hbm>> -> memref<256xi32, #tpu.memory_space<hbm>>
      %dma_start3A_951 = arith.constant 0 : i32
      %dma_start3A_952 = tpu.memref_slice %arg7[%dma_start3A_951] : memref<512xi32, #tpu.memory_space<vmem>> -> memref<256xi32, #tpu.memory_space<vmem>>
      %dma_start3A_953 = arith.constant 0 : i32
      %dma_start3A_954 = tpu.memref_slice %arg3[%add3A, %dma_start3A_953] : memref<32x10000xi32, #tpu.memory_space<hbm>> -> memref<1x256xi32, #tpu.memory_space<hbm>>
      %dma_start3A_955 = tpu.memref_squeeze %dma_start3A_954 : memref<1x256xi32, #tpu.memory_space<hbm>> -> memref<256xi32, #tpu.memory_space<hbm>>
      tpu.enqueue_dma source(%dma_start3A_955 : memref<256xi32, #tpu.memory_space<hbm>>) target(%dma_start3A_952 : memref<256xi32, #tpu.memory_space<vmem>>) target_semaphore(%run_scoped3A : memref<!tpu.dma_semaphore, #tpu.memory_space<semaphore_mem>>)
      %dma_wait3A_956 = arith.constant 0 : i32
      %dma_wait3A_957 = tpu.memref_slice %arg7[%dma_wait3A_956] : memref<512xi32, #tpu.memory_space<vmem>> -> memref<256xi32, #tpu.memory_space<vmem>>
      %dma_wait3A_958 = arith.constant 0 : i32
      %dma_wait3A_959 = tpu.memref_slice %arg3[%add3A, %dma_wait3A_958] : memref<32x10000xi32, #tpu.memory_space<hbm>> -> memref<1x256xi32, #tpu.memory_space<hbm>>
      %dma_wait3A_960 = tpu.memref_squeeze %dma_wait3A_959 : memref<1x256xi32, #tpu.memory_space<hbm>> -> memref<256xi32, #tpu.memory_space<hbm>>
      %dma_wait3A_961 = arith.constant 0 : i32
      %dma_wait3A_962 = tpu.memref_slice %arg7[%dma_wait3A_961] : memref<512xi32, #tpu.memory_space<vmem>> -> memref<256xi32, #tpu.memory_space<vmem>>
      %dma_wait3A_963 = arith.constant 0 : i32
      %dma_wait3A_964 = tpu.memref_slice %arg3[%add3A, %dma_wait3A_963] : memref<32x10000xi32, #tpu.memory_space<hbm>> -> memref<1x256xi32, #tpu.memory_space<hbm>>
      %dma_wait3A_965 = tpu.memref_squeeze %dma_wait3A_964 : memref<1x256xi32, #tpu.memory_space<hbm>> -> memref<256xi32, #tpu.memory_space<hbm>>
      tpu.wait_dma2 semaphore(%run_scoped3A : memref<!tpu.dma_semaphore, #tpu.memory_space<semaphore_mem>>) src(%dma_wait3A_965 : memref<256xi32, #tpu.memory_space<hbm>>) dst(%dma_wait3A_962 : memref<256xi32, #tpu.memory_space<vmem>>)
      tpu.yield
    }) : () -> ()
    "tpu.region"() ({
      %run_scoped3A = tpu.sem_alloc : memref<!tpu.dma_semaphore, #tpu.memory_space<semaphore_mem>>
      %dma_start3A_946 = arith.constant 256 : i32
      %dma_start3A_947 = tpu.memref_slice %arg7[%dma_start3A_946] : memref<512xi32, #tpu.memory_space<vmem>> -> memref<256xi32, #tpu.memory_space<vmem>>
      %dma_start3A_948 = arith.constant 0 : i32
      %dma_start3A_949 = tpu.memref_slice %arg4[%add3A, %dma_start3A_948] : memref<32x10000xi32, #tpu.memory_space<hbm>> -> memref<1x256xi32, #tpu.memory_space<hbm>>
      %dma_start3A_950 = tpu.memref_squeeze %dma_start3A_949 : memref<1x256xi32, #tpu.memory_space<hbm>> -> memref<256xi32, #tpu.memory_space<hbm>>
      %dma_start3A_951 = arith.constant 256 : i32
      %dma_start3A_952 = tpu.memref_slice %arg7[%dma_start3A_951] : memref<512xi32, #tpu.memory_space<vmem>> -> memref<256xi32, #tpu.memory_space<vmem>>
      %dma_start3A_953 = arith.constant 0 : i32
      %dma_start3A_954 = tpu.memref_slice %arg4[%add3A, %dma_start3A_953] : memref<32x10000xi32, #tpu.memory_space<hbm>> -> memref<1x256xi32, #tpu.memory_space<hbm>>
      %dma_start3A_955 = tpu.memref_squeeze %dma_start3A_954 : memref<1x256xi32, #tpu.memory_space<hbm>> -> memref<256xi32, #tpu.memory_space<hbm>>
      tpu.enqueue_dma source(%dma_start3A_955 : memref<256xi32, #tpu.memory_space<hbm>>) target(%dma_start3A_952 : memref<256xi32, #tpu.memory_space<vmem>>) target_semaphore(%run_scoped3A : memref<!tpu.dma_semaphore, #tpu.memory_space<semaphore_mem>>)
      %dma_wait3A_956 = arith.constant 256 : i32
      %dma_wait3A_957 = tpu.memref_slice %arg7[%dma_wait3A_956] : memref<512xi32, #tpu.memory_space<vmem>> -> memref<256xi32, #tpu.memory_space<vmem>>
      %dma_wait3A_958 = arith.constant 0 : i32
      %dma_wait3A_959 = tpu.memref_slice %arg4[%add3A, %dma_wait3A_958] : memref<32x10000xi32, #tpu.memory_space<hbm>> -> memref<1x256xi32, #tpu.memory_space<hbm>>
      %dma_wait3A_960 = tpu.memref_squeeze %dma_wait3A_959 : memref<1x256xi32, #tpu.memory_space<hbm>> -> memref<256xi32, #tpu.memory_space<hbm>>
      %dma_wait3A_961 = arith.constant 256 : i32
      %dma_wait3A_962 = tpu.memref_slice %arg7[%dma_wait3A_961] : memref<512xi32, #tpu.memory_space<vmem>> -> memref<256xi32, #tpu.memory_space<vmem>>
      %dma_wait3A_963 = arith.constant 0 : i32
      %dma_wait3A_964 = tpu.memref_slice %arg4[%add3A, %dma_wait3A_963] : memref<32x10000xi32, #tpu.memory_space<hbm>> -> memref<1x256xi32, #tpu.memory_space<hbm>>
      %dma_wait3A_965 = tpu.memref_squeeze %dma_wait3A_964 : memref<1x256xi32, #tpu.memory_space<hbm>> -> memref<256xi32, #tpu.memory_space<hbm>>
      tpu.wait_dma2 semaphore(%run_scoped3A : memref<!tpu.dma_semaphore, #tpu.memory_space<semaphore_mem>>) src(%dma_wait3A_965 : memref<256xi32, #tpu.memory_space<hbm>>) dst(%dma_wait3A_962 : memref<256xi32, #tpu.memory_space<vmem>>)
      tpu.yield
    }) : () -> ()
    "tpu.region"() ({
      %run_scoped3A = tpu.sem_alloc : memref<!tpu.dma_semaphore, #tpu.memory_space<semaphore_mem>>
      %dma_start3A_946 = arith.constant 0 : i32
      %dma_start3A_947 = tpu.memref_slice %arg8[%dma_start3A_946] : memref<512xi32, #tpu.memory_space<vmem>> -> memref<256xi32, #tpu.memory_space<vmem>>
      %dma_start3A_948 = arith.constant 256 : i32
      %dma_start3A_949 = tpu.memref_slice %arg3[%add3A, %dma_start3A_948] : memref<32x10000xi32, #tpu.memory_space<hbm>> -> memref<1x256xi32, #tpu.memory_space<hbm>>
      %dma_start3A_950 = tpu.memref_squeeze %dma_start3A_949 : memref<1x256xi32, #tpu.memory_space<hbm>> -> memref<256xi32, #tpu.memory_space<hbm>>
      %dma_start3A_951 = arith.constant 0 : i32
      %dma_start3A_952 = tpu.memref_slice %arg8[%dma_start3A_951] : memref<512xi32, #tpu.memory_space<vmem>> -> memref<256xi32, #tpu.memory_space<vmem>>
      %dma_start3A_953 = arith.constant 256 : i32
      %dma_start3A_954 = tpu.memref_slice %arg3[%add3A, %dma_start3A_953] : memref<32x10000xi32, #tpu.memory_space<hbm>> -> memref<1x256xi32, #tpu.memory_space<hbm>>
      %dma_start3A_955 = tpu.memref_squeeze %dma_start3A_954 : memref<1x256xi32, #tpu.memory_space<hbm>> -> memref<256xi32, #tpu.memory_space<hbm>>
      tpu.enqueue_dma source(%dma_start3A_955 : memref<256xi32, #tpu.memory_space<hbm>>) target(%dma_start3A_952 : memref<256xi32, #tpu.memory_space<vmem>>) target_semaphore(%run_scoped3A : memref<!tpu.dma_semaphore, #tpu.memory_space<semaphore_mem>>)
      %dma_wait3A_956 = arith.constant 0 : i32
      %dma_wait3A_957 = tpu.memref_slice %arg8[%dma_wait3A_956] : memref<512xi32, #tpu.memory_space<vmem>> -> memref<256xi32, #tpu.memory_space<vmem>>
      %dma_wait3A_958 = arith.constant 256 : i32
      %dma_wait3A_959 = tpu.memref_slice %arg3[%add3A, %dma_wait3A_958] : memref<32x10000xi32, #tpu.memory_space<hbm>> -> memref<1x256xi32, #tpu.memory_space<hbm>>
      %dma_wait3A_960 = tpu.memref_squeeze %dma_wait3A_959 : memref<1x256xi32, #tpu.memory_space<hbm>> -> memref<256xi32, #tpu.memory_space<hbm>>
      %dma_wait3A_961 = arith.constant 0 : i32
      %dma_wait3A_962 = tpu.memref_slice %arg8[%dma_wait3A_961] : memref<512xi32, #tpu.memory_space<vmem>> -> memref<256xi32, #tpu.memory_space<vmem>>
      %dma_wait3A_963 = arith.constant 256 : i32
      %dma_wait3A_964 = tpu.memref_slice %arg3[%add3A, %dma_wait3A_963] : memref<32x10000xi32, #tpu.memory_space<hbm>> -> memref<1x256xi32, #tpu.memory_space<hbm>>
      %dma_wait3A_965 = tpu.memref_squeeze %dma_wait3A_964 : memref<1x256xi32, #tpu.memory_space<hbm>> -> memref<256xi32, #tpu.memory_space<hbm>>
      tpu.wait_dma2 semaphore(%run_scoped3A : memref<!tpu.dma_semaphore, #tpu.memory_space<semaphore_mem>>) src(%dma_wait3A_965 : memref<256xi32, #tpu.memory_space<hbm>>) dst(%dma_wait3A_962 : memref<256xi32, #tpu.memory_space<vmem>>)
      tpu.yield
    }) : () -> ()
    "tpu.region"() ({
      %run_scoped3A = tpu.sem_alloc : memref<!tpu.dma_semaphore, #tpu.memory_space<semaphore_mem>>
      %dma_start3A_946 = arith.constant 256 : i32
      %dma_start3A_947 = tpu.memref_slice %arg8[%dma_start3A_946] : memref<512xi32, #tpu.memory_space<vmem>> -> memref<256xi32, #tpu.memory_space<vmem>>
      %dma_start3A_948 = arith.constant 256 : i32
      %dma_start3A_949 = tpu.memref_slice %arg4[%add3A, %dma_start3A_948] : memref<32x10000xi32, #tpu.memory_space<hbm>> -> memref<1x256xi32, #tpu.memory_space<hbm>>
      %dma_start3A_950 = tpu.memref_squeeze %dma_start3A_949 : memref<1x256xi32, #tpu.memory_space<hbm>> -> memref<256xi32, #tpu.memory_space<hbm>>
      %dma_start3A_951 = arith.constant 256 : i32
      %dma_start3A_952 = tpu.memref_slice %arg8[%dma_start3A_951] : memref<512xi32, #tpu.memory_space<vmem>> -> memref<256xi32, #tpu.memory_space<vmem>>
      %dma_start3A_953 = arith.constant 256 : i32
      %dma_start3A_954 = tpu.memref_slice %arg4[%add3A, %dma_start3A_953] : memref<32x10000xi32, #tpu.memory_space<hbm>> -> memref<1x256xi32, #tpu.memory_space<hbm>>
      %dma_start3A_955 = tpu.memref_squeeze %dma_start3A_954 : memref<1x256xi32, #tpu.memory_space<hbm>> -> memref<256xi32, #tpu.memory_space<hbm>>
      tpu.enqueue_dma source(%dma_start3A_955 : memref<256xi32, #tpu.memory_space<hbm>>) target(%dma_start3A_952 : memref<256xi32, #tpu.memory_space<vmem>>) target_semaphore(%run_scoped3A : memref<!tpu.dma_semaphore, #tpu.memory_space<semaphore_mem>>)
      %dma_wait3A_956 = arith.constant 256 : i32
      %dma_wait3A_957 = tpu.memref_slice %arg8[%dma_wait3A_956] : memref<512xi32, #tpu.memory_space<vmem>> -> memref<256xi32, #tpu.memory_space<vmem>>
      %dma_wait3A_958 = arith.constant 256 : i32
      %dma_wait3A_959 = tpu.memref_slice %arg4[%add3A, %dma_wait3A_958] : memref<32x10000xi32, #tpu.memory_space<hbm>> -> memref<1x256xi32, #tpu.memory_space<hbm>>
      %dma_wait3A_960 = tpu.memref_squeeze %dma_wait3A_959 : memref<1x256xi32, #tpu.memory_space<hbm>> -> memref<256xi32, #tpu.memory_space<hbm>>
      %dma_wait3A_961 = arith.constant 256 : i32
      %dma_wait3A_962 = tpu.memref_slice %arg8[%dma_wait3A_961] : memref<512xi32, #tpu.memory_space<vmem>> -> memref<256xi32, #tpu.memory_space<vmem>>
      %dma_wait3A_963 = arith.constant 256 : i32
      %dma_wait3A_964 = tpu.memref_slice %arg4[%add3A, %dma_wait3A_963] : memref<32x10000xi32, #tpu.memory_space<hbm>> -> memref<1x256xi32, #tpu.memory_space<hbm>>
      %dma_wait3A_965 = tpu.memref_squeeze %dma_wait3A_964 : memref<1x256xi32, #tpu.memory_space<hbm>> -> memref<256xi32, #tpu.memory_space<hbm>>
      tpu.wait_dma2 semaphore(%run_scoped3A : memref<!tpu.dma_semaphore, #tpu.memory_space<semaphore_mem>>) src(%dma_wait3A_965 : memref<256xi32, #tpu.memory_space<hbm>>) dst(%dma_wait3A_962 : memref<256xi32, #tpu.memory_space<vmem>>)
      tpu.yield
    }) : () -> ()
    %dma_start3A = arith.constant 0 : i32
    %dma_start3A_330 = tpu.memref_slice %arg7[%dma_start3A] : memref<512xi32, #tpu.memory_space<vmem>> -> memref<128xi32, #tpu.memory_space<vmem>>
    %dma_start3A_331 = arith.constant 0 : i32
    %dma_start3A_332 = arith.constant 0 : i32
    %dma_start3A_333 = tpu.memref_slice %arg2[%dma_start3A_331, %dma_start3A_332] : memref<10000x128xf32, #tpu.memory_space<hbm>> -> memref<10000x128xf32, #tpu.memory_space<hbm>>
    tpu.enqueue_indirect_dma source(%dma_start3A_333 : memref<10000x128xf32, #tpu.memory_space<hbm>>) target(%arg13 : memref<128x128xf32, #tpu.memory_space<vmem>>) offsets(%dma_start3A_330 : memref<128xi32, #tpu.memory_space<vmem>>) semaphore(%arg17 : memref<!tpu.dma_semaphore, #tpu.memory_space<semaphore_mem>>)
    %dma_start3A_334 = arith.constant 128 : i32
    %dma_start3A_335 = tpu.memref_slice %arg7[%dma_start3A_334] : memref<512xi32, #tpu.memory_space<vmem>> -> memref<128xi32, #tpu.memory_space<vmem>>
    %dma_start3A_336 = arith.constant 0 : i32
    %dma_start3A_337 = arith.constant 0 : i32
    %dma_start3A_338 = tpu.memref_slice %arg2[%dma_start3A_336, %dma_start3A_337] : memref<10000x128xf32, #tpu.memory_space<hbm>> -> memref<10000x128xf32, #tpu.memory_space<hbm>>
    tpu.enqueue_indirect_dma source(%dma_start3A_338 : memref<10000x128xf32, #tpu.memory_space<hbm>>) target(%arg14 : memref<128x128xf32, #tpu.memory_space<vmem>>) offsets(%dma_start3A_335 : memref<128xi32, #tpu.memory_space<vmem>>) semaphore(%arg18 : memref<!tpu.dma_semaphore, #tpu.memory_space<semaphore_mem>>)
    %barrier3A = arith.constant 0 : index
    tpu.barrier barrier_id(%barrier3A)
    %scan3A = arith.constant 0 : i32
    %scan3A_339 = arith.constant 0 : i32
    %scan3A_340 = arith.constant 19 : i32
    %scan3A_341 = arith.addi %scan3A_339, %scan3A_340 : i32
    %scan3A_342 = arith.constant 1 : i32
    scf.for %scan3A_946 = %scan3A_339 to %scan3A_341 step %scan3A_342  : i32 {
      %mul3A_947 = arith.constant 2 : i32
      %mul3A_948 = arith.muli %mul3A_947, %scan3A_946 : i32
      %dma_wait3A_949 = arith.constant 0 : i32
      %dma_wait3A_950 = tpu.memref_slice %arg7[%dma_wait3A_949] : memref<512xi32, #tpu.memory_space<vmem>> -> memref<128xi32, #tpu.memory_space<vmem>>
      %dma_wait3A_951 = arith.constant 0 : i32
      %dma_wait3A_952 = arith.constant 0 : i32
      %dma_wait3A_953 = tpu.memref_slice %arg2[%dma_wait3A_951, %dma_wait3A_952] : memref<10000x128xf32, #tpu.memory_space<hbm>> -> memref<10000x128xf32, #tpu.memory_space<hbm>>
      tpu.wait_indirect_dma semaphore(%arg17 : memref<!tpu.dma_semaphore, #tpu.memory_space<semaphore_mem>>) src(%dma_wait3A_953 : memref<10000x128xf32, #tpu.memory_space<hbm>>) dst(%arg13 : memref<128x128xf32, #tpu.memory_space<vmem>>)
      %dma_start3A_954 = arith.constant 256 : i32
      %dma_start3A_955 = tpu.memref_slice %arg7[%dma_start3A_954] : memref<512xi32, #tpu.memory_space<vmem>> -> memref<128xi32, #tpu.memory_space<vmem>>
      %dma_start3A_956 = arith.constant 0 : i32
      %dma_start3A_957 = arith.constant 0 : i32
      %dma_start3A_958 = tpu.memref_slice %arg16[%dma_start3A_956, %dma_start3A_957] : memref<10000x128xf32, #tpu.memory_space<vmem_shared>> -> memref<10000x128xf32, #tpu.memory_space<vmem_shared>>
      tpu.enqueue_indirect_dma source(%arg13 : memref<128x128xf32, #tpu.memory_space<vmem>>) target(%dma_start3A_958 : memref<10000x128xf32, #tpu.memory_space<vmem_shared>>) offsets(%dma_start3A_955 : memref<128xi32, #tpu.memory_space<vmem>>) semaphore(%arg19 : memref<!tpu.dma_semaphore, #tpu.memory_space<semaphore_mem>>) {add = true}
      %dma_wait3A_959 = arith.constant 128 : i32
      %dma_wait3A_960 = tpu.memref_slice %arg7[%dma_wait3A_959] : memref<512xi32, #tpu.memory_space<vmem>> -> memref<128xi32, #tpu.memory_space<vmem>>
      %dma_wait3A_961 = arith.constant 0 : i32
      %dma_wait3A_962 = arith.constant 0 : i32
      %dma_wait3A_963 = tpu.memref_slice %arg2[%dma_wait3A_961, %dma_wait3A_962] : memref<10000x128xf32, #tpu.memory_space<hbm>> -> memref<10000x128xf32, #tpu.memory_space<hbm>>
      tpu.wait_indirect_dma semaphore(%arg18 : memref<!tpu.dma_semaphore, #tpu.memory_space<semaphore_mem>>) src(%dma_wait3A_963 : memref<10000x128xf32, #tpu.memory_space<hbm>>) dst(%arg14 : memref<128x128xf32, #tpu.memory_space<vmem>>)
      %dma_start3A_964 = arith.constant 384 : i32
      %dma_start3A_965 = tpu.memref_slice %arg7[%dma_start3A_964] : memref<512xi32, #tpu.memory_space<vmem>> -> memref<128xi32, #tpu.memory_space<vmem>>
      %dma_start3A_966 = arith.constant 0 : i32
      %dma_start3A_967 = arith.constant 0 : i32
      %dma_start3A_968 = tpu.memref_slice %arg16[%dma_start3A_966, %dma_start3A_967] : memref<10000x128xf32, #tpu.memory_space<vmem_shared>> -> memref<10000x128xf32, #tpu.memory_space<vmem_shared>>
      tpu.enqueue_indirect_dma source(%arg14 : memref<128x128xf32, #tpu.memory_space<vmem>>) target(%dma_start3A_968 : memref<10000x128xf32, #tpu.memory_space<vmem_shared>>) offsets(%dma_start3A_965 : memref<128xi32, #tpu.memory_space<vmem>>) semaphore(%arg20 : memref<!tpu.dma_semaphore, #tpu.memory_space<semaphore_mem>>) {add = true}
      %dma_wait3A_969 = arith.constant 256 : i32
      %dma_wait3A_970 = tpu.memref_slice %arg7[%dma_wait3A_969] : memref<512xi32, #tpu.memory_space<vmem>> -> memref<128xi32, #tpu.memory_space<vmem>>
      %dma_wait3A_971 = arith.constant 0 : i32
      %dma_wait3A_972 = arith.constant 0 : i32
      %dma_wait3A_973 = tpu.memref_slice %arg16[%dma_wait3A_971, %dma_wait3A_972] : memref<10000x128xf32, #tpu.memory_space<vmem_shared>> -> memref<10000x128xf32, #tpu.memory_space<vmem_shared>>
      tpu.wait_indirect_dma semaphore(%arg19 : memref<!tpu.dma_semaphore, #tpu.memory_space<semaphore_mem>>) src(%arg13 : memref<128x128xf32, #tpu.memory_space<vmem>>) dst(%dma_wait3A_973 : memref<10000x128xf32, #tpu.memory_space<vmem_shared>>)
      %dma_start3A_974 = arith.constant 0 : i32
      %dma_start3A_975 = tpu.memref_slice %arg8[%dma_start3A_974] : memref<512xi32, #tpu.memory_space<vmem>> -> memref<128xi32, #tpu.memory_space<vmem>>
      %dma_start3A_976 = arith.constant 0 : i32
      %dma_start3A_977 = arith.constant 0 : i32
      %dma_start3A_978 = tpu.memref_slice %arg2[%dma_start3A_976, %dma_start3A_977] : memref<10000x128xf32, #tpu.memory_space<hbm>> -> memref<10000x128xf32, #tpu.memory_space<hbm>>
      tpu.enqueue_indirect_dma source(%dma_start3A_978 : memref<10000x128xf32, #tpu.memory_space<hbm>>) target(%arg13 : memref<128x128xf32, #tpu.memory_space<vmem>>) offsets(%dma_start3A_975 : memref<128xi32, #tpu.memory_space<vmem>>) semaphore(%arg17 : memref<!tpu.dma_semaphore, #tpu.memory_space<semaphore_mem>>)
      %dma_wait3A_979 = arith.constant 384 : i32
      %dma_wait3A_980 = tpu.memref_slice %arg7[%dma_wait3A_979] : memref<512xi32, #tpu.memory_space<vmem>> -> memref<128xi32, #tpu.memory_space<vmem>>
      %dma_wait3A_981 = arith.constant 0 : i32
      %dma_wait3A_982 = arith.constant 0 : i32
      %dma_wait3A_983 = tpu.memref_slice %arg16[%dma_wait3A_981, %dma_wait3A_982] : memref<10000x128xf32, #tpu.memory_space<vmem_shared>> -> memref<10000x128xf32, #tpu.memory_space<vmem_shared>>
      tpu.wait_indirect_dma semaphore(%arg20 : memref<!tpu.dma_semaphore, #tpu.memory_space<semaphore_mem>>) src(%arg14 : memref<128x128xf32, #tpu.memory_space<vmem>>) dst(%dma_wait3A_983 : memref<10000x128xf32, #tpu.memory_space<vmem_shared>>)
      %dma_start3A_984 = arith.constant 128 : i32
      %dma_start3A_985 = tpu.memref_slice %arg8[%dma_start3A_984] : memref<512xi32, #tpu.memory_space<vmem>> -> memref<128xi32, #tpu.memory_space<vmem>>
      %dma_start3A_986 = arith.constant 0 : i32
      %dma_start3A_987 = arith.constant 0 : i32
      %dma_start3A_988 = tpu.memref_slice %arg2[%dma_start3A_986, %dma_start3A_987] : memref<10000x128xf32, #tpu.memory_space<hbm>> -> memref<10000x128xf32, #tpu.memory_space<hbm>>
      tpu.enqueue_indirect_dma source(%dma_start3A_988 : memref<10000x128xf32, #tpu.memory_space<hbm>>) target(%arg14 : memref<128x128xf32, #tpu.memory_space<vmem>>) offsets(%dma_start3A_985 : memref<128xi32, #tpu.memory_space<vmem>>) semaphore(%arg18 : memref<!tpu.dma_semaphore, #tpu.memory_space<semaphore_mem>>)
      %add3A_989 = arith.constant 2 : i32
      %add3A_990 = arith.addi %mul3A_948, %add3A_989 : i32
      %mul3A_991 = arith.constant 2 : i32
      %mul3A_992 = arith.muli %add3A_990, %mul3A_991 : i32
      %mul3A_993 = arith.constant 128 : i32
      %mul3A_994 = arith.muli %mul3A_992, %mul3A_993 : i32
      %dma_start3A_995 = arith.constant 0 : i32
      %dma_start3A_996 = tpu.memref_slice %arg7[%dma_start3A_995] : memref<512xi32, #tpu.memory_space<vmem>> -> memref<256xi32, #tpu.memory_space<vmem>>
      %dma_start3A_997 = tpu.memref_slice %arg3[%add3A, %mul3A_994] : memref<32x10000xi32, #tpu.memory_space<hbm>> -> memref<1x256xi32, #tpu.memory_space<hbm>>
      %dma_start3A_998 = tpu.memref_squeeze %dma_start3A_997 : memref<1x256xi32, #tpu.memory_space<hbm>> -> memref<256xi32, #tpu.memory_space<hbm>>
      %dma_start3A_999 = arith.constant 0 : i32
      %dma_start3A_1000 = tpu.memref_slice %arg7[%dma_start3A_999] : memref<512xi32, #tpu.memory_space<vmem>> -> memref<256xi32, #tpu.memory_space<vmem>>
      %dma_start3A_1001 = tpu.memref_slice %arg3[%add3A, %mul3A_994] : memref<32x10000xi32, #tpu.memory_space<hbm>> -> memref<1x256xi32, #tpu.memory_space<hbm>>
      %dma_start3A_1002 = tpu.memref_squeeze %dma_start3A_1001 : memref<1x256xi32, #tpu.memory_space<hbm>> -> memref<256xi32, #tpu.memory_space<hbm>>
      tpu.enqueue_dma source(%dma_start3A_1002 : memref<256xi32, #tpu.memory_space<hbm>>) target(%dma_start3A_1000 : memref<256xi32, #tpu.memory_space<vmem>>) target_semaphore(%arg21 : memref<!tpu.dma_semaphore, #tpu.memory_space<semaphore_mem>>)
      %mul3A_1003 = arith.constant 2 : i32
      %mul3A_1004 = arith.muli %add3A_990, %mul3A_1003 : i32
      %mul3A_1005 = arith.constant 128 : i32
      %mul3A_1006 = arith.muli %mul3A_1004, %mul3A_1005 : i32
      %dma_start3A_1007 = arith.constant 256 : i32
      %dma_start3A_1008 = tpu.memref_slice %arg7[%dma_start3A_1007] : memref<512xi32, #tpu.memory_space<vmem>> -> memref<256xi32, #tpu.memory_space<vmem>>
      %dma_start3A_1009 = tpu.memref_slice %arg4[%add3A, %mul3A_1006] : memref<32x10000xi32, #tpu.memory_space<hbm>> -> memref<1x256xi32, #tpu.memory_space<hbm>>
      %dma_start3A_1010 = tpu.memref_squeeze %dma_start3A_1009 : memref<1x256xi32, #tpu.memory_space<hbm>> -> memref<256xi32, #tpu.memory_space<hbm>>
      %dma_start3A_1011 = arith.constant 256 : i32
      %dma_start3A_1012 = tpu.memref_slice %arg7[%dma_start3A_1011] : memref<512xi32, #tpu.memory_space<vmem>> -> memref<256xi32, #tpu.memory_space<vmem>>
      %dma_start3A_1013 = tpu.memref_slice %arg4[%add3A, %mul3A_1006] : memref<32x10000xi32, #tpu.memory_space<hbm>> -> memref<1x256xi32, #tpu.memory_space<hbm>>
      %dma_start3A_1014 = tpu.memref_squeeze %dma_start3A_1013 : memref<1x256xi32, #tpu.memory_space<hbm>> -> memref<256xi32, #tpu.memory_space<hbm>>
      tpu.enqueue_dma source(%dma_start3A_1014 : memref<256xi32, #tpu.memory_space<hbm>>) target(%dma_start3A_1012 : memref<256xi32, #tpu.memory_space<vmem>>) target_semaphore(%arg21 : memref<!tpu.dma_semaphore, #tpu.memory_space<semaphore_mem>>)
      %dma_wait3A_1015 = arith.constant 0 : i32
      %dma_wait3A_1016 = tpu.memref_slice %arg8[%dma_wait3A_1015] : memref<512xi32, #tpu.memory_space<vmem>> -> memref<128xi32, #tpu.memory_space<vmem>>
      %dma_wait3A_1017 = arith.constant 0 : i32
      %dma_wait3A_1018 = arith.constant 0 : i32
      %dma_wait3A_1019 = tpu.memref_slice %arg2[%dma_wait3A_1017, %dma_wait3A_1018] : memref<10000x128xf32, #tpu.memory_space<hbm>> -> memref<10000x128xf32, #tpu.memory_space<hbm>>
      tpu.wait_indirect_dma semaphore(%arg17 : memref<!tpu.dma_semaphore, #tpu.memory_space<semaphore_mem>>) src(%dma_wait3A_1019 : memref<10000x128xf32, #tpu.memory_space<hbm>>) dst(%arg13 : memref<128x128xf32, #tpu.memory_space<vmem>>)
      %dma_start3A_1020 = arith.constant 256 : i32
      %dma_start3A_1021 = tpu.memref_slice %arg8[%dma_start3A_1020] : memref<512xi32, #tpu.memory_space<vmem>> -> memref<128xi32, #tpu.memory_space<vmem>>
      %dma_start3A_1022 = arith.constant 0 : i32
      %dma_start3A_1023 = arith.constant 0 : i32
      %dma_start3A_1024 = tpu.memref_slice %arg16[%dma_start3A_1022, %dma_start3A_1023] : memref<10000x128xf32, #tpu.memory_space<vmem_shared>> -> memref<10000x128xf32, #tpu.memory_space<vmem_shared>>
      tpu.enqueue_indirect_dma source(%arg13 : memref<128x128xf32, #tpu.memory_space<vmem>>) target(%dma_start3A_1024 : memref<10000x128xf32, #tpu.memory_space<vmem_shared>>) offsets(%dma_start3A_1021 : memref<128xi32, #tpu.memory_space<vmem>>) semaphore(%arg19 : memref<!tpu.dma_semaphore, #tpu.memory_space<semaphore_mem>>) {add = true}
      %dma_wait3A_1025 = arith.constant 128 : i32
      %dma_wait3A_1026 = tpu.memref_slice %arg8[%dma_wait3A_1025] : memref<512xi32, #tpu.memory_space<vmem>> -> memref<128xi32, #tpu.memory_space<vmem>>
      %dma_wait3A_1027 = arith.constant 0 : i32
      %dma_wait3A_1028 = arith.constant 0 : i32
      %dma_wait3A_1029 = tpu.memref_slice %arg2[%dma_wait3A_1027, %dma_wait3A_1028] : memref<10000x128xf32, #tpu.memory_space<hbm>> -> memref<10000x128xf32, #tpu.memory_space<hbm>>
      tpu.wait_indirect_dma semaphore(%arg18 : memref<!tpu.dma_semaphore, #tpu.memory_space<semaphore_mem>>) src(%dma_wait3A_1029 : memref<10000x128xf32, #tpu.memory_space<hbm>>) dst(%arg14 : memref<128x128xf32, #tpu.memory_space<vmem>>)
      %dma_start3A_1030 = arith.constant 384 : i32
      %dma_start3A_1031 = tpu.memref_slice %arg8[%dma_start3A_1030] : memref<512xi32, #tpu.memory_space<vmem>> -> memref<128xi32, #tpu.memory_space<vmem>>
      %dma_start3A_1032 = arith.constant 0 : i32
      %dma_start3A_1033 = arith.constant 0 : i32
      %dma_start3A_1034 = tpu.memref_slice %arg16[%dma_start3A_1032, %dma_start3A_1033] : memref<10000x128xf32, #tpu.memory_space<vmem_shared>> -> memref<10000x128xf32, #tpu.memory_space<vmem_shared>>
      tpu.enqueue_indirect_dma source(%arg14 : memref<128x128xf32, #tpu.memory_space<vmem>>) target(%dma_start3A_1034 : memref<10000x128xf32, #tpu.memory_space<vmem_shared>>) offsets(%dma_start3A_1031 : memref<128xi32, #tpu.memory_space<vmem>>) semaphore(%arg20 : memref<!tpu.dma_semaphore, #tpu.memory_space<semaphore_mem>>) {add = true}
      %add3A_1035 = arith.constant 2 : i32
      %add3A_1036 = arith.addi %mul3A_948, %add3A_1035 : i32
      %mul3A_1037 = arith.constant 2 : i32
      %mul3A_1038 = arith.muli %add3A_1036, %mul3A_1037 : i32
      %mul3A_1039 = arith.constant 128 : i32
      %mul3A_1040 = arith.muli %mul3A_1038, %mul3A_1039 : i32
      %dma_wait3A_1041 = arith.constant 0 : i32
      %dma_wait3A_1042 = tpu.memref_slice %arg7[%dma_wait3A_1041] : memref<512xi32, #tpu.memory_space<vmem>> -> memref<256xi32, #tpu.memory_space<vmem>>
      %dma_wait3A_1043 = tpu.memref_slice %arg3[%add3A, %mul3A_1040] : memref<32x10000xi32, #tpu.memory_space<hbm>> -> memref<1x256xi32, #tpu.memory_space<hbm>>
      %dma_wait3A_1044 = tpu.memref_squeeze %dma_wait3A_1043 : memref<1x256xi32, #tpu.memory_space<hbm>> -> memref<256xi32, #tpu.memory_space<hbm>>
      %dma_wait3A_1045 = arith.constant 0 : i32
      %dma_wait3A_1046 = tpu.memref_slice %arg7[%dma_wait3A_1045] : memref<512xi32, #tpu.memory_space<vmem>> -> memref<256xi32, #tpu.memory_space<vmem>>
      %dma_wait3A_1047 = tpu.memref_slice %arg3[%add3A, %mul3A_1040] : memref<32x10000xi32, #tpu.memory_space<hbm>> -> memref<1x256xi32, #tpu.memory_space<hbm>>
      %dma_wait3A_1048 = tpu.memref_squeeze %dma_wait3A_1047 : memref<1x256xi32, #tpu.memory_space<hbm>> -> memref<256xi32, #tpu.memory_space<hbm>>
      tpu.wait_dma2 semaphore(%arg21 : memref<!tpu.dma_semaphore, #tpu.memory_space<semaphore_mem>>) src(%dma_wait3A_1048 : memref<256xi32, #tpu.memory_space<hbm>>) dst(%dma_wait3A_1046 : memref<256xi32, #tpu.memory_space<vmem>>)
      %mul3A_1049 = arith.constant 2 : i32
      %mul3A_1050 = arith.muli %add3A_1036, %mul3A_1049 : i32
      %mul3A_1051 = arith.constant 128 : i32
      %mul3A_1052 = arith.muli %mul3A_1050, %mul3A_1051 : i32
      %dma_wait3A_1053 = arith.constant 256 : i32
      %dma_wait3A_1054 = tpu.memref_slice %arg7[%dma_wait3A_1053] : memref<512xi32, #tpu.memory_space<vmem>> -> memref<256xi32, #tpu.memory_space<vmem>>
      %dma_wait3A_1055 = tpu.memref_slice %arg4[%add3A, %mul3A_1052] : memref<32x10000xi32, #tpu.memory_space<hbm>> -> memref<1x256xi32, #tpu.memory_space<hbm>>
      %dma_wait3A_1056 = tpu.memref_squeeze %dma_wait3A_1055 : memref<1x256xi32, #tpu.memory_space<hbm>> -> memref<256xi32, #tpu.memory_space<hbm>>
      %dma_wait3A_1057 = arith.constant 256 : i32
      %dma_wait3A_1058 = tpu.memref_slice %arg7[%dma_wait3A_1057] : memref<512xi32, #tpu.memory_space<vmem>> -> memref<256xi32, #tpu.memory_space<vmem>>
      %dma_wait3A_1059 = tpu.memref_slice %arg4[%add3A, %mul3A_1052] : memref<32x10000xi32, #tpu.memory_space<hbm>> -> memref<1x256xi32, #tpu.memory_space<hbm>>
      %dma_wait3A_1060 = tpu.memref_squeeze %dma_wait3A_1059 : memref<1x256xi32, #tpu.memory_space<hbm>> -> memref<256xi32, #tpu.memory_space<hbm>>
      tpu.wait_dma2 semaphore(%arg21 : memref<!tpu.dma_semaphore, #tpu.memory_space<semaphore_mem>>) src(%dma_wait3A_1060 : memref<256xi32, #tpu.memory_space<hbm>>) dst(%dma_wait3A_1058 : memref<256xi32, #tpu.memory_space<vmem>>)
      %dma_wait3A_1061 = arith.constant 256 : i32
      %dma_wait3A_1062 = tpu.memref_slice %arg8[%dma_wait3A_1061] : memref<512xi32, #tpu.memory_space<vmem>> -> memref<128xi32, #tpu.memory_space<vmem>>
      %dma_wait3A_1063 = arith.constant 0 : i32
      %dma_wait3A_1064 = arith.constant 0 : i32
      %dma_wait3A_1065 = tpu.memref_slice %arg16[%dma_wait3A_1063, %dma_wait3A_1064] : memref<10000x128xf32, #tpu.memory_space<vmem_shared>> -> memref<10000x128xf32, #tpu.memory_space<vmem_shared>>
      tpu.wait_indirect_dma semaphore(%arg19 : memref<!tpu.dma_semaphore, #tpu.memory_space<semaphore_mem>>) src(%arg13 : memref<128x128xf32, #tpu.memory_space<vmem>>) dst(%dma_wait3A_1065 : memref<10000x128xf32, #tpu.memory_space<vmem_shared>>)
      %dma_start3A_1066 = arith.constant 0 : i32
      %dma_start3A_1067 = tpu.memref_slice %arg7[%dma_start3A_1066] : memref<512xi32, #tpu.memory_space<vmem>> -> memref<128xi32, #tpu.memory_space<vmem>>
      %dma_start3A_1068 = arith.constant 0 : i32
      %dma_start3A_1069 = arith.constant 0 : i32
      %dma_start3A_1070 = tpu.memref_slice %arg2[%dma_start3A_1068, %dma_start3A_1069] : memref<10000x128xf32, #tpu.memory_space<hbm>> -> memref<10000x128xf32, #tpu.memory_space<hbm>>
      tpu.enqueue_indirect_dma source(%dma_start3A_1070 : memref<10000x128xf32, #tpu.memory_space<hbm>>) target(%arg13 : memref<128x128xf32, #tpu.memory_space<vmem>>) offsets(%dma_start3A_1067 : memref<128xi32, #tpu.memory_space<vmem>>) semaphore(%arg17 : memref<!tpu.dma_semaphore, #tpu.memory_space<semaphore_mem>>)
      %dma_wait3A_1071 = arith.constant 384 : i32
      %dma_wait3A_1072 = tpu.memref_slice %arg8[%dma_wait3A_1071] : memref<512xi32, #tpu.memory_space<vmem>> -> memref<128xi32, #tpu.memory_space<vmem>>
      %dma_wait3A_1073 = arith.constant 0 : i32
      %dma_wait3A_1074 = arith.constant 0 : i32
      %dma_wait3A_1075 = tpu.memref_slice %arg16[%dma_wait3A_1073, %dma_wait3A_1074] : memref<10000x128xf32, #tpu.memory_space<vmem_shared>> -> memref<10000x128xf32, #tpu.memory_space<vmem_shared>>
      tpu.wait_indirect_dma semaphore(%arg20 : memref<!tpu.dma_semaphore, #tpu.memory_space<semaphore_mem>>) src(%arg14 : memref<128x128xf32, #tpu.memory_space<vmem>>) dst(%dma_wait3A_1075 : memref<10000x128xf32, #tpu.memory_space<vmem_shared>>)
      %dma_start3A_1076 = arith.constant 128 : i32
      %dma_start3A_1077 = tpu.memref_slice %arg7[%dma_start3A_1076] : memref<512xi32, #tpu.memory_space<vmem>> -> memref<128xi32, #tpu.memory_space<vmem>>
      %dma_start3A_1078 = arith.constant 0 : i32
      %dma_start3A_1079 = arith.constant 0 : i32
      %dma_start3A_1080 = tpu.memref_slice %arg2[%dma_start3A_1078, %dma_start3A_1079] : memref<10000x128xf32, #tpu.memory_space<hbm>> -> memref<10000x128xf32, #tpu.memory_space<hbm>>
      tpu.enqueue_indirect_dma source(%dma_start3A_1080 : memref<10000x128xf32, #tpu.memory_space<hbm>>) target(%arg14 : memref<128x128xf32, #tpu.memory_space<vmem>>) offsets(%dma_start3A_1077 : memref<128xi32, #tpu.memory_space<vmem>>) semaphore(%arg18 : memref<!tpu.dma_semaphore, #tpu.memory_space<semaphore_mem>>)
      %lt3A = arith.constant 18 : i32
      %lt3A_1081 = arith.cmpi slt, %scan3A_946, %lt3A : i32
      %convert_element_type3A_1082 = arith.extui %lt3A_1081 : i1 to i32
      %cond3A_1083 = arith.constant 0 : i32
      %cond3A_1084 = arith.cmpi ne, %convert_element_type3A_1082, %cond3A_1083 : i32
      scf.if %cond3A_1084 {
        %add3A_1085 = arith.constant 3 : i32
        %add3A_1086 = arith.addi %mul3A_948, %add3A_1085 : i32
        %mul3A_1087 = arith.constant 2 : i32
        %mul3A_1088 = arith.muli %add3A_1086, %mul3A_1087 : i32
        %mul3A_1089 = arith.constant 128 : i32
        %mul3A_1090 = arith.muli %mul3A_1088, %mul3A_1089 : i32
        %dma_start3A_1091 = arith.constant 0 : i32
        %dma_start3A_1092 = tpu.memref_slice %arg8[%dma_start3A_1091] : memref<512xi32, #tpu.memory_space<vmem>> -> memref<256xi32, #tpu.memory_space<vmem>>
        %dma_start3A_1093 = tpu.memref_slice %arg3[%add3A, %mul3A_1090] : memref<32x10000xi32, #tpu.memory_space<hbm>> -> memref<1x256xi32, #tpu.memory_space<hbm>>
        %dma_start3A_1094 = tpu.memref_squeeze %dma_start3A_1093 : memref<1x256xi32, #tpu.memory_space<hbm>> -> memref<256xi32, #tpu.memory_space<hbm>>
        %dma_start3A_1095 = arith.constant 0 : i32
        %dma_start3A_1096 = tpu.memref_slice %arg8[%dma_start3A_1095] : memref<512xi32, #tpu.memory_space<vmem>> -> memref<256xi32, #tpu.memory_space<vmem>>
        %dma_start3A_1097 = tpu.memref_slice %arg3[%add3A, %mul3A_1090] : memref<32x10000xi32, #tpu.memory_space<hbm>> -> memref<1x256xi32, #tpu.memory_space<hbm>>
        %dma_start3A_1098 = tpu.memref_squeeze %dma_start3A_1097 : memref<1x256xi32, #tpu.memory_space<hbm>> -> memref<256xi32, #tpu.memory_space<hbm>>
        tpu.enqueue_dma source(%dma_start3A_1098 : memref<256xi32, #tpu.memory_space<hbm>>) target(%dma_start3A_1096 : memref<256xi32, #tpu.memory_space<vmem>>) target_semaphore(%arg21 : memref<!tpu.dma_semaphore, #tpu.memory_space<semaphore_mem>>)
        %mul3A_1099 = arith.constant 2 : i32
        %mul3A_1100 = arith.muli %add3A_1086, %mul3A_1099 : i32
        %mul3A_1101 = arith.constant 128 : i32
        %mul3A_1102 = arith.muli %mul3A_1100, %mul3A_1101 : i32
        %dma_start3A_1103 = arith.constant 256 : i32
        %dma_start3A_1104 = tpu.memref_slice %arg8[%dma_start3A_1103] : memref<512xi32, #tpu.memory_space<vmem>> -> memref<256xi32, #tpu.memory_space<vmem>>
        %dma_start3A_1105 = tpu.memref_slice %arg4[%add3A, %mul3A_1102] : memref<32x10000xi32, #tpu.memory_space<hbm>> -> memref<1x256xi32, #tpu.memory_space<hbm>>
        %dma_start3A_1106 = tpu.memref_squeeze %dma_start3A_1105 : memref<1x256xi32, #tpu.memory_space<hbm>> -> memref<256xi32, #tpu.memory_space<hbm>>
        %dma_start3A_1107 = arith.constant 256 : i32
        %dma_start3A_1108 = tpu.memref_slice %arg8[%dma_start3A_1107] : memref<512xi32, #tpu.memory_space<vmem>> -> memref<256xi32, #tpu.memory_space<vmem>>
        %dma_start3A_1109 = tpu.memref_slice %arg4[%add3A, %mul3A_1102] : memref<32x10000xi32, #tpu.memory_space<hbm>> -> memref<1x256xi32, #tpu.memory_space<hbm>>
        %dma_start3A_1110 = tpu.memref_squeeze %dma_start3A_1109 : memref<1x256xi32, #tpu.memory_space<hbm>> -> memref<256xi32, #tpu.memory_space<hbm>>
        tpu.enqueue_dma source(%dma_start3A_1110 : memref<256xi32, #tpu.memory_space<hbm>>) target(%dma_start3A_1108 : memref<256xi32, #tpu.memory_space<vmem>>) target_semaphore(%arg21 : memref<!tpu.dma_semaphore, #tpu.memory_space<semaphore_mem>>)
        %add3A_1111 = arith.constant 3 : i32
        %add3A_1112 = arith.addi %mul3A_948, %add3A_1111 : i32
        %mul3A_1113 = arith.constant 2 : i32
        %mul3A_1114 = arith.muli %add3A_1112, %mul3A_1113 : i32
        %mul3A_1115 = arith.constant 128 : i32
        %mul3A_1116 = arith.muli %mul3A_1114, %mul3A_1115 : i32
        %dma_wait3A_1117 = arith.constant 0 : i32
        %dma_wait3A_1118 = tpu.memref_slice %arg8[%dma_wait3A_1117] : memref<512xi32, #tpu.memory_space<vmem>> -> memref<256xi32, #tpu.memory_space<vmem>>
        %dma_wait3A_1119 = tpu.memref_slice %arg3[%add3A, %mul3A_1116] : memref<32x10000xi32, #tpu.memory_space<hbm>> -> memref<1x256xi32, #tpu.memory_space<hbm>>
        %dma_wait3A_1120 = tpu.memref_squeeze %dma_wait3A_1119 : memref<1x256xi32, #tpu.memory_space<hbm>> -> memref<256xi32, #tpu.memory_space<hbm>>
        %dma_wait3A_1121 = arith.constant 0 : i32
        %dma_wait3A_1122 = tpu.memref_slice %arg8[%dma_wait3A_1121] : memref<512xi32, #tpu.memory_space<vmem>> -> memref<256xi32, #tpu.memory_space<vmem>>
        %dma_wait3A_1123 = tpu.memref_slice %arg3[%add3A, %mul3A_1116] : memref<32x10000xi32, #tpu.memory_space<hbm>> -> memref<1x256xi32, #tpu.memory_space<hbm>>
        %dma_wait3A_1124 = tpu.memref_squeeze %dma_wait3A_1123 : memref<1x256xi32, #tpu.memory_space<hbm>> -> memref<256xi32, #tpu.memory_space<hbm>>
        tpu.wait_dma2 semaphore(%arg21 : memref<!tpu.dma_semaphore, #tpu.memory_space<semaphore_mem>>) src(%dma_wait3A_1124 : memref<256xi32, #tpu.memory_space<hbm>>) dst(%dma_wait3A_1122 : memref<256xi32, #tpu.memory_space<vmem>>)
        %mul3A_1125 = arith.constant 2 : i32
        %mul3A_1126 = arith.muli %add3A_1112, %mul3A_1125 : i32
        %mul3A_1127 = arith.constant 128 : i32
        %mul3A_1128 = arith.muli %mul3A_1126, %mul3A_1127 : i32
        %dma_wait3A_1129 = arith.constant 256 : i32
        %dma_wait3A_1130 = tpu.memref_slice %arg8[%dma_wait3A_1129] : memref<512xi32, #tpu.memory_space<vmem>> -> memref<256xi32, #tpu.memory_space<vmem>>
        %dma_wait3A_1131 = tpu.memref_slice %arg4[%add3A, %mul3A_1128] : memref<32x10000xi32, #tpu.memory_space<hbm>> -> memref<1x256xi32, #tpu.memory_space<hbm>>
        %dma_wait3A_1132 = tpu.memref_squeeze %dma_wait3A_1131 : memref<1x256xi32, #tpu.memory_space<hbm>> -> memref<256xi32, #tpu.memory_space<hbm>>
        %dma_wait3A_1133 = arith.constant 256 : i32
        %dma_wait3A_1134 = tpu.memref_slice %arg8[%dma_wait3A_1133] : memref<512xi32, #tpu.memory_space<vmem>> -> memref<256xi32, #tpu.memory_space<vmem>>
        %dma_wait3A_1135 = tpu.memref_slice %arg4[%add3A, %mul3A_1128] : memref<32x10000xi32, #tpu.memory_space<hbm>> -> memref<1x256xi32, #tpu.memory_space<hbm>>
        %dma_wait3A_1136 = tpu.memref_squeeze %dma_wait3A_1135 : memref<1x256xi32, #tpu.memory_space<hbm>> -> memref<256xi32, #tpu.memory_space<hbm>>
        tpu.wait_dma2 semaphore(%arg21 : memref<!tpu.dma_semaphore, #tpu.memory_space<semaphore_mem>>) src(%dma_wait3A_1136 : memref<256xi32, #tpu.memory_space<hbm>>) dst(%dma_wait3A_1134 : memref<256xi32, #tpu.memory_space<vmem>>)
      } else {
      }
    }
    %scan3A_343 = arith.constant 19 : i32
    %dma_wait3A = arith.constant 0 : i32
    %dma_wait3A_344 = tpu.memref_slice %arg7[%dma_wait3A] : memref<512xi32, #tpu.memory_space<vmem>> -> memref<128xi32, #tpu.memory_space<vmem>>
    %dma_wait3A_345 = arith.constant 0 : i32
    %dma_wait3A_346 = arith.constant 0 : i32
    %dma_wait3A_347 = tpu.memref_slice %arg2[%dma_wait3A_345, %dma_wait3A_346] : memref<10000x128xf32, #tpu.memory_space<hbm>> -> memref<10000x128xf32, #tpu.memory_space<hbm>>
    tpu.wait_indirect_dma semaphore(%arg17 : memref<!tpu.dma_semaphore, #tpu.memory_space<semaphore_mem>>) src(%dma_wait3A_347 : memref<10000x128xf32, #tpu.memory_space<hbm>>) dst(%arg13 : memref<128x128xf32, #tpu.memory_space<vmem>>)
    %dma_start3A_348 = arith.constant 256 : i32
    %dma_start3A_349 = tpu.memref_slice %arg7[%dma_start3A_348] : memref<512xi32, #tpu.memory_space<vmem>> -> memref<128xi32, #tpu.memory_space<vmem>>
    %dma_start3A_350 = arith.constant 0 : i32
    %dma_start3A_351 = arith.constant 0 : i32
    %dma_start3A_352 = tpu.memref_slice %arg16[%dma_start3A_350, %dma_start3A_351] : memref<10000x128xf32, #tpu.memory_space<vmem_shared>> -> memref<10000x128xf32, #tpu.memory_space<vmem_shared>>
    tpu.enqueue_indirect_dma source(%arg13 : memref<128x128xf32, #tpu.memory_space<vmem>>) target(%dma_start3A_352 : memref<10000x128xf32, #tpu.memory_space<vmem_shared>>) offsets(%dma_start3A_349 : memref<128xi32, #tpu.memory_space<vmem>>) semaphore(%arg19 : memref<!tpu.dma_semaphore, #tpu.memory_space<semaphore_mem>>) {add = true}
    %dma_wait3A_353 = arith.constant 128 : i32
    %dma_wait3A_354 = tpu.memref_slice %arg7[%dma_wait3A_353] : memref<512xi32, #tpu.memory_space<vmem>> -> memref<128xi32, #tpu.memory_space<vmem>>
    %dma_wait3A_355 = arith.constant 0 : i32
    %dma_wait3A_356 = arith.constant 0 : i32
    %dma_wait3A_357 = tpu.memref_slice %arg2[%dma_wait3A_355, %dma_wait3A_356] : memref<10000x128xf32, #tpu.memory_space<hbm>> -> memref<10000x128xf32, #tpu.memory_space<hbm>>
    tpu.wait_indirect_dma semaphore(%arg18 : memref<!tpu.dma_semaphore, #tpu.memory_space<semaphore_mem>>) src(%dma_wait3A_357 : memref<10000x128xf32, #tpu.memory_space<hbm>>) dst(%arg14 : memref<128x128xf32, #tpu.memory_space<vmem>>)
    %dma_start3A_358 = arith.constant 384 : i32
    %dma_start3A_359 = tpu.memref_slice %arg7[%dma_start3A_358] : memref<512xi32, #tpu.memory_space<vmem>> -> memref<128xi32, #tpu.memory_space<vmem>>
    %dma_start3A_360 = arith.constant 0 : i32
    %dma_start3A_361 = arith.constant 0 : i32
    %dma_start3A_362 = tpu.memref_slice %arg16[%dma_start3A_360, %dma_start3A_361] : memref<10000x128xf32, #tpu.memory_space<vmem_shared>> -> memref<10000x128xf32, #tpu.memory_space<vmem_shared>>
    tpu.enqueue_indirect_dma source(%arg14 : memref<128x128xf32, #tpu.memory_space<vmem>>) target(%dma_start3A_362 : memref<10000x128xf32, #tpu.memory_space<vmem_shared>>) offsets(%dma_start3A_359 : memref<128xi32, #tpu.memory_space<vmem>>) semaphore(%arg20 : memref<!tpu.dma_semaphore, #tpu.memory_space<semaphore_mem>>) {add = true}
    %dma_wait3A_363 = arith.constant 256 : i32
    %dma_wait3A_364 = tpu.memref_slice %arg7[%dma_wait3A_363] : memref<512xi32, #tpu.memory_space<vmem>> -> memref<128xi32, #tpu.memory_space<vmem>>
    %dma_wait3A_365 = arith.constant 0 : i32
    %dma_wait3A_366 = arith.constant 0 : i32
    %dma_wait3A_367 = tpu.memref_slice %arg16[%dma_wait3A_365, %dma_wait3A_366] : memref<10000x128xf32, #tpu.memory_space<vmem_shared>> -> memref<10000x128xf32, #tpu.memory_space<vmem_shared>>
    tpu.wait_indirect_dma semaphore(%arg19 : memref<!tpu.dma_semaphore, #tpu.memory_space<semaphore_mem>>) src(%arg13 : memref<128x128xf32, #tpu.memory_space<vmem>>) dst(%dma_wait3A_367 : memref<10000x128xf32, #tpu.memory_space<vmem_shared>>)
    %dma_wait3A_368 = arith.constant 384 : i32
    %dma_wait3A_369 = tpu.memref_slice %arg7[%dma_wait3A_368] : memref<512xi32, #tpu.memory_space<vmem>> -> memref<128xi32, #tpu.memory_space<vmem>>
    %dma_wait3A_370 = arith.constant 0 : i32
    %dma_wait3A_371 = arith.constant 0 : i32
    %dma_wait3A_372 = tpu.memref_slice %arg16[%dma_wait3A_370, %dma_wait3A_371] : memref<10000x128xf32, #tpu.memory_space<vmem_shared>> -> memref<10000x128xf32, #tpu.memory_space<vmem_shared>>
    tpu.wait_indirect_dma semaphore(%arg20 : memref<!tpu.dma_semaphore, #tpu.memory_space<semaphore_mem>>) src(%arg14 : memref<128x128xf32, #tpu.memory_space<vmem>>) dst(%dma_wait3A_372 : memref<10000x128xf32, #tpu.memory_space<vmem_shared>>)
    "tpu.region"() ({
      %run_scoped3A = tpu.sem_alloc : memref<!tpu.dma_semaphore, #tpu.memory_space<semaphore_mem>>
      %dma_start3A_946 = arith.constant 0 : i32
      %dma_start3A_947 = tpu.memref_slice %arg9[%dma_start3A_946] : memref<32xi32, #tpu.memory_space<vmem>> -> memref<16xi32, #tpu.memory_space<vmem>>
      %dma_start3A_948 = arith.constant 9984 : i32
      %dma_start3A_949 = tpu.memref_slice %arg3[%add3A, %dma_start3A_948] : memref<32x10000xi32, #tpu.memory_space<hbm>> -> memref<1x16xi32, #tpu.memory_space<hbm>>
      %dma_start3A_950 = tpu.memref_squeeze %dma_start3A_949 : memref<1x16xi32, #tpu.memory_space<hbm>> -> memref<16xi32, #tpu.memory_space<hbm>>
      %dma_start3A_951 = arith.constant 0 : i32
      %dma_start3A_952 = tpu.memref_slice %arg9[%dma_start3A_951] : memref<32xi32, #tpu.memory_space<vmem>> -> memref<16xi32, #tpu.memory_space<vmem>>
      %dma_start3A_953 = arith.constant 9984 : i32
      %dma_start3A_954 = tpu.memref_slice %arg3[%add3A, %dma_start3A_953] : memref<32x10000xi32, #tpu.memory_space<hbm>> -> memref<1x16xi32, #tpu.memory_space<hbm>>
      %dma_start3A_955 = tpu.memref_squeeze %dma_start3A_954 : memref<1x16xi32, #tpu.memory_space<hbm>> -> memref<16xi32, #tpu.memory_space<hbm>>
      tpu.enqueue_dma source(%dma_start3A_955 : memref<16xi32, #tpu.memory_space<hbm>>) target(%dma_start3A_952 : memref<16xi32, #tpu.memory_space<vmem>>) target_semaphore(%run_scoped3A : memref<!tpu.dma_semaphore, #tpu.memory_space<semaphore_mem>>)
      %dma_wait3A_956 = arith.constant 0 : i32
      %dma_wait3A_957 = tpu.memref_slice %arg9[%dma_wait3A_956] : memref<32xi32, #tpu.memory_space<vmem>> -> memref<16xi32, #tpu.memory_space<vmem>>
      %dma_wait3A_958 = arith.constant 9984 : i32
      %dma_wait3A_959 = tpu.memref_slice %arg3[%add3A, %dma_wait3A_958] : memref<32x10000xi32, #tpu.memory_space<hbm>> -> memref<1x16xi32, #tpu.memory_space<hbm>>
      %dma_wait3A_960 = tpu.memref_squeeze %dma_wait3A_959 : memref<1x16xi32, #tpu.memory_space<hbm>> -> memref<16xi32, #tpu.memory_space<hbm>>
      %dma_wait3A_961 = arith.constant 0 : i32
      %dma_wait3A_962 = tpu.memref_slice %arg9[%dma_wait3A_961] : memref<32xi32, #tpu.memory_space<vmem>> -> memref<16xi32, #tpu.memory_space<vmem>>
      %dma_wait3A_963 = arith.constant 9984 : i32
      %dma_wait3A_964 = tpu.memref_slice %arg3[%add3A, %dma_wait3A_963] : memref<32x10000xi32, #tpu.memory_space<hbm>> -> memref<1x16xi32, #tpu.memory_space<hbm>>
      %dma_wait3A_965 = tpu.memref_squeeze %dma_wait3A_964 : memref<1x16xi32, #tpu.memory_space<hbm>> -> memref<16xi32, #tpu.memory_space<hbm>>
      tpu.wait_dma2 semaphore(%run_scoped3A : memref<!tpu.dma_semaphore, #tpu.memory_space<semaphore_mem>>) src(%dma_wait3A_965 : memref<16xi32, #tpu.memory_space<hbm>>) dst(%dma_wait3A_962 : memref<16xi32, #tpu.memory_space<vmem>>)
      tpu.yield
    }) : () -> ()
    "tpu.region"() ({
      %run_scoped3A = tpu.sem_alloc : memref<!tpu.dma_semaphore, #tpu.memory_space<semaphore_mem>>
      %dma_start3A_946 = arith.constant 16 : i32
      %dma_start3A_947 = tpu.memref_slice %arg9[%dma_start3A_946] : memref<32xi32, #tpu.memory_space<vmem>> -> memref<16xi32, #tpu.memory_space<vmem>>
      %dma_start3A_948 = arith.constant 9984 : i32
      %dma_start3A_949 = tpu.memref_slice %arg4[%add3A, %dma_start3A_948] : memref<32x10000xi32, #tpu.memory_space<hbm>> -> memref<1x16xi32, #tpu.memory_space<hbm>>
      %dma_start3A_950 = tpu.memref_squeeze %dma_start3A_949 : memref<1x16xi32, #tpu.memory_space<hbm>> -> memref<16xi32, #tpu.memory_space<hbm>>
      %dma_start3A_951 = arith.constant 16 : i32
      %dma_start3A_952 = tpu.memref_slice %arg9[%dma_start3A_951] : memref<32xi32, #tpu.memory_space<vmem>> -> memref<16xi32, #tpu.memory_space<vmem>>
      %dma_start3A_953 = arith.constant 9984 : i32
      %dma_start3A_954 = tpu.memref_slice %arg4[%add3A, %dma_start3A_953] : memref<32x10000xi32, #tpu.memory_space<hbm>> -> memref<1x16xi32, #tpu.memory_space<hbm>>
      %dma_start3A_955 = tpu.memref_squeeze %dma_start3A_954 : memref<1x16xi32, #tpu.memory_space<hbm>> -> memref<16xi32, #tpu.memory_space<hbm>>
      tpu.enqueue_dma source(%dma_start3A_955 : memref<16xi32, #tpu.memory_space<hbm>>) target(%dma_start3A_952 : memref<16xi32, #tpu.memory_space<vmem>>) target_semaphore(%run_scoped3A : memref<!tpu.dma_semaphore, #tpu.memory_space<semaphore_mem>>)
      %dma_wait3A_956 = arith.constant 16 : i32
      %dma_wait3A_957 = tpu.memref_slice %arg9[%dma_wait3A_956] : memref<32xi32, #tpu.memory_space<vmem>> -> memref<16xi32, #tpu.memory_space<vmem>>
      %dma_wait3A_958 = arith.constant 9984 : i32
      %dma_wait3A_959 = tpu.memref_slice %arg4[%add3A, %dma_wait3A_958] : memref<32x10000xi32, #tpu.memory_space<hbm>> -> memref<1x16xi32, #tpu.memory_space<hbm>>
      %dma_wait3A_960 = tpu.memref_squeeze %dma_wait3A_959 : memref<1x16xi32, #tpu.memory_space<hbm>> -> memref<16xi32, #tpu.memory_space<hbm>>
      %dma_wait3A_961 = arith.constant 16 : i32
      %dma_wait3A_962 = tpu.memref_slice %arg9[%dma_wait3A_961] : memref<32xi32, #tpu.memory_space<vmem>> -> memref<16xi32, #tpu.memory_space<vmem>>
      %dma_wait3A_963 = arith.constant 9984 : i32
      %dma_wait3A_964 = tpu.memref_slice %arg4[%add3A, %dma_wait3A_963] : memref<32x10000xi32, #tpu.memory_space<hbm>> -> memref<1x16xi32, #tpu.memory_space<hbm>>
      %dma_wait3A_965 = tpu.memref_squeeze %dma_wait3A_964 : memref<1x16xi32, #tpu.memory_space<hbm>> -> memref<16xi32, #tpu.memory_space<hbm>>
      tpu.wait_dma2 semaphore(%run_scoped3A : memref<!tpu.dma_semaphore, #tpu.memory_space<semaphore_mem>>) src(%dma_wait3A_965 : memref<16xi32, #tpu.memory_space<hbm>>) dst(%dma_wait3A_962 : memref<16xi32, #tpu.memory_space<vmem>>)
      tpu.yield
    }) : () -> ()
    %dma_start3A_373 = arith.constant 0 : i32
    %dma_start3A_374 = tpu.memref_slice %arg9[%dma_start3A_373] : memref<32xi32, #tpu.memory_space<vmem>> -> memref<16xi32, #tpu.memory_space<vmem>>
    %dma_start3A_375 = arith.constant 0 : i32
    %dma_start3A_376 = arith.constant 0 : i32
    %dma_start3A_377 = tpu.memref_slice %arg2[%dma_start3A_375, %dma_start3A_376] : memref<10000x128xf32, #tpu.memory_space<hbm>> -> memref<10000x128xf32, #tpu.memory_space<hbm>>
    tpu.enqueue_indirect_dma source(%dma_start3A_377 : memref<10000x128xf32, #tpu.memory_space<hbm>>) target(%arg15 : memref<16x128xf32, #tpu.memory_space<vmem>>) offsets(%dma_start3A_374 : memref<16xi32, #tpu.memory_space<vmem>>) semaphore(%arg17 : memref<!tpu.dma_semaphore, #tpu.memory_space<semaphore_mem>>)
    %dma_wait3A_378 = arith.constant 0 : i32
    %dma_wait3A_379 = tpu.memref_slice %arg9[%dma_wait3A_378] : memref<32xi32, #tpu.memory_space<vmem>> -> memref<16xi32, #tpu.memory_space<vmem>>
    %dma_wait3A_380 = arith.constant 0 : i32
    %dma_wait3A_381 = arith.constant 0 : i32
    %dma_wait3A_382 = tpu.memref_slice %arg2[%dma_wait3A_380, %dma_wait3A_381] : memref<10000x128xf32, #tpu.memory_space<hbm>> -> memref<10000x128xf32, #tpu.memory_space<hbm>>
    tpu.wait_indirect_dma semaphore(%arg17 : memref<!tpu.dma_semaphore, #tpu.memory_space<semaphore_mem>>) src(%dma_wait3A_382 : memref<10000x128xf32, #tpu.memory_space<hbm>>) dst(%arg15 : memref<16x128xf32, #tpu.memory_space<vmem>>)
    "tpu.region"() ({
      %run_scoped3A = tpu.sem_alloc : memref<!tpu.dma_semaphore, #tpu.memory_space<semaphore_mem>>
      %dma_start3A_946 = arith.constant 16 : i32
      %dma_start3A_947 = tpu.memref_slice %arg9[%dma_start3A_946] : memref<32xi32, #tpu.memory_space<vmem>> -> memref<16xi32, #tpu.memory_space<vmem>>
      %dma_start3A_948 = arith.constant 0 : i32
      %dma_start3A_949 = arith.constant 0 : i32
      %dma_start3A_950 = tpu.memref_slice %arg16[%dma_start3A_948, %dma_start3A_949] : memref<10000x128xf32, #tpu.memory_space<vmem_shared>> -> memref<10000x128xf32, #tpu.memory_space<vmem_shared>>
      tpu.enqueue_indirect_dma source(%arg15 : memref<16x128xf32, #tpu.memory_space<vmem>>) target(%dma_start3A_950 : memref<10000x128xf32, #tpu.memory_space<vmem_shared>>) offsets(%dma_start3A_947 : memref<16xi32, #tpu.memory_space<vmem>>) semaphore(%run_scoped3A : memref<!tpu.dma_semaphore, #tpu.memory_space<semaphore_mem>>) {add = true}
      %dma_wait3A_951 = arith.constant 16 : i32
      %dma_wait3A_952 = tpu.memref_slice %arg9[%dma_wait3A_951] : memref<32xi32, #tpu.memory_space<vmem>> -> memref<16xi32, #tpu.memory_space<vmem>>
      %dma_wait3A_953 = arith.constant 0 : i32
      %dma_wait3A_954 = arith.constant 0 : i32
      %dma_wait3A_955 = tpu.memref_slice %arg16[%dma_wait3A_953, %dma_wait3A_954] : memref<10000x128xf32, #tpu.memory_space<vmem_shared>> -> memref<10000x128xf32, #tpu.memory_space<vmem_shared>>
      tpu.wait_indirect_dma semaphore(%run_scoped3A : memref<!tpu.dma_semaphore, #tpu.memory_space<semaphore_mem>>) src(%arg15 : memref<16x128xf32, #tpu.memory_space<vmem>>) dst(%dma_wait3A_955 : memref<10000x128xf32, #tpu.memory_space<vmem_shared>>)
      tpu.yield
    }) : () -> ()
    %barrier3A_383 = arith.constant 0 : index
    tpu.barrier barrier_id(%barrier3A_383)
    %add3A_384 = arith.constant 0 : i32
    %add3A_385 = arith.addi %multiple_of3A, %add3A_384 : i32
    %iota3A_386 = tpu.iota {dimensions = array<i32: 0>} : vector<16xi32>
    %add3A_387 = arith.constant 0 : i32
    %add3A_388 = arith.addi %add3A_385, %add3A_387 : i32
    %add3A_389 = vector.broadcast %add3A_388 : i32 to vector<16xi32>
    %add3A_390 = arith.addi %iota3A_386, %add3A_389 : vector<16xi32>
    %swap3A_391 = arith.constant 0 : index
    %swap3A_392 = tpu.vector_load %arg11[%swap3A_391] {strides = array<i32>} : memref<128xi32, #tpu.memory_space<vmem>>, vector<16xi32>,
    %swap3A_393 = vector.shape_cast %swap3A_392 : vector<16xi32> to vector<16xi32>
    %swap3A_394 = vector.shape_cast %add3A_390 : vector<16xi32> to vector<16xi32>
    tpu.vector_store %arg11[%swap3A_391], %swap3A_394 {strides = array<i32>} : memref<128xi32, #tpu.memory_space<vmem>>, vector<16xi32>,
    %add3A_395 = arith.constant 16 : i32
    %add3A_396 = arith.addi %add3A_385, %add3A_395 : i32
    %add3A_397 = vector.broadcast %add3A_396 : i32 to vector<16xi32>
    %add3A_398 = arith.addi %iota3A_386, %add3A_397 : vector<16xi32>
    %swap3A_399 = arith.constant 16 : index
    %swap3A_400 = tpu.vector_load %arg11[%swap3A_399] {strides = array<i32>} : memref<128xi32, #tpu.memory_space<vmem>>, vector<16xi32>,
    %swap3A_401 = vector.shape_cast %swap3A_400 : vector<16xi32> to vector<16xi32>
    %swap3A_402 = vector.shape_cast %add3A_398 : vector<16xi32> to vector<16xi32>
    tpu.vector_store %arg11[%swap3A_399], %swap3A_402 {strides = array<i32>} : memref<128xi32, #tpu.memory_space<vmem>>, vector<16xi32>,
    %add3A_403 = arith.constant 32 : i32
    %add3A_404 = arith.addi %add3A_385, %add3A_403 : i32
    %add3A_405 = vector.broadcast %add3A_404 : i32 to vector<16xi32>
    %add3A_406 = arith.addi %iota3A_386, %add3A_405 : vector<16xi32>
    %swap3A_407 = arith.constant 32 : index
    %swap3A_408 = tpu.vector_load %arg11[%swap3A_407] {strides = array<i32>} : memref<128xi32, #tpu.memory_space<vmem>>, vector<16xi32>,
    %swap3A_409 = vector.shape_cast %swap3A_408 : vector<16xi32> to vector<16xi32>
    %swap3A_410 = vector.shape_cast %add3A_406 : vector<16xi32> to vector<16xi32>
    tpu.vector_store %arg11[%swap3A_407], %swap3A_410 {strides = array<i32>} : memref<128xi32, #tpu.memory_space<vmem>>, vector<16xi32>,
    %add3A_411 = arith.constant 48 : i32
    %add3A_412 = arith.addi %add3A_385, %add3A_411 : i32
    %add3A_413 = vector.broadcast %add3A_412 : i32 to vector<16xi32>
    %add3A_414 = arith.addi %iota3A_386, %add3A_413 : vector<16xi32>
    %swap3A_415 = arith.constant 48 : index
    %swap3A_416 = tpu.vector_load %arg11[%swap3A_415] {strides = array<i32>} : memref<128xi32, #tpu.memory_space<vmem>>, vector<16xi32>,
    %swap3A_417 = vector.shape_cast %swap3A_416 : vector<16xi32> to vector<16xi32>
    %swap3A_418 = vector.shape_cast %add3A_414 : vector<16xi32> to vector<16xi32>
    tpu.vector_store %arg11[%swap3A_415], %swap3A_418 {strides = array<i32>} : memref<128xi32, #tpu.memory_space<vmem>>, vector<16xi32>,
    %add3A_419 = arith.constant 64 : i32
    %add3A_420 = arith.addi %add3A_385, %add3A_419 : i32
    %add3A_421 = vector.broadcast %add3A_420 : i32 to vector<16xi32>
    %add3A_422 = arith.addi %iota3A_386, %add3A_421 : vector<16xi32>
    %swap3A_423 = arith.constant 64 : index
    %swap3A_424 = tpu.vector_load %arg11[%swap3A_423] {strides = array<i32>} : memref<128xi32, #tpu.memory_space<vmem>>, vector<16xi32>,
    %swap3A_425 = vector.shape_cast %swap3A_424 : vector<16xi32> to vector<16xi32>
    %swap3A_426 = vector.shape_cast %add3A_422 : vector<16xi32> to vector<16xi32>
    tpu.vector_store %arg11[%swap3A_423], %swap3A_426 {strides = array<i32>} : memref<128xi32, #tpu.memory_space<vmem>>, vector<16xi32>,
    %add3A_427 = arith.constant 80 : i32
    %add3A_428 = arith.addi %add3A_385, %add3A_427 : i32
    %add3A_429 = vector.broadcast %add3A_428 : i32 to vector<16xi32>
    %add3A_430 = arith.addi %iota3A_386, %add3A_429 : vector<16xi32>
    %swap3A_431 = arith.constant 80 : index
    %swap3A_432 = tpu.vector_load %arg11[%swap3A_431] {strides = array<i32>} : memref<128xi32, #tpu.memory_space<vmem>>, vector<16xi32>,
    %swap3A_433 = vector.shape_cast %swap3A_432 : vector<16xi32> to vector<16xi32>
    %swap3A_434 = vector.shape_cast %add3A_430 : vector<16xi32> to vector<16xi32>
    tpu.vector_store %arg11[%swap3A_431], %swap3A_434 {strides = array<i32>} : memref<128xi32, #tpu.memory_space<vmem>>, vector<16xi32>,
    %add3A_435 = arith.constant 96 : i32
    %add3A_436 = arith.addi %add3A_385, %add3A_435 : i32
    %add3A_437 = vector.broadcast %add3A_436 : i32 to vector<16xi32>
    %add3A_438 = arith.addi %iota3A_386, %add3A_437 : vector<16xi32>
    %swap3A_439 = arith.constant 96 : index
    %swap3A_440 = tpu.vector_load %arg11[%swap3A_439] {strides = array<i32>} : memref<128xi32, #tpu.memory_space<vmem>>, vector<16xi32>,
    %swap3A_441 = vector.shape_cast %swap3A_440 : vector<16xi32> to vector<16xi32>
    %swap3A_442 = vector.shape_cast %add3A_438 : vector<16xi32> to vector<16xi32>
    tpu.vector_store %arg11[%swap3A_439], %swap3A_442 {strides = array<i32>} : memref<128xi32, #tpu.memory_space<vmem>>, vector<16xi32>,
    %add3A_443 = arith.constant 112 : i32
    %add3A_444 = arith.addi %add3A_385, %add3A_443 : i32
    %add3A_445 = vector.broadcast %add3A_444 : i32 to vector<16xi32>
    %add3A_446 = arith.addi %iota3A_386, %add3A_445 : vector<16xi32>
    %swap3A_447 = arith.constant 112 : index
    %swap3A_448 = tpu.vector_load %arg11[%swap3A_447] {strides = array<i32>} : memref<128xi32, #tpu.memory_space<vmem>>, vector<16xi32>,
    %swap3A_449 = vector.shape_cast %swap3A_448 : vector<16xi32> to vector<16xi32>
    %swap3A_450 = vector.shape_cast %add3A_446 : vector<16xi32> to vector<16xi32>
    tpu.vector_store %arg11[%swap3A_447], %swap3A_450 {strides = array<i32>} : memref<128xi32, #tpu.memory_space<vmem>>, vector<16xi32>,
    %dma_start3A_451 = arith.constant 0 : i32
    %dma_start3A_452 = arith.constant 0 : i32
    %dma_start3A_453 = tpu.memref_slice %arg13[%dma_start3A_451, %dma_start3A_452] : memref<128x128xf32, #tpu.memory_space<vmem>> -> memref<128x128xf32, #tpu.memory_space<vmem>>
    %dma_start3A_454 = arith.constant 0 : i32
    %dma_start3A_455 = arith.constant 0 : i32
    %dma_start3A_456 = tpu.memref_slice %arg16[%dma_start3A_454, %dma_start3A_455] : memref<10000x128xf32, #tpu.memory_space<vmem_shared>> -> memref<10000x128xf32, #tpu.memory_space<vmem_shared>>
    tpu.enqueue_indirect_dma source(%dma_start3A_456 : memref<10000x128xf32, #tpu.memory_space<vmem_shared>>) target(%dma_start3A_453 : memref<128x128xf32, #tpu.memory_space<vmem>>) offsets(%arg11 : memref<128xi32, #tpu.memory_space<vmem>>) semaphore(%arg17 : memref<!tpu.dma_semaphore, #tpu.memory_space<semaphore_mem>>)
    %add3A_457 = arith.constant 128 : i32
    %add3A_458 = arith.addi %multiple_of3A, %add3A_457 : i32
    %iota3A_459 = tpu.iota {dimensions = array<i32: 0>} : vector<16xi32>
    %add3A_460 = arith.constant 0 : i32
    %add3A_461 = arith.addi %add3A_458, %add3A_460 : i32
    %add3A_462 = vector.broadcast %add3A_461 : i32 to vector<16xi32>
    %add3A_463 = arith.addi %iota3A_459, %add3A_462 : vector<16xi32>
    %swap3A_464 = arith.constant 0 : i32
    %swap3A_465 = tpu.memref_slice %arg7[%swap3A_464] : memref<512xi32, #tpu.memory_space<vmem>> -> memref<128xi32, #tpu.memory_space<vmem>>
    %swap3A_466 = arith.constant 0 : index
    %swap3A_467 = tpu.vector_load %swap3A_465[%swap3A_466] {strides = array<i32>} : memref<128xi32, #tpu.memory_space<vmem>>, vector<16xi32>,
    %swap3A_468 = vector.shape_cast %swap3A_467 : vector<16xi32> to vector<16xi32>
    %swap3A_469 = vector.shape_cast %add3A_463 : vector<16xi32> to vector<16xi32>
    tpu.vector_store %swap3A_465[%swap3A_466], %swap3A_469 {strides = array<i32>} : memref<128xi32, #tpu.memory_space<vmem>>, vector<16xi32>,
    %add3A_470 = arith.constant 16 : i32
    %add3A_471 = arith.addi %add3A_458, %add3A_470 : i32
    %add3A_472 = vector.broadcast %add3A_471 : i32 to vector<16xi32>
    %add3A_473 = arith.addi %iota3A_459, %add3A_472 : vector<16xi32>
    %swap3A_474 = arith.constant 0 : i32
    %swap3A_475 = tpu.memref_slice %arg7[%swap3A_474] : memref<512xi32, #tpu.memory_space<vmem>> -> memref<128xi32, #tpu.memory_space<vmem>>
    %swap3A_476 = arith.constant 16 : index
    %swap3A_477 = tpu.vector_load %swap3A_475[%swap3A_476] {strides = array<i32>} : memref<128xi32, #tpu.memory_space<vmem>>, vector<16xi32>,
    %swap3A_478 = vector.shape_cast %swap3A_477 : vector<16xi32> to vector<16xi32>
    %swap3A_479 = vector.shape_cast %add3A_473 : vector<16xi32> to vector<16xi32>
    tpu.vector_store %swap3A_475[%swap3A_476], %swap3A_479 {strides = array<i32>} : memref<128xi32, #tpu.memory_space<vmem>>, vector<16xi32>,
    %add3A_480 = arith.constant 32 : i32
    %add3A_481 = arith.addi %add3A_458, %add3A_480 : i32
    %add3A_482 = vector.broadcast %add3A_481 : i32 to vector<16xi32>
    %add3A_483 = arith.addi %iota3A_459, %add3A_482 : vector<16xi32>
    %swap3A_484 = arith.constant 0 : i32
    %swap3A_485 = tpu.memref_slice %arg7[%swap3A_484] : memref<512xi32, #tpu.memory_space<vmem>> -> memref<128xi32, #tpu.memory_space<vmem>>
    %swap3A_486 = arith.constant 32 : index
    %swap3A_487 = tpu.vector_load %swap3A_485[%swap3A_486] {strides = array<i32>} : memref<128xi32, #tpu.memory_space<vmem>>, vector<16xi32>,
    %swap3A_488 = vector.shape_cast %swap3A_487 : vector<16xi32> to vector<16xi32>
    %swap3A_489 = vector.shape_cast %add3A_483 : vector<16xi32> to vector<16xi32>
    tpu.vector_store %swap3A_485[%swap3A_486], %swap3A_489 {strides = array<i32>} : memref<128xi32, #tpu.memory_space<vmem>>, vector<16xi32>,
    %add3A_490 = arith.constant 48 : i32
    %add3A_491 = arith.addi %add3A_458, %add3A_490 : i32
    %add3A_492 = vector.broadcast %add3A_491 : i32 to vector<16xi32>
    %add3A_493 = arith.addi %iota3A_459, %add3A_492 : vector<16xi32>
    %swap3A_494 = arith.constant 0 : i32
    %swap3A_495 = tpu.memref_slice %arg7[%swap3A_494] : memref<512xi32, #tpu.memory_space<vmem>> -> memref<128xi32, #tpu.memory_space<vmem>>
    %swap3A_496 = arith.constant 48 : index
    %swap3A_497 = tpu.vector_load %swap3A_495[%swap3A_496] {strides = array<i32>} : memref<128xi32, #tpu.memory_space<vmem>>, vector<16xi32>,
    %swap3A_498 = vector.shape_cast %swap3A_497 : vector<16xi32> to vector<16xi32>
    %swap3A_499 = vector.shape_cast %add3A_493 : vector<16xi32> to vector<16xi32>
    tpu.vector_store %swap3A_495[%swap3A_496], %swap3A_499 {strides = array<i32>} : memref<128xi32, #tpu.memory_space<vmem>>, vector<16xi32>,
    %add3A_500 = arith.constant 64 : i32
    %add3A_501 = arith.addi %add3A_458, %add3A_500 : i32
    %add3A_502 = vector.broadcast %add3A_501 : i32 to vector<16xi32>
    %add3A_503 = arith.addi %iota3A_459, %add3A_502 : vector<16xi32>
    %swap3A_504 = arith.constant 0 : i32
    %swap3A_505 = tpu.memref_slice %arg7[%swap3A_504] : memref<512xi32, #tpu.memory_space<vmem>> -> memref<128xi32, #tpu.memory_space<vmem>>
    %swap3A_506 = arith.constant 64 : index
    %swap3A_507 = tpu.vector_load %swap3A_505[%swap3A_506] {strides = array<i32>} : memref<128xi32, #tpu.memory_space<vmem>>, vector<16xi32>,
    %swap3A_508 = vector.shape_cast %swap3A_507 : vector<16xi32> to vector<16xi32>
    %swap3A_509 = vector.shape_cast %add3A_503 : vector<16xi32> to vector<16xi32>
    tpu.vector_store %swap3A_505[%swap3A_506], %swap3A_509 {strides = array<i32>} : memref<128xi32, #tpu.memory_space<vmem>>, vector<16xi32>,
    %add3A_510 = arith.constant 80 : i32
    %add3A_511 = arith.addi %add3A_458, %add3A_510 : i32
    %add3A_512 = vector.broadcast %add3A_511 : i32 to vector<16xi32>
    %add3A_513 = arith.addi %iota3A_459, %add3A_512 : vector<16xi32>
    %swap3A_514 = arith.constant 0 : i32
    %swap3A_515 = tpu.memref_slice %arg7[%swap3A_514] : memref<512xi32, #tpu.memory_space<vmem>> -> memref<128xi32, #tpu.memory_space<vmem>>
    %swap3A_516 = arith.constant 80 : index
    %swap3A_517 = tpu.vector_load %swap3A_515[%swap3A_516] {strides = array<i32>} : memref<128xi32, #tpu.memory_space<vmem>>, vector<16xi32>,
    %swap3A_518 = vector.shape_cast %swap3A_517 : vector<16xi32> to vector<16xi32>
    %swap3A_519 = vector.shape_cast %add3A_513 : vector<16xi32> to vector<16xi32>
    tpu.vector_store %swap3A_515[%swap3A_516], %swap3A_519 {strides = array<i32>} : memref<128xi32, #tpu.memory_space<vmem>>, vector<16xi32>,
    %add3A_520 = arith.constant 96 : i32
    %add3A_521 = arith.addi %add3A_458, %add3A_520 : i32
    %add3A_522 = vector.broadcast %add3A_521 : i32 to vector<16xi32>
    %add3A_523 = arith.addi %iota3A_459, %add3A_522 : vector<16xi32>
    %swap3A_524 = arith.constant 0 : i32
    %swap3A_525 = tpu.memref_slice %arg7[%swap3A_524] : memref<512xi32, #tpu.memory_space<vmem>> -> memref<128xi32, #tpu.memory_space<vmem>>
    %swap3A_526 = arith.constant 96 : index
    %swap3A_527 = tpu.vector_load %swap3A_525[%swap3A_526] {strides = array<i32>} : memref<128xi32, #tpu.memory_space<vmem>>, vector<16xi32>,
    %swap3A_528 = vector.shape_cast %swap3A_527 : vector<16xi32> to vector<16xi32>
    %swap3A_529 = vector.shape_cast %add3A_523 : vector<16xi32> to vector<16xi32>
    tpu.vector_store %swap3A_525[%swap3A_526], %swap3A_529 {strides = array<i32>} : memref<128xi32, #tpu.memory_space<vmem>>, vector<16xi32>,
    %add3A_530 = arith.constant 112 : i32
    %add3A_531 = arith.addi %add3A_458, %add3A_530 : i32
    %add3A_532 = vector.broadcast %add3A_531 : i32 to vector<16xi32>
    %add3A_533 = arith.addi %iota3A_459, %add3A_532 : vector<16xi32>
    %swap3A_534 = arith.constant 0 : i32
    %swap3A_535 = tpu.memref_slice %arg7[%swap3A_534] : memref<512xi32, #tpu.memory_space<vmem>> -> memref<128xi32, #tpu.memory_space<vmem>>
    %swap3A_536 = arith.constant 112 : index
    %swap3A_537 = tpu.vector_load %swap3A_535[%swap3A_536] {strides = array<i32>} : memref<128xi32, #tpu.memory_space<vmem>>, vector<16xi32>,
    %swap3A_538 = vector.shape_cast %swap3A_537 : vector<16xi32> to vector<16xi32>
    %swap3A_539 = vector.shape_cast %add3A_533 : vector<16xi32> to vector<16xi32>
    tpu.vector_store %swap3A_535[%swap3A_536], %swap3A_539 {strides = array<i32>} : memref<128xi32, #tpu.memory_space<vmem>>, vector<16xi32>,
    %dma_start3A_540 = arith.constant 0 : i32
    %dma_start3A_541 = arith.constant 0 : i32
    %dma_start3A_542 = tpu.memref_slice %arg14[%dma_start3A_540, %dma_start3A_541] : memref<128x128xf32, #tpu.memory_space<vmem>> -> memref<128x128xf32, #tpu.memory_space<vmem>>
    %dma_start3A_543 = arith.constant 0 : i32
    %dma_start3A_544 = tpu.memref_slice %arg7[%dma_start3A_543] : memref<512xi32, #tpu.memory_space<vmem>> -> memref<128xi32, #tpu.memory_space<vmem>>
    %dma_start3A_545 = arith.constant 0 : i32
    %dma_start3A_546 = arith.constant 0 : i32
    %dma_start3A_547 = tpu.memref_slice %arg16[%dma_start3A_545, %dma_start3A_546] : memref<10000x128xf32, #tpu.memory_space<vmem_shared>> -> memref<10000x128xf32, #tpu.memory_space<vmem_shared>>
    tpu.enqueue_indirect_dma source(%dma_start3A_547 : memref<10000x128xf32, #tpu.memory_space<vmem_shared>>) target(%dma_start3A_542 : memref<128x128xf32, #tpu.memory_space<vmem>>) offsets(%dma_start3A_544 : memref<128xi32, #tpu.memory_space<vmem>>) semaphore(%arg18 : memref<!tpu.dma_semaphore, #tpu.memory_space<semaphore_mem>>)
    %dma_wait3A_548 = arith.constant 0 : i32
    %dma_wait3A_549 = arith.constant 0 : i32
    %dma_wait3A_550 = tpu.memref_slice %arg13[%dma_wait3A_548, %dma_wait3A_549] : memref<128x128xf32, #tpu.memory_space<vmem>> -> memref<128x128xf32, #tpu.memory_space<vmem>>
    %dma_wait3A_551 = arith.constant 0 : i32
    %dma_wait3A_552 = arith.constant 0 : i32
    %dma_wait3A_553 = tpu.memref_slice %arg16[%dma_wait3A_551, %dma_wait3A_552] : memref<10000x128xf32, #tpu.memory_space<vmem_shared>> -> memref<10000x128xf32, #tpu.memory_space<vmem_shared>>
    tpu.wait_indirect_dma semaphore(%arg17 : memref<!tpu.dma_semaphore, #tpu.memory_space<semaphore_mem>>) src(%dma_wait3A_553 : memref<10000x128xf32, #tpu.memory_space<vmem_shared>>) dst(%dma_wait3A_550 : memref<128x128xf32, #tpu.memory_space<vmem>>)
    %add3A_554 = arith.constant 0 : i32
    %add3A_555 = arith.addi %multiple_of3A, %add3A_554 : i32
    %dma_start3A_556 = arith.constant 0 : i32
    %dma_start3A_557 = arith.constant 0 : i32
    %dma_start3A_558 = tpu.memref_slice %arg13[%dma_start3A_556, %dma_start3A_557] : memref<128x128xf32, #tpu.memory_space<vmem>> -> memref<128x128xf32, #tpu.memory_space<vmem>>
    %dma_start3A_559 = arith.constant 0 : i32
    %dma_start3A_560 = tpu.memref_slice %arg6[%arg0, %add3A_555, %dma_start3A_559] : memref<2x10000x128xf32, #tpu.memory_space<hbm>> -> memref<1x128x128xf32, #tpu.memory_space<hbm>>
    %dma_start3A_561 = tpu.memref_squeeze %dma_start3A_560 : memref<1x128x128xf32, #tpu.memory_space<hbm>> -> memref<128x128xf32, #tpu.memory_space<hbm>>
    %dma_start3A_562 = arith.constant 0 : i32
    %dma_start3A_563 = tpu.memref_slice %arg6[%arg0, %add3A_555, %dma_start3A_562] : memref<2x10000x128xf32, #tpu.memory_space<hbm>> -> memref<1x128x128xf32, #tpu.memory_space<hbm>>
    %dma_start3A_564 = tpu.memref_squeeze %dma_start3A_563 : memref<1x128x128xf32, #tpu.memory_space<hbm>> -> memref<128x128xf32, #tpu.memory_space<hbm>>
    %dma_start3A_565 = arith.constant 0 : i32
    %dma_start3A_566 = arith.constant 0 : i32
    %dma_start3A_567 = tpu.memref_slice %arg13[%dma_start3A_565, %dma_start3A_566] : memref<128x128xf32, #tpu.memory_space<vmem>> -> memref<128x128xf32, #tpu.memory_space<vmem>>
    tpu.enqueue_dma source(%dma_start3A_567 : memref<128x128xf32, #tpu.memory_space<vmem>>) target(%dma_start3A_564 : memref<128x128xf32, #tpu.memory_space<hbm>>) target_semaphore(%arg19 : memref<!tpu.dma_semaphore, #tpu.memory_space<semaphore_mem>>)
    %dma_wait3A_568 = arith.constant 0 : i32
    %dma_wait3A_569 = arith.constant 0 : i32
    %dma_wait3A_570 = tpu.memref_slice %arg13[%dma_wait3A_568, %dma_wait3A_569] : memref<128x128xf32, #tpu.memory_space<vmem>> -> memref<128x128xf32, #tpu.memory_space<vmem>>
    %dma_wait3A_571 = arith.constant 0 : i32
    %dma_wait3A_572 = tpu.memref_slice %arg6[%arg0, %add3A_555, %dma_wait3A_571] : memref<2x10000x128xf32, #tpu.memory_space<hbm>> -> memref<1x128x128xf32, #tpu.memory_space<hbm>>
    %dma_wait3A_573 = tpu.memref_squeeze %dma_wait3A_572 : memref<1x128x128xf32, #tpu.memory_space<hbm>> -> memref<128x128xf32, #tpu.memory_space<hbm>>
    %dma_wait3A_574 = arith.constant 0 : i32
    %dma_wait3A_575 = tpu.memref_slice %arg6[%arg0, %add3A_555, %dma_wait3A_574] : memref<2x10000x128xf32, #tpu.memory_space<hbm>> -> memref<1x128x128xf32, #tpu.memory_space<hbm>>
    %dma_wait3A_576 = tpu.memref_squeeze %dma_wait3A_575 : memref<1x128x128xf32, #tpu.memory_space<hbm>> -> memref<128x128xf32, #tpu.memory_space<hbm>>
    %dma_wait3A_577 = arith.constant 0 : i32
    %dma_wait3A_578 = arith.constant 0 : i32
    %dma_wait3A_579 = tpu.memref_slice %arg13[%dma_wait3A_577, %dma_wait3A_578] : memref<128x128xf32, #tpu.memory_space<vmem>> -> memref<128x128xf32, #tpu.memory_space<vmem>>
    tpu.wait_dma2 semaphore(%arg19 : memref<!tpu.dma_semaphore, #tpu.memory_space<semaphore_mem>>) src(%dma_wait3A_579 : memref<128x128xf32, #tpu.memory_space<vmem>>) dst(%dma_wait3A_576 : memref<128x128xf32, #tpu.memory_space<hbm>>)
    %add3A_580 = arith.constant 256 : i32
    %add3A_581 = arith.addi %multiple_of3A, %add3A_580 : i32
    %iota3A_582 = tpu.iota {dimensions = array<i32: 0>} : vector<16xi32>
    %add3A_583 = arith.constant 0 : i32
    %add3A_584 = arith.addi %add3A_581, %add3A_583 : i32
    %add3A_585 = vector.broadcast %add3A_584 : i32 to vector<16xi32>
    %add3A_586 = arith.addi %iota3A_582, %add3A_585 : vector<16xi32>
    %swap3A_587 = arith.constant 0 : index
    %swap3A_588 = tpu.vector_load %arg11[%swap3A_587] {strides = array<i32>} : memref<128xi32, #tpu.memory_space<vmem>>, vector<16xi32>,
    %swap3A_589 = vector.shape_cast %swap3A_588 : vector<16xi32> to vector<16xi32>
    %swap3A_590 = vector.shape_cast %add3A_586 : vector<16xi32> to vector<16xi32>
    tpu.vector_store %arg11[%swap3A_587], %swap3A_590 {strides = array<i32>} : memref<128xi32, #tpu.memory_space<vmem>>, vector<16xi32>,
    %add3A_591 = arith.constant 16 : i32
    %add3A_592 = arith.addi %add3A_581, %add3A_591 : i32
    %add3A_593 = vector.broadcast %add3A_592 : i32 to vector<16xi32>
    %add3A_594 = arith.addi %iota3A_582, %add3A_593 : vector<16xi32>
    %swap3A_595 = arith.constant 16 : index
    %swap3A_596 = tpu.vector_load %arg11[%swap3A_595] {strides = array<i32>} : memref<128xi32, #tpu.memory_space<vmem>>, vector<16xi32>,
    %swap3A_597 = vector.shape_cast %swap3A_596 : vector<16xi32> to vector<16xi32>
    %swap3A_598 = vector.shape_cast %add3A_594 : vector<16xi32> to vector<16xi32>
    tpu.vector_store %arg11[%swap3A_595], %swap3A_598 {strides = array<i32>} : memref<128xi32, #tpu.memory_space<vmem>>, vector<16xi32>,
    %add3A_599 = arith.constant 32 : i32
    %add3A_600 = arith.addi %add3A_581, %add3A_599 : i32
    %add3A_601 = vector.broadcast %add3A_600 : i32 to vector<16xi32>
    %add3A_602 = arith.addi %iota3A_582, %add3A_601 : vector<16xi32>
    %swap3A_603 = arith.constant 32 : index
    %swap3A_604 = tpu.vector_load %arg11[%swap3A_603] {strides = array<i32>} : memref<128xi32, #tpu.memory_space<vmem>>, vector<16xi32>,
    %swap3A_605 = vector.shape_cast %swap3A_604 : vector<16xi32> to vector<16xi32>
    %swap3A_606 = vector.shape_cast %add3A_602 : vector<16xi32> to vector<16xi32>
    tpu.vector_store %arg11[%swap3A_603], %swap3A_606 {strides = array<i32>} : memref<128xi32, #tpu.memory_space<vmem>>, vector<16xi32>,
    %add3A_607 = arith.constant 48 : i32
    %add3A_608 = arith.addi %add3A_581, %add3A_607 : i32
    %add3A_609 = vector.broadcast %add3A_608 : i32 to vector<16xi32>
    %add3A_610 = arith.addi %iota3A_582, %add3A_609 : vector<16xi32>
    %swap3A_611 = arith.constant 48 : index
    %swap3A_612 = tpu.vector_load %arg11[%swap3A_611] {strides = array<i32>} : memref<128xi32, #tpu.memory_space<vmem>>, vector<16xi32>,
    %swap3A_613 = vector.shape_cast %swap3A_612 : vector<16xi32> to vector<16xi32>
    %swap3A_614 = vector.shape_cast %add3A_610 : vector<16xi32> to vector<16xi32>
    tpu.vector_store %arg11[%swap3A_611], %swap3A_614 {strides = array<i32>} : memref<128xi32, #tpu.memory_space<vmem>>, vector<16xi32>,
    %add3A_615 = arith.constant 64 : i32
    %add3A_616 = arith.addi %add3A_581, %add3A_615 : i32
    %add3A_617 = vector.broadcast %add3A_616 : i32 to vector<16xi32>
    %add3A_618 = arith.addi %iota3A_582, %add3A_617 : vector<16xi32>
    %swap3A_619 = arith.constant 64 : index
    %swap3A_620 = tpu.vector_load %arg11[%swap3A_619] {strides = array<i32>} : memref<128xi32, #tpu.memory_space<vmem>>, vector<16xi32>,
    %swap3A_621 = vector.shape_cast %swap3A_620 : vector<16xi32> to vector<16xi32>
    %swap3A_622 = vector.shape_cast %add3A_618 : vector<16xi32> to vector<16xi32>
    tpu.vector_store %arg11[%swap3A_619], %swap3A_622 {strides = array<i32>} : memref<128xi32, #tpu.memory_space<vmem>>, vector<16xi32>,
    %add3A_623 = arith.constant 80 : i32
    %add3A_624 = arith.addi %add3A_581, %add3A_623 : i32
    %add3A_625 = vector.broadcast %add3A_624 : i32 to vector<16xi32>
    %add3A_626 = arith.addi %iota3A_582, %add3A_625 : vector<16xi32>
    %swap3A_627 = arith.constant 80 : index
    %swap3A_628 = tpu.vector_load %arg11[%swap3A_627] {strides = array<i32>} : memref<128xi32, #tpu.memory_space<vmem>>, vector<16xi32>,
    %swap3A_629 = vector.shape_cast %swap3A_628 : vector<16xi32> to vector<16xi32>
    %swap3A_630 = vector.shape_cast %add3A_626 : vector<16xi32> to vector<16xi32>
    tpu.vector_store %arg11[%swap3A_627], %swap3A_630 {strides = array<i32>} : memref<128xi32, #tpu.memory_space<vmem>>, vector<16xi32>,
    %add3A_631 = arith.constant 96 : i32
    %add3A_632 = arith.addi %add3A_581, %add3A_631 : i32
    %add3A_633 = vector.broadcast %add3A_632 : i32 to vector<16xi32>
    %add3A_634 = arith.addi %iota3A_582, %add3A_633 : vector<16xi32>
    %swap3A_635 = arith.constant 96 : index
    %swap3A_636 = tpu.vector_load %arg11[%swap3A_635] {strides = array<i32>} : memref<128xi32, #tpu.memory_space<vmem>>, vector<16xi32>,
    %swap3A_637 = vector.shape_cast %swap3A_636 : vector<16xi32> to vector<16xi32>
    %swap3A_638 = vector.shape_cast %add3A_634 : vector<16xi32> to vector<16xi32>
    tpu.vector_store %arg11[%swap3A_635], %swap3A_638 {strides = array<i32>} : memref<128xi32, #tpu.memory_space<vmem>>, vector<16xi32>,
    %add3A_639 = arith.constant 112 : i32
    %add3A_640 = arith.addi %add3A_581, %add3A_639 : i32
    %add3A_641 = vector.broadcast %add3A_640 : i32 to vector<16xi32>
    %add3A_642 = arith.addi %iota3A_582, %add3A_641 : vector<16xi32>
    %swap3A_643 = arith.constant 112 : index
    %swap3A_644 = tpu.vector_load %arg11[%swap3A_643] {strides = array<i32>} : memref<128xi32, #tpu.memory_space<vmem>>, vector<16xi32>,
    %swap3A_645 = vector.shape_cast %swap3A_644 : vector<16xi32> to vector<16xi32>
    %swap3A_646 = vector.shape_cast %add3A_642 : vector<16xi32> to vector<16xi32>
    tpu.vector_store %arg11[%swap3A_643], %swap3A_646 {strides = array<i32>} : memref<128xi32, #tpu.memory_space<vmem>>, vector<16xi32>,
    %dma_start3A_647 = arith.constant 0 : i32
    %dma_start3A_648 = arith.constant 0 : i32
    %dma_start3A_649 = tpu.memref_slice %arg13[%dma_start3A_647, %dma_start3A_648] : memref<128x128xf32, #tpu.memory_space<vmem>> -> memref<128x128xf32, #tpu.memory_space<vmem>>
    %dma_start3A_650 = arith.constant 0 : i32
    %dma_start3A_651 = arith.constant 0 : i32
    %dma_start3A_652 = tpu.memref_slice %arg16[%dma_start3A_650, %dma_start3A_651] : memref<10000x128xf32, #tpu.memory_space<vmem_shared>> -> memref<10000x128xf32, #tpu.memory_space<vmem_shared>>
    tpu.enqueue_indirect_dma source(%dma_start3A_652 : memref<10000x128xf32, #tpu.memory_space<vmem_shared>>) target(%dma_start3A_649 : memref<128x128xf32, #tpu.memory_space<vmem>>) offsets(%arg11 : memref<128xi32, #tpu.memory_space<vmem>>) semaphore(%arg17 : memref<!tpu.dma_semaphore, #tpu.memory_space<semaphore_mem>>)
    %dma_wait3A_653 = arith.constant 0 : i32
    %dma_wait3A_654 = arith.constant 0 : i32
    %dma_wait3A_655 = tpu.memref_slice %arg14[%dma_wait3A_653, %dma_wait3A_654] : memref<128x128xf32, #tpu.memory_space<vmem>> -> memref<128x128xf32, #tpu.memory_space<vmem>>
    %dma_wait3A_656 = arith.constant 0 : i32
    %dma_wait3A_657 = tpu.memref_slice %arg7[%dma_wait3A_656] : memref<512xi32, #tpu.memory_space<vmem>> -> memref<128xi32, #tpu.memory_space<vmem>>
    %dma_wait3A_658 = arith.constant 0 : i32
    %dma_wait3A_659 = arith.constant 0 : i32
    %dma_wait3A_660 = tpu.memref_slice %arg16[%dma_wait3A_658, %dma_wait3A_659] : memref<10000x128xf32, #tpu.memory_space<vmem_shared>> -> memref<10000x128xf32, #tpu.memory_space<vmem_shared>>
    tpu.wait_indirect_dma semaphore(%arg18 : memref<!tpu.dma_semaphore, #tpu.memory_space<semaphore_mem>>) src(%dma_wait3A_660 : memref<10000x128xf32, #tpu.memory_space<vmem_shared>>) dst(%dma_wait3A_655 : memref<128x128xf32, #tpu.memory_space<vmem>>)
    %add3A_661 = arith.constant 128 : i32
    %add3A_662 = arith.addi %multiple_of3A, %add3A_661 : i32
    %dma_start3A_663 = arith.constant 0 : i32
    %dma_start3A_664 = arith.constant 0 : i32
    %dma_start3A_665 = tpu.memref_slice %arg14[%dma_start3A_663, %dma_start3A_664] : memref<128x128xf32, #tpu.memory_space<vmem>> -> memref<128x128xf32, #tpu.memory_space<vmem>>
    %dma_start3A_666 = arith.constant 0 : i32
    %dma_start3A_667 = tpu.memref_slice %arg6[%arg0, %add3A_662, %dma_start3A_666] : memref<2x10000x128xf32, #tpu.memory_space<hbm>> -> memref<1x128x128xf32, #tpu.memory_space<hbm>>
    %dma_start3A_668 = tpu.memref_squeeze %dma_start3A_667 : memref<1x128x128xf32, #tpu.memory_space<hbm>> -> memref<128x128xf32, #tpu.memory_space<hbm>>
    %dma_start3A_669 = arith.constant 0 : i32
    %dma_start3A_670 = tpu.memref_slice %arg6[%arg0, %add3A_662, %dma_start3A_669] : memref<2x10000x128xf32, #tpu.memory_space<hbm>> -> memref<1x128x128xf32, #tpu.memory_space<hbm>>
    %dma_start3A_671 = tpu.memref_squeeze %dma_start3A_670 : memref<1x128x128xf32, #tpu.memory_space<hbm>> -> memref<128x128xf32, #tpu.memory_space<hbm>>
    %dma_start3A_672 = arith.constant 0 : i32
    %dma_start3A_673 = arith.constant 0 : i32
    %dma_start3A_674 = tpu.memref_slice %arg14[%dma_start3A_672, %dma_start3A_673] : memref<128x128xf32, #tpu.memory_space<vmem>> -> memref<128x128xf32, #tpu.memory_space<vmem>>
    tpu.enqueue_dma source(%dma_start3A_674 : memref<128x128xf32, #tpu.memory_space<vmem>>) target(%dma_start3A_671 : memref<128x128xf32, #tpu.memory_space<hbm>>) target_semaphore(%arg20 : memref<!tpu.dma_semaphore, #tpu.memory_space<semaphore_mem>>)
    %dma_wait3A_675 = arith.constant 0 : i32
    %dma_wait3A_676 = arith.constant 0 : i32
    %dma_wait3A_677 = tpu.memref_slice %arg14[%dma_wait3A_675, %dma_wait3A_676] : memref<128x128xf32, #tpu.memory_space<vmem>> -> memref<128x128xf32, #tpu.memory_space<vmem>>
    %dma_wait3A_678 = arith.constant 0 : i32
    %dma_wait3A_679 = tpu.memref_slice %arg6[%arg0, %add3A_662, %dma_wait3A_678] : memref<2x10000x128xf32, #tpu.memory_space<hbm>> -> memref<1x128x128xf32, #tpu.memory_space<hbm>>
    %dma_wait3A_680 = tpu.memref_squeeze %dma_wait3A_679 : memref<1x128x128xf32, #tpu.memory_space<hbm>> -> memref<128x128xf32, #tpu.memory_space<hbm>>
    %dma_wait3A_681 = arith.constant 0 : i32
    %dma_wait3A_682 = tpu.memref_slice %arg6[%arg0, %add3A_662, %dma_wait3A_681] : memref<2x10000x128xf32, #tpu.memory_space<hbm>> -> memref<1x128x128xf32, #tpu.memory_space<hbm>>
    %dma_wait3A_683 = tpu.memref_squeeze %dma_wait3A_682 : memref<1x128x128xf32, #tpu.memory_space<hbm>> -> memref<128x128xf32, #tpu.memory_space<hbm>>
    %dma_wait3A_684 = arith.constant 0 : i32
    %dma_wait3A_685 = arith.constant 0 : i32
    %dma_wait3A_686 = tpu.memref_slice %arg14[%dma_wait3A_684, %dma_wait3A_685] : memref<128x128xf32, #tpu.memory_space<vmem>> -> memref<128x128xf32, #tpu.memory_space<vmem>>
    tpu.wait_dma2 semaphore(%arg20 : memref<!tpu.dma_semaphore, #tpu.memory_space<semaphore_mem>>) src(%dma_wait3A_686 : memref<128x128xf32, #tpu.memory_space<vmem>>) dst(%dma_wait3A_683 : memref<128x128xf32, #tpu.memory_space<hbm>>)
    %add3A_687 = arith.constant 384 : i32
    %add3A_688 = arith.addi %multiple_of3A, %add3A_687 : i32
    %iota3A_689 = tpu.iota {dimensions = array<i32: 0>} : vector<16xi32>
    %add3A_690 = arith.constant 0 : i32
    %add3A_691 = arith.addi %add3A_688, %add3A_690 : i32
    %add3A_692 = vector.broadcast %add3A_691 : i32 to vector<16xi32>
    %add3A_693 = arith.addi %iota3A_689, %add3A_692 : vector<16xi32>
    %swap3A_694 = arith.constant 0 : i32
    %swap3A_695 = tpu.memref_slice %arg7[%swap3A_694] : memref<512xi32, #tpu.memory_space<vmem>> -> memref<128xi32, #tpu.memory_space<vmem>>
    %swap3A_696 = arith.constant 0 : index
    %swap3A_697 = tpu.vector_load %swap3A_695[%swap3A_696] {strides = array<i32>} : memref<128xi32, #tpu.memory_space<vmem>>, vector<16xi32>,
    %swap3A_698 = vector.shape_cast %swap3A_697 : vector<16xi32> to vector<16xi32>
    %swap3A_699 = vector.shape_cast %add3A_693 : vector<16xi32> to vector<16xi32>
    tpu.vector_store %swap3A_695[%swap3A_696], %swap3A_699 {strides = array<i32>} : memref<128xi32, #tpu.memory_space<vmem>>, vector<16xi32>,
    %add3A_700 = arith.constant 16 : i32
    %add3A_701 = arith.addi %add3A_688, %add3A_700 : i32
    %add3A_702 = vector.broadcast %add3A_701 : i32 to vector<16xi32>
    %add3A_703 = arith.addi %iota3A_689, %add3A_702 : vector<16xi32>
    %swap3A_704 = arith.constant 0 : i32
    %swap3A_705 = tpu.memref_slice %arg7[%swap3A_704] : memref<512xi32, #tpu.memory_space<vmem>> -> memref<128xi32, #tpu.memory_space<vmem>>
    %swap3A_706 = arith.constant 16 : index
    %swap3A_707 = tpu.vector_load %swap3A_705[%swap3A_706] {strides = array<i32>} : memref<128xi32, #tpu.memory_space<vmem>>, vector<16xi32>,
    %swap3A_708 = vector.shape_cast %swap3A_707 : vector<16xi32> to vector<16xi32>
    %swap3A_709 = vector.shape_cast %add3A_703 : vector<16xi32> to vector<16xi32>
    tpu.vector_store %swap3A_705[%swap3A_706], %swap3A_709 {strides = array<i32>} : memref<128xi32, #tpu.memory_space<vmem>>, vector<16xi32>,
    %add3A_710 = arith.constant 32 : i32
    %add3A_711 = arith.addi %add3A_688, %add3A_710 : i32
    %add3A_712 = vector.broadcast %add3A_711 : i32 to vector<16xi32>
    %add3A_713 = arith.addi %iota3A_689, %add3A_712 : vector<16xi32>
    %swap3A_714 = arith.constant 0 : i32
    %swap3A_715 = tpu.memref_slice %arg7[%swap3A_714] : memref<512xi32, #tpu.memory_space<vmem>> -> memref<128xi32, #tpu.memory_space<vmem>>
    %swap3A_716 = arith.constant 32 : index
    %swap3A_717 = tpu.vector_load %swap3A_715[%swap3A_716] {strides = array<i32>} : memref<128xi32, #tpu.memory_space<vmem>>, vector<16xi32>,
    %swap3A_718 = vector.shape_cast %swap3A_717 : vector<16xi32> to vector<16xi32>
    %swap3A_719 = vector.shape_cast %add3A_713 : vector<16xi32> to vector<16xi32>
    tpu.vector_store %swap3A_715[%swap3A_716], %swap3A_719 {strides = array<i32>} : memref<128xi32, #tpu.memory_space<vmem>>, vector<16xi32>,
    %add3A_720 = arith.constant 48 : i32
    %add3A_721 = arith.addi %add3A_688, %add3A_720 : i32
    %add3A_722 = vector.broadcast %add3A_721 : i32 to vector<16xi32>
    %add3A_723 = arith.addi %iota3A_689, %add3A_722 : vector<16xi32>
    %swap3A_724 = arith.constant 0 : i32
    %swap3A_725 = tpu.memref_slice %arg7[%swap3A_724] : memref<512xi32, #tpu.memory_space<vmem>> -> memref<128xi32, #tpu.memory_space<vmem>>
    %swap3A_726 = arith.constant 48 : index
    %swap3A_727 = tpu.vector_load %swap3A_725[%swap3A_726] {strides = array<i32>} : memref<128xi32, #tpu.memory_space<vmem>>, vector<16xi32>,
    %swap3A_728 = vector.shape_cast %swap3A_727 : vector<16xi32> to vector<16xi32>
    %swap3A_729 = vector.shape_cast %add3A_723 : vector<16xi32> to vector<16xi32>
    tpu.vector_store %swap3A_725[%swap3A_726], %swap3A_729 {strides = array<i32>} : memref<128xi32, #tpu.memory_space<vmem>>, vector<16xi32>,
    %add3A_730 = arith.constant 64 : i32
    %add3A_731 = arith.addi %add3A_688, %add3A_730 : i32
    %add3A_732 = vector.broadcast %add3A_731 : i32 to vector<16xi32>
    %add3A_733 = arith.addi %iota3A_689, %add3A_732 : vector<16xi32>
    %swap3A_734 = arith.constant 0 : i32
    %swap3A_735 = tpu.memref_slice %arg7[%swap3A_734] : memref<512xi32, #tpu.memory_space<vmem>> -> memref<128xi32, #tpu.memory_space<vmem>>
    %swap3A_736 = arith.constant 64 : index
    %swap3A_737 = tpu.vector_load %swap3A_735[%swap3A_736] {strides = array<i32>} : memref<128xi32, #tpu.memory_space<vmem>>, vector<16xi32>,
    %swap3A_738 = vector.shape_cast %swap3A_737 : vector<16xi32> to vector<16xi32>
    %swap3A_739 = vector.shape_cast %add3A_733 : vector<16xi32> to vector<16xi32>
    tpu.vector_store %swap3A_735[%swap3A_736], %swap3A_739 {strides = array<i32>} : memref<128xi32, #tpu.memory_space<vmem>>, vector<16xi32>,
    %add3A_740 = arith.constant 80 : i32
    %add3A_741 = arith.addi %add3A_688, %add3A_740 : i32
    %add3A_742 = vector.broadcast %add3A_741 : i32 to vector<16xi32>
    %add3A_743 = arith.addi %iota3A_689, %add3A_742 : vector<16xi32>
    %swap3A_744 = arith.constant 0 : i32
    %swap3A_745 = tpu.memref_slice %arg7[%swap3A_744] : memref<512xi32, #tpu.memory_space<vmem>> -> memref<128xi32, #tpu.memory_space<vmem>>
    %swap3A_746 = arith.constant 80 : index
    %swap3A_747 = tpu.vector_load %swap3A_745[%swap3A_746] {strides = array<i32>} : memref<128xi32, #tpu.memory_space<vmem>>, vector<16xi32>,
    %swap3A_748 = vector.shape_cast %swap3A_747 : vector<16xi32> to vector<16xi32>
    %swap3A_749 = vector.shape_cast %add3A_743 : vector<16xi32> to vector<16xi32>
    tpu.vector_store %swap3A_745[%swap3A_746], %swap3A_749 {strides = array<i32>} : memref<128xi32, #tpu.memory_space<vmem>>, vector<16xi32>,
    %add3A_750 = arith.constant 96 : i32
    %add3A_751 = arith.addi %add3A_688, %add3A_750 : i32
    %add3A_752 = vector.broadcast %add3A_751 : i32 to vector<16xi32>
    %add3A_753 = arith.addi %iota3A_689, %add3A_752 : vector<16xi32>
    %swap3A_754 = arith.constant 0 : i32
    %swap3A_755 = tpu.memref_slice %arg7[%swap3A_754] : memref<512xi32, #tpu.memory_space<vmem>> -> memref<128xi32, #tpu.memory_space<vmem>>
    %swap3A_756 = arith.constant 96 : index
    %swap3A_757 = tpu.vector_load %swap3A_755[%swap3A_756] {strides = array<i32>} : memref<128xi32, #tpu.memory_space<vmem>>, vector<16xi32>,
    %swap3A_758 = vector.shape_cast %swap3A_757 : vector<16xi32> to vector<16xi32>
    %swap3A_759 = vector.shape_cast %add3A_753 : vector<16xi32> to vector<16xi32>
    tpu.vector_store %swap3A_755[%swap3A_756], %swap3A_759 {strides = array<i32>} : memref<128xi32, #tpu.memory_space<vmem>>, vector<16xi32>,
    %add3A_760 = arith.constant 112 : i32
    %add3A_761 = arith.addi %add3A_688, %add3A_760 : i32
    %add3A_762 = vector.broadcast %add3A_761 : i32 to vector<16xi32>
    %add3A_763 = arith.addi %iota3A_689, %add3A_762 : vector<16xi32>
    %swap3A_764 = arith.constant 0 : i32
    %swap3A_765 = tpu.memref_slice %arg7[%swap3A_764] : memref<512xi32, #tpu.memory_space<vmem>> -> memref<128xi32, #tpu.memory_space<vmem>>
    %swap3A_766 = arith.constant 112 : index
    %swap3A_767 = tpu.vector_load %swap3A_765[%swap3A_766] {strides = array<i32>} : memref<128xi32, #tpu.memory_space<vmem>>, vector<16xi32>,
    %swap3A_768 = vector.shape_cast %swap3A_767 : vector<16xi32> to vector<16xi32>
    %swap3A_769 = vector.shape_cast %add3A_763 : vector<16xi32> to vector<16xi32>
    tpu.vector_store %swap3A_765[%swap3A_766], %swap3A_769 {strides = array<i32>} : memref<128xi32, #tpu.memory_space<vmem>>, vector<16xi32>,
    %dma_start3A_770 = arith.constant 0 : i32
    %dma_start3A_771 = arith.constant 0 : i32
    %dma_start3A_772 = tpu.memref_slice %arg14[%dma_start3A_770, %dma_start3A_771] : memref<128x128xf32, #tpu.memory_space<vmem>> -> memref<128x128xf32, #tpu.memory_space<vmem>>
    %dma_start3A_773 = arith.constant 0 : i32
    %dma_start3A_774 = tpu.memref_slice %arg7[%dma_start3A_773] : memref<512xi32, #tpu.memory_space<vmem>> -> memref<128xi32, #tpu.memory_space<vmem>>
    %dma_start3A_775 = arith.constant 0 : i32
    %dma_start3A_776 = arith.constant 0 : i32
    %dma_start3A_777 = tpu.memref_slice %arg16[%dma_start3A_775, %dma_start3A_776] : memref<10000x128xf32, #tpu.memory_space<vmem_shared>> -> memref<10000x128xf32, #tpu.memory_space<vmem_shared>>
    tpu.enqueue_indirect_dma source(%dma_start3A_777 : memref<10000x128xf32, #tpu.memory_space<vmem_shared>>) target(%dma_start3A_772 : memref<128x128xf32, #tpu.memory_space<vmem>>) offsets(%dma_start3A_774 : memref<128xi32, #tpu.memory_space<vmem>>) semaphore(%arg18 : memref<!tpu.dma_semaphore, #tpu.memory_space<semaphore_mem>>)
    %dma_wait3A_778 = arith.constant 0 : i32
    %dma_wait3A_779 = arith.constant 0 : i32
    %dma_wait3A_780 = tpu.memref_slice %arg13[%dma_wait3A_778, %dma_wait3A_779] : memref<128x128xf32, #tpu.memory_space<vmem>> -> memref<128x128xf32, #tpu.memory_space<vmem>>
    %dma_wait3A_781 = arith.constant 0 : i32
    %dma_wait3A_782 = arith.constant 0 : i32
    %dma_wait3A_783 = tpu.memref_slice %arg16[%dma_wait3A_781, %dma_wait3A_782] : memref<10000x128xf32, #tpu.memory_space<vmem_shared>> -> memref<10000x128xf32, #tpu.memory_space<vmem_shared>>
    tpu.wait_indirect_dma semaphore(%arg17 : memref<!tpu.dma_semaphore, #tpu.memory_space<semaphore_mem>>) src(%dma_wait3A_783 : memref<10000x128xf32, #tpu.memory_space<vmem_shared>>) dst(%dma_wait3A_780 : memref<128x128xf32, #tpu.memory_space<vmem>>)
    %add3A_784 = arith.constant 256 : i32
    %add3A_785 = arith.addi %multiple_of3A, %add3A_784 : i32
    %dma_start3A_786 = arith.constant 0 : i32
    %dma_start3A_787 = arith.constant 0 : i32
    %dma_start3A_788 = tpu.memref_slice %arg13[%dma_start3A_786, %dma_start3A_787] : memref<128x128xf32, #tpu.memory_space<vmem>> -> memref<128x128xf32, #tpu.memory_space<vmem>>
    %dma_start3A_789 = arith.constant 0 : i32
    %dma_start3A_790 = tpu.memref_slice %arg6[%arg0, %add3A_785, %dma_start3A_789] : memref<2x10000x128xf32, #tpu.memory_space<hbm>> -> memref<1x128x128xf32, #tpu.memory_space<hbm>>
    %dma_start3A_791 = tpu.memref_squeeze %dma_start3A_790 : memref<1x128x128xf32, #tpu.memory_space<hbm>> -> memref<128x128xf32, #tpu.memory_space<hbm>>
    %dma_start3A_792 = arith.constant 0 : i32
    %dma_start3A_793 = tpu.memref_slice %arg6[%arg0, %add3A_785, %dma_start3A_792] : memref<2x10000x128xf32, #tpu.memory_space<hbm>> -> memref<1x128x128xf32, #tpu.memory_space<hbm>>
    %dma_start3A_794 = tpu.memref_squeeze %dma_start3A_793 : memref<1x128x128xf32, #tpu.memory_space<hbm>> -> memref<128x128xf32, #tpu.memory_space<hbm>>
    %dma_start3A_795 = arith.constant 0 : i32
    %dma_start3A_796 = arith.constant 0 : i32
    %dma_start3A_797 = tpu.memref_slice %arg13[%dma_start3A_795, %dma_start3A_796] : memref<128x128xf32, #tpu.memory_space<vmem>> -> memref<128x128xf32, #tpu.memory_space<vmem>>
    tpu.enqueue_dma source(%dma_start3A_797 : memref<128x128xf32, #tpu.memory_space<vmem>>) target(%dma_start3A_794 : memref<128x128xf32, #tpu.memory_space<hbm>>) target_semaphore(%arg19 : memref<!tpu.dma_semaphore, #tpu.memory_space<semaphore_mem>>)
    %dma_wait3A_798 = arith.constant 0 : i32
    %dma_wait3A_799 = arith.constant 0 : i32
    %dma_wait3A_800 = tpu.memref_slice %arg13[%dma_wait3A_798, %dma_wait3A_799] : memref<128x128xf32, #tpu.memory_space<vmem>> -> memref<128x128xf32, #tpu.memory_space<vmem>>
    %dma_wait3A_801 = arith.constant 0 : i32
    %dma_wait3A_802 = tpu.memref_slice %arg6[%arg0, %add3A_785, %dma_wait3A_801] : memref<2x10000x128xf32, #tpu.memory_space<hbm>> -> memref<1x128x128xf32, #tpu.memory_space<hbm>>
    %dma_wait3A_803 = tpu.memref_squeeze %dma_wait3A_802 : memref<1x128x128xf32, #tpu.memory_space<hbm>> -> memref<128x128xf32, #tpu.memory_space<hbm>>
    %dma_wait3A_804 = arith.constant 0 : i32
    %dma_wait3A_805 = tpu.memref_slice %arg6[%arg0, %add3A_785, %dma_wait3A_804] : memref<2x10000x128xf32, #tpu.memory_space<hbm>> -> memref<1x128x128xf32, #tpu.memory_space<hbm>>
    %dma_wait3A_806 = tpu.memref_squeeze %dma_wait3A_805 : memref<1x128x128xf32, #tpu.memory_space<hbm>> -> memref<128x128xf32, #tpu.memory_space<hbm>>
    %dma_wait3A_807 = arith.constant 0 : i32
    %dma_wait3A_808 = arith.constant 0 : i32
    %dma_wait3A_809 = tpu.memref_slice %arg13[%dma_wait3A_807, %dma_wait3A_808] : memref<128x128xf32, #tpu.memory_space<vmem>> -> memref<128x128xf32, #tpu.memory_space<vmem>>
    tpu.wait_dma2 semaphore(%arg19 : memref<!tpu.dma_semaphore, #tpu.memory_space<semaphore_mem>>) src(%dma_wait3A_809 : memref<128x128xf32, #tpu.memory_space<vmem>>) dst(%dma_wait3A_806 : memref<128x128xf32, #tpu.memory_space<hbm>>)
    %add3A_810 = arith.constant 512 : i32
    %add3A_811 = arith.addi %multiple_of3A, %add3A_810 : i32
    %iota3A_812 = tpu.iota {dimensions = array<i32: 0>} : vector<16xi32>
    %add3A_813 = arith.constant 0 : i32
    %add3A_814 = arith.addi %add3A_811, %add3A_813 : i32
    %add3A_815 = vector.broadcast %add3A_814 : i32 to vector<16xi32>
    %add3A_816 = arith.addi %iota3A_812, %add3A_815 : vector<16xi32>
    %swap3A_817 = arith.constant 0 : index
    %swap3A_818 = tpu.vector_load %arg12[%swap3A_817] {strides = array<i32>} : memref<112xi32, #tpu.memory_space<vmem>>, vector<16xi32>,
    %swap3A_819 = vector.shape_cast %swap3A_818 : vector<16xi32> to vector<16xi32>
    %swap3A_820 = vector.shape_cast %add3A_816 : vector<16xi32> to vector<16xi32>
    tpu.vector_store %arg12[%swap3A_817], %swap3A_820 {strides = array<i32>} : memref<112xi32, #tpu.memory_space<vmem>>, vector<16xi32>,
    %add3A_821 = arith.constant 16 : i32
    %add3A_822 = arith.addi %add3A_811, %add3A_821 : i32
    %add3A_823 = vector.broadcast %add3A_822 : i32 to vector<16xi32>
    %add3A_824 = arith.addi %iota3A_812, %add3A_823 : vector<16xi32>
    %swap3A_825 = arith.constant 16 : index
    %swap3A_826 = tpu.vector_load %arg12[%swap3A_825] {strides = array<i32>} : memref<112xi32, #tpu.memory_space<vmem>>, vector<16xi32>,
    %swap3A_827 = vector.shape_cast %swap3A_826 : vector<16xi32> to vector<16xi32>
    %swap3A_828 = vector.shape_cast %add3A_824 : vector<16xi32> to vector<16xi32>
    tpu.vector_store %arg12[%swap3A_825], %swap3A_828 {strides = array<i32>} : memref<112xi32, #tpu.memory_space<vmem>>, vector<16xi32>,
    %add3A_829 = arith.constant 32 : i32
    %add3A_830 = arith.addi %add3A_811, %add3A_829 : i32
    %add3A_831 = vector.broadcast %add3A_830 : i32 to vector<16xi32>
    %add3A_832 = arith.addi %iota3A_812, %add3A_831 : vector<16xi32>
    %swap3A_833 = arith.constant 32 : index
    %swap3A_834 = tpu.vector_load %arg12[%swap3A_833] {strides = array<i32>} : memref<112xi32, #tpu.memory_space<vmem>>, vector<16xi32>,
    %swap3A_835 = vector.shape_cast %swap3A_834 : vector<16xi32> to vector<16xi32>
    %swap3A_836 = vector.shape_cast %add3A_832 : vector<16xi32> to vector<16xi32>
    tpu.vector_store %arg12[%swap3A_833], %swap3A_836 {strides = array<i32>} : memref<112xi32, #tpu.memory_space<vmem>>, vector<16xi32>,
    %add3A_837 = arith.constant 48 : i32
    %add3A_838 = arith.addi %add3A_811, %add3A_837 : i32
    %add3A_839 = vector.broadcast %add3A_838 : i32 to vector<16xi32>
    %add3A_840 = arith.addi %iota3A_812, %add3A_839 : vector<16xi32>
    %swap3A_841 = arith.constant 48 : index
    %swap3A_842 = tpu.vector_load %arg12[%swap3A_841] {strides = array<i32>} : memref<112xi32, #tpu.memory_space<vmem>>, vector<16xi32>,
    %swap3A_843 = vector.shape_cast %swap3A_842 : vector<16xi32> to vector<16xi32>
    %swap3A_844 = vector.shape_cast %add3A_840 : vector<16xi32> to vector<16xi32>
    tpu.vector_store %arg12[%swap3A_841], %swap3A_844 {strides = array<i32>} : memref<112xi32, #tpu.memory_space<vmem>>, vector<16xi32>,
    %add3A_845 = arith.constant 64 : i32
    %add3A_846 = arith.addi %add3A_811, %add3A_845 : i32
    %add3A_847 = vector.broadcast %add3A_846 : i32 to vector<16xi32>
    %add3A_848 = arith.addi %iota3A_812, %add3A_847 : vector<16xi32>
    %swap3A_849 = arith.constant 64 : index
    %swap3A_850 = tpu.vector_load %arg12[%swap3A_849] {strides = array<i32>} : memref<112xi32, #tpu.memory_space<vmem>>, vector<16xi32>,
    %swap3A_851 = vector.shape_cast %swap3A_850 : vector<16xi32> to vector<16xi32>
    %swap3A_852 = vector.shape_cast %add3A_848 : vector<16xi32> to vector<16xi32>
    tpu.vector_store %arg12[%swap3A_849], %swap3A_852 {strides = array<i32>} : memref<112xi32, #tpu.memory_space<vmem>>, vector<16xi32>,
    %add3A_853 = arith.constant 80 : i32
    %add3A_854 = arith.addi %add3A_811, %add3A_853 : i32
    %add3A_855 = vector.broadcast %add3A_854 : i32 to vector<16xi32>
    %add3A_856 = arith.addi %iota3A_812, %add3A_855 : vector<16xi32>
    %swap3A_857 = arith.constant 80 : index
    %swap3A_858 = tpu.vector_load %arg12[%swap3A_857] {strides = array<i32>} : memref<112xi32, #tpu.memory_space<vmem>>, vector<16xi32>,
    %swap3A_859 = vector.shape_cast %swap3A_858 : vector<16xi32> to vector<16xi32>
    %swap3A_860 = vector.shape_cast %add3A_856 : vector<16xi32> to vector<16xi32>
    tpu.vector_store %arg12[%swap3A_857], %swap3A_860 {strides = array<i32>} : memref<112xi32, #tpu.memory_space<vmem>>, vector<16xi32>,
    %add3A_861 = arith.constant 96 : i32
    %add3A_862 = arith.addi %add3A_811, %add3A_861 : i32
    %add3A_863 = vector.broadcast %add3A_862 : i32 to vector<16xi32>
    %add3A_864 = arith.addi %iota3A_812, %add3A_863 : vector<16xi32>
    %swap3A_865 = arith.constant 96 : index
    %swap3A_866 = tpu.vector_load %arg12[%swap3A_865] {strides = array<i32>} : memref<112xi32, #tpu.memory_space<vmem>>, vector<16xi32>,
    %swap3A_867 = vector.shape_cast %swap3A_866 : vector<16xi32> to vector<16xi32>
    %swap3A_868 = vector.shape_cast %add3A_864 : vector<16xi32> to vector<16xi32>
    tpu.vector_store %arg12[%swap3A_865], %swap3A_868 {strides = array<i32>} : memref<112xi32, #tpu.memory_space<vmem>>, vector<16xi32>,
    %dma_start3A_869 = arith.constant 0 : i32
    %dma_start3A_870 = arith.constant 0 : i32
    %dma_start3A_871 = tpu.memref_slice %arg13[%dma_start3A_869, %dma_start3A_870] : memref<128x128xf32, #tpu.memory_space<vmem>> -> memref<112x128xf32, #tpu.memory_space<vmem>>
    %dma_start3A_872 = arith.constant 0 : i32
    %dma_start3A_873 = arith.constant 0 : i32
    %dma_start3A_874 = tpu.memref_slice %arg16[%dma_start3A_872, %dma_start3A_873] : memref<10000x128xf32, #tpu.memory_space<vmem_shared>> -> memref<10000x128xf32, #tpu.memory_space<vmem_shared>>
    tpu.enqueue_indirect_dma source(%dma_start3A_874 : memref<10000x128xf32, #tpu.memory_space<vmem_shared>>) target(%dma_start3A_871 : memref<112x128xf32, #tpu.memory_space<vmem>>) offsets(%arg12 : memref<112xi32, #tpu.memory_space<vmem>>) semaphore(%arg17 : memref<!tpu.dma_semaphore, #tpu.memory_space<semaphore_mem>>)
    %dma_wait3A_875 = arith.constant 0 : i32
    %dma_wait3A_876 = arith.constant 0 : i32
    %dma_wait3A_877 = tpu.memref_slice %arg14[%dma_wait3A_875, %dma_wait3A_876] : memref<128x128xf32, #tpu.memory_space<vmem>> -> memref<128x128xf32, #tpu.memory_space<vmem>>
    %dma_wait3A_878 = arith.constant 0 : i32
    %dma_wait3A_879 = tpu.memref_slice %arg7[%dma_wait3A_878] : memref<512xi32, #tpu.memory_space<vmem>> -> memref<128xi32, #tpu.memory_space<vmem>>
    %dma_wait3A_880 = arith.constant 0 : i32
    %dma_wait3A_881 = arith.constant 0 : i32
    %dma_wait3A_882 = tpu.memref_slice %arg16[%dma_wait3A_880, %dma_wait3A_881] : memref<10000x128xf32, #tpu.memory_space<vmem_shared>> -> memref<10000x128xf32, #tpu.memory_space<vmem_shared>>
    tpu.wait_indirect_dma semaphore(%arg18 : memref<!tpu.dma_semaphore, #tpu.memory_space<semaphore_mem>>) src(%dma_wait3A_882 : memref<10000x128xf32, #tpu.memory_space<vmem_shared>>) dst(%dma_wait3A_877 : memref<128x128xf32, #tpu.memory_space<vmem>>)
    %add3A_883 = arith.constant 384 : i32
    %add3A_884 = arith.addi %multiple_of3A, %add3A_883 : i32
    %dma_start3A_885 = arith.constant 0 : i32
    %dma_start3A_886 = arith.constant 0 : i32
    %dma_start3A_887 = tpu.memref_slice %arg14[%dma_start3A_885, %dma_start3A_886] : memref<128x128xf32, #tpu.memory_space<vmem>> -> memref<128x128xf32, #tpu.memory_space<vmem>>
    %dma_start3A_888 = arith.constant 0 : i32
    %dma_start3A_889 = tpu.memref_slice %arg6[%arg0, %add3A_884, %dma_start3A_888] : memref<2x10000x128xf32, #tpu.memory_space<hbm>> -> memref<1x128x128xf32, #tpu.memory_space<hbm>>
    %dma_start3A_890 = tpu.memref_squeeze %dma_start3A_889 : memref<1x128x128xf32, #tpu.memory_space<hbm>> -> memref<128x128xf32, #tpu.memory_space<hbm>>
    %dma_start3A_891 = arith.constant 0 : i32
    %dma_start3A_892 = tpu.memref_slice %arg6[%arg0, %add3A_884, %dma_start3A_891] : memref<2x10000x128xf32, #tpu.memory_space<hbm>> -> memref<1x128x128xf32, #tpu.memory_space<hbm>>
    %dma_start3A_893 = tpu.memref_squeeze %dma_start3A_892 : memref<1x128x128xf32, #tpu.memory_space<hbm>> -> memref<128x128xf32, #tpu.memory_space<hbm>>
    %dma_start3A_894 = arith.constant 0 : i32
    %dma_start3A_895 = arith.constant 0 : i32
    %dma_start3A_896 = tpu.memref_slice %arg14[%dma_start3A_894, %dma_start3A_895] : memref<128x128xf32, #tpu.memory_space<vmem>> -> memref<128x128xf32, #tpu.memory_space<vmem>>
    tpu.enqueue_dma source(%dma_start3A_896 : memref<128x128xf32, #tpu.memory_space<vmem>>) target(%dma_start3A_893 : memref<128x128xf32, #tpu.memory_space<hbm>>) target_semaphore(%arg20 : memref<!tpu.dma_semaphore, #tpu.memory_space<semaphore_mem>>)
    %dma_wait3A_897 = arith.constant 0 : i32
    %dma_wait3A_898 = arith.constant 0 : i32
    %dma_wait3A_899 = tpu.memref_slice %arg13[%dma_wait3A_897, %dma_wait3A_898] : memref<128x128xf32, #tpu.memory_space<vmem>> -> memref<112x128xf32, #tpu.memory_space<vmem>>
    %dma_wait3A_900 = arith.constant 0 : i32
    %dma_wait3A_901 = arith.constant 0 : i32
    %dma_wait3A_902 = tpu.memref_slice %arg16[%dma_wait3A_900, %dma_wait3A_901] : memref<10000x128xf32, #tpu.memory_space<vmem_shared>> -> memref<10000x128xf32, #tpu.memory_space<vmem_shared>>
    tpu.wait_indirect_dma semaphore(%arg17 : memref<!tpu.dma_semaphore, #tpu.memory_space<semaphore_mem>>) src(%dma_wait3A_902 : memref<10000x128xf32, #tpu.memory_space<vmem_shared>>) dst(%dma_wait3A_899 : memref<112x128xf32, #tpu.memory_space<vmem>>)
    %add3A_903 = arith.constant 512 : i32
    %add3A_904 = arith.addi %multiple_of3A, %add3A_903 : i32
    %dma_start3A_905 = arith.constant 0 : i32
    %dma_start3A_906 = arith.constant 0 : i32
    %dma_start3A_907 = tpu.memref_slice %arg13[%dma_start3A_905, %dma_start3A_906] : memref<128x128xf32, #tpu.memory_space<vmem>> -> memref<112x128xf32, #tpu.memory_space<vmem>>
    %dma_start3A_908 = arith.constant 0 : i32
    %dma_start3A_909 = tpu.memref_slice %arg6[%arg0, %add3A_904, %dma_start3A_908] : memref<2x10000x128xf32, #tpu.memory_space<hbm>> -> memref<1x112x128xf32, #tpu.memory_space<hbm>>
    %dma_start3A_910 = tpu.memref_squeeze %dma_start3A_909 : memref<1x112x128xf32, #tpu.memory_space<hbm>> -> memref<112x128xf32, #tpu.memory_space<hbm>>
    %dma_start3A_911 = arith.constant 0 : i32
    %dma_start3A_912 = tpu.memref_slice %arg6[%arg0, %add3A_904, %dma_start3A_911] : memref<2x10000x128xf32, #tpu.memory_space<hbm>> -> memref<1x112x128xf32, #tpu.memory_space<hbm>>
    %dma_start3A_913 = tpu.memref_squeeze %dma_start3A_912 : memref<1x112x128xf32, #tpu.memory_space<hbm>> -> memref<112x128xf32, #tpu.memory_space<hbm>>
    %dma_start3A_914 = arith.constant 0 : i32
    %dma_start3A_915 = arith.constant 0 : i32
    %dma_start3A_916 = tpu.memref_slice %arg13[%dma_start3A_914, %dma_start3A_915] : memref<128x128xf32, #tpu.memory_space<vmem>> -> memref<112x128xf32, #tpu.memory_space<vmem>>
    tpu.enqueue_dma source(%dma_start3A_916 : memref<112x128xf32, #tpu.memory_space<vmem>>) target(%dma_start3A_913 : memref<112x128xf32, #tpu.memory_space<hbm>>) target_semaphore(%arg19 : memref<!tpu.dma_semaphore, #tpu.memory_space<semaphore_mem>>)
    %dma_wait3A_917 = arith.constant 0 : i32
    %dma_wait3A_918 = arith.constant 0 : i32
    %dma_wait3A_919 = tpu.memref_slice %arg14[%dma_wait3A_917, %dma_wait3A_918] : memref<128x128xf32, #tpu.memory_space<vmem>> -> memref<128x128xf32, #tpu.memory_space<vmem>>
    %dma_wait3A_920 = arith.constant 0 : i32
    %dma_wait3A_921 = tpu.memref_slice %arg6[%arg0, %add3A_884, %dma_wait3A_920] : memref<2x10000x128xf32, #tpu.memory_space<hbm>> -> memref<1x128x128xf32, #tpu.memory_space<hbm>>
    %dma_wait3A_922 = tpu.memref_squeeze %dma_wait3A_921 : memref<1x128x128xf32, #tpu.memory_space<hbm>> -> memref<128x128xf32, #tpu.memory_space<hbm>>
    %dma_wait3A_923 = arith.constant 0 : i32
    %dma_wait3A_924 = tpu.memref_slice %arg6[%arg0, %add3A_884, %dma_wait3A_923] : memref<2x10000x128xf32, #tpu.memory_space<hbm>> -> memref<1x128x128xf32, #tpu.memory_space<hbm>>
    %dma_wait3A_925 = tpu.memref_squeeze %dma_wait3A_924 : memref<1x128x128xf32, #tpu.memory_space<hbm>> -> memref<128x128xf32, #tpu.memory_space<hbm>>
    %dma_wait3A_926 = arith.constant 0 : i32
    %dma_wait3A_927 = arith.constant 0 : i32
    %dma_wait3A_928 = tpu.memref_slice %arg14[%dma_wait3A_926, %dma_wait3A_927] : memref<128x128xf32, #tpu.memory_space<vmem>> -> memref<128x128xf32, #tpu.memory_space<vmem>>
    tpu.wait_dma2 semaphore(%arg20 : memref<!tpu.dma_semaphore, #tpu.memory_space<semaphore_mem>>) src(%dma_wait3A_928 : memref<128x128xf32, #tpu.memory_space<vmem>>) dst(%dma_wait3A_925 : memref<128x128xf32, #tpu.memory_space<hbm>>)
    %dma_wait3A_929 = arith.constant 0 : i32
    %dma_wait3A_930 = arith.constant 0 : i32
    %dma_wait3A_931 = tpu.memref_slice %arg13[%dma_wait3A_929, %dma_wait3A_930] : memref<128x128xf32, #tpu.memory_space<vmem>> -> memref<112x128xf32, #tpu.memory_space<vmem>>
    %dma_wait3A_932 = arith.constant 0 : i32
    %dma_wait3A_933 = tpu.memref_slice %arg6[%arg0, %add3A_904, %dma_wait3A_932] : memref<2x10000x128xf32, #tpu.memory_space<hbm>> -> memref<1x112x128xf32, #tpu.memory_space<hbm>>
    %dma_wait3A_934 = tpu.memref_squeeze %dma_wait3A_933 : memref<1x112x128xf32, #tpu.memory_space<hbm>> -> memref<112x128xf32, #tpu.memory_space<hbm>>
    %dma_wait3A_935 = arith.constant 0 : i32
    %dma_wait3A_936 = tpu.memref_slice %arg6[%arg0, %add3A_904, %dma_wait3A_935] : memref<2x10000x128xf32, #tpu.memory_space<hbm>> -> memref<1x112x128xf32, #tpu.memory_space<hbm>>
    %dma_wait3A_937 = tpu.memref_squeeze %dma_wait3A_936 : memref<1x112x128xf32, #tpu.memory_space<hbm>> -> memref<112x128xf32, #tpu.memory_space<hbm>>
    %dma_wait3A_938 = arith.constant 0 : i32
    %dma_wait3A_939 = arith.constant 0 : i32
    %dma_wait3A_940 = tpu.memref_slice %arg13[%dma_wait3A_938, %dma_wait3A_939] : memref<128x128xf32, #tpu.memory_space<vmem>> -> memref<112x128xf32, #tpu.memory_space<vmem>>
    tpu.wait_dma2 semaphore(%arg19 : memref<!tpu.dma_semaphore, #tpu.memory_space<semaphore_mem>>) src(%dma_wait3A_940 : memref<112x128xf32, #tpu.memory_space<vmem>>) dst(%dma_wait3A_937 : memref<112x128xf32, #tpu.memory_space<hbm>>)
    %eq3A_941 = arith.constant 15 : i32
    %eq3A_942 = arith.cmpi eq, %arg1, %eq3A_941 : i32
    %convert_element_type3A_943 = arith.extui %eq3A_942 : i1 to i32
    %cond3A_944 = arith.constant 0 : i32
    %cond3A_945 = arith.cmpi ne, %convert_element_type3A_943, %cond3A_944 : i32
    scf.if %cond3A_945 {
      %iota3A_946 = tpu.iota {dimensions = array<i32: 0>} : vector<16xi32>
      %add3A_947 = arith.constant 9984 : i32
      %add3A_948 = vector.broadcast %add3A_947 : i32 to vector<16xi32>
      %add3A_949 = arith.addi %iota3A_946, %add3A_948 : vector<16xi32>
      %swap3A_950 = arith.constant 0 : index
      %swap3A_951 = tpu.vector_load %arg10[%swap3A_950] {strides = array<i32>} : memref<16xi32, #tpu.memory_space<vmem>>, vector<16xi32>,
      %swap3A_952 = vector.shape_cast %swap3A_951 : vector<16xi32> to vector<16xi32>
      %swap3A_953 = vector.shape_cast %add3A_949 : vector<16xi32> to vector<16xi32>
      tpu.vector_store %arg10[%swap3A_950], %swap3A_953 {strides = array<i32>} : memref<16xi32, #tpu.memory_space<vmem>>, vector<16xi32>,
      %dma_start3A_954 = arith.constant 0 : i32
      %dma_start3A_955 = arith.constant 0 : i32
      %dma_start3A_956 = tpu.memref_slice %arg16[%dma_start3A_954, %dma_start3A_955] : memref<10000x128xf32, #tpu.memory_space<vmem_shared>> -> memref<10000x128xf32, #tpu.memory_space<vmem_shared>>
      tpu.enqueue_indirect_dma source(%dma_start3A_956 : memref<10000x128xf32, #tpu.memory_space<vmem_shared>>) target(%arg15 : memref<16x128xf32, #tpu.memory_space<vmem>>) offsets(%arg10 : memref<16xi32, #tpu.memory_space<vmem>>) semaphore(%arg17 : memref<!tpu.dma_semaphore, #tpu.memory_space<semaphore_mem>>)
      %dma_wait3A_957 = arith.constant 0 : i32
      %dma_wait3A_958 = arith.constant 0 : i32
      %dma_wait3A_959 = tpu.memref_slice %arg16[%dma_wait3A_957, %dma_wait3A_958] : memref<10000x128xf32, #tpu.memory_space<vmem_shared>> -> memref<10000x128xf32, #tpu.memory_space<vmem_shared>>
      tpu.wait_indirect_dma semaphore(%arg17 : memref<!tpu.dma_semaphore, #tpu.memory_space<semaphore_mem>>) src(%dma_wait3A_959 : memref<10000x128xf32, #tpu.memory_space<vmem_shared>>) dst(%arg15 : memref<16x128xf32, #tpu.memory_space<vmem>>)
      "tpu.region"() ({
        %run_scoped3A = tpu.sem_alloc : memref<!tpu.dma_semaphore, #tpu.memory_space<semaphore_mem>>
        %dma_start3A_960 = arith.constant 9984 : i32
        %dma_start3A_961 = arith.constant 0 : i32
        %dma_start3A_962 = tpu.memref_slice %arg6[%arg0, %dma_start3A_960, %dma_start3A_961] : memref<2x10000x128xf32, #tpu.memory_space<hbm>> -> memref<1x16x128xf32, #tpu.memory_space<hbm>>
        %dma_start3A_963 = tpu.memref_squeeze %dma_start3A_962 : memref<1x16x128xf32, #tpu.memory_space<hbm>> -> memref<16x128xf32, #tpu.memory_space<hbm>>
        %dma_start3A_964 = arith.constant 9984 : i32
        %dma_start3A_965 = arith.constant 0 : i32
        %dma_start3A_966 = tpu.memref_slice %arg6[%arg0, %dma_start3A_964, %dma_start3A_965] : memref<2x10000x128xf32, #tpu.memory_space<hbm>> -> memref<1x16x128xf32, #tpu.memory_space<hbm>>
        %dma_start3A_967 = tpu.memref_squeeze %dma_start3A_966 : memref<1x16x128xf32, #tpu.memory_space<hbm>> -> memref<16x128xf32, #tpu.memory_space<hbm>>
        tpu.enqueue_dma source(%arg15 : memref<16x128xf32, #tpu.memory_space<vmem>>) target(%dma_start3A_967 : memref<16x128xf32, #tpu.memory_space<hbm>>) target_semaphore(%run_scoped3A : memref<!tpu.dma_semaphore, #tpu.memory_space<semaphore_mem>>)
        %dma_wait3A_968 = arith.constant 9984 : i32
        %dma_wait3A_969 = arith.constant 0 : i32
        %dma_wait3A_970 = tpu.memref_slice %arg6[%arg0, %dma_wait3A_968, %dma_wait3A_969] : memref<2x10000x128xf32, #tpu.memory_space<hbm>> -> memref<1x16x128xf32, #tpu.memory_space<hbm>>
        %dma_wait3A_971 = tpu.memref_squeeze %dma_wait3A_970 : memref<1x16x128xf32, #tpu.memory_space<hbm>> -> memref<16x128xf32, #tpu.memory_space<hbm>>
        %dma_wait3A_972 = arith.constant 9984 : i32
        %dma_wait3A_973 = arith.constant 0 : i32
        %dma_wait3A_974 = tpu.memref_slice %arg6[%arg0, %dma_wait3A_972, %dma_wait3A_973] : memref<2x10000x128xf32, #tpu.memory_space<hbm>> -> memref<1x16x128xf32, #tpu.memory_space<hbm>>
        %dma_wait3A_975 = tpu.memref_squeeze %dma_wait3A_974 : memref<1x16x128xf32, #tpu.memory_space<hbm>> -> memref<16x128xf32, #tpu.memory_space<hbm>>
        tpu.wait_dma2 semaphore(%run_scoped3A : memref<!tpu.dma_semaphore, #tpu.memory_space<semaphore_mem>>) src(%arg15 : memref<16x128xf32, #tpu.memory_space<vmem>>) dst(%dma_wait3A_975 : memref<16x128xf32, #tpu.memory_space<hbm>>)
        tpu.yield
      }) : () -> ()
    } else {
    }
    return
  }
}

module attributes {stable_mosaic.version = 14 : i64} {
  func.func @_dense_body(%arg0: i32, %arg1: memref<2x1000x128xf32, #tpu.memory_space<vmem>>, %arg2: memref<2x1000x16xf32, #tpu.memory_space<vmem>>, %arg3: memref<1000x128xf32, #tpu.memory_space<vmem>>, %arg4: memref<128x128xf32, #tpu.memory_space<vmem>>, %arg5: memref<128x128xf32, #tpu.memory_space<vmem>>, %arg6: memref<1x128xf32, #tpu.memory_space<vmem>>, %arg7: memref<1000x128xf32, #tpu.memory_space<vmem>>) attributes {dimension_semantics = [#tpu.dimension_semantics<arbitrary>], iteration_bounds = array<i64: 10>, scalar_prefetch = 0 : i64, scratch_operands = 0 : i64, tpu.core_type = #tpu.core_type<tc>, window_params = [{transform_indices = @transform_0, window_bounds = array<i64: 2, 1000, 128>}, {transform_indices = @transform_1, window_bounds = array<i64: 2, 1000, 16>}, {transform_indices = @transform_2, window_bounds = array<i64: 1000, 128>}, {pipeline_mode = #tpu.pipeline_mode<synchronous>, transform_indices = @transform_3, window_bounds = array<i64: 128, 128>}, {pipeline_mode = #tpu.pipeline_mode<synchronous>, transform_indices = @transform_4, window_bounds = array<i64: 128, 128>}, {pipeline_mode = #tpu.pipeline_mode<synchronous>, transform_indices = @transform_5, window_bounds = array<i64: 1, 128>}, {transform_indices = @transform_6, window_bounds = array<i64: 1000, 128>}]} {
    %get3A = arith.constant 0 : index
    %get3A_0 = arith.constant 0 : index
    %get3A_1 = arith.constant 0 : index
    %get3A_2 = vector.load %arg2[%get3A, %get3A_0, %get3A_1] : memref<2x1000x16xf32, #tpu.memory_space<vmem>>, vector<1x1000x16xf32>
    %get3A_3 = vector.shape_cast %get3A_2 : vector<1x1000x16xf32> to vector<1000x16xf32>
    %get3A_4 = arith.constant 1 : index
    %get3A_5 = arith.constant 0 : index
    %get3A_6 = arith.constant 0 : index
    %get3A_7 = vector.load %arg2[%get3A_4, %get3A_5, %get3A_6] : memref<2x1000x16xf32, #tpu.memory_space<vmem>>, vector<1x1000x16xf32>
    %get3A_8 = vector.shape_cast %get3A_7 : vector<1x1000x16xf32> to vector<1000x16xf32>
    %add3A = arith.addf %get3A_3, %get3A_8 : vector<1000x16xf32>
    %reduce_sum3A = arith.constant dense<0.000000e+00> : vector<1000xf32>
    %reduce_sum3A_9 = vector.multi_reduction <add>, %add3A, %reduce_sum3A [1] : vector<1000x16xf32> to vector<1000xf32>
    %mul3A = arith.constant 6.250000e-02 : f32
    %mul3A_10 = vector.broadcast %mul3A : f32 to vector<1000xf32>
    %mul3A_11 = arith.mulf %reduce_sum3A_9, %mul3A_10 : vector<1000xf32>
    %max3A = arith.constant 1.000000e+00 : f32
    %max3A_12 = vector.broadcast %max3A : f32 to vector<1000xf32>
    %max3A_13 = arith.maximumf %mul3A_11, %max3A_12 : vector<1000xf32>
    %div3A = arith.constant 1.000000e+00 : f32
    %div3A_14 = vector.broadcast %div3A : f32 to vector<1000xf32>
    %div3A_15 = arith.divf %div3A_14, %max3A_13 : vector<1000xf32>
    %get3A_16 = arith.constant 0 : index
    %get3A_17 = arith.constant 0 : index
    %get3A_18 = arith.constant 0 : index
    %get3A_19 = vector.load %arg1[%get3A_16, %get3A_17, %get3A_18] : memref<2x1000x128xf32, #tpu.memory_space<vmem>>, vector<1x1000x128xf32>
    %get3A_20 = vector.shape_cast %get3A_19 : vector<1x1000x128xf32> to vector<1000x128xf32>
    %get3A_21 = arith.constant 1 : index
    %get3A_22 = arith.constant 0 : index
    %get3A_23 = arith.constant 0 : index
    %get3A_24 = vector.load %arg1[%get3A_21, %get3A_22, %get3A_23] : memref<2x1000x128xf32, #tpu.memory_space<vmem>>, vector<1x1000x128xf32>
    %get3A_25 = vector.shape_cast %get3A_24 : vector<1x1000x128xf32> to vector<1000x128xf32>
    %add3A_26 = arith.addf %get3A_20, %get3A_25 : vector<1000x128xf32>
    %broadcast_in_dim3A = vector.shape_cast %div3A_15 : vector<1000xf32> to vector<1000x1xf32>
    %mul3A_27 = vector.broadcast %broadcast_in_dim3A : vector<1000x1xf32> to vector<1000x128xf32>
    %mul3A_28 = arith.mulf %add3A_26, %mul3A_27 : vector<1000x128xf32>
    %get3A_29 = arith.constant 0 : index
    %get3A_30 = arith.constant 0 : index
    %get3A_31 = vector.load %arg4[%get3A_29, %get3A_30] : memref<128x128xf32, #tpu.memory_space<vmem>>, vector<128x128xf32>
    %dot_general3A = arith.constant dense<0.000000e+00> : vector<1000x128xf32>
    %dot_general3A_32 = tpu.matmul %mul3A_28, %get3A_31, %dot_general3A {dimension_numbers = #tpu.dot_dimension_numbers<[1], [0], [0], [1], [0, 0, 1, 1], [], []>, transpose_lhs_hint = false} : vector<1000x128xf32>, vector<128x128xf32>, vector<1000x128xf32> -> vector<1000x128xf32>
    %get3A_33 = arith.constant 0 : index
    %get3A_34 = arith.constant 0 : index
    %get3A_35 = vector.load %arg3[%get3A_33, %get3A_34] : memref<1000x128xf32, #tpu.memory_space<vmem>>, vector<1000x128xf32>
    %get3A_36 = arith.constant 0 : index
    %get3A_37 = arith.constant 0 : index
    %get3A_38 = vector.load %arg5[%get3A_36, %get3A_37] : memref<128x128xf32, #tpu.memory_space<vmem>>, vector<128x128xf32>
    %dot_general3A_39 = arith.constant dense<0.000000e+00> : vector<1000x128xf32>
    %dot_general3A_40 = tpu.matmul %get3A_35, %get3A_38, %dot_general3A_39 {dimension_numbers = #tpu.dot_dimension_numbers<[1], [0], [0], [1], [0, 0, 1, 1], [], []>, transpose_lhs_hint = false} : vector<1000x128xf32>, vector<128x128xf32>, vector<1000x128xf32> -> vector<1000x128xf32>
    %add3A_41 = arith.addf %dot_general3A_32, %dot_general3A_40 : vector<1000x128xf32>
    %get3A_42 = arith.constant 0 : index
    %get3A_43 = arith.constant 0 : index
    %get3A_44 = vector.load %arg6[%get3A_42, %get3A_43] : memref<1x128xf32, #tpu.memory_space<vmem>>, vector<1x128xf32>
    %add3A_45 = vector.broadcast %get3A_44 : vector<1x128xf32> to vector<1000x128xf32>
    %add3A_46 = arith.addf %add3A_41, %add3A_45 : vector<1000x128xf32>
    %max3A_47 = arith.constant 0.000000e+00 : f32
    %max3A_48 = vector.broadcast %max3A_47 : f32 to vector<1000x128xf32>
    %max3A_49 = arith.maximumf %add3A_46, %max3A_48 : vector<1000x128xf32>
    %swap3A = arith.constant 0 : index
    %swap3A_50 = arith.constant 0 : index
    %swap3A_51 = vector.load %arg7[%swap3A, %swap3A_50] : memref<1000x128xf32, #tpu.memory_space<vmem>>, vector<1000x128xf32>
    tpu.vector_store %arg7[%swap3A, %swap3A_50], %max3A_49 {strides = array<i32>} : memref<1000x128xf32, #tpu.memory_space<vmem>>, vector<1000x128xf32>,
    return
  }
  func.func @transform_0(%arg0: i32) -> (i32, i32, i32) {
    %c0_i32 = arith.constant 0 : i32
    %c0_i32_0 = arith.constant 0 : i32
    %c0_i32_1 = arith.constant 0 : i32
    return %c0_i32, %arg0, %c0_i32_0 : i32, i32, i32
  }
  func.func @transform_1(%arg0: i32) -> (i32, i32, i32) {
    %c0_i32 = arith.constant 0 : i32
    %c0_i32_0 = arith.constant 0 : i32
    %c0_i32_1 = arith.constant 0 : i32
    return %c0_i32, %arg0, %c0_i32_0 : i32, i32, i32
  }
  func.func @transform_2(%arg0: i32) -> (i32, i32) {
    %c0_i32 = arith.constant 0 : i32
    %c0_i32_0 = arith.constant 0 : i32
    return %arg0, %c0_i32 : i32, i32
  }
  func.func @transform_3(%arg0: i32) -> (i32, i32) {
    %c0_i32 = arith.constant 0 : i32
    %c0_i32_0 = arith.constant 0 : i32
    %c0_i32_1 = arith.constant 0 : i32
    return %c0_i32, %c0_i32_0 : i32, i32
  }
  func.func @transform_4(%arg0: i32) -> (i32, i32) {
    %c0_i32 = arith.constant 0 : i32
    %c0_i32_0 = arith.constant 0 : i32
    %c0_i32_1 = arith.constant 0 : i32
    return %c0_i32, %c0_i32_0 : i32, i32
  }
  func.func @transform_5(%arg0: i32) -> (i32, i32) {
    %c0_i32 = arith.constant 0 : i32
    %c0_i32_0 = arith.constant 0 : i32
    %c0_i32_1 = arith.constant 0 : i32
    return %c0_i32, %c0_i32_0 : i32, i32
  }
  func.func @transform_6(%arg0: i32) -> (i32, i32) {
    %c0_i32 = arith.constant 0 : i32
    %c0_i32_0 = arith.constant 0 : i32
    return %arg0, %c0_i32 : i32, i32
  }
}

module attributes {stable_mosaic.version = 14 : i64} {
  func.func @_dense_body(%arg0: i32, %arg1: memref<2x1000x128xf32, #tpu.memory_space<vmem>>, %arg2: memref<2x1000x16xf32, #tpu.memory_space<vmem>>, %arg3: memref<1000x128xf32, #tpu.memory_space<vmem>>, %arg4: memref<128x128xf32, #tpu.memory_space<vmem>>, %arg5: memref<128x128xf32, #tpu.memory_space<vmem>>, %arg6: memref<1x128xf32, #tpu.memory_space<vmem>>, %arg7: memref<1000x128xf32, #tpu.memory_space<vmem>>) attributes {dimension_semantics = [#tpu.dimension_semantics<arbitrary>], iteration_bounds = array<i64: 10>, scalar_prefetch = 0 : i64, scratch_operands = 0 : i64, tpu.core_type = #tpu.core_type<tc>, window_params = [{transform_indices = @transform_0, window_bounds = array<i64: 2, 1000, 128>}, {transform_indices = @transform_1, window_bounds = array<i64: 2, 1000, 16>}, {transform_indices = @transform_2, window_bounds = array<i64: 1000, 128>}, {pipeline_mode = #tpu.pipeline_mode<synchronous>, transform_indices = @transform_3, window_bounds = array<i64: 128, 128>}, {pipeline_mode = #tpu.pipeline_mode<synchronous>, transform_indices = @transform_4, window_bounds = array<i64: 128, 128>}, {pipeline_mode = #tpu.pipeline_mode<synchronous>, transform_indices = @transform_5, window_bounds = array<i64: 1, 128>}, {transform_indices = @transform_6, window_bounds = array<i64: 1000, 128>}]} {
    %get3A = arith.constant 0 : index
    %get3A_0 = arith.constant 0 : index
    %get3A_1 = arith.constant 0 : index
    %get3A_2 = vector.load %arg2[%get3A, %get3A_0, %get3A_1] : memref<2x1000x16xf32, #tpu.memory_space<vmem>>, vector<1x1000x16xf32>
    %get3A_3 = vector.shape_cast %get3A_2 : vector<1x1000x16xf32> to vector<1000x16xf32>
    %get3A_4 = arith.constant 1 : index
    %get3A_5 = arith.constant 0 : index
    %get3A_6 = arith.constant 0 : index
    %get3A_7 = vector.load %arg2[%get3A_4, %get3A_5, %get3A_6] : memref<2x1000x16xf32, #tpu.memory_space<vmem>>, vector<1x1000x16xf32>
    %get3A_8 = vector.shape_cast %get3A_7 : vector<1x1000x16xf32> to vector<1000x16xf32>
    %add3A = arith.addf %get3A_3, %get3A_8 : vector<1000x16xf32>
    %reduce_sum3A = arith.constant dense<0.000000e+00> : vector<1000xf32>
    %reduce_sum3A_9 = vector.multi_reduction <add>, %add3A, %reduce_sum3A [1] : vector<1000x16xf32> to vector<1000xf32>
    %mul3A = arith.constant 6.250000e-02 : f32
    %mul3A_10 = vector.broadcast %mul3A : f32 to vector<1000xf32>
    %mul3A_11 = arith.mulf %reduce_sum3A_9, %mul3A_10 : vector<1000xf32>
    %max3A = arith.constant 1.000000e+00 : f32
    %max3A_12 = vector.broadcast %max3A : f32 to vector<1000xf32>
    %max3A_13 = arith.maximumf %mul3A_11, %max3A_12 : vector<1000xf32>
    %div3A = arith.constant 1.000000e+00 : f32
    %div3A_14 = vector.broadcast %div3A : f32 to vector<1000xf32>
    %div3A_15 = arith.divf %div3A_14, %max3A_13 : vector<1000xf32>
    %get3A_16 = arith.constant 0 : index
    %get3A_17 = arith.constant 0 : index
    %get3A_18 = arith.constant 0 : index
    %get3A_19 = vector.load %arg1[%get3A_16, %get3A_17, %get3A_18] : memref<2x1000x128xf32, #tpu.memory_space<vmem>>, vector<1x1000x128xf32>
    %get3A_20 = vector.shape_cast %get3A_19 : vector<1x1000x128xf32> to vector<1000x128xf32>
    %get3A_21 = arith.constant 1 : index
    %get3A_22 = arith.constant 0 : index
    %get3A_23 = arith.constant 0 : index
    %get3A_24 = vector.load %arg1[%get3A_21, %get3A_22, %get3A_23] : memref<2x1000x128xf32, #tpu.memory_space<vmem>>, vector<1x1000x128xf32>
    %get3A_25 = vector.shape_cast %get3A_24 : vector<1x1000x128xf32> to vector<1000x128xf32>
    %add3A_26 = arith.addf %get3A_20, %get3A_25 : vector<1000x128xf32>
    %broadcast_in_dim3A = vector.shape_cast %div3A_15 : vector<1000xf32> to vector<1000x1xf32>
    %mul3A_27 = vector.broadcast %broadcast_in_dim3A : vector<1000x1xf32> to vector<1000x128xf32>
    %mul3A_28 = arith.mulf %add3A_26, %mul3A_27 : vector<1000x128xf32>
    %get3A_29 = arith.constant 0 : index
    %get3A_30 = arith.constant 0 : index
    %get3A_31 = vector.load %arg4[%get3A_29, %get3A_30] : memref<128x128xf32, #tpu.memory_space<vmem>>, vector<128x128xf32>
    %dot_general3A = arith.constant dense<0.000000e+00> : vector<1000x128xf32>
    %dot_general3A_32 = tpu.matmul %mul3A_28, %get3A_31, %dot_general3A {dimension_numbers = #tpu.dot_dimension_numbers<[1], [0], [0], [1], [0, 0, 1, 1], [], []>, transpose_lhs_hint = false} : vector<1000x128xf32>, vector<128x128xf32>, vector<1000x128xf32> -> vector<1000x128xf32>
    %get3A_33 = arith.constant 0 : index
    %get3A_34 = arith.constant 0 : index
    %get3A_35 = vector.load %arg3[%get3A_33, %get3A_34] : memref<1000x128xf32, #tpu.memory_space<vmem>>, vector<1000x128xf32>
    %get3A_36 = arith.constant 0 : index
    %get3A_37 = arith.constant 0 : index
    %get3A_38 = vector.load %arg5[%get3A_36, %get3A_37] : memref<128x128xf32, #tpu.memory_space<vmem>>, vector<128x128xf32>
    %dot_general3A_39 = arith.constant dense<0.000000e+00> : vector<1000x128xf32>
    %dot_general3A_40 = tpu.matmul %get3A_35, %get3A_38, %dot_general3A_39 {dimension_numbers = #tpu.dot_dimension_numbers<[1], [0], [0], [1], [0, 0, 1, 1], [], []>, transpose_lhs_hint = false} : vector<1000x128xf32>, vector<128x128xf32>, vector<1000x128xf32> -> vector<1000x128xf32>
    %add3A_41 = arith.addf %dot_general3A_32, %dot_general3A_40 : vector<1000x128xf32>
    %get3A_42 = arith.constant 0 : index
    %get3A_43 = arith.constant 0 : index
    %get3A_44 = vector.load %arg6[%get3A_42, %get3A_43] : memref<1x128xf32, #tpu.memory_space<vmem>>, vector<1x128xf32>
    %add3A_45 = vector.broadcast %get3A_44 : vector<1x128xf32> to vector<1000x128xf32>
    %add3A_46 = arith.addf %add3A_41, %add3A_45 : vector<1000x128xf32>
    %reduce_max3A = arith.constant dense<0xFF800000> : vector<1000xf32>
    %reduce_max3A_47 = vector.multi_reduction <maximumf>, %add3A_46, %reduce_max3A [1] : vector<1000x128xf32> to vector<1000xf32>
    %broadcast_in_dim3A_48 = vector.shape_cast %reduce_max3A_47 : vector<1000xf32> to vector<1000x1xf32>
    %sub3A = vector.broadcast %broadcast_in_dim3A_48 : vector<1000x1xf32> to vector<1000x128xf32>
    %sub3A_49 = arith.subf %add3A_46, %sub3A : vector<1000x128xf32>
    %exp3A = math.exp %sub3A_49 : vector<1000x128xf32>
    %reduce_sum3A_50 = arith.constant dense<0.000000e+00> : vector<1000xf32>
    %reduce_sum3A_51 = vector.multi_reduction <add>, %exp3A, %reduce_sum3A_50 [1] : vector<1000x128xf32> to vector<1000xf32>
    %broadcast_in_dim3A_52 = vector.shape_cast %reduce_sum3A_51 : vector<1000xf32> to vector<1000x1xf32>
    %log3A = math.log %broadcast_in_dim3A_52 : vector<1000x1xf32>
    %add3A_53 = arith.addf %log3A, %broadcast_in_dim3A_48 : vector<1000x1xf32>
    %sub3A_54 = vector.broadcast %add3A_53 : vector<1000x1xf32> to vector<1000x128xf32>
    %sub3A_55 = arith.subf %add3A_46, %sub3A_54 : vector<1000x128xf32>
    %swap3A = arith.constant 0 : index
    %swap3A_56 = arith.constant 0 : index
    %swap3A_57 = vector.load %arg7[%swap3A, %swap3A_56] : memref<1000x128xf32, #tpu.memory_space<vmem>>, vector<1000x128xf32>
    tpu.vector_store %arg7[%swap3A, %swap3A_56], %sub3A_55 {strides = array<i32>} : memref<1000x128xf32, #tpu.memory_space<vmem>>, vector<1000x128xf32>,
    return
  }
  func.func @transform_0(%arg0: i32) -> (i32, i32, i32) {
    %c0_i32 = arith.constant 0 : i32
    %c0_i32_0 = arith.constant 0 : i32
    %c0_i32_1 = arith.constant 0 : i32
    return %c0_i32, %arg0, %c0_i32_0 : i32, i32, i32
  }
  func.func @transform_1(%arg0: i32) -> (i32, i32, i32) {
    %c0_i32 = arith.constant 0 : i32
    %c0_i32_0 = arith.constant 0 : i32
    %c0_i32_1 = arith.constant 0 : i32
    return %c0_i32, %arg0, %c0_i32_0 : i32, i32, i32
  }
  func.func @transform_2(%arg0: i32) -> (i32, i32) {
    %c0_i32 = arith.constant 0 : i32
    %c0_i32_0 = arith.constant 0 : i32
    return %arg0, %c0_i32 : i32, i32
  }
  func.func @transform_3(%arg0: i32) -> (i32, i32) {
    %c0_i32 = arith.constant 0 : i32
    %c0_i32_0 = arith.constant 0 : i32
    %c0_i32_1 = arith.constant 0 : i32
    return %c0_i32, %c0_i32_0 : i32, i32
  }
  func.func @transform_4(%arg0: i32) -> (i32, i32) {
    %c0_i32 = arith.constant 0 : i32
    %c0_i32_0 = arith.constant 0 : i32
    %c0_i32_1 = arith.constant 0 : i32
    return %c0_i32, %c0_i32_0 : i32, i32
  }
  func.func @transform_5(%arg0: i32) -> (i32, i32) {
    %c0_i32 = arith.constant 0 : i32
    %c0_i32_0 = arith.constant 0 : i32
    %c0_i32_1 = arith.constant 0 : i32
    return %c0_i32, %c0_i32_0 : i32, i32
  }
  func.func @transform_6(%arg0: i32) -> (i32, i32) {
    %c0_i32 = arith.constant 0 : i32
    %c0_i32_0 = arith.constant 0 : i32
    return %arg0, %c0_i32 : i32, i32
  }
}

</mosaic_0001>

<sc_bundles>
// kernel: kernel.6.cloned.1.call-start
scs
__scs_entry_jumppad:
0x0: {  	(pc) =	sbr.rel $0x88, $3  }
0x1: {  	(tag) =	ssettag $0x0;
	lr =	simm.s32 $0x1  }
0x2: {  	[smem:$0x3F99] =	sst lr;
	_ =	strace $0xD0000000  }
0x3: {  	_ = 	snop  }
0x4: {  	_ = 	snop  }
0x5: {  	_ = 	snop  }
0x6: {  	_ = 	snop  }
0x7: {  	_ = 	snop  }
__scs_overlays_trampoline_lowered:
0x8: {  	[smem:$0x3FA8] =	sst s0  }
0x9: {  	[smem:$0x3FA9] =	sst s1  }
0xa: {  	[smem:$0x3FAA] =	sst s2  }
0xb: {  	[smem:$0x3FAB] =	sst s3  }
0xc: {  	[smem:$0x3FAC] =	sst s4  }
0xd: {  	[smem:$0x3FAD] =	sst s5  }
0xe: {  	[smem:$0x3FAE] =	sst s6  }
0xf: {  	[smem:$0x3FAF] =	sst s7  }
0x10: {  	[smem:$0x3FB0] =	sst s8  }
0x11: {  	[smem:$0x3FB1] =	sst s9;
	s0 =	simm.s32 @!p0 $0x0  }
0x12: {  	s1 =	sld [smem:$0x3F97];
	s0 =	simm.s32 @p0 $0x1  }
0x13: {  	[smem:$0x3FB2] =	sst s0;
	s0 =	simm.s32 @!p1 $0x0  }
0x14: {  	s2 =	sld [smem:$0x3F96];
	s0 =	simm.s32 @p1 $0x1  }
0x15: {  	[smem:$0x3FB3] =	sst s0;
	s0 =	simm.s32 @!p2 $0x0  }
0x16: {  	s3 =	sld [smem:$0x3FDB];
	s0 =	simm.s32 @p2 $0x1  }
0x17: {  	s4 =	simm.s32 $0x1BF5;
	[smem:$0x3FB5] =	sst s0  }
0x18: {  	s0 =	sld [smem:$0x3F98];
	_ =	swait.ge [sflag:s4], $0x0  }
0x19: {  	s7 =	sld [smem:$0x3F99]  }
0x1a: {  	s8 =	sadd.s32 $0xFFFFE003, lr  }
0x1b: {  	s9 =	sadd.s32 $0xFFFFFEF7, lr;
	s5 =	simm.s32 $0xFFFFFFFF;
	p2 =	slt.u32 s8, $0xFFFFF086  }
0x1c: {  	p1 =	slt.u32 s9, $0xF7A;
	s5 =	simm.s32 @!p2 $0x0  }
0x1d: {  	s5 =	simm.s32 @p1 $0x1;
	p0 =	seq.s32 s7, s2  }
0x1e: {  	s7 =	smul.u32 @!p0 $0xF7A, s2;
	p2 =	seq.s32 @!p0 s5, $0x0  }
0x1f: {  	s9 =	smul.u32 $0xF7A, s1;
	s8 =	simm.s32 @!p0 $0x1BF5;
	p2 =	por !p2, p0  }
0x20: {  	[sflag:s8] =	ssyncset.s32 @!p0 $0xFFFFF086;
	s6 =	sadd.s32 @!p0 s3, s7;
	s7 =	simm.s32 @!p0 $0x108  }
0x21: {  	s3 =	sadd.s32 s3, s9;
	s6 =	sadd.s32 @!p0 $0x88, s6;
	s7 =	simm.s32 @p2 $0x1082  }
0x22: {  	[simem:s7], [sflag:s8] =	dma.local @!p0 [hbm:s6], $0xF7A  }
0x23: {  	s9 =	sor.u32 $0xD0000000, s2;
	s6 =	simm.s32 $0x108;
	_ =	swait.ge @!p0 [sflag:s8], $0x0  }
0x24: {  	s3 =	sadd.s32 $0x88, s3;
	s6 =	simm.s32 @!p1 $0x1082;
	[sflag:s4] =	ssyncset.s32 $0xFFFFF086  }
0x25: {  	[simem:s6], [sflag:s4] =	dma.local [hbm:s3], $0xF7A  }
0x26: {  	[smem:$0x3F99] =	sst s1;
	(tag) =	ssettag s2;
	_ =	strace s9  }
0x27: {  	s1 =	sld [smem:$0x3FA9]  }
0x28: {  	s2 =	sld [smem:$0x3FAA]  }
0x29: {  	s4 =	sld [smem:$0x3FAC]  }
0x2a: {  	p0 =	seq.s32 s5, $0x0;
	s5 =	sld [smem:$0x3FAD]  }
0x2b: {  	s6 =	sld [smem:$0x3FAE]  }
0x2c: {  	s7 =	sld [smem:$0x3FAF]  }
0x2d: {  	s3 =	simm.s32 $0x108;
	s8 =	sld [smem:$0x3FB0]  }
0x2e: {  	s3 =	simm.s32 @!p0 $0x1082;
	s9 =	sld [smem:$0x3FB1]  }
0x2f: {  	lr =	sadd.s32 s0, s3;
	s0 =	sld [smem:$0x3FA8]  }
0x30: {  	s3 =	sld [smem:$0x3FAB]  }
0x31: {  	[smem:$0x3FB4] =	sst s10  }
0x32: {  	s10 =	sld [smem:$0x3FB2];
	_ =	sdelay $0x3  }
0x33: {  	p0 =	seq.s32 s10, $0x1;
	s10 =	sld [smem:$0x3FB4];
	_ =	sdelay $0x3  }
0x34: {  	[smem:$0x3FB4] =	sst s10  }
0x35: {  	s10 =	sld [smem:$0x3FB3];
	_ =	sdelay $0x3  }
0x36: {  	p1 =	seq.s32 s10, $0x1;
	s10 =	sld [smem:$0x3FB4];
	_ =	sdelay $0x3  }
0x37: {  	[smem:$0x3FB4] =	sst s10  }
0x38: {  	s10 =	sld [smem:$0x3FB5]  }
0x39: {  	_ = 	snop;
	(pc) =	sbr.ind lr, $3  }
0x3a: {  	_ = 	snop  }
0x3b: {  	_ = 	snop  }
0x3c: {  	p2 =	seq.s32 s10, $0x1;
	s10 =	sld [smem:$0x3FB4]  }
0x3d: {  	_ =	shalt  }
0x3e: {  	_ =	shalt  }
0x3f: {  	_ =	shalt  }
0x40: {  	_ =	shalt  }
0x41: {  	_ =	shalt  }
0x42: {  	_ =	shalt  }
0x43: {  	_ =	shalt  }
0x44: {  	_ =	shalt  }
0x45: {  	_ =	shalt  }
0x46: {  	_ =	shalt  }
0x47: {  	_ =	shalt  }
0x48: {  	_ =	shalt  }
0x49: {  	_ =	shalt  }
0x4a: {  	_ =	shalt  }
0x4b: {  	_ =	shalt  }
0x4c: {  	_ =	shalt  }
0x4d: {  	_ =	shalt  }
0x4e: {  	_ =	shalt  }
0x4f: {  	_ =	shalt  }
0x50: {  	_ =	shalt  }
0x51: {  	_ =	shalt  }
0x52: {  	_ =	shalt  }
0x53: {  	_ =	shalt  }
0x54: {  	_ =	shalt  }
0x55: {  	_ =	shalt  }
0x56: {  	_ =	shalt  }
0x57: {  	_ =	shalt  }
0x58: {  	_ =	shalt  }
0x59: {  	_ =	shalt  }
0x5a: {  	_ =	shalt  }
0x5b: {  	_ =	shalt  }
0x5c: {  	_ =	shalt  }
0x5d: {  	_ =	shalt  }
0x5e: {  	_ =	shalt  }
0x5f: {  	_ =	shalt  }
0x60: {  	_ =	shalt  }
0x61: {  	_ =	shalt  }
0x62: {  	_ =	shalt  }
0x63: {  	_ =	shalt  }
0x64: {  	_ =	shalt  }
0x65: {  	_ =	shalt  }
0x66: {  	_ =	shalt  }
0x67: {  	_ =	shalt  }
0x68: {  	_ =	shalt  }
0x69: {  	_ =	shalt  }
0x6a: {  	_ =	shalt  }
0x6b: {  	_ =	shalt  }
0x6c: {  	_ =	shalt  }
0x6d: {  	_ =	shalt  }
0x6e: {  	_ =	shalt  }
0x6f: {  	_ =	shalt  }
0x70: {  	_ =	shalt  }
0x71: {  	_ =	shalt  }
0x72: {  	_ =	shalt  }
0x73: {  	_ =	shalt  }
0x74: {  	_ =	shalt  }
0x75: {  	_ =	shalt  }
0x76: {  	_ =	shalt  }
0x77: {  	_ =	shalt  }
0x78: {  	_ =	shalt  }
0x79: {  	_ =	shalt  }
0x7a: {  	_ =	shalt  }
0x7b: {  	_ =	shalt  }
0x7c: {  	_ =	shalt  }
0x7d: {  	_ =	shalt  }
0x7e: {  	_ =	shalt  }
0x7f: {  	_ =	shalt  }
0x80: {  	_ =	shalt  }
0x81: {  	_ =	shalt  }
0x82: {  	_ =	shalt  }
0x83: {  	_ =	shalt  }
0x84: {  	_ =	shalt  }
0x85: {  	_ =	shalt  }
0x86: {  	_ =	shalt  }
0x87: {  	_ =	shalt  }
.Lfunc_end0:
.L_simem_size_0:
called_computation_lowered:
.L_overlay_start_0:
0x88: {  	s2 =	sld [smem:$0x3FD9]  }
0x89: {  	s3 =	sld [smem:$0x3FFE];
	_ =	sdelay $0x1  }
0x8a: {  	s1 =	srdreg.scid  }
0x8b: {  	s0 =	sand.u32 $0x1, s1  }
0x8c: {  	s17 =	sshll.u32 s0, $0xA;
	s2 =	sadd.s32 s3, s2  }
0x8d: {  	s2 =	sadd.s32 s2, s17  }
0x8e: {  	[smem:$0x3FC0] =	sst s2  }
0x8f: {  	_ = 	snop  }
0x90: {  	s2 =	sld [smem:$0x3FC9]  }
0x91: {  	s18 =	sld [smem:$0x3FD0];
	(tm) =	ssettm $0x1  }
0x92: {  	s4 =	sld [smem:$0x3FFB];
	_ =	sdelay $0x3  }
0x93: {  	_ =	strace s4  }
0x94: {  	s4 =	sld [smem:$0x3FFC];
	_ =	sdelay $0x3  }
0x95: {  	_ =	strace s4  }
0x96: {  	s4 =	sld [smem:$0x3FFD];
	_ =	sdelay $0x3  }
0x97: {  	_ =	strace s4  }
0x98: {  	_ =	strace $0x8FFFFFFF  }
0x99: {  	s19 =	sld [smem:$0x3FDB];
	_ =	sdelay $0x1  }
0x9a: {  	s5 =	simm.s32 $_scs_section_size  }
0x9b: {  	s6 =	simm.s32 $_size__tile_overlayer_lowered;
	s7 =	simm.s32 $_tile_overlayer_lowered  }
0x9c: {  	s22 =	simm.s32 $0x1BFF;
	s21 =	sshll.u32 s7, $0x1;
	s4 =	sadd.s32 s5, s19  }
0x9d: {  	s8 =	simm.s32 $0x0;
	s20 =	sshll.u32 s6, $0x1;
	s6 =	sadd.s32 s21, s4  }
0x9e: {  	[timem:s8], [sflag:s22] =	dma.local [hbm:s6], s20  }
0x9f: {  	_ =	swait.ge [sflag:s22], s20  }
0xa0: {  	s5 =	ssub.s32 $0x0, s20;
	[sflag:s22] =	ssyncset.done $0x0  }
0xa1: {  	[sflag:s22] =	ssyncadd.s32 s5;
	_ =	sdelay $0x1  }
0xa2: {  	s23 =	simm.s32 $0x1B8B  }
0xa3: {  	_ =	swait.ge [sflag:s23], $0x1  }
0xa4: {  	[sflag:s23] =	ssyncset.done $0x0  }
0xa5: {  	s25 =	simm.s32 $0x1B8E;
	s24 =	sld [smem:$0x3FFE];
	[sflag:s23] =	ssyncadd.s32 $0xFFFFFFFF  }
0xa6: {  	s26 =	simm.s32 $execute0_lowered;
	[smem:$0x3FD2] =	sst s25  }
0xa7: {  	s6 =	sshll.u32 s26, $0x1;
	_ =	strace $0x80000046;
	[dreg:$0x1] =	wrdreg $0xFFFFFFFF  }
0xa8: {  	s28 =	simm.s32 $_size_execute0_lowered;
	s4 =	sadd.s32 s4, s6;
	[dreg:$0x0] =	wrdreg $0x0  }
0xa9: {  	s6 =	sshll.u32 s28, $0x1;
	[dreg:$0x2] =	wrdreg s4  }
0xaa: {  	[dreg:$0x3] =	wrdreg s6  }
0xab: {  	[dreg:$0x4] =	wrdreg $0xC0  }
0xac: {  	_ =	task [dreg:s8], $0x5FFFF  }
0xad: {  	[dreg:$0x1] =	wrdreg $0xFFFFFFFF  }
0xae: {  	[dreg:$0x0] =	wrdreg $0x60  }
0xaf: {  	[dreg:$0x2] =	wrdreg s2  }
0xb0: {  	[dreg:$0x3] =	wrdreg s24  }
0xb1: {  	[dreg:$0x4] =	wrdreg s18  }
0xb2: {  	[dreg:$0x5] =	wrdreg $0x96200  }
0xb3: {  	[dreg:$0x6] =	wrdreg $0x1CEA00  }
0xb4: {  	[dreg:$0x7] =	wrdreg $0x9  }
0xb5: {  	_ =	task.clear_ibuf [dreg:s8], $0x8FFFF;
	_ =	strace $0x90000046  }
0xb6: {  	s29 =	simm.s32 $0x9;
	_ =	strace $0x80000048  }
0xb7: {  	_ =	swait.ge [sflag:s29], $0x1  }
0xb8: {  	[sflag:s29] =	ssyncadd.s32 $0xFFFFFFFF  }
0xb9: {  	_ =	strace $0x90000048  }
0xba: {  	_ =	sfence  }
0xbb: {  	s30 =	sld [smem:$0x0];
	_ =	sdelay $0x2  }
0xbc: {  	s31 =	sshll.u32 s1, $0xD;
	s1 =	sshrl.u32 s1, $0x2  }
0xbd: {  	s3 =	sand.u32 $0x4000, s31;
	s1 =	sadd.s32 s1, s30  }
0xbe: {  	s0 =	sor.u32 s3, s0;
	s1 =	sshll.u32 s1, $0x11  }
0xbf: {  	s0 =	sor.u32 s1, s0  }
0xc0: {  	s0 =	sadd.s32 $0x8F2B, s0  }
0xc1: {  	[sflag:s0] =	ssyncadd.remote.s32 $0x1  }
0xc2: {  	_ =	sfence.sel $0xFFFF  }
0xc3: {  	[dreg:$0x0] =	wrdreg $0xFFFFFFFF;
	(pc) =	sbr.abs _section_cstart, $3  }
0xc4: {  	[dreg:$0x1] =	wrdreg $0xFFFFFFFF  }
0xc5: {  	_ =	task.clear_ibuf [dreg:s8], $0x2FFFF;
	_ =	strace $0x9FFFFFFF  }
0xc6: {  	(tm) =	ssettm $0x7FFFFFFF  }
0xc7: {  	_ =	shalt  }
tec
execute0_lowered:
.L_overlay_start_1:
0x0: {  	(tag) =	ssettag $0x1  }
0x1: {  	s0 =	rddreg [dreg:$0x0]  }
0x2: {  	s9 =	rddreg [dreg:$0x1]  }
0x3: {  	s10 =	rddreg [dreg:$0x2]  }
0x4: {  	s1 =	rddreg [dreg:$0x3]  }
0x5: {  	s3 =	rddreg [dreg:$0x4];
	s2 =	srdreg.scid  }
0x6: {  	s4 =	simm.s32 $0x0;
	s7 =	stileid.u32;
	s24 =	stileid.u32  }
0x7: {  	[smem:$0x7FF] =	sst s4;
	s11 =	sand.u32 $0x1, s2;
	s8 =	smul.u32 $0x270, s7  }
0x8: {  	s12 =	sadd.s32 $0x16E00, s9;
	s15 =	smul.u32 $0x13800, s7;
	s2 =	ssub.s32 $0x2, s11  }
0x9: {  	s6 =	sshll.u32 s11, $0x4;
	s13 =	smul.u32 $0x138800, s11;
	s5 =	sshrl.u32 s2, $0x1  }
0xa: {  	s14 =	sor.u32 s7, s6;
	s7 =	sadd.s32 $0x80, s8;
	s21 =	sadd.s32 $0x100, s8  }
0xb: {  	s18 =	sadd.s32 $0x180, s8;
	s6 =	stileid.u32;
	s2 =	ssub.s32 s2, s5  }
0xc: {  	s5 =	sadd.s32 $0x200, s8;
	s15 =	sadd.s32 s15, s13;
	s16 =	sshll.u32 s7, $0x7  }
0xd: {  	s14 =	smul.u32 $0x2710, s14;
	s30 =	sshll.u32 s21, $0x7;
	[smem:$0x7F0] =	sst s18  }
0xe: {  	s19 =	sshll.u32 s18, $0x7;
	[dreg:$0x1e] =	wrdreg s2;
	s15 =	sshrl.u32 s15, $0x3  }
0xf: {  	s16 =	sadd.s32 s13, s16;
	s17 =	sadd.s32 s13, s30;
	s22 =	sshll.u32 s5, $0x7  }
0x10: {  	[dreg:$0x1f] =	wrdreg s5;
	s30 =	sshll.u32 s7, $0x4;
	s25 =	sadd.s32 s12, s15  }
0x11: {  	s26 =	sshrl.u32 s16, $0x3;
	s16 =	sadd.s32 s13, s19;
	s19 =	smul.u32 $0x2700, s24  }
0x12: {  	[dreg:$0x6] =	wrdreg s25;
	s15 =	sadd.s32 s12, s26;
	s20 =	sshrl.u32 s16, $0x3  }
0x13: {  	s25 =	sadd.s32 s13, s22;
	s13 =	sshrl.u32 s13, $0x3;
	s16 =	sadd.s32 $0xC400, s9  }
0x14: {  	[dreg:$0x7] =	wrdreg s15;
	s15 =	sshrl.u32 s17, $0x3;
	s24 =	sadd.s32 s12, s20  }
0x15: {  	s17 =	smul.u32 $0x27100, s11;
	s13 =	sadd.s32 s12, s13;
	[dreg:$0x9] =	wrdreg s24  }
0x16: {  	s11 =	sshrl.u32 s25, $0x3;
	s23 =	sadd.s32 s12, s15;
	[smem:$0x7EC] =	sst s13  }
0x17: {  	s11 =	sadd.s32 s12, s11;
	s13 =	sshrl.u32 s14, $0x3;
	[dreg:$0x8] =	wrdreg s23  }
0x18: {  	s26 =	sadd.s32 s19, s17;
	[dreg:$0xa] =	wrdreg s11;
	s19 =	sadd.s32 s17, s30  }
0x19: {  	s23 =	sshll.u32 s21, $0x4;
	s15 =	sshrl.u32 s26, $0x3;
	s22 =	sshrl.u32 s19, $0x3  }
0x1a: {  	s25 =	sadd.s32 s17, s23;
	s26 =	sshll.u32 s18, $0x4;
	s18 =	sshll.u32 s5, $0x4  }
0x1b: {  	s20 =	sadd.s32 s10, s15;
	s24 =	sadd.s32 s10, s22;
	s30 =	sshrl.u32 s25, $0x3  }
0x1c: {  	s2 =	sadd.s32 s17, s26;
	s12 =	sadd.s32 s17, s18;
	[dreg:$0xb] =	wrdreg s20  }
0x1d: {  	s22 =	sshrl.u32 s17, $0x3;
	[dreg:$0xc] =	wrdreg s24;
	s19 =	sadd.s32 s10, s30  }
0x1e: {  	s15 =	sshrl.u32 s2, $0x3;
	s25 =	sadd.s32 s10, s22;
	[dreg:$0xd] =	wrdreg s19  }
0x1f: {  	s12 =	sshrl.u32 s12, $0x3;
	s20 =	sadd.s32 s10, s15;
	[smem:$0x7ED] =	sst s25  }
0x20: {  	s23 =	smul.u32 $0x2710, s6;
	s24 =	sadd.s32 s10, s12;
	[dreg:$0xe] =	wrdreg s20  }
0x21: {  	s6 =	sadd.s32 $0x20, s13;
	s26 =	sadd.s32 $0x16600, s9;
	[dreg:$0xf] =	wrdreg s24  }
0x22: {  	s30 =	sadd.s32 $0x16400, s9;
	_ =	strace $0x80000047;
	[dreg:$0x10] =	wrdreg s26  }
0x23: {  	s5 =	sadd.s32 $0x16200, s9;
	s11 =	sadd.s32 s16, s6;
	[dreg:$0x11] =	wrdreg s30  }
0x24: {  	s10 =	sadd.s32 s23, s17;
	s17 =	sadd.s32 $0x2600, s9;
	[dreg:$0x12] =	wrdreg s5  }
0x25: {  	s12 =	sadd.s32 s17, s6;
	[dreg:$0x13] =	wrdreg s11  }
0x26: {  	v38 =	vlaneseq.u32;
	s29 =	sadd.s32 $0x160, s8;
	s14 =	sadd.s32 $0x20, s8;
	[dreg:$0x14] =	wrdreg s12  }
0x27: {  	v2 =	vor.u32 s14, v38;
	s14 =	sadd.s32 s16, s13;
	s9 =	sadd.s32 $0x10, s8;
	[smem:$0x7EE] =	sst s29  }
0x28: {  	v1 =	vor.u32 s9, v38;
	s9 =	sadd.s32 s17, s13;
	[dreg:$0x15] =	wrdreg s14  }
0x29: {  	s29 =	sadd.s32 $0x170, s8;
	[dreg:$0x16] =	wrdreg s9  }
0x2a: {  	s5 =	sadd.s32 $0x70, s8;
	[smem:$0x7EF] =	sst s29  }
0x2b: {  	v7 =	vor.u32 s5, v38;
	s5 =	sld [smem:$0x7EC]  }
0x2c: {  	v8 =	vor.u32 s7, v38;
	s7 =	sld [smem:$0x7ED]  }
0x2d: {  	s9 =	rddreg [dreg:$0x1e]  }
0x2e: {  	s18 =	sadd.s32 $0xC0, s8;
	s14 =	sadd.s32 $0x4E0, s13;
	s13 =	sld [smem:$0x7EE]  }
0x2f: {  	v12 =	vor.u32 s18, v38;
	s15 =	sadd.s32 $0x30, s8;
	s29 =	sadd.s32 $0x190, s8;
	s18 =	sld [smem:$0x7F0]  }
0x30: {  	v3 =	vor.u32 s15, v38;
	s11 =	sadd.s32 $0xA0, s8;
	s15 =	sadd.s32 s16, s14;
	[smem:$0x7F1] =	sst s29  }
0x31: {  	v10 =	vor.u32 s11, v38;
	s11 =	sadd.s32 $0x200, s10;
	[dreg:$0x17] =	wrdreg s15  }
0x32: {  	[dreg:$0x1c] =	wrdreg s11  }
0x33: {  	s29 =	sadd.s32 $0x1A0, s8;
	s15 =	sld [smem:$0x7EF]  }
0x34: {  	s19 =	sadd.s32 $0xD0, s8;
	[smem:$0x7F2] =	sst s29  }
0x35: {  	v13 =	vor.u32 s19, v38;
	s29 =	sadd.s32 $0x1B0, s8;
	s19 =	sld [smem:$0x7F1]  }
0x36: {  	s20 =	sadd.s32 $0xE0, s8;
	[smem:$0x7F3] =	sst s29  }
0x37: {  	s2 =	sadd.s32 $0x60, s8;
	v14 =	vor.u32 s20, v38;
	s29 =	sadd.s32 $0x1C0, s8;
	s20 =	sld [smem:$0x7F2]  }
0x38: {  	v6 =	vor.u32 s2, v38;
	s2 =	sadd.s32 $0x27000, s5;
	[smem:$0x7F4] =	sst s29  }
0x39: {  	s5 =	smax.u32 s9, $0x1;
	[dreg:$0x19] =	wrdreg s2  }
0x3a: {  	[dreg:$0x1b] =	wrdreg s5  }
0x3b: {  	s31 =	sadd.s32 $0x50, s8;
	v16 =	vor.u32 s21, v38;
	s29 =	sadd.s32 $0x1D0, s8;
	s21 =	sld [smem:$0x7F3]  }
0x3c: {  	s28 =	sadd.s32 $0x140, s8;
	[smem:$0x7F5] =	sst s29;
	s29 =	sadd.s32 $0x1E0, s8  }
0x3d: {  	v20 =	vor.u32 s28, v38;
	s28 =	simm.s32 $0x6;
	[smem:$0x7F6] =	sst s29;
	s29 =	sadd.s32 $0x1F0, s8  }
0x3e: {  	s22 =	sadd.s32 $0xF0, s8;
	[smem:$0x7F7] =	sst s29;
	s29 =	sadd.s32 $0x210, s8  }
0x3f: {  	s23 =	sadd.s32 $0x110, s8;
	s30 =	sadd.s32 $0x150, s8;
	[smem:$0x7F8] =	sst s29  }
0x40: {  	s25 =	sadd.s32 $0x130, s8;
	v21 =	vor.u32 s30, v38;
	s2 =	sadd.s32 $0x4E00, s7;
	s30 =	sld [smem:$0x7F8]  }
0x41: {  	s6 =	sadd.s32 $0x90, s8;
	[dreg:$0x1a] =	wrdreg s2;
	s29 =	sadd.s32 $0x220, s8  }
0x42: {  	s24 =	sadd.s32 $0x120, s8;
	s26 =	sadd.s32 $0x40, s8;
	[smem:$0x7F9] =	sst s29  }
0x43: {  	s12 =	sadd.s32 $0xB0, s8;
	v9 =	vor.u32 s6, v38;
	s6 =	simm.s32 $0x7;
	v33 =	vor.u32 s30, v38;
	s30 =	sld [smem:$0x7F9]  }
0x44: {  	v15 =	vor.u32 s22, v38;
	v4 =	vor.u32 s26, v38;
	s26 =	sadd.s32 $0x300, s10;
	s22 =	sld [smem:$0x7F4];
	s29 =	sadd.s32 $0x230, s8  }
0x45: {  	v11 =	vor.u32 s12, v38;
	s12 =	stileid.u32;
	s10 =	simm.s32 $0x4B0;
	[smem:$0x7FA] =	sst s29  }
0x46: {  	p0 =	sne.s32 s12, $0xF;
	s11 =	simm.s32 $0x70;
	v34 =	vor.u32 s30, v38;
	s30 =	sld [smem:$0x7FA]  }
0x47: {  	v17 =	vor.u32 s23, v38;
	s12 =	simm.s32 $0x100;
	s23 =	sld [smem:$0x7F5];
	s29 =	sadd.s32 $0x240, s8  }
0x48: {  	s9 =	simm.s32 $0x430;
	v22 =	vor.u32 s13, v38;
	s13 =	simm.s32 $0x200;
	[smem:$0x7FB] =	sst s29  }
0x49: {  	v24 =	vor.u32 s18, v38;
	s18 =	simm.s32 $0x4520;
	s5 =	simm.s32 $0x520;
	v35 =	vor.u32 s30, v38;
	s30 =	sld [smem:$0x7FB]  }
0x4a: {  	v18 =	vor.u32 s24, v38;
	s7 =	simm.s32 $0x8D20;
	s24 =	sld [smem:$0x7F6];
	s29 =	sadd.s32 $0x250, s8  }
0x4b: {  	v23 =	vor.u32 s15, v38;
	s15 =	simm.s32 $0x300;
	v25 =	vor.u32 s19, v38;
	s19 =	simm.s32 $0x1;
	[smem:$0x7FC] =	sst s29  }
0x4c: {  	v26 =	vor.u32 s20, v38;
	s20 =	simm.s32 $0x2;
	v27 =	vor.u32 s21, v38;
	s21 =	simm.s32 $0x180;
	v36 =	vor.u32 s30, v38;
	s30 =	sld [smem:$0x7FC]  }
0x4d: {  	v19 =	vor.u32 s25, v38;
	v28 =	vor.u32 s22, v38;
	s22 =	simm.s32 $0x3;
	s25 =	sld [smem:$0x7F7];
	s29 =	sadd.s32 $0x260, s8  }
.Ltmp0:
0x4e: {  	v29 =	vor.u32 s23, v38;
	s23 =	simm.s32 $0x4;
	[smem:$0x7FD] =	sst s29;
	(pc) =	sbr.rel .LBB2_1-.Ltmp0, $4  }
0x4f: {  	v0 =	vor.u32 s8, v38;
	v30 =	vor.u32 s24, v38;
	s24 =	simm.s32 $0x280;
	s8 =	sadd.s32 s17, s14;
	v37 =	vor.u32 s30, v38;
	s30 =	sld [smem:$0x7FD]  }
0x50: {  	v31 =	vor.u32 s25, v38;
	s25 =	simm.s32 $0x5;
	[dreg:$0x18] =	wrdreg s8;
	s8 =	sshrl.u32 s26, $0x3  }
0x51: {  	v5 =	vor.u32 s31, v38;
	s26 =	rddreg [dreg:$0x1f];
	s29 =	simm.s32 $0x0;
	s31 =	sadd.s32 s8, s17  }
0x52: {  	s14 =	sadd.s32 s8, s16;
	s8 =	simm.s32 $0x80;
	v32 =	vor.u32 s26, v38;
	s26 =	simm.s32 $0x380;
	v38 =	vor.u32 s30, v38  }
.LBB2_4:
0x53: {  	_ =	swait.ge [sflag:s19], $0x4000  }
0x54: {  	[sflag:s19] =	ssyncset.done $0x0  }
0x55: {  	[sflag:s19] =	ssyncadd.s32 $0xFFFFC000  }
0x56: {  	[spmem:s1] =	stream.indirect.scatter.add.f32 [tilespmem:s5], [sflag:$0x3], $0x80, s12, s8, $0xb8;
	[tilespmem:$0x1F5B0] =	vst v63  }
0x57: {  	_ = 	snop  }
0x58: {  	[spmem:s3] =	stream.indirect.scatter.add.f32 [tilespmem:s7], [sflag:$0x5], $0x10, s12, s8, $0xb8;
	[tilespmem:$0x1F5B0] =	vst v63  }
0x59: {  	_ =	swait.ge [sflag:s20], $0x4000  }
0x5a: {  	[sflag:s20] =	ssyncset.done $0x0  }
0x5b: {  	[sflag:s20] =	ssyncadd.s32 $0xFFFFC000  }
0x5c: {  	[spmem:s1] =	stream.indirect.scatter.add.f32 [tilespmem:s18], [sflag:$0x4], $0x80, s21, s8, $0xb8;
	[tilespmem:$0x1F5B0] =	vst v63  }
0x5d: {  	_ = 	snop  }
0x5e: {  	[spmem:s3] =	stream.indirect.scatter.add.f32 [tilespmem:s7], [sflag:$0x5], $0x10, s21, s8, $0xb8;
	[tilespmem:$0x1F5B0] =	vst v63  }
0x5f: {  	_ =	swait.ge [sflag:s22], $0x4000  }
0x60: {  	[sflag:s22] =	ssyncset.done $0x0  }
0x61: {  	[sflag:s22] =	ssyncadd.s32 $0xFFFFC000  }
0x62: {  	_ =	swait.ge [sflag:s23], $0x4000  }
0x63: {  	[sflag:s23] =	ssyncset.done $0x0  }
0x64: {  	[sflag:s23] =	ssyncadd.s32 $0xFFFFC000  }
0x65: {  	_ =	swait.ge [sflag:s25], $0x800  }
0x66: {  	[sflag:s25] =	ssyncset.done $0x0  }
0x67: {  	[sflag:s25] =	ssyncadd.s32 $0xFFFFF800  }
0x68: {  	_ =	swait.ge [sflag:s25], $0x800  }
0x69: {  	[sflag:s25] =	ssyncset.done $0x0  }
0x6a: {  	s10 =	simm.s32 $0x400;
	s2 =	rddreg [dreg:$0x17];
	[sflag:s25] =	ssyncadd.s32 $0xFFFFF800  }
0x6b: {  	[tilespmem:s10], [sflag:$0x7] =	stream.linear.gather [hbm4b:s2+s4], $0x10, $0x38;
	[tilespmem:$0x1F5B0] =	vst v63  }
0x6c: {  	_ =	swait.ge [sflag:s6], $0x10  }
0x6d: {  	[sflag:s6] =	ssyncset.done $0x0  }
0x6e: {  	s11 =	simm.s32 $0x410;
	s30 =	rddreg [dreg:$0x18];
	[sflag:s6] =	ssyncadd.s32 $0xFFFFFFF0  }
0x6f: {  	[tilespmem:s11], [sflag:$0x7] =	stream.linear.gather [hbm4b:s30+s4], $0x10, $0x38;
	[tilespmem:$0x1F5B0] =	vst v63  }
0x70: {  	_ =	swait.ge [sflag:s6], $0x10  }
0x71: {  	[sflag:s6] =	ssyncset.done $0x0  }
0x72: {  	s2 =	simm.s32 $0x10;
	s30 =	simm.s32 $0x8520;
	[sflag:s6] =	ssyncadd.s32 $0xFFFFFFF0  }
0x73: {  	[tilespmem:s30], [sflag:$0x1] =	stream.indirect.gather [hbm4b:s0+s2], $0x80, s10, s2, $0xb8;
	[tilespmem:$0x1F5B0] =	vst v63  }
0x74: {  	_ =	swait.ge [sflag:s19], $0x800  }
0x75: {  	[sflag:s19] =	ssyncset.done $0x0  }
0x76: {  	[sflag:s19] =	ssyncadd.s32 $0xFFFFF800  }
0x77: {  	[spmem:s1] =	stream.indirect.scatter.add.f32 [tilespmem:s30], [sflag:$0x7], $0x80, s11, s2, $0xb8;
	[tilespmem:$0x1F5B0] =	vst v63  }
0x78: {  	_ =	swait.ge [sflag:s6], $0x800  }
0x79: {  	[sflag:s6] =	ssyncset.done $0x0  }
0x7a: {  	[sflag:s6] =	ssyncadd.s32 $0xFFFFF800  }
0x7b: {  	[spmem:s3] =	stream.indirect.scatter.add.f32 [tilespmem:s7], [sflag:$0x7], $0x10, s11, s2, $0xb8;
	[tilespmem:$0x1F5B0] =	vst v63  }
0x7c: {  	_ =	swait.ge [sflag:s6], $0x100  }
0x7d: {  	[sflag:s6] =	ssyncset.done $0x0  }
0x7e: {  	[sflag:s6] =	ssyncadd.s32 $0xFFFFFF00  }
0x7f: {  	[bflag:$0x0] =	sbarrier.arrive $0xFFFF  }
0x80: {  	[tilespmem:$0x430] =	vst v0  }
0x81: {  	[tilespmem:$0x440] =	vst v1  }
0x82: {  	[tilespmem:$0x450] =	vst v2  }
0x83: {  	[tilespmem:$0x460] =	vst v3  }
0x84: {  	[tilespmem:$0x470] =	vst v4  }
0x85: {  	[tilespmem:$0x480] =	vst v5  }
0x86: {  	[tilespmem:$0x490] =	vst v6  }
0x87: {  	[tilespmem:$0x4A0] =	vst v7  }
0x88: {  	[tilespmem:s5], [sflag:$0x1] =	stream.indirect.gather [spmem:s1], $0x80, s9, s8, $0xb8;
	[tilespmem:$0x1F5B0] =	vst v63  }
0x89: {  	[tilespmem:$0x0] =	vst v8  }
0x8a: {  	[tilespmem:$0x10] =	vst v9  }
0x8b: {  	[tilespmem:$0x20] =	vst v10  }
0x8c: {  	[tilespmem:$0x30] =	vst v11  }
0x8d: {  	[tilespmem:$0x40] =	vst v12  }
0x8e: {  	[tilespmem:$0x50] =	vst v13  }
0x8f: {  	[tilespmem:$0x60] =	vst v14  }
0x90: {  	[tilespmem:$0x70] =	vst v15  }
0x91: {  	[tilespmem:s18], [sflag:$0x2] =	stream.indirect.gather [spmem:s1], $0x80, s4, s8, $0xb8;
	[tilespmem:$0x1F5B0] =	vst v63  }
0x92: {  	_ =	swait.ge [sflag:s19], $0x4000  }
0x93: {  	[sflag:s19] =	ssyncset.done $0x0  }
0x94: {  	s30 =	rddreg [dreg:$0x6];
	[sflag:s19] =	ssyncadd.s32 $0xFFFFC000  }
0x95: {  	[hbm4b:s30+s4] =	stream.linear.scatter [tilespmem:s5], [sflag:$0x3], $0x4000, $0x38;
	[tilespmem:$0x1F5B0] =	vst v63  }
0x96: {  	_ =	swait.ge [sflag:s22], $0x4000  }
0x97: {  	[sflag:s22] =	ssyncset.done $0x0  }
0x98: {  	[sflag:s22] =	ssyncadd.s32 $0xFFFFC000  }
0x99: {  	[tilespmem:$0x430] =	vst v16  }
0x9a: {  	[tilespmem:$0x440] =	vst v17  }
0x9b: {  	[tilespmem:$0x450] =	vst v18  }
0x9c: {  	[tilespmem:$0x460] =	vst v19  }
0x9d: {  	[tilespmem:$0x470] =	vst v20  }
0x9e: {  	[tilespmem:$0x480] =	vst v21  }
0x9f: {  	[tilespmem:$0x490] =	vst v22  }
0xa0: {  	[tilespmem:$0x4A0] =	vst v23  }
0xa1: {  	[tilespmem:s5], [sflag:$0x1] =	stream.indirect.gather [spmem:s1], $0x80, s9, s8, $0xb8;
	[tilespmem:$0x1F5B0] =	vst v63  }
0xa2: {  	_ =	swait.ge [sflag:s20], $0x4000  }
0xa3: {  	[sflag:s20] =	ssyncset.done $0x0  }
0xa4: {  	s10 =	rddreg [dreg:$0x7];
	[sflag:s20] =	ssyncadd.s32 $0xFFFFC000  }
0xa5: {  	[hbm4b:s10+s4] =	stream.linear.scatter [tilespmem:s18], [sflag:$0x4], $0x4000, $0x38;
	[tilespmem:$0x1F5B0] =	vst v63  }
0xa6: {  	_ =	swait.ge [sflag:s23], $0x4000  }
0xa7: {  	[sflag:s23] =	ssyncset.done $0x0  }
0xa8: {  	[sflag:s23] =	ssyncadd.s32 $0xFFFFC000  }
0xa9: {  	[tilespmem:$0x0] =	vst v24  }
0xaa: {  	[tilespmem:$0x10] =	vst v25  }
0xab: {  	[tilespmem:$0x20] =	vst v26  }
0xac: {  	[tilespmem:$0x30] =	vst v27  }
0xad: {  	[tilespmem:$0x40] =	vst v28  }
0xae: {  	[tilespmem:$0x50] =	vst v29  }
0xaf: {  	[tilespmem:$0x60] =	vst v30  }
0xb0: {  	[tilespmem:$0x70] =	vst v31  }
0xb1: {  	[tilespmem:s18], [sflag:$0x2] =	stream.indirect.gather [spmem:s1], $0x80, s4, s8, $0xb8;
	[tilespmem:$0x1F5B0] =	vst v63  }
0xb2: {  	_ =	swait.ge [sflag:s19], $0x4000  }
0xb3: {  	[sflag:s19] =	ssyncset.done $0x0  }
0xb4: {  	s11 =	rddreg [dreg:$0x8];
	[sflag:s19] =	ssyncadd.s32 $0xFFFFC000  }
0xb5: {  	[hbm4b:s11+s4] =	stream.linear.scatter [tilespmem:s5], [sflag:$0x3], $0x4000, $0x38;
	[tilespmem:$0x1F5B0] =	vst v63  }
0xb6: {  	_ =	swait.ge [sflag:s22], $0x4000  }
0xb7: {  	[sflag:s22] =	ssyncset.done $0x0  }
0xb8: {  	[sflag:s22] =	ssyncadd.s32 $0xFFFFC000  }
0xb9: {  	[tilespmem:$0x4B0] =	vst v32  }
0xba: {  	[tilespmem:$0x4C0] =	vst v33  }
0xbb: {  	[tilespmem:$0x4D0] =	vst v34  }
0xbc: {  	[tilespmem:$0x4E0] =	vst v35  }
0xbd: {  	[tilespmem:$0x4F0] =	vst v36  }
0xbe: {  	[tilespmem:$0x500] =	vst v37  }
0xbf: {  	s10 =	simm.s32 $0x4B0;
	[tilespmem:$0x510] =	vst v38  }
0xc0: {  	[tilespmem:s5], [sflag:$0x1] =	stream.indirect.gather [spmem:s1], $0x80, s10, s29, $0xb8;
	[tilespmem:$0x1F5B0] =	vst v63  }
0xc1: {  	_ =	swait.ge [sflag:s20], $0x4000  }
0xc2: {  	[sflag:s20] =	ssyncset.done $0x0  }
0xc3: {  	s30 =	rddreg [dreg:$0x9];
	[sflag:s20] =	ssyncadd.s32 $0xFFFFC000  }
0xc4: {  	[hbm4b:s30+s4] =	stream.linear.scatter [tilespmem:s18], [sflag:$0x4], $0x4000, $0x38;
	[tilespmem:$0x1F5B0] =	vst v63  }
0xc5: {  	_ =	swait.ge [sflag:s19], $0x3800  }
0xc6: {  	[sflag:s19] =	ssyncset.done $0x0  }
0xc7: {  	s11 =	rddreg [dreg:$0xa];
	[sflag:s19] =	ssyncadd.s32 $0xFFFFC800  }
0xc8: {  	[hbm4b:s11+s4] =	stream.linear.scatter [tilespmem:s5], [sflag:$0x3], $0x3800, $0x38;
	[tilespmem:$0x1F5B0] =	vst v63  }
0xc9: {  	_ =	swait.ge [sflag:s23], $0x4000  }
0xca: {  	[sflag:s23] =	ssyncset.done $0x0  }
0xcb: {  	[sflag:s23] =	ssyncadd.s32 $0xFFFFC000  }
0xcc: {  	_ =	swait.ge [sflag:s22], $0x3800  }
0xcd: {  	[sflag:s22] =	ssyncset.done $0x0  }
0xce: {  	[sflag:s22] =	ssyncadd.s32 $0xFFFFC800  }
0xcf: {  	[tilespmem:$0x430] =	vst v0  }
0xd0: {  	[tilespmem:$0x440] =	vst v1  }
0xd1: {  	[tilespmem:$0x450] =	vst v2  }
0xd2: {  	[tilespmem:$0x460] =	vst v3  }
0xd3: {  	[tilespmem:$0x470] =	vst v4  }
0xd4: {  	[tilespmem:$0x480] =	vst v5  }
0xd5: {  	[tilespmem:$0x490] =	vst v6  }
0xd6: {  	[tilespmem:$0x4A0] =	vst v7  }
0xd7: {  	[tilespmem:s7], [sflag:$0x1] =	stream.indirect.gather [spmem:s3], $0x10, s9, s8, $0xb8;
	[tilespmem:$0x1F5B0] =	vst v63  }
0xd8: {  	_ =	swait.ge [sflag:s19], $0x800  }
0xd9: {  	[sflag:s19] =	ssyncset.done $0x0  }
0xda: {  	s30 =	rddreg [dreg:$0xb];
	[sflag:s19] =	ssyncadd.s32 $0xFFFFF800  }
0xdb: {  	[hbm4b:s30+s4] =	stream.linear.scatter [tilespmem:s7], [sflag:$0x7], $0x800, $0x38;
	[tilespmem:$0x1F5B0] =	vst v63  }
0xdc: {  	_ =	swait.ge [sflag:s6], $0x800  }
0xdd: {  	[sflag:s6] =	ssyncset.done $0x0  }
0xde: {  	[sflag:s6] =	ssyncadd.s32 $0xFFFFF800  }
0xdf: {  	[tilespmem:$0x430] =	vst v8  }
0xe0: {  	[tilespmem:$0x440] =	vst v9  }
0xe1: {  	[tilespmem:$0x450] =	vst v10  }
0xe2: {  	[tilespmem:$0x460] =	vst v11  }
0xe3: {  	[tilespmem:$0x470] =	vst v12  }
0xe4: {  	[tilespmem:$0x480] =	vst v13  }
0xe5: {  	[tilespmem:$0x490] =	vst v14  }
0xe6: {  	[tilespmem:$0x4A0] =	vst v15  }
0xe7: {  	[tilespmem:s7], [sflag:$0x1] =	stream.indirect.gather [spmem:s3], $0x10, s9, s8, $0xb8;
	[tilespmem:$0x1F5B0] =	vst v63  }
0xe8: {  	_ =	swait.ge [sflag:s19], $0x800  }
0xe9: {  	[sflag:s19] =	ssyncset.done $0x0  }
0xea: {  	s11 =	rddreg [dreg:$0xc];
	[sflag:s19] =	ssyncadd.s32 $0xFFFFF800  }
0xeb: {  	[hbm4b:s11+s4] =	stream.linear.scatter [tilespmem:s7], [sflag:$0x7], $0x800, $0x38;
	[tilespmem:$0x1F5B0] =	vst v63  }
0xec: {  	_ =	swait.ge [sflag:s6], $0x800  }
0xed: {  	[sflag:s6] =	ssyncset.done $0x0  }
0xee: {  	[sflag:s6] =	ssyncadd.s32 $0xFFFFF800  }
0xef: {  	[tilespmem:$0x430] =	vst v16  }
0xf0: {  	[tilespmem:$0x440] =	vst v17  }
0xf1: {  	[tilespmem:$0x450] =	vst v18  }
0xf2: {  	[tilespmem:$0x460] =	vst v19  }
0xf3: {  	[tilespmem:$0x470] =	vst v20  }
0xf4: {  	[tilespmem:$0x480] =	vst v21  }
0xf5: {  	[tilespmem:$0x490] =	vst v22  }
0xf6: {  	[tilespmem:$0x4A0] =	vst v23  }
0xf7: {  	[tilespmem:s7], [sflag:$0x1] =	stream.indirect.gather [spmem:s3], $0x10, s9, s8, $0xb8;
	[tilespmem:$0x1F5B0] =	vst v63  }
0xf8: {  	_ =	swait.ge [sflag:s19], $0x800  }
0xf9: {  	[sflag:s19] =	ssyncset.done $0x0  }
0xfa: {  	s30 =	rddreg [dreg:$0xd];
	[sflag:s19] =	ssyncadd.s32 $0xFFFFF800  }
0xfb: {  	[hbm4b:s30+s4] =	stream.linear.scatter [tilespmem:s7], [sflag:$0x7], $0x800, $0x38;
	[tilespmem:$0x1F5B0] =	vst v63  }
0xfc: {  	_ =	swait.ge [sflag:s6], $0x800  }
0xfd: {  	[sflag:s6] =	ssyncset.done $0x0  }
0xfe: {  	[sflag:s6] =	ssyncadd.s32 $0xFFFFF800  }
0xff: {  	[tilespmem:$0x430] =	vst v24  }
0x100: {  	[tilespmem:$0x440] =	vst v25  }
0x101: {  	[tilespmem:$0x450] =	vst v26  }
0x102: {  	[tilespmem:$0x460] =	vst v27  }
0x103: {  	[tilespmem:$0x470] =	vst v28  }
0x104: {  	[tilespmem:$0x480] =	vst v29  }
0x105: {  	[tilespmem:$0x490] =	vst v30  }
0x106: {  	[tilespmem:$0x4A0] =	vst v31  }
0x107: {  	[tilespmem:s7], [sflag:$0x1] =	stream.indirect.gather [spmem:s3], $0x10, s9, s8, $0xb8;
	[tilespmem:$0x1F5B0] =	vst v63  }
0x108: {  	_ =	swait.ge [sflag:s19], $0x800  }
0x109: {  	[sflag:s19] =	ssyncset.done $0x0  }
0x10a: {  	s9 =	rddreg [dreg:$0xe];
	[sflag:s19] =	ssyncadd.s32 $0xFFFFF800  }
0x10b: {  	[hbm4b:s9+s4] =	stream.linear.scatter [tilespmem:s7], [sflag:$0x7], $0x800, $0x38;
	[tilespmem:$0x1F5B0] =	vst v63  }
0x10c: {  	_ =	swait.ge [sflag:s6], $0x800  }
0x10d: {  	[sflag:s6] =	ssyncset.done $0x0  }
0x10e: {  	[sflag:s6] =	ssyncadd.s32 $0xFFFFF800  }
0x10f: {  	[tilespmem:$0x4B0] =	vst v32  }
0x110: {  	[tilespmem:$0x4C0] =	vst v33  }
0x111: {  	[tilespmem:$0x4D0] =	vst v34  }
0x112: {  	[tilespmem:$0x4E0] =	vst v35  }
0x113: {  	[tilespmem:$0x4F0] =	vst v36  }
0x114: {  	[tilespmem:$0x500] =	vst v37  }
0x115: {  	[tilespmem:$0x510] =	vst v38  }
0x116: {  	[tilespmem:s7], [sflag:$0x1] =	stream.indirect.gather [spmem:s3], $0x10, s10, s29, $0xb8;
	[tilespmem:$0x1F5B0] =	vst v63  }
0x117: {  	_ =	swait.ge [sflag:s19], $0x700  }
0x118: {  	[sflag:s19] =	ssyncset.done $0x0  }
0x119: {  	s11 =	rddreg [dreg:$0xf];
	[sflag:s19] =	ssyncadd.s32 $0xFFFFF900  }
0x11a: {  	[hbm4b:s11+s4] =	stream.linear.scatter [tilespmem:s7], [sflag:$0x7], $0x700, $0x38;
	[tilespmem:$0x1F5B0] =	vst v63  }
0x11b: {  	_ =	swait.ge [sflag:s6], $0x700  }
0x11c: {  	v39 =	vlaneseq.u32 @!p0;
	[sflag:s6] =	ssyncset.done $0x0  }
0x11d: {  	v39 =	vor.u32 @!p0 $0x2700, v39;
	s2 =	simm.s32 @!p0 $0x10;
	[sflag:s6] =	ssyncadd.s32 $0xFFFFF900  }
0x11e: {  	s30 =	simm.s32 @!p0 $0x1;
	s10 =	simm.s32 @!p0 $0x420;
	s11 =	simm.s32 @!p0 $0x8520;
	[tilespmem:$0x420] =	vst @!p0 v39  }
0x11f: {  	[tilespmem:s11], [sflag:$0x1] =	stream.indirect.gather @!p0 [spmem:s1], $0x80, s10, s2, $0xb8;
	[tilespmem:$0x1F5B0] =	vst v63  }
0x120: {  	_ =	swait.ge @!p0 [sflag:s30], $0x800  }
0x121: {  	[sflag:s30] =	ssyncset.done @!p0 $0x0  }
0x122: {  	s9 =	simm.s32 @!p0 $0x0;
	s29 =	rddreg [dreg:$0x19];
	[sflag:s30] =	ssyncadd.s32 @!p0 $0xFFFFF800  }
0x123: {  	[hbm4b:s29+s9] =	stream.linear.scatter @!p0 [tilespmem:s11], [sflag:$0x7], $0x800, $0x38;
	[tilespmem:$0x1F5B0] =	vst v63  }
0x124: {  	s11 =	simm.s32 @!p0 $0x7  }
0x125: {  	_ =	swait.ge @!p0 [sflag:s11], $0x800  }
0x126: {  	[sflag:s11] =	ssyncset.done @!p0 $0x0  }
0x127: {  	s29 =	simm.s32 @!p0 $0x9520;
	[sflag:s11] =	ssyncadd.s32 @!p0 $0xFFFFF800  }
0x128: {  	[tilespmem:s29], [sflag:$0x1] =	stream.indirect.gather @!p0 [spmem:s3], $0x10, s10, s2, $0xb8;
	[tilespmem:$0x1F5B0] =	vst v63  }
0x129: {  	_ =	swait.ge @!p0 [sflag:s30], $0x100  }
0x12a: {  	[sflag:s30] =	ssyncset.done @!p0 $0x0  }
0x12b: {  	s2 =	rddreg [dreg:$0x1a];
	[sflag:s30] =	ssyncadd.s32 @!p0 $0xFFFFFF00  }
0x12c: {  	[hbm4b:s2+s9] =	stream.linear.scatter @!p0 [tilespmem:s29], [sflag:$0x7], $0x100, $0x38;
	[tilespmem:$0x1F5B0] =	vst v63  }
0x12d: {  	_ =	swait.ge @!p0 [sflag:s11], $0x100  }
0x12e: {  	s29 =	rddreg [dreg:$0x1d]  }
0x12f: {  	s30 =	rddreg [dreg:$0x1b];
	s29 =	sadd.s32 $0x1, s29  }
0x130: {  	p1 =	sne.s32 s29, s30  }
.Ltmp1:
0x131: {  	_ = 	snop;
	(pc) =	sbr.rel @!p1 .LBB2_5-.Ltmp1, $3  }
0x132: {  	_ =	sdelay $0x1  }
0x133: {  	s10 =	simm.s32 $0x4B0;
	[sflag:s11] =	ssyncset.done @!p0 $0x0  }
0x134: {  	s9 =	simm.s32 $0x430;
	[sflag:s11] =	ssyncadd.s32 @!p0 $0xFFFFFF00;
	s11 =	simm.s32 $0x70  }
.LBB2_1:
0x135: {  	[dreg:$0x1d] =	wrdreg s29  }
0x136: {  	s2 =	rddreg [dreg:$0x10]  }
0x137: {  	[tilespmem:s5], [sflag:$0x7] =	stream.linear.gather [hbm4b:s2+s4], $0x4000, $0x38;
	[tilespmem:$0x1F5B0] =	vst v63  }
0x138: {  	_ =	swait.ge [sflag:s6], $0x4000  }
0x139: {  	[sflag:s6] =	ssyncset.done $0x0  }
0x13a: {  	s2 =	rddreg [dreg:$0x11];
	[sflag:s6] =	ssyncadd.s32 $0xFFFFC000  }
0x13b: {  	[tilespmem:s7], [sflag:$0x7] =	stream.linear.gather [hbm4b:s2+s4], $0x800, $0x38;
	[tilespmem:$0x1F5B0] =	vst v63  }
0x13c: {  	_ =	swait.ge [sflag:s6], $0x800  }
0x13d: {  	[sflag:s6] =	ssyncset.done $0x0  }
0x13e: {  	[sflag:s6] =	ssyncadd.s32 $0xFFFFF800  }
0x13f: {  	[tilespmem:$0x430] =	vst v0  }
0x140: {  	[tilespmem:$0x440] =	vst v1  }
0x141: {  	[tilespmem:$0x450] =	vst v2  }
0x142: {  	[tilespmem:$0x460] =	vst v3  }
0x143: {  	[tilespmem:$0x470] =	vst v4  }
0x144: {  	[tilespmem:$0x480] =	vst v5  }
0x145: {  	[tilespmem:$0x490] =	vst v6  }
0x146: {  	[tilespmem:$0x4A0] =	vst v7  }
0x147: {  	[spmem:s1] =	stream.indirect.scatter [tilespmem:s5], [sflag:$0x7], $0x80, s9, s8, $0xb8;
	[tilespmem:$0x1F5B0] =	vst v63  }
0x148: {  	_ =	swait.ge [sflag:s6], $0x4000  }
0x149: {  	[sflag:s6] =	ssyncset.done $0x0  }
0x14a: {  	[sflag:s6] =	ssyncadd.s32 $0xFFFFC000  }
0x14b: {  	[spmem:s3] =	stream.indirect.scatter [tilespmem:s7], [sflag:$0x7], $0x10, s9, s8, $0xb8;
	[tilespmem:$0x1F5B0] =	vst v63  }
0x14c: {  	_ =	swait.ge [sflag:s6], $0x800  }
0x14d: {  	[sflag:s6] =	ssyncset.done $0x0  }
0x14e: {  	[sflag:s6] =	ssyncadd.s32 $0xFFFFF800  }
0x14f: {  	[tilespmem:$0x430] =	vst v8  }
0x150: {  	[tilespmem:$0x440] =	vst v9  }
0x151: {  	[tilespmem:$0x450] =	vst v10  }
0x152: {  	[tilespmem:$0x460] =	vst v11  }
0x153: {  	[tilespmem:$0x470] =	vst v12  }
0x154: {  	[tilespmem:$0x480] =	vst v13  }
0x155: {  	[tilespmem:$0x490] =	vst v14  }
0x156: {  	[tilespmem:$0x4A0] =	vst v15  }
0x157: {  	[spmem:s1] =	stream.indirect.scatter [tilespmem:s5], [sflag:$0x7], $0x80, s9, s8, $0xb8;
	[tilespmem:$0x1F5B0] =	vst v63  }
0x158: {  	_ =	swait.ge [sflag:s6], $0x4000  }
0x159: {  	[sflag:s6] =	ssyncset.done $0x0  }
0x15a: {  	[sflag:s6] =	ssyncadd.s32 $0xFFFFC000  }
0x15b: {  	[spmem:s3] =	stream.indirect.scatter [tilespmem:s7], [sflag:$0x7], $0x10, s9, s8, $0xb8;
	[tilespmem:$0x1F5B0] =	vst v63  }
0x15c: {  	_ =	swait.ge [sflag:s6], $0x800  }
0x15d: {  	[sflag:s6] =	ssyncset.done $0x0  }
0x15e: {  	[sflag:s6] =	ssyncadd.s32 $0xFFFFF800  }
0x15f: {  	[tilespmem:$0x430] =	vst v16  }
0x160: {  	[tilespmem:$0x440] =	vst v17  }
0x161: {  	[tilespmem:$0x450] =	vst v18  }
0x162: {  	[tilespmem:$0x460] =	vst v19  }
0x163: {  	[tilespmem:$0x470] =	vst v20  }
0x164: {  	[tilespmem:$0x480] =	vst v21  }
0x165: {  	[tilespmem:$0x490] =	vst v22  }
0x166: {  	[tilespmem:$0x4A0] =	vst v23  }
0x167: {  	[spmem:s1] =	stream.indirect.scatter [tilespmem:s5], [sflag:$0x7], $0x80, s9, s8, $0xb8;
	[tilespmem:$0x1F5B0] =	vst v63  }
0x168: {  	_ =	swait.ge [sflag:s6], $0x4000  }
0x169: {  	[sflag:s6] =	ssyncset.done $0x0  }
0x16a: {  	[sflag:s6] =	ssyncadd.s32 $0xFFFFC000  }
0x16b: {  	[spmem:s3] =	stream.indirect.scatter [tilespmem:s7], [sflag:$0x7], $0x10, s9, s8, $0xb8;
	[tilespmem:$0x1F5B0] =	vst v63  }
0x16c: {  	_ =	swait.ge [sflag:s6], $0x800  }
0x16d: {  	[sflag:s6] =	ssyncset.done $0x0  }
0x16e: {  	[sflag:s6] =	ssyncadd.s32 $0xFFFFF800  }
0x16f: {  	[tilespmem:$0x430] =	vst v24  }
0x170: {  	[tilespmem:$0x440] =	vst v25  }
0x171: {  	[tilespmem:$0x450] =	vst v26  }
0x172: {  	[tilespmem:$0x460] =	vst v27  }
0x173: {  	[tilespmem:$0x470] =	vst v28  }
0x174: {  	[tilespmem:$0x480] =	vst v29  }
0x175: {  	[tilespmem:$0x490] =	vst v30  }
0x176: {  	[tilespmem:$0x4A0] =	vst v31  }
0x177: {  	[spmem:s1] =	stream.indirect.scatter [tilespmem:s5], [sflag:$0x7], $0x80, s9, s8, $0xb8;
	[tilespmem:$0x1F5B0] =	vst v63  }
0x178: {  	_ =	swait.ge [sflag:s6], $0x4000  }
0x179: {  	[sflag:s6] =	ssyncset.done $0x0  }
0x17a: {  	[sflag:s6] =	ssyncadd.s32 $0xFFFFC000  }
0x17b: {  	[spmem:s3] =	stream.indirect.scatter [tilespmem:s7], [sflag:$0x7], $0x10, s9, s8, $0xb8;
	[tilespmem:$0x1F5B0] =	vst v63  }
0x17c: {  	_ =	swait.ge [sflag:s6], $0x800  }
0x17d: {  	[sflag:s6] =	ssyncset.done $0x0  }
0x17e: {  	[sflag:s6] =	ssyncadd.s32 $0xFFFFF800  }
0x17f: {  	[tilespmem:$0x4B0] =	vst v32  }
0x180: {  	[tilespmem:$0x4C0] =	vst v33  }
0x181: {  	[tilespmem:$0x4D0] =	vst v34  }
0x182: {  	[tilespmem:$0x4E0] =	vst v35  }
0x183: {  	[tilespmem:$0x4F0] =	vst v36  }
0x184: {  	[tilespmem:$0x500] =	vst v37  }
0x185: {  	[tilespmem:$0x510] =	vst v38  }
0x186: {  	[spmem:s1] =	stream.indirect.scatter [tilespmem:s5], [sflag:$0x7], $0x80, s10, s11, $0xb8;
	[tilespmem:$0x1F5B0] =	vst v63  }
0x187: {  	_ =	swait.ge [sflag:s6], $0x3800  }
0x188: {  	[sflag:s6] =	ssyncset.done $0x0  }
0x189: {  	[sflag:s6] =	ssyncadd.s32 $0xFFFFC800  }
0x18a: {  	[spmem:s3] =	stream.indirect.scatter [tilespmem:s7], [sflag:$0x7], $0x10, s10, s11, $0xb8;
	[tilespmem:$0x1F5B0] =	vst v63  }
0x18b: {  	_ =	swait.ge [sflag:s6], $0x700  }
0x18c: {  	v39 =	vlaneseq.u32 @!p0;
	[sflag:s6] =	ssyncset.done $0x0  }
0x18d: {  	v39 =	vor.u32 @!p0 $0x2700, v39;
	[sflag:s6] =	ssyncadd.s32 $0xFFFFF900  }
0x18e: {  	s30 =	simm.s32 @!p0 $0x420;
	s2 =	simm.s32 @!p0 $0x10;
	s10 =	simm.s32 @!p0 $0x520;
	[tilespmem:$0x420] =	vst @!p0 v39  }
0x18f: {  	[spmem:s1] =	stream.indirect.scatter @!p0 [tilespmem:s10], [sflag:$0x7], $0x80, s30, s2, $0xb8;
	[tilespmem:$0x1F5B0] =	vst v63  }
0x190: {  	s10 =	simm.s32 @!p0 $0x7  }
0x191: {  	_ =	swait.ge @!p0 [sflag:s10], $0x800  }
0x192: {  	[sflag:s10] =	ssyncset.done @!p0 $0x0  }
0x193: {  	s11 =	simm.s32 @!p0 $0x8D20;
	[sflag:s10] =	ssyncadd.s32 @!p0 $0xFFFFF800  }
0x194: {  	[spmem:s3] =	stream.indirect.scatter @!p0 [tilespmem:s11], [sflag:$0x7], $0x10, s30, s2, $0xb8;
	[tilespmem:$0x1F5B0] =	vst v63  }
0x195: {  	_ =	swait.ge @!p0 [sflag:s10], $0x100  }
0x196: {  	[sflag:s10] =	ssyncset.done @!p0 $0x0  }
0x197: {  	s11 =	rddreg [dreg:$0x12];
	[sflag:s10] =	ssyncadd.s32 @!p0 $0xFFFFFF00  }
0x198: {  	[tilespmem:s7], [sflag:$0x7] =	stream.linear.gather [hbm4b:s11+s4], $0x800, $0x38;
	[tilespmem:$0x1F5B0] =	vst v63  }
0x199: {  	_ =	swait.ge [sflag:s6], $0x800  }
0x19a: {  	[sflag:s6] =	ssyncset.done $0x0  }
0x19b: {  	s10 =	rddreg [dreg:$0x15];
	[sflag:s6] =	ssyncadd.s32 $0xFFFFF800  }
0x19c: {  	[tilespmem:s4], [sflag:$0x7] =	stream.linear.gather [hbm4b:s10+s4], $0x100, $0x38;
	[tilespmem:$0x1F5B0] =	vst v63  }
0x19d: {  	_ =	swait.ge [sflag:s6], $0x100  }
0x19e: {  	[sflag:s6] =	ssyncset.done $0x0  }
0x19f: {  	s11 =	rddreg [dreg:$0x16];
	[sflag:s6] =	ssyncadd.s32 $0xFFFFFF00  }
0x1a0: {  	[tilespmem:s12], [sflag:$0x7] =	stream.linear.gather [hbm4b:s11+s4], $0x100, $0x38;
	[tilespmem:$0x1F5B0] =	vst v63  }
0x1a1: {  	_ =	swait.ge [sflag:s6], $0x100  }
0x1a2: {  	[sflag:s6] =	ssyncset.done $0x0  }
0x1a3: {  	s10 =	rddreg [dreg:$0x13];
	[sflag:s6] =	ssyncadd.s32 $0xFFFFFF00  }
0x1a4: {  	[tilespmem:s13], [sflag:$0x7] =	stream.linear.gather [hbm4b:s10+s4], $0x100, $0x38;
	[tilespmem:$0x1F5B0] =	vst v63  }
0x1a5: {  	_ =	swait.ge [sflag:s6], $0x100  }
0x1a6: {  	[sflag:s6] =	ssyncset.done $0x0  }
0x1a7: {  	s11 =	rddreg [dreg:$0x14];
	[sflag:s6] =	ssyncadd.s32 $0xFFFFFF00  }
0x1a8: {  	[tilespmem:s15], [sflag:$0x7] =	stream.linear.gather [hbm4b:s11+s4], $0x100, $0x38;
	[tilespmem:$0x1F5B0] =	vst v63  }
0x1a9: {  	_ =	swait.ge [sflag:s6], $0x100  }
0x1aa: {  	[sflag:s6] =	ssyncset.done $0x0  }
0x1ab: {  	[sflag:s6] =	ssyncadd.s32 $0xFFFFFF00  }
0x1ac: {  	[tilespmem:s5], [sflag:$0x1] =	stream.indirect.gather [hbm4b:s0+s8], $0x80, s4, s8, $0xb8;
	[tilespmem:$0x1F5B0] =	vst v63  }
0x1ad: {  	_ = 	snop  }
0x1ae: {  	[tilespmem:s18], [sflag:$0x2] =	stream.indirect.gather [hbm4b:s0+s8], $0x80, s8, s8, $0xb8;
	[tilespmem:$0x1F5B0] =	vst v63  }
0x1af: {  	[bflag:$0x0] =	sbarrier.arrive $0xFFFF  }
0x1b0: {  	s29 =	simm.s32 $0x70;
	s2 =	simm.s32 $0x0;
	s30 =	rddreg [dreg:$0x1c]  }
.LBB2_2:
0x1b1: {  	_ =	swait.ge [sflag:s19], $0x4000  }
0x1b2: {  	[sflag:s19] =	ssyncset.done $0x0  }
0x1b3: {  	[sflag:s19] =	ssyncadd.s32 $0xFFFFC000  }
0x1b4: {  	[spmem:s1] =	stream.indirect.scatter.add.f32 [tilespmem:s5], [sflag:$0x3], $0x80, s12, s8, $0xb8;
	[tilespmem:$0x1F5B0] =	vst v63  }
0x1b5: {  	_ = 	snop  }
0x1b6: {  	[spmem:s3] =	stream.indirect.scatter.add.f32 [tilespmem:s7], [sflag:$0x5], $0x10, s12, s8, $0xb8;
	[tilespmem:$0x1F5B0] =	vst v63  }
0x1b7: {  	_ =	swait.ge [sflag:s20], $0x4000  }
0x1b8: {  	[sflag:s20] =	ssyncset.done $0x0  }
0x1b9: {  	[sflag:s20] =	ssyncadd.s32 $0xFFFFC000  }
0x1ba: {  	[spmem:s1] =	stream.indirect.scatter.add.f32 [tilespmem:s18], [sflag:$0x4], $0x80, s21, s8, $0xb8;
	[tilespmem:$0x1F5B0] =	vst v63  }
0x1bb: {  	_ = 	snop  }
0x1bc: {  	[spmem:s3] =	stream.indirect.scatter.add.f32 [tilespmem:s7], [sflag:$0x5], $0x10, s21, s8, $0xb8;
	[tilespmem:$0x1F5B0] =	vst v63  }
0x1bd: {  	_ =	swait.ge [sflag:s22], $0x4000  }
0x1be: {  	[sflag:s22] =	ssyncset.done $0x0  }
0x1bf: {  	[sflag:s22] =	ssyncadd.s32 $0xFFFFC000  }
0x1c0: {  	[tilespmem:s5], [sflag:$0x1] =	stream.indirect.gather [hbm4b:s0+s8], $0x80, s13, s8, $0xb8;
	[tilespmem:$0x1F5B0] =	vst v63  }
0x1c1: {  	_ =	swait.ge [sflag:s23], $0x4000  }
0x1c2: {  	[sflag:s23] =	ssyncset.done $0x0  }
0x1c3: {  	[sflag:s23] =	ssyncadd.s32 $0xFFFFC000  }
0x1c4: {  	[tilespmem:s18], [sflag:$0x2] =	stream.indirect.gather [hbm4b:s0+s8], $0x80, s24, s8, $0xb8;
	[tilespmem:$0x1F5B0] =	vst v63  }
0x1c5: {  	_ =	swait.ge [sflag:s25], $0x800  }
0x1c6: {  	[sflag:s25] =	ssyncset.done $0x0  }
0x1c7: {  	[sflag:s25] =	ssyncadd.s32 $0xFFFFF800  }
0x1c8: {  	_ =	swait.ge [sflag:s25], $0x800  }
0x1c9: {  	s10 =	sshrl.u32 s30, $0x3;
	[sflag:s25] =	ssyncset.done $0x0  }
0x1ca: {  	s11 =	sadd.s32 s16, s10;
	[sflag:s25] =	ssyncadd.s32 $0xFFFFF800  }
0x1cb: {  	[tilespmem:s4], [sflag:$0x6] =	stream.linear.gather [hbm4b:s11+s4], $0x100, $0x38;
	[tilespmem:$0x1F5B0] =	vst v63  }
0x1cc: {  	s10 =	sadd.s32 s17, s10  }
0x1cd: {  	[tilespmem:s12], [sflag:$0x6] =	stream.linear.gather [hbm4b:s10+s4], $0x100, $0x38;
	[tilespmem:$0x1F5B0] =	vst v63  }
0x1ce: {  	_ =	swait.ge [sflag:s19], $0x4000  }
0x1cf: {  	[sflag:s19] =	ssyncset.done $0x0  }
0x1d0: {  	[sflag:s19] =	ssyncadd.s32 $0xFFFFC000  }
0x1d1: {  	[spmem:s1] =	stream.indirect.scatter.add.f32 [tilespmem:s5], [sflag:$0x3], $0x80, s15, s8, $0xb8;
	[tilespmem:$0x1F5B0] =	vst v63  }
0x1d2: {  	_ = 	snop  }
0x1d3: {  	[spmem:s3] =	stream.indirect.scatter.add.f32 [tilespmem:s7], [sflag:$0x5], $0x10, s15, s8, $0xb8;
	[tilespmem:$0x1F5B0] =	vst v63  }
0x1d4: {  	_ =	swait.ge [sflag:s20], $0x4000  }
0x1d5: {  	[sflag:s20] =	ssyncset.done $0x0  }
0x1d6: {  	[sflag:s20] =	ssyncadd.s32 $0xFFFFC000  }
0x1d7: {  	[spmem:s1] =	stream.indirect.scatter.add.f32 [tilespmem:s18], [sflag:$0x4], $0x80, s26, s8, $0xb8;
	[tilespmem:$0x1F5B0] =	vst v63  }
0x1d8: {  	_ = 	snop  }
0x1d9: {  	[spmem:s3] =	stream.indirect.scatter.add.f32 [tilespmem:s7], [sflag:$0x5], $0x10, s26, s8, $0xb8;
	[tilespmem:$0x1F5B0] =	vst v63  }
0x1da: {  	_ =	swait.ge [sflag:s28], $0x100  }
0x1db: {  	[sflag:s28] =	ssyncset.done $0x0  }
0x1dc: {  	[sflag:s28] =	ssyncadd.s32 $0xFFFFFF00  }
0x1dd: {  	_ =	swait.ge [sflag:s28], $0x100  }
0x1de: {  	[sflag:s28] =	ssyncset.done $0x0  }
0x1df: {  	[sflag:s28] =	ssyncadd.s32 $0xFFFFFF00  }
0x1e0: {  	_ =	swait.ge [sflag:s22], $0x4000  }
0x1e1: {  	[sflag:s22] =	ssyncset.done $0x0  }
0x1e2: {  	[sflag:s22] =	ssyncadd.s32 $0xFFFFC000  }
0x1e3: {  	[tilespmem:s5], [sflag:$0x1] =	stream.indirect.gather [hbm4b:s0+s8], $0x80, s4, s8, $0xb8;
	[tilespmem:$0x1F5B0] =	vst v63  }
0x1e4: {  	_ =	swait.ge [sflag:s23], $0x4000  }
0x1e5: {  	[sflag:s23] =	ssyncset.done $0x0  }
0x1e6: {  	[sflag:s23] =	ssyncadd.s32 $0xFFFFC000  }
0x1e7: {  	[tilespmem:s18], [sflag:$0x2] =	stream.indirect.gather [hbm4b:s0+s8], $0x80, s8, s8, $0xb8;
	[tilespmem:$0x1F5B0] =	vst v63  }
0x1e8: {  	p1 =	seq.s32 s2, $0x480;
	_ =	swait.ge [sflag:s25], $0x800  }
.Ltmp2:
0x1e9: {  	[sflag:s25] =	ssyncset.done $0x0;
	(pc) =	sbr.rel @p1 .LBB2_4-.Ltmp2, $4  }
0x1ea: {  	[sflag:s25] =	ssyncadd.s32 $0xFFFFF800  }
0x1eb: {  	_ =	swait.ge [sflag:s25], $0x800  }
0x1ec: {  	[sflag:s25] =	ssyncset.done $0x0  }
0x1ed: {  	[sflag:s25] =	ssyncadd.s32 $0xFFFFF800  }
0x1ee: {  	s10 =	sadd.s32 s2, s14  }
0x1ef: {  	[tilespmem:s13], [sflag:$0x6] =	stream.linear.gather [hbm4b:s10+s4], $0x100, $0x38;
	[tilespmem:$0x1F5B0] =	vst v63  }
0x1f0: {  	s11 =	sadd.s32 s2, s31  }
0x1f1: {  	[tilespmem:s15], [sflag:$0x6] =	stream.linear.gather [hbm4b:s11+s4], $0x100, $0x38;
	[tilespmem:$0x1F5B0] =	vst v63  }
0x1f2: {  	_ =	swait.ge [sflag:s28], $0x100  }
.Ltmp3:
0x1f3: {  	[sflag:s28] =	ssyncset.done $0x0;
	(pc) =	sbr.rel .LBB2_2-.Ltmp3, $4  }
0x1f4: {  	[sflag:s28] =	ssyncadd.s32 $0xFFFFFF00  }
0x1f5: {  	_ =	swait.ge [sflag:s28], $0x100  }
0x1f6: {  	[sflag:s28] =	ssyncset.done $0x0  }
0x1f7: {  	s2 =	sadd.s32 $0x40, s2;
	s30 =	sadd.s32 $0x200, s30;
	[sflag:s28] =	ssyncadd.s32 $0xFFFFFF00  }
.LBB2_5:
0x1f8: {  	_ =	sfence.sel $0x180000  }
0x1f9: {  	[bflag:$0x0] =	sbarrier.arrive $0xFFFF  }
0x1fa: {  	_ =	strace $0x90000047  }
0x1fb: {  	s0 =	stileid.u32;
	[bflag:$0x2] =	sbarrier.arrive $0xFFFF  }
0x1fc: {  	p0 =	sne.s32 s0, $0x0;
	s0 =	rddreg [dreg:$0x5]  }
0x1fd: {  	s0 =	sadd.s32 @!p0 $0x100000, s0  }
0x1fe: {  	[sflag:s0] =	ssyncadd.tile.s32 @!p0 $0x1;
	_ =	shalt  }
.Lfunc_end2:
_tile_overlayer_lowered:
.L_overlay_start_2:
0x1ff: {  	(tag) =	ssettag $0x2  }
0x200: {  	s0 =	rddreg [dreg:$0x0];
	s2 =	stileid.u32  }
0x201: {  	s1 =	rddreg [dreg:$0x1];
	p0 =	sne.s32 s2, $0x0  }
0x202: {  	s3 =	rddreg [dreg:$0x2];
	[bflag:$0x3] =	sbarrier.arrive $0xFFFF;
	s2 =	simm.s32 @!p0 $0x1C07  }
0x203: {  	[timem:s3], [sflag:s2] =	dma.local @!p0 [hbm:s0], s1  }
0x204: {  	s0 =	simm.s32 @!p0 $0x7  }
0x205: {  	_ =	swait.ge @!p0 [sflag:s0], s1  }
0x206: {  	s1 =	ssub.s32 @!p0 $0x0, s1;
	[sflag:s0] =	ssyncset.done @!p0 $0x0  }
0x207: {  	[sflag:s0] =	ssyncadd.s32 @!p0 s1  }
0x208: {  	[bflag:$0x3] =	sbarrier.arrive $0xFFFF  }
0x209: {  	_ =	shalt  }

// kernel: kernel.9.cloned.1.call-start
scs
__scs_entry_jumppad:
0x0: {  	(pc) =	sbr.rel $0x88, $3  }
0x1: {  	(tag) =	ssettag $0x0;
	lr =	simm.s32 $0x1  }
0x2: {  	[smem:$0x3F99] =	sst lr;
	_ =	strace $0xD0000000  }
0x3: {  	_ = 	snop  }
0x4: {  	_ = 	snop  }
0x5: {  	_ = 	snop  }
0x6: {  	_ = 	snop  }
0x7: {  	_ = 	snop  }
__scs_overlays_trampoline_lowered:
0x8: {  	[smem:$0x3FA8] =	sst s0  }
0x9: {  	[smem:$0x3FA9] =	sst s1  }
0xa: {  	[smem:$0x3FAA] =	sst s2  }
0xb: {  	[smem:$0x3FAB] =	sst s3  }
0xc: {  	[smem:$0x3FAC] =	sst s4  }
0xd: {  	[smem:$0x3FAD] =	sst s5  }
0xe: {  	[smem:$0x3FAE] =	sst s6  }
0xf: {  	[smem:$0x3FAF] =	sst s7  }
0x10: {  	[smem:$0x3FB0] =	sst s8  }
0x11: {  	[smem:$0x3FB1] =	sst s9;
	s0 =	simm.s32 @!p0 $0x0  }
0x12: {  	s1 =	sld [smem:$0x3F97];
	s0 =	simm.s32 @p0 $0x1  }
0x13: {  	[smem:$0x3FB2] =	sst s0;
	s0 =	simm.s32 @!p1 $0x0  }
0x14: {  	s2 =	sld [smem:$0x3F96];
	s0 =	simm.s32 @p1 $0x1  }
0x15: {  	[smem:$0x3FB3] =	sst s0;
	s0 =	simm.s32 @!p2 $0x0  }
0x16: {  	s3 =	sld [smem:$0x3FDB];
	s0 =	simm.s32 @p2 $0x1  }
0x17: {  	s4 =	simm.s32 $0x1BF5;
	[smem:$0x3FB5] =	sst s0  }
0x18: {  	s0 =	sld [smem:$0x3F98];
	_ =	swait.ge [sflag:s4], $0x0  }
0x19: {  	s7 =	sld [smem:$0x3F99]  }
0x1a: {  	s8 =	sadd.s32 $0xFFFFE003, lr  }
0x1b: {  	s9 =	sadd.s32 $0xFFFFFEF7, lr;
	s5 =	simm.s32 $0xFFFFFFFF;
	p2 =	slt.u32 s8, $0xFFFFF086  }
0x1c: {  	p1 =	slt.u32 s9, $0xF7A;
	s5 =	simm.s32 @!p2 $0x0  }
0x1d: {  	s5 =	simm.s32 @p1 $0x1;
	p0 =	seq.s32 s7, s2  }
0x1e: {  	s7 =	smul.u32 @!p0 $0xF7A, s2;
	p2 =	seq.s32 @!p0 s5, $0x0  }
0x1f: {  	s9 =	smul.u32 $0xF7A, s1;
	s8 =	simm.s32 @!p0 $0x1BF5;
	p2 =	por !p2, p0  }
0x20: {  	[sflag:s8] =	ssyncset.s32 @!p0 $0xFFFFF086;
	s6 =	sadd.s32 @!p0 s3, s7;
	s7 =	simm.s32 @!p0 $0x108  }
0x21: {  	s3 =	sadd.s32 s3, s9;
	s6 =	sadd.s32 @!p0 $0x88, s6;
	s7 =	simm.s32 @p2 $0x1082  }
0x22: {  	[simem:s7], [sflag:s8] =	dma.local @!p0 [hbm:s6], $0xF7A  }
0x23: {  	s9 =	sor.u32 $0xD0000000, s2;
	s6 =	simm.s32 $0x108;
	_ =	swait.ge @!p0 [sflag:s8], $0x0  }
0x24: {  	s3 =	sadd.s32 $0x88, s3;
	s6 =	simm.s32 @!p1 $0x1082;
	[sflag:s4] =	ssyncset.s32 $0xFFFFF086  }
0x25: {  	[simem:s6], [sflag:s4] =	dma.local [hbm:s3], $0xF7A  }
0x26: {  	[smem:$0x3F99] =	sst s1;
	(tag) =	ssettag s2;
	_ =	strace s9  }
0x27: {  	s1 =	sld [smem:$0x3FA9]  }
0x28: {  	s2 =	sld [smem:$0x3FAA]  }
0x29: {  	s4 =	sld [smem:$0x3FAC]  }
0x2a: {  	p0 =	seq.s32 s5, $0x0;
	s5 =	sld [smem:$0x3FAD]  }
0x2b: {  	s6 =	sld [smem:$0x3FAE]  }
0x2c: {  	s7 =	sld [smem:$0x3FAF]  }
0x2d: {  	s3 =	simm.s32 $0x108;
	s8 =	sld [smem:$0x3FB0]  }
0x2e: {  	s3 =	simm.s32 @!p0 $0x1082;
	s9 =	sld [smem:$0x3FB1]  }
0x2f: {  	lr =	sadd.s32 s0, s3;
	s0 =	sld [smem:$0x3FA8]  }
0x30: {  	s3 =	sld [smem:$0x3FAB]  }
0x31: {  	[smem:$0x3FB4] =	sst s10  }
0x32: {  	s10 =	sld [smem:$0x3FB2];
	_ =	sdelay $0x3  }
0x33: {  	p0 =	seq.s32 s10, $0x1;
	s10 =	sld [smem:$0x3FB4];
	_ =	sdelay $0x3  }
0x34: {  	[smem:$0x3FB4] =	sst s10  }
0x35: {  	s10 =	sld [smem:$0x3FB3];
	_ =	sdelay $0x3  }
0x36: {  	p1 =	seq.s32 s10, $0x1;
	s10 =	sld [smem:$0x3FB4];
	_ =	sdelay $0x3  }
0x37: {  	[smem:$0x3FB4] =	sst s10  }
0x38: {  	s10 =	sld [smem:$0x3FB5]  }
0x39: {  	_ = 	snop;
	(pc) =	sbr.ind lr, $3  }
0x3a: {  	_ = 	snop  }
0x3b: {  	_ = 	snop  }
0x3c: {  	p2 =	seq.s32 s10, $0x1;
	s10 =	sld [smem:$0x3FB4]  }
0x3d: {  	_ =	shalt  }
0x3e: {  	_ =	shalt  }
0x3f: {  	_ =	shalt  }
0x40: {  	_ =	shalt  }
0x41: {  	_ =	shalt  }
0x42: {  	_ =	shalt  }
0x43: {  	_ =	shalt  }
0x44: {  	_ =	shalt  }
0x45: {  	_ =	shalt  }
0x46: {  	_ =	shalt  }
0x47: {  	_ =	shalt  }
0x48: {  	_ =	shalt  }
0x49: {  	_ =	shalt  }
0x4a: {  	_ =	shalt  }
0x4b: {  	_ =	shalt  }
0x4c: {  	_ =	shalt  }
0x4d: {  	_ =	shalt  }
0x4e: {  	_ =	shalt  }
0x4f: {  	_ =	shalt  }
0x50: {  	_ =	shalt  }
0x51: {  	_ =	shalt  }
0x52: {  	_ =	shalt  }
0x53: {  	_ =	shalt  }
0x54: {  	_ =	shalt  }
0x55: {  	_ =	shalt  }
0x56: {  	_ =	shalt  }
0x57: {  	_ =	shalt  }
0x58: {  	_ =	shalt  }
0x59: {  	_ =	shalt  }
0x5a: {  	_ =	shalt  }
0x5b: {  	_ =	shalt  }
0x5c: {  	_ =	shalt  }
0x5d: {  	_ =	shalt  }
0x5e: {  	_ =	shalt  }
0x5f: {  	_ =	shalt  }
0x60: {  	_ =	shalt  }
0x61: {  	_ =	shalt  }
0x62: {  	_ =	shalt  }
0x63: {  	_ =	shalt  }
0x64: {  	_ =	shalt  }
0x65: {  	_ =	shalt  }
0x66: {  	_ =	shalt  }
0x67: {  	_ =	shalt  }
0x68: {  	_ =	shalt  }
0x69: {  	_ =	shalt  }
0x6a: {  	_ =	shalt  }
0x6b: {  	_ =	shalt  }
0x6c: {  	_ =	shalt  }
0x6d: {  	_ =	shalt  }
0x6e: {  	_ =	shalt  }
0x6f: {  	_ =	shalt  }
0x70: {  	_ =	shalt  }
0x71: {  	_ =	shalt  }
0x72: {  	_ =	shalt  }
0x73: {  	_ =	shalt  }
0x74: {  	_ =	shalt  }
0x75: {  	_ =	shalt  }
0x76: {  	_ =	shalt  }
0x77: {  	_ =	shalt  }
0x78: {  	_ =	shalt  }
0x79: {  	_ =	shalt  }
0x7a: {  	_ =	shalt  }
0x7b: {  	_ =	shalt  }
0x7c: {  	_ =	shalt  }
0x7d: {  	_ =	shalt  }
0x7e: {  	_ =	shalt  }
0x7f: {  	_ =	shalt  }
0x80: {  	_ =	shalt  }
0x81: {  	_ =	shalt  }
0x82: {  	_ =	shalt  }
0x83: {  	_ =	shalt  }
0x84: {  	_ =	shalt  }
0x85: {  	_ =	shalt  }
0x86: {  	_ =	shalt  }
0x87: {  	_ =	shalt  }
.Lfunc_end0:
.L_simem_size_0:
called_computation.1_lowered:
.L_overlay_start_0:
0x88: {  	s2 =	sld [smem:$0x3FD9]  }
0x89: {  	s3 =	sld [smem:$0x3FFE];
	_ =	sdelay $0x1  }
0x8a: {  	s1 =	srdreg.scid  }
0x8b: {  	s0 =	sand.u32 $0x1, s1  }
0x8c: {  	s17 =	sshll.u32 s0, $0xA;
	s2 =	sadd.s32 s3, s2  }
0x8d: {  	s2 =	sadd.s32 s2, s17  }
0x8e: {  	[smem:$0x3FC0] =	sst s2  }
0x8f: {  	_ = 	snop  }
0x90: {  	s2 =	sld [smem:$0x3FD0];
	(tm) =	ssettm $0x1  }
0x91: {  	s18 =	sld [smem:$0x3FFB];
	_ =	sdelay $0x3  }
0x92: {  	_ =	strace s18  }
0x93: {  	s3 =	sld [smem:$0x3FFC];
	_ =	sdelay $0x3  }
0x94: {  	_ =	strace s3  }
0x95: {  	s3 =	sld [smem:$0x3FFD];
	_ =	sdelay $0x3  }
0x96: {  	_ =	strace s3  }
0x97: {  	_ =	strace $0x8FFFFFFF  }
0x98: {  	s19 =	sld [smem:$0x3FDB];
	_ =	sdelay $0x1  }
0x99: {  	s4 =	simm.s32 $_scs_section_size  }
0x9a: {  	s5 =	simm.s32 $_size__tile_overlayer_lowered;
	s6 =	simm.s32 $_tile_overlayer_lowered  }
0x9b: {  	s22 =	simm.s32 $0x1BFF;
	s21 =	sshll.u32 s6, $0x1;
	s3 =	sadd.s32 s4, s19  }
0x9c: {  	s7 =	simm.s32 $0x0;
	s20 =	sshll.u32 s5, $0x1;
	s5 =	sadd.s32 s21, s3  }
0x9d: {  	[timem:s7], [sflag:s22] =	dma.local [hbm:s5], s20  }
0x9e: {  	_ =	swait.ge [sflag:s22], s20  }
0x9f: {  	s4 =	ssub.s32 $0x0, s20;
	[sflag:s22] =	ssyncset.done $0x0  }
0xa0: {  	[sflag:s22] =	ssyncadd.s32 s4;
	_ =	sdelay $0x1  }
0xa1: {  	s23 =	simm.s32 $0x1B8B  }
0xa2: {  	_ =	swait.ge [sflag:s23], $0x1  }
0xa3: {  	[sflag:s23] =	ssyncset.done $0x0  }
0xa4: {  	s25 =	simm.s32 $0x1B8E;
	s24 =	sld [smem:$0x3FFE];
	[sflag:s23] =	ssyncadd.s32 $0xFFFFFFFF  }
0xa5: {  	s26 =	simm.s32 $execute0_lowered;
	[smem:$0x3FD2] =	sst s25  }
0xa6: {  	s5 =	sshll.u32 s26, $0x1;
	_ =	strace $0x80000049;
	[dreg:$0x1] =	wrdreg $0xFFFFFFFF  }
0xa7: {  	s28 =	simm.s32 $_size_execute0_lowered;
	s3 =	sadd.s32 s3, s5;
	[dreg:$0x0] =	wrdreg $0x0  }
0xa8: {  	s5 =	sshll.u32 s28, $0x1;
	[dreg:$0x2] =	wrdreg s3  }
0xa9: {  	[dreg:$0x3] =	wrdreg s5  }
0xaa: {  	[dreg:$0x4] =	wrdreg $0xC0  }
0xab: {  	_ =	task [dreg:s7], $0x5FFFF  }
0xac: {  	[dreg:$0x1] =	wrdreg $0xFFFFFFFF  }
0xad: {  	[dreg:$0x0] =	wrdreg $0x60  }
0xae: {  	[dreg:$0x2] =	wrdreg s2  }
0xaf: {  	[dreg:$0x3] =	wrdreg s24  }
0xb0: {  	[dreg:$0x4] =	wrdreg $0x8D200  }
0xb1: {  	[dreg:$0x5] =	wrdreg $0x9  }
0xb2: {  	_ =	task.clear_ibuf [dreg:s7], $0x6FFFF;
	_ =	strace $0x90000049  }
0xb3: {  	s29 =	simm.s32 $0x9;
	_ =	strace $0x8000004B  }
0xb4: {  	_ =	swait.ge [sflag:s29], $0x1  }
0xb5: {  	[sflag:s29] =	ssyncadd.s32 $0xFFFFFFFF  }
0xb6: {  	_ =	strace $0x9000004B  }
0xb7: {  	_ =	sfence  }
0xb8: {  	s30 =	sld [smem:$0x0];
	_ =	sdelay $0x2  }
0xb9: {  	s31 =	sshll.u32 s1, $0xD;
	s1 =	sshrl.u32 s1, $0x2  }
0xba: {  	s3 =	sand.u32 $0x4000, s31;
	s1 =	sadd.s32 s1, s30  }
0xbb: {  	s0 =	sor.u32 s3, s0;
	s1 =	sshll.u32 s1, $0x11  }
0xbc: {  	s0 =	sor.u32 s1, s0  }
0xbd: {  	s0 =	sadd.s32 $0x8F2B, s0  }
0xbe: {  	[sflag:s0] =	ssyncadd.remote.s32 $0x1  }
0xbf: {  	_ =	sfence.sel $0xFFFF  }
0xc0: {  	[dreg:$0x0] =	wrdreg $0xFFFFFFFF;
	(pc) =	sbr.abs _section_cstart, $3  }
0xc1: {  	[dreg:$0x1] =	wrdreg $0xFFFFFFFF  }
0xc2: {  	_ =	task.clear_ibuf [dreg:s7], $0x2FFFF;
	_ =	strace $0x9FFFFFFF  }
0xc3: {  	(tm) =	ssettm $0x7FFFFFFF  }
tec
execute0_lowered:
.L_overlay_start_1:
0x0: {  	(tag) =	ssettag $0x1  }
0x1: {  	s1 =	rddreg [dreg:$0x0]  }
0x2: {  	s0 =	rddreg [dreg:$0x1]  }
0x3: {  	s2 =	rddreg [dreg:$0x2]  }
0x4: {  	s3 =	simm.s32 $0x0;
	s4 =	srdreg.scid;
	s7 =	stileid.u32  }
0x5: {  	[smem:$0x7FF] =	sst s3;
	s5 =	sadd.s32 $0xC400, s0;
	s6 =	sadd.s32 $0x2600, s0  }
0x6: {  	s10 =	sand.u32 $0x1, s4;
	s15 =	sadd.s32 $0x16600, s0;
	s12 =	sadd.s32 $0x16E00, s0  }
0x7: {  	s9 =	smul.u32 $0x270, s7;
	_ =	strace $0x8000004A;
	[dreg:$0x4] =	wrdreg s15  }
0x8: {  	s16 =	ssub.s32 $0x2, s10;
	s18 =	sshll.u32 s10, $0x4;
	s13 =	smul.u32 $0x138800, s10  }
0x9: {  	s17 =	sshrl.u32 s16, $0x1;
	s15 =	sor.u32 s7, s18;
	s19 =	sadd.s32 $0x10, s9  }
0xa: {  	s11 =	sadd.s32 $0x80, s9;
	s20 =	sadd.s32 $0x180, s9;
	[dreg:$0x1f] =	wrdreg s19  }
0xb: {  	s21 =	sadd.s32 $0x200, s9;
	s4 =	sadd.s32 $0x150, s9;
	[dreg:$0x15] =	wrdreg s20  }
0xc: {  	s0 =	ssub.s32 s16, s17;
	s16 =	smul.u32 $0x13800, s7;
	[dreg:$0x14] =	wrdreg s21  }
0xd: {  	s19 =	sadd.s32 $0x100, s9;
	s15 =	smul.u32 $0x2710, s15;
	[smem:$0x7F7] =	sst s4  }
0xe: {  	s17 =	sshll.u32 s11, $0x7;
	s4 =	sadd.s32 $0x160, s9;
	[dreg:$0x16] =	wrdreg s0  }
0xf: {  	s18 =	sshll.u32 s20, $0x7;
	[smem:$0x7F8] =	sst s4;
	s4 =	sadd.s32 $0x190, s9  }
0x10: {  	s24 =	sadd.s32 s13, s17;
	s0 =	sadd.s32 $0x260, s9;
	[smem:$0x7F9] =	sst s4  }
0x11: {  	s14 =	sadd.s32 s13, s18;
	s4 =	sadd.s32 $0x1A0, s9;
	[dreg:$0x19] =	wrdreg s0  }
0x12: {  	v38 =	vlaneseq.u32;
	s20 =	sshrl.u32 s14, $0x3;
	s14 =	sadd.s32 $0xA0, s9;
	[smem:$0x7FA] =	sst s4  }
0x13: {  	s30 =	sshrl.u32 s15, $0x3;
	s4 =	sadd.s32 $0x1B0, s9;
	v10 =	vor.u32 s14, v38;
	s14 =	sld [smem:$0x7F9]  }
0x14: {  	v8 =	vor.u32 s11, v38;
	s25 =	sshll.u32 s19, $0x7;
	s11 =	sadd.s32 s6, s30;
	[smem:$0x7FB] =	sst s4  }
0x15: {  	s16 =	sadd.s32 s16, s13;
	s17 =	sadd.s32 s13, s25;
	[dreg:$0x11] =	wrdreg s11  }
0x16: {  	s15 =	sadd.s32 $0xE0, s9;
	s16 =	sshrl.u32 s16, $0x3;
	s11 =	sld [smem:$0x7F7]  }
0x17: {  	s7 =	sshrl.u32 s17, $0x3;
	v14 =	vor.u32 s15, v38;
	s22 =	sadd.s32 s12, s16;
	s15 =	sld [smem:$0x7FA]  }
0x18: {  	s18 =	sadd.s32 s12, s7;
	[dreg:$0x5] =	wrdreg s22  }
0x19: {  	s21 =	sshll.u32 s21, $0x7;
	s4 =	sadd.s32 $0x1C0, s9;
	[dreg:$0x7] =	wrdreg s18  }
0x1a: {  	s16 =	sshrl.u32 s24, $0x3;
	s7 =	sadd.s32 $0x50, s9;
	[smem:$0x7FC] =	sst s4  }
0x1b: {  	s24 =	sadd.s32 s13, s21;
	s21 =	sadd.s32 $0x140, s9;
	v5 =	vor.u32 s7, v38;
	s7 =	rddreg [dreg:$0x16]  }
0x1c: {  	s26 =	sadd.s32 s12, s16;
	v20 =	vor.u32 s21, v38;
	s21 =	rddreg [dreg:$0x14]  }
0x1d: {  	s13 =	sshrl.u32 s13, $0x3;
	s22 =	sadd.s32 s12, s20;
	[dreg:$0x6] =	wrdreg s26  }
0x1e: {  	s16 =	sshrl.u32 s24, $0x3;
	s4 =	sadd.s32 $0x1D0, s9;
	[dreg:$0x8] =	wrdreg s22  }
0x1f: {  	s24 =	sadd.s32 s12, s13;
	s13 =	sadd.s32 $0x90, s9;
	[smem:$0x7FD] =	sst s4  }
0x20: {  	s17 =	sadd.s32 $0xD0, s9;
	v9 =	vor.u32 s13, v38;
	s13 =	rddreg [dreg:$0x15]  }
0x21: {  	v13 =	vor.u32 s17, v38;
	s26 =	sadd.s32 s12, s16;
	s17 =	sld [smem:$0x7FC]  }
0x22: {  	s4 =	sadd.s32 $0x1E0, s9;
	[dreg:$0x9] =	wrdreg s26  }
0x23: {  	s12 =	sadd.s32 $0xB0, s9;
	[dreg:$0x1d] =	wrdreg s4  }
0x24: {  	s8 =	stileid.u32;
	s16 =	sadd.s32 $0xC0, s9;
	v11 =	vor.u32 s12, v38;
	s12 =	sld [smem:$0x7F8]  }
0x25: {  	s10 =	smul.u32 $0x27100, s10;
	s18 =	sadd.s32 $0xF0, s9;
	v12 =	vor.u32 s16, v38;
	s16 =	sld [smem:$0x7FB]  }
0x26: {  	s23 =	sadd.s32 $0x20, s9;
	v15 =	vor.u32 s18, v38;
	s4 =	sadd.s32 $0x1F0, s9;
	s18 =	sld [smem:$0x7FD]  }
0x27: {  	s28 =	sadd.s32 $0x30, s9;
	s29 =	sadd.s32 $0x40, s9;
	[dreg:$0x1e] =	wrdreg s4  }
0x28: {  	s31 =	sadd.s32 $0x170, s9;
	v16 =	vor.u32 s19, v38;
	s4 =	sadd.s32 $0x210, s9;
	s19 =	rddreg [dreg:$0x1d]  }
0x29: {  	v3 =	vor.u32 s28, v38;
	s28 =	simm.s32 $0x6;
	s20 =	sadd.s32 $0x110, s9;
	[dreg:$0x1a] =	wrdreg s4  }
0x2a: {  	v4 =	vor.u32 s29, v38;
	s29 =	simm.s32 $0x80;
	v17 =	vor.u32 s20, v38;
	s4 =	sadd.s32 $0x220, s9;
	s20 =	rddreg [dreg:$0x1e]  }
0x2b: {  	v23 =	vor.u32 s31, v38;
	s31 =	simm.s32 $0x4B0;
	s22 =	sadd.s32 $0x120, s9;
	[dreg:$0x1b] =	wrdreg s4  }
0x2c: {  	s25 =	smul.u32 $0x2710, s8;
	v18 =	vor.u32 s22, v38;
	s4 =	sadd.s32 $0x230, s9;
	s22 =	rddreg [dreg:$0x1a]  }
0x2d: {  	s8 =	sadd.s32 $0x70, s9;
	v25 =	vor.u32 s14, v38;
	s14 =	simm.s32 $0x4;
	[dreg:$0x1c] =	wrdreg s4  }
0x2e: {  	s26 =	sadd.s32 s25, s10;
	s10 =	sadd.s32 $0x60, s9;
	v29 =	vor.u32 s18, v38;
	s18 =	rddreg [dreg:$0x1b]  }
0x2f: {  	s25 =	sadd.s32 $0x130, s9;
	s4 =	sadd.s32 $0x240, s9;
	v33 =	vor.u32 s22, v38;
	s22 =	rddreg [dreg:$0x19]  }
0x30: {  	v21 =	vor.u32 s11, v38;
	v24 =	vor.u32 s13, v38;
	s11 =	simm.s32 $0x2;
	s13 =	simm.s32 $0x3;
	[dreg:$0x17] =	wrdreg s4  }
0x31: {  	v0 =	vor.u32 s9, v38;
	v26 =	vor.u32 s15, v38;
	s15 =	simm.s32 $0x280;
	s4 =	sadd.s32 $0x250, s9;
	s9 =	rddreg [dreg:$0x1f]  }
0x32: {  	v6 =	vor.u32 s10, v38;
	s10 =	stileid.u32;
	v19 =	vor.u32 s25, v38;
	s25 =	simm.s32 $0x70;
	v30 =	vor.u32 s19, v38;
	s19 =	rddreg [dreg:$0x1c]  }
0x33: {  	p0 =	sne.s32 s10, $0xF;
	s10 =	simm.s32 $0x1;
	[dreg:$0x18] =	wrdreg s4  }
0x34: {  	v28 =	vor.u32 s17, v38;
	s17 =	simm.s32 $0x5;
	v31 =	vor.u32 s20, v38;
	v1 =	vor.u32 s9, v38;
	s9 =	sadd.s32 s5, s30;
	s20 =	rddreg [dreg:$0x17]  }
0x35: {  	v22 =	vor.u32 s12, v38;
	s12 =	simm.s32 $0x180;
	s4 =	sadd.s32 $0x20, s30;
	[dreg:$0x10] =	wrdreg s9  }
0x36: {  	v32 =	vor.u32 s21, v38;
	v27 =	vor.u32 s16, v38;
	s16 =	simm.s32 $0x380;
	s0 =	sadd.s32 s5, s4;
	s21 =	rddreg [dreg:$0x18]  }
0x37: {  	s4 =	sadd.s32 s6, s4;
	[dreg:$0xa] =	wrdreg s0;
	s0 =	sadd.s32 $0x4E0, s30  }
0x38: {  	v2 =	vor.u32 s23, v38;
	[dreg:$0xb] =	wrdreg s4;
	s4 =	sadd.s32 $0x27000, s24;
	s24 =	sadd.s32 $0x300, s26  }
0x39: {  	v7 =	vor.u32 s8, v38;
	v34 =	vor.u32 s18, v38;
	v37 =	vor.u32 s21, v38;
	s21 =	simm.s32 $0x8520;
	s23 =	sadd.s32 s5, s0;
	[dreg:$0xe] =	wrdreg s4  }
0x3a: {  	v35 =	vor.u32 s19, v38;
	v36 =	vor.u32 s20, v38;
	v38 =	vor.u32 s22, v38;
	s22 =	simm.s32 $0x0;
	s0 =	sadd.s32 s6, s0;
	[dreg:$0xc] =	wrdreg s23  }
0x3b: {  	s9 =	sshrl.u32 s24, $0x3;
	s4 =	simm.s32 $0x100;
	[dreg:$0xd] =	wrdreg s0  }
0x3c: {  	s0 =	smax.u32 s7, $0x1;
	s23 =	sadd.s32 $0x4C0, s30;
	s24 =	sadd.s32 s9, s5  }
0x3d: {  	s30 =	simm.s32 $0x430;
	[dreg:$0xf] =	wrdreg s0;
	s8 =	sadd.s32 s5, s23  }
0x3e: {  	s7 =	simm.s32 $0x200;
	s0 =	sadd.s32 s6, s23;
	[dreg:$0x12] =	wrdreg s8  }
0x3f: {  	s23 =	sadd.s32 s9, s6;
	s9 =	simm.s32 $0x4520;
	[dreg:$0x13] =	wrdreg s0  }
0x40: {  	s0 =	sadd.s32 $0x200, s26;
	s26 =	simm.s32 $0x520;
	s8 =	simm.s32 $0x300  }
.LBB2_1:
0x41: {  	s18 =	rddreg [dreg:$0x4]  }
0x42: {  	[tilespmem:s26], [sflag:$0x6] =	stream.linear.gather [hbm4b:s18+s3], $0x4000, $0x38;
	[tilespmem:$0x1C5A0] =	vst v63  }
0x43: {  	_ =	swait.ge [sflag:s28], $0x4000  }
0x44: {  	[sflag:s28] =	ssyncset.done $0x0  }
0x45: {  	[sflag:s28] =	ssyncadd.s32 $0xFFFFC000  }
0x46: {  	[tilespmem:$0x430] =	vst v0  }
0x47: {  	[tilespmem:$0x440] =	vst v1  }
0x48: {  	[tilespmem:$0x450] =	vst v2  }
0x49: {  	[tilespmem:$0x460] =	vst v3  }
0x4a: {  	[tilespmem:$0x470] =	vst v4  }
0x4b: {  	[tilespmem:$0x480] =	vst v5  }
0x4c: {  	[tilespmem:$0x490] =	vst v6  }
0x4d: {  	[tilespmem:$0x4A0] =	vst v7  }
0x4e: {  	[spmem:s2] =	stream.indirect.scatter [tilespmem:s26], [sflag:$0x6], $0x80, s30, s29, $0xb8;
	[tilespmem:$0x1C5A0] =	vst v63  }
0x4f: {  	_ =	swait.ge [sflag:s28], $0x4000  }
0x50: {  	[sflag:s28] =	ssyncset.done $0x0  }
0x51: {  	[sflag:s28] =	ssyncadd.s32 $0xFFFFC000  }
0x52: {  	[tilespmem:$0x430] =	vst v8  }
0x53: {  	[tilespmem:$0x440] =	vst v9  }
0x54: {  	[tilespmem:$0x450] =	vst v10  }
0x55: {  	[tilespmem:$0x460] =	vst v11  }
0x56: {  	[tilespmem:$0x470] =	vst v12  }
0x57: {  	[tilespmem:$0x480] =	vst v13  }
0x58: {  	[tilespmem:$0x490] =	vst v14  }
0x59: {  	[tilespmem:$0x4A0] =	vst v15  }
0x5a: {  	[spmem:s2] =	stream.indirect.scatter [tilespmem:s26], [sflag:$0x6], $0x80, s30, s29, $0xb8;
	[tilespmem:$0x1C5A0] =	vst v63  }
0x5b: {  	_ =	swait.ge [sflag:s28], $0x4000  }
0x5c: {  	[sflag:s28] =	ssyncset.done $0x0  }
0x5d: {  	[sflag:s28] =	ssyncadd.s32 $0xFFFFC000  }
0x5e: {  	[tilespmem:$0x430] =	vst v16  }
0x5f: {  	[tilespmem:$0x440] =	vst v17  }
0x60: {  	[tilespmem:$0x450] =	vst v18  }
0x61: {  	[tilespmem:$0x460] =	vst v19  }
0x62: {  	[tilespmem:$0x470] =	vst v20  }
0x63: {  	[tilespmem:$0x480] =	vst v21  }
0x64: {  	[tilespmem:$0x490] =	vst v22  }
0x65: {  	[tilespmem:$0x4A0] =	vst v23  }
0x66: {  	[spmem:s2] =	stream.indirect.scatter [tilespmem:s26], [sflag:$0x6], $0x80, s30, s29, $0xb8;
	[tilespmem:$0x1C5A0] =	vst v63  }
0x67: {  	_ =	swait.ge [sflag:s28], $0x4000  }
0x68: {  	[sflag:s28] =	ssyncset.done $0x0  }
0x69: {  	[sflag:s28] =	ssyncadd.s32 $0xFFFFC000  }
0x6a: {  	[tilespmem:$0x430] =	vst v24  }
0x6b: {  	[tilespmem:$0x440] =	vst v25  }
0x6c: {  	[tilespmem:$0x450] =	vst v26  }
0x6d: {  	[tilespmem:$0x460] =	vst v27  }
0x6e: {  	[tilespmem:$0x470] =	vst v28  }
0x6f: {  	[tilespmem:$0x480] =	vst v29  }
0x70: {  	[tilespmem:$0x490] =	vst v30  }
0x71: {  	[tilespmem:$0x4A0] =	vst v31  }
0x72: {  	[spmem:s2] =	stream.indirect.scatter [tilespmem:s26], [sflag:$0x6], $0x80, s30, s29, $0xb8;
	[tilespmem:$0x1C5A0] =	vst v63  }
0x73: {  	_ =	swait.ge [sflag:s28], $0x4000  }
0x74: {  	[sflag:s28] =	ssyncset.done $0x0  }
0x75: {  	[sflag:s28] =	ssyncadd.s32 $0xFFFFC000  }
0x76: {  	[tilespmem:$0x4B0] =	vst v32  }
0x77: {  	[tilespmem:$0x4C0] =	vst v33  }
0x78: {  	[tilespmem:$0x4D0] =	vst v34  }
0x79: {  	[tilespmem:$0x4E0] =	vst v35  }
0x7a: {  	[tilespmem:$0x4F0] =	vst v36  }
0x7b: {  	[tilespmem:$0x500] =	vst v37  }
0x7c: {  	[tilespmem:$0x510] =	vst v38  }
0x7d: {  	[spmem:s2] =	stream.indirect.scatter [tilespmem:s26], [sflag:$0x6], $0x80, s31, s25, $0xb8;
	[tilespmem:$0x1C5A0] =	vst v63  }
0x7e: {  	_ =	swait.ge [sflag:s28], $0x3800  }
0x7f: {  	v39 =	vlaneseq.u32 @!p0;
	[sflag:s28] =	ssyncset.done $0x0  }
0x80: {  	v39 =	vor.u32 @!p0 $0x2700, v39;
	[sflag:s28] =	ssyncadd.s32 $0xFFFFC800  }
0x81: {  	s18 =	simm.s32 @!p0 $0x10;
	s25 =	simm.s32 @!p0 $0x420;
	s31 =	simm.s32 @!p0 $0x520;
	[tilespmem:$0x420] =	vst @!p0 v39  }
0x82: {  	[spmem:s2] =	stream.indirect.scatter @!p0 [tilespmem:s31], [sflag:$0x6], $0x80, s25, s18, $0xb8;
	[tilespmem:$0x1C5A0] =	vst v63  }
0x83: {  	s18 =	simm.s32 @!p0 $0x6  }
0x84: {  	_ =	swait.ge @!p0 [sflag:s18], $0x800  }
0x85: {  	[sflag:s18] =	ssyncset.done @!p0 $0x0  }
0x86: {  	s19 =	rddreg [dreg:$0x10];
	[sflag:s18] =	ssyncadd.s32 @!p0 $0xFFFFF800  }
0x87: {  	[tilespmem:s3], [sflag:$0x6] =	stream.linear.gather [hbm4b:s19+s3], $0x100, $0x38;
	[tilespmem:$0x1C5A0] =	vst v63  }
0x88: {  	_ =	swait.ge [sflag:s28], $0x100  }
0x89: {  	[sflag:s28] =	ssyncset.done $0x0  }
0x8a: {  	s20 =	rddreg [dreg:$0x11];
	[sflag:s28] =	ssyncadd.s32 $0xFFFFFF00  }
0x8b: {  	[tilespmem:s4], [sflag:$0x6] =	stream.linear.gather [hbm4b:s20+s3], $0x100, $0x38;
	[tilespmem:$0x1C5A0] =	vst v63  }
0x8c: {  	_ =	swait.ge [sflag:s28], $0x100  }
0x8d: {  	[sflag:s28] =	ssyncset.done $0x0  }
0x8e: {  	s25 =	rddreg [dreg:$0xa];
	[sflag:s28] =	ssyncadd.s32 $0xFFFFFF00  }
0x8f: {  	[tilespmem:s7], [sflag:$0x6] =	stream.linear.gather [hbm4b:s25+s3], $0x100, $0x38;
	[tilespmem:$0x1C5A0] =	vst v63  }
0x90: {  	_ =	swait.ge [sflag:s28], $0x100  }
0x91: {  	[sflag:s28] =	ssyncset.done $0x0  }
0x92: {  	s19 =	rddreg [dreg:$0xb];
	[sflag:s28] =	ssyncadd.s32 $0xFFFFFF00  }
0x93: {  	[tilespmem:s8], [sflag:$0x6] =	stream.linear.gather [hbm4b:s19+s3], $0x100, $0x38;
	[tilespmem:$0x1C5A0] =	vst v63  }
0x94: {  	_ =	swait.ge [sflag:s28], $0x100  }
0x95: {  	[sflag:s28] =	ssyncset.done $0x0  }
0x96: {  	[sflag:s28] =	ssyncadd.s32 $0xFFFFFF00  }
0x97: {  	[tilespmem:s26], [sflag:$0x1] =	stream.indirect.gather [hbm4b:s1+s29], $0x80, s3, s29, $0xb8;
	[tilespmem:$0x1C5A0] =	vst v63  }
0x98: {  	_ = 	snop  }
0x99: {  	[tilespmem:s9], [sflag:$0x2] =	stream.indirect.gather [hbm4b:s1+s29], $0x80, s29, s29, $0xb8;
	[tilespmem:$0x1C5A0] =	vst v63  }
0x9a: {  	[bflag:$0x0] =	sbarrier.arrive $0xFFFF  }
0x9b: {  	_ =	swait.ge [sflag:s10], $0x4000  }
0x9c: {  	[sflag:s10] =	ssyncset.done $0x0  }
0x9d: {  	[sflag:s10] =	ssyncadd.s32 $0xFFFFC000  }
0x9e: {  	[spmem:s2] =	stream.indirect.scatter.add.f32 [tilespmem:s26], [sflag:$0x3], $0x80, s4, s29, $0xb8;
	[tilespmem:$0x1C5A0] =	vst v63  }
0x9f: {  	_ =	swait.ge [sflag:s11], $0x4000  }
0xa0: {  	[sflag:s11] =	ssyncset.done $0x0  }
0xa1: {  	[sflag:s11] =	ssyncadd.s32 $0xFFFFC000  }
0xa2: {  	[spmem:s2] =	stream.indirect.scatter.add.f32 [tilespmem:s9], [sflag:$0x4], $0x80, s12, s29, $0xb8;
	[tilespmem:$0x1C5A0] =	vst v63  }
0xa3: {  	_ =	swait.ge [sflag:s13], $0x4000  }
0xa4: {  	[sflag:s13] =	ssyncset.done $0x0  }
0xa5: {  	[sflag:s13] =	ssyncadd.s32 $0xFFFFC000  }
0xa6: {  	[tilespmem:s26], [sflag:$0x1] =	stream.indirect.gather [hbm4b:s1+s29], $0x80, s7, s29, $0xb8;
	[tilespmem:$0x1C5A0] =	vst v63  }
0xa7: {  	_ =	swait.ge [sflag:s14], $0x4000  }
0xa8: {  	[sflag:s14] =	ssyncset.done $0x0  }
0xa9: {  	s20 =	sshrl.u32 s0, $0x3;
	[sflag:s14] =	ssyncadd.s32 $0xFFFFC000  }
0xaa: {  	[tilespmem:s9], [sflag:$0x2] =	stream.indirect.gather [hbm4b:s1+s29], $0x80, s15, s29, $0xb8;
	[tilespmem:$0x1C5A0] =	vst v63  }
0xab: {  	s19 =	sadd.s32 s5, s20  }
0xac: {  	[tilespmem:s3], [sflag:$0x5] =	stream.linear.gather [hbm4b:s19+s3], $0x100, $0x38;
	[tilespmem:$0x1C5A0] =	vst v63  }
0xad: {  	s18 =	sadd.s32 s6, s20  }
0xae: {  	[tilespmem:s4], [sflag:$0x5] =	stream.linear.gather [hbm4b:s18+s3], $0x100, $0x38;
	[tilespmem:$0x1C5A0] =	vst v63  }
0xaf: {  	_ =	swait.ge [sflag:s10], $0x4000  }
0xb0: {  	[sflag:s10] =	ssyncset.done $0x0  }
0xb1: {  	[sflag:s10] =	ssyncadd.s32 $0xFFFFC000  }
0xb2: {  	[spmem:s2] =	stream.indirect.scatter.add.f32 [tilespmem:s26], [sflag:$0x3], $0x80, s8, s29, $0xb8;
	[tilespmem:$0x1C5A0] =	vst v63  }
0xb3: {  	_ =	swait.ge [sflag:s11], $0x4000  }
0xb4: {  	[sflag:s11] =	ssyncset.done $0x0  }
0xb5: {  	[sflag:s11] =	ssyncadd.s32 $0xFFFFC000  }
0xb6: {  	[spmem:s2] =	stream.indirect.scatter.add.f32 [tilespmem:s9], [sflag:$0x4], $0x80, s16, s29, $0xb8;
	[tilespmem:$0x1C5A0] =	vst v63  }
0xb7: {  	_ =	swait.ge [sflag:s17], $0x100  }
0xb8: {  	[sflag:s17] =	ssyncset.done $0x0  }
0xb9: {  	[sflag:s17] =	ssyncadd.s32 $0xFFFFFF00  }
0xba: {  	_ =	swait.ge [sflag:s17], $0x100  }
0xbb: {  	[sflag:s17] =	ssyncset.done $0x0  }
0xbc: {  	[sflag:s17] =	ssyncadd.s32 $0xFFFFFF00  }
0xbd: {  	_ =	swait.ge [sflag:s13], $0x4000  }
0xbe: {  	[sflag:s13] =	ssyncset.done $0x0  }
0xbf: {  	[sflag:s13] =	ssyncadd.s32 $0xFFFFC000  }
0xc0: {  	[tilespmem:s26], [sflag:$0x1] =	stream.indirect.gather [hbm4b:s1+s29], $0x80, s3, s29, $0xb8;
	[tilespmem:$0x1C5A0] =	vst v63  }
0xc1: {  	_ =	swait.ge [sflag:s14], $0x4000  }
0xc2: {  	[sflag:s14] =	ssyncset.done $0x0  }
0xc3: {  	[sflag:s14] =	ssyncadd.s32 $0xFFFFC000  }
0xc4: {  	[tilespmem:s9], [sflag:$0x2] =	stream.indirect.gather [hbm4b:s1+s29], $0x80, s29, s29, $0xb8;
	[tilespmem:$0x1C5A0] =	vst v63  }
0xc5: {  	s20 =	sadd.s32 $0x0, s24  }
0xc6: {  	[tilespmem:s7], [sflag:$0x5] =	stream.linear.gather [hbm4b:s20+s3], $0x100, $0x38;
	[tilespmem:$0x1C5A0] =	vst v63  }
0xc7: {  	s25 =	sadd.s32 $0x0, s23  }
0xc8: {  	[tilespmem:s8], [sflag:$0x5] =	stream.linear.gather [hbm4b:s25+s3], $0x100, $0x38;
	[tilespmem:$0x1C5A0] =	vst v63  }
0xc9: {  	_ =	swait.ge [sflag:s17], $0x100  }
0xca: {  	[sflag:s17] =	ssyncset.done $0x0  }
0xcb: {  	[sflag:s17] =	ssyncadd.s32 $0xFFFFFF00  }
0xcc: {  	_ =	swait.ge [sflag:s17], $0x100  }
0xcd: {  	s31 =	simm.s32 $0x40;
	s25 =	smov.u32 s0;
	[sflag:s17] =	ssyncset.done $0x0  }
.LBB2_2:
0xce: {  	p1 =	sne.s32 s31, $0x440;
	[sflag:s17] =	ssyncadd.s32 $0xFFFFFF00;
	s25 =	sadd.s32 $0x200, s25  }
0xcf: {  	s18 =	smov.u32 s31;
	s31 =	sadd.s32 $0x40, s31;
	_ =	swait.ge [sflag:s10], $0x4000  }
0xd0: {  	[sflag:s10] =	ssyncset.done $0x0  }
0xd1: {  	[sflag:s10] =	ssyncadd.s32 $0xFFFFC000  }
0xd2: {  	[spmem:s2] =	stream.indirect.scatter.add.f32 [tilespmem:s26], [sflag:$0x3], $0x80, s4, s29, $0xb8;
	[tilespmem:$0x1C5A0] =	vst v63  }
0xd3: {  	_ =	swait.ge [sflag:s11], $0x4000  }
0xd4: {  	[sflag:s11] =	ssyncset.done $0x0  }
0xd5: {  	[sflag:s11] =	ssyncadd.s32 $0xFFFFC000  }
0xd6: {  	[spmem:s2] =	stream.indirect.scatter.add.f32 [tilespmem:s9], [sflag:$0x4], $0x80, s12, s29, $0xb8;
	[tilespmem:$0x1C5A0] =	vst v63  }
0xd7: {  	_ =	swait.ge [sflag:s13], $0x4000  }
0xd8: {  	[sflag:s13] =	ssyncset.done $0x0  }
0xd9: {  	[sflag:s13] =	ssyncadd.s32 $0xFFFFC000  }
0xda: {  	[tilespmem:s26], [sflag:$0x1] =	stream.indirect.gather [hbm4b:s1+s29], $0x80, s7, s29, $0xb8;
	[tilespmem:$0x1C5A0] =	vst v63  }
0xdb: {  	_ =	swait.ge [sflag:s14], $0x4000  }
0xdc: {  	[sflag:s14] =	ssyncset.done $0x0  }
0xdd: {  	s19 =	sshrl.u32 s25, $0x3;
	[sflag:s14] =	ssyncadd.s32 $0xFFFFC000  }
0xde: {  	[tilespmem:s9], [sflag:$0x2] =	stream.indirect.gather [hbm4b:s1+s29], $0x80, s15, s29, $0xb8;
	[tilespmem:$0x1C5A0] =	vst v63  }
0xdf: {  	s20 =	sadd.s32 s5, s19  }
0xe0: {  	[tilespmem:s3], [sflag:$0x5] =	stream.linear.gather [hbm4b:s20+s3], $0x100, $0x38;
	[tilespmem:$0x1C5A0] =	vst v63  }
0xe1: {  	s19 =	sadd.s32 s6, s19  }
0xe2: {  	[tilespmem:s4], [sflag:$0x5] =	stream.linear.gather [hbm4b:s19+s3], $0x100, $0x38;
	[tilespmem:$0x1C5A0] =	vst v63  }
0xe3: {  	_ =	swait.ge [sflag:s10], $0x4000  }
0xe4: {  	[sflag:s10] =	ssyncset.done $0x0  }
0xe5: {  	[sflag:s10] =	ssyncadd.s32 $0xFFFFC000  }
0xe6: {  	[spmem:s2] =	stream.indirect.scatter.add.f32 [tilespmem:s26], [sflag:$0x3], $0x80, s8, s29, $0xb8;
	[tilespmem:$0x1C5A0] =	vst v63  }
0xe7: {  	_ =	swait.ge [sflag:s11], $0x4000  }
0xe8: {  	[sflag:s11] =	ssyncset.done $0x0  }
0xe9: {  	[sflag:s11] =	ssyncadd.s32 $0xFFFFC000  }
0xea: {  	[spmem:s2] =	stream.indirect.scatter.add.f32 [tilespmem:s9], [sflag:$0x4], $0x80, s16, s29, $0xb8;
	[tilespmem:$0x1C5A0] =	vst v63  }
0xeb: {  	_ =	swait.ge [sflag:s17], $0x100  }
0xec: {  	[sflag:s17] =	ssyncset.done $0x0  }
0xed: {  	[sflag:s17] =	ssyncadd.s32 $0xFFFFFF00  }
0xee: {  	_ =	swait.ge [sflag:s17], $0x100  }
0xef: {  	[sflag:s17] =	ssyncset.done $0x0  }
0xf0: {  	[sflag:s17] =	ssyncadd.s32 $0xFFFFFF00  }
0xf1: {  	_ =	swait.ge [sflag:s13], $0x4000  }
0xf2: {  	[sflag:s13] =	ssyncset.done $0x0  }
0xf3: {  	[sflag:s13] =	ssyncadd.s32 $0xFFFFC000  }
0xf4: {  	[tilespmem:s26], [sflag:$0x1] =	stream.indirect.gather [hbm4b:s1+s29], $0x80, s3, s29, $0xb8;
	[tilespmem:$0x1C5A0] =	vst v63  }
0xf5: {  	_ =	swait.ge [sflag:s14], $0x4000  }
0xf6: {  	[sflag:s14] =	ssyncset.done $0x0  }
0xf7: {  	[sflag:s14] =	ssyncadd.s32 $0xFFFFC000  }
0xf8: {  	[tilespmem:s9], [sflag:$0x2] =	stream.indirect.gather [hbm4b:s1+s29], $0x80, s29, s29, $0xb8;
	[tilespmem:$0x1C5A0] =	vst v63  }
0xf9: {  	s19 =	sadd.s32 s18, s24  }
0xfa: {  	[tilespmem:s7], [sflag:$0x5] =	stream.linear.gather [hbm4b:s19+s3], $0x100, $0x38;
	[tilespmem:$0x1C5A0] =	vst v63  }
0xfb: {  	s18 =	sadd.s32 s18, s23  }
0xfc: {  	[tilespmem:s8], [sflag:$0x5] =	stream.linear.gather [hbm4b:s18+s3], $0x100, $0x38;
	[tilespmem:$0x1C5A0] =	vst v63  }
.Ltmp0:
0xfd: {  	_ =	swait.ge [sflag:s17], $0x100;
	(pc) =	sbr.rel @p1 .LBB2_2-.Ltmp0, $4  }
0xfe: {  	[sflag:s17] =	ssyncset.done $0x0  }
0xff: {  	[sflag:s17] =	ssyncadd.s32 $0xFFFFFF00  }
0x100: {  	_ =	swait.ge [sflag:s17], $0x100  }
0x101: {  	[sflag:s17] =	ssyncset.done $0x0  }
0x102: {  	[sflag:s17] =	ssyncadd.s32 $0xFFFFFF00  }
0x103: {  	_ =	swait.ge [sflag:s10], $0x4000  }
0x104: {  	[sflag:s10] =	ssyncset.done $0x0  }
0x105: {  	[sflag:s10] =	ssyncadd.s32 $0xFFFFC000  }
0x106: {  	[spmem:s2] =	stream.indirect.scatter.add.f32 [tilespmem:s26], [sflag:$0x3], $0x80, s4, s29, $0xb8;
	[tilespmem:$0x1C5A0] =	vst v63  }
0x107: {  	_ =	swait.ge [sflag:s11], $0x4000  }
0x108: {  	[sflag:s11] =	ssyncset.done $0x0  }
0x109: {  	[sflag:s11] =	ssyncadd.s32 $0xFFFFC000  }
0x10a: {  	[spmem:s2] =	stream.indirect.scatter.add.f32 [tilespmem:s9], [sflag:$0x4], $0x80, s12, s29, $0xb8;
	[tilespmem:$0x1C5A0] =	vst v63  }
0x10b: {  	_ =	swait.ge [sflag:s13], $0x4000  }
0x10c: {  	[sflag:s13] =	ssyncset.done $0x0  }
0x10d: {  	[sflag:s13] =	ssyncadd.s32 $0xFFFFC000  }
0x10e: {  	[tilespmem:s26], [sflag:$0x1] =	stream.indirect.gather [hbm4b:s1+s29], $0x80, s7, s29, $0xb8;
	[tilespmem:$0x1C5A0] =	vst v63  }
0x10f: {  	_ =	swait.ge [sflag:s14], $0x4000  }
0x110: {  	[sflag:s14] =	ssyncset.done $0x0  }
0x111: {  	[sflag:s14] =	ssyncadd.s32 $0xFFFFC000  }
0x112: {  	[tilespmem:s9], [sflag:$0x2] =	stream.indirect.gather [hbm4b:s1+s29], $0x80, s15, s29, $0xb8;
	[tilespmem:$0x1C5A0] =	vst v63  }
0x113: {  	s18 =	rddreg [dreg:$0x12]  }
0x114: {  	[tilespmem:s3], [sflag:$0x5] =	stream.linear.gather [hbm4b:s18+s3], $0x100, $0x38;
	[tilespmem:$0x1C5A0] =	vst v63  }
0x115: {  	s19 =	rddreg [dreg:$0x13]  }
0x116: {  	[tilespmem:s4], [sflag:$0x5] =	stream.linear.gather [hbm4b:s19+s3], $0x100, $0x38;
	[tilespmem:$0x1C5A0] =	vst v63  }
0x117: {  	_ =	swait.ge [sflag:s10], $0x4000  }
0x118: {  	[sflag:s10] =	ssyncset.done $0x0  }
0x119: {  	[sflag:s10] =	ssyncadd.s32 $0xFFFFC000  }
0x11a: {  	[spmem:s2] =	stream.indirect.scatter.add.f32 [tilespmem:s26], [sflag:$0x3], $0x80, s8, s29, $0xb8;
	[tilespmem:$0x1C5A0] =	vst v63  }
0x11b: {  	_ =	swait.ge [sflag:s11], $0x4000  }
0x11c: {  	[sflag:s11] =	ssyncset.done $0x0  }
0x11d: {  	[sflag:s11] =	ssyncadd.s32 $0xFFFFC000  }
0x11e: {  	[spmem:s2] =	stream.indirect.scatter.add.f32 [tilespmem:s9], [sflag:$0x4], $0x80, s16, s29, $0xb8;
	[tilespmem:$0x1C5A0] =	vst v63  }
0x11f: {  	_ =	swait.ge [sflag:s17], $0x100  }
0x120: {  	[sflag:s17] =	ssyncset.done $0x0  }
0x121: {  	[sflag:s17] =	ssyncadd.s32 $0xFFFFFF00  }
0x122: {  	_ =	swait.ge [sflag:s17], $0x100  }
0x123: {  	[sflag:s17] =	ssyncset.done $0x0  }
0x124: {  	[sflag:s17] =	ssyncadd.s32 $0xFFFFFF00  }
0x125: {  	_ =	swait.ge [sflag:s13], $0x4000  }
0x126: {  	[sflag:s13] =	ssyncset.done $0x0  }
0x127: {  	[sflag:s13] =	ssyncadd.s32 $0xFFFFC000  }
0x128: {  	[tilespmem:s26], [sflag:$0x1] =	stream.indirect.gather [hbm4b:s1+s29], $0x80, s3, s29, $0xb8;
	[tilespmem:$0x1C5A0] =	vst v63  }
0x129: {  	_ =	swait.ge [sflag:s14], $0x4000  }
0x12a: {  	[sflag:s14] =	ssyncset.done $0x0  }
0x12b: {  	[sflag:s14] =	ssyncadd.s32 $0xFFFFC000  }
0x12c: {  	[tilespmem:s9], [sflag:$0x2] =	stream.indirect.gather [hbm4b:s1+s29], $0x80, s29, s29, $0xb8;
	[tilespmem:$0x1C5A0] =	vst v63  }
0x12d: {  	_ =	swait.ge [sflag:s10], $0x4000  }
0x12e: {  	[sflag:s10] =	ssyncset.done $0x0  }
0x12f: {  	[sflag:s10] =	ssyncadd.s32 $0xFFFFC000  }
0x130: {  	[spmem:s2] =	stream.indirect.scatter.add.f32 [tilespmem:s26], [sflag:$0x3], $0x80, s4, s29, $0xb8;
	[tilespmem:$0x1C5A0] =	vst v63  }
0x131: {  	_ =	swait.ge [sflag:s11], $0x4000  }
0x132: {  	[sflag:s11] =	ssyncset.done $0x0  }
0x133: {  	[sflag:s11] =	ssyncadd.s32 $0xFFFFC000  }
0x134: {  	[spmem:s2] =	stream.indirect.scatter.add.f32 [tilespmem:s9], [sflag:$0x4], $0x80, s12, s29, $0xb8;
	[tilespmem:$0x1C5A0] =	vst v63  }
0x135: {  	_ =	swait.ge [sflag:s13], $0x4000  }
0x136: {  	[sflag:s13] =	ssyncset.done $0x0  }
0x137: {  	[sflag:s13] =	ssyncadd.s32 $0xFFFFC000  }
0x138: {  	_ =	swait.ge [sflag:s14], $0x4000  }
0x139: {  	[sflag:s14] =	ssyncset.done $0x0  }
0x13a: {  	s19 =	simm.s32 $0x400;
	s20 =	rddreg [dreg:$0xc];
	[sflag:s14] =	ssyncadd.s32 $0xFFFFC000  }
0x13b: {  	[tilespmem:s19], [sflag:$0x6] =	stream.linear.gather [hbm4b:s20+s3], $0x10, $0x38;
	[tilespmem:$0x1C5A0] =	vst v63  }
0x13c: {  	_ =	swait.ge [sflag:s28], $0x10  }
0x13d: {  	[sflag:s28] =	ssyncset.done $0x0  }
0x13e: {  	s20 =	simm.s32 $0x410;
	s25 =	rddreg [dreg:$0xd];
	[sflag:s28] =	ssyncadd.s32 $0xFFFFFFF0  }
0x13f: {  	[tilespmem:s20], [sflag:$0x6] =	stream.linear.gather [hbm4b:s25+s3], $0x10, $0x38;
	[tilespmem:$0x1C5A0] =	vst v63  }
0x140: {  	_ =	swait.ge [sflag:s28], $0x10  }
0x141: {  	[sflag:s28] =	ssyncset.done $0x0  }
0x142: {  	s25 =	simm.s32 $0x10;
	[sflag:s28] =	ssyncadd.s32 $0xFFFFFFF0  }
0x143: {  	[tilespmem:s21], [sflag:$0x1] =	stream.indirect.gather [hbm4b:s1+s25], $0x80, s19, s25, $0xb8;
	[tilespmem:$0x1C5A0] =	vst v63  }
0x144: {  	_ =	swait.ge [sflag:s10], $0x800  }
0x145: {  	[sflag:s10] =	ssyncset.done $0x0  }
0x146: {  	[sflag:s10] =	ssyncadd.s32 $0xFFFFF800  }
0x147: {  	[spmem:s2] =	stream.indirect.scatter.add.f32 [tilespmem:s21], [sflag:$0x6], $0x80, s20, s25, $0xb8;
	[tilespmem:$0x1C5A0] =	vst v63  }
0x148: {  	_ =	swait.ge [sflag:s28], $0x800  }
0x149: {  	[sflag:s28] =	ssyncset.done $0x0  }
0x14a: {  	[sflag:s28] =	ssyncadd.s32 $0xFFFFF800  }
0x14b: {  	[bflag:$0x0] =	sbarrier.arrive $0xFFFF  }
0x14c: {  	[tilespmem:$0x430] =	vst v0  }
0x14d: {  	[tilespmem:$0x440] =	vst v1  }
0x14e: {  	[tilespmem:$0x450] =	vst v2  }
0x14f: {  	[tilespmem:$0x460] =	vst v3  }
0x150: {  	[tilespmem:$0x470] =	vst v4  }
0x151: {  	[tilespmem:$0x480] =	vst v5  }
0x152: {  	[tilespmem:$0x490] =	vst v6  }
0x153: {  	[tilespmem:$0x4A0] =	vst v7  }
0x154: {  	[tilespmem:s26], [sflag:$0x1] =	stream.indirect.gather [spmem:s2], $0x80, s30, s29, $0xb8;
	[tilespmem:$0x1C5A0] =	vst v63  }
0x155: {  	[tilespmem:$0x0] =	vst v8  }
0x156: {  	[tilespmem:$0x10] =	vst v9  }
0x157: {  	[tilespmem:$0x20] =	vst v10  }
0x158: {  	[tilespmem:$0x30] =	vst v11  }
0x159: {  	[tilespmem:$0x40] =	vst v12  }
0x15a: {  	[tilespmem:$0x50] =	vst v13  }
0x15b: {  	[tilespmem:$0x60] =	vst v14  }
0x15c: {  	[tilespmem:$0x70] =	vst v15  }
0x15d: {  	[tilespmem:s9], [sflag:$0x2] =	stream.indirect.gather [spmem:s2], $0x80, s3, s29, $0xb8;
	[tilespmem:$0x1C5A0] =	vst v63  }
0x15e: {  	_ =	swait.ge [sflag:s10], $0x4000  }
0x15f: {  	[sflag:s10] =	ssyncset.done $0x0  }
0x160: {  	s20 =	rddreg [dreg:$0x5];
	[sflag:s10] =	ssyncadd.s32 $0xFFFFC000  }
0x161: {  	[hbm4b:s20+s3] =	stream.linear.scatter [tilespmem:s26], [sflag:$0x3], $0x4000, $0x38;
	[tilespmem:$0x1C5A0] =	vst v63  }
0x162: {  	_ =	swait.ge [sflag:s13], $0x4000  }
0x163: {  	[sflag:s13] =	ssyncset.done $0x0  }
0x164: {  	[sflag:s13] =	ssyncadd.s32 $0xFFFFC000  }
0x165: {  	[tilespmem:$0x430] =	vst v16  }
0x166: {  	[tilespmem:$0x440] =	vst v17  }
0x167: {  	[tilespmem:$0x450] =	vst v18  }
0x168: {  	[tilespmem:$0x460] =	vst v19  }
0x169: {  	[tilespmem:$0x470] =	vst v20  }
0x16a: {  	[tilespmem:$0x480] =	vst v21  }
0x16b: {  	[tilespmem:$0x490] =	vst v22  }
0x16c: {  	[tilespmem:$0x4A0] =	vst v23  }
0x16d: {  	[tilespmem:s26], [sflag:$0x1] =	stream.indirect.gather [spmem:s2], $0x80, s30, s29, $0xb8;
	[tilespmem:$0x1C5A0] =	vst v63  }
0x16e: {  	_ =	swait.ge [sflag:s11], $0x4000  }
0x16f: {  	[sflag:s11] =	ssyncset.done $0x0  }
0x170: {  	s25 =	rddreg [dreg:$0x6];
	[sflag:s11] =	ssyncadd.s32 $0xFFFFC000  }
0x171: {  	[hbm4b:s25+s3] =	stream.linear.scatter [tilespmem:s9], [sflag:$0x4], $0x4000, $0x38;
	[tilespmem:$0x1C5A0] =	vst v63  }
0x172: {  	_ =	swait.ge [sflag:s14], $0x4000  }
0x173: {  	[sflag:s14] =	ssyncset.done $0x0  }
0x174: {  	[sflag:s14] =	ssyncadd.s32 $0xFFFFC000  }
0x175: {  	[tilespmem:$0x0] =	vst v24  }
0x176: {  	[tilespmem:$0x10] =	vst v25  }
0x177: {  	[tilespmem:$0x20] =	vst v26  }
0x178: {  	[tilespmem:$0x30] =	vst v27  }
0x179: {  	[tilespmem:$0x40] =	vst v28  }
0x17a: {  	[tilespmem:$0x50] =	vst v29  }
0x17b: {  	[tilespmem:$0x60] =	vst v30  }
0x17c: {  	[tilespmem:$0x70] =	vst v31  }
0x17d: {  	[tilespmem:s9], [sflag:$0x2] =	stream.indirect.gather [spmem:s2], $0x80, s3, s29, $0xb8;
	[tilespmem:$0x1C5A0] =	vst v63  }
0x17e: {  	_ =	swait.ge [sflag:s10], $0x4000  }
0x17f: {  	[sflag:s10] =	ssyncset.done $0x0  }
0x180: {  	s19 =	rddreg [dreg:$0x7];
	[sflag:s10] =	ssyncadd.s32 $0xFFFFC000  }
0x181: {  	[hbm4b:s19+s3] =	stream.linear.scatter [tilespmem:s26], [sflag:$0x3], $0x4000, $0x38;
	[tilespmem:$0x1C5A0] =	vst v63  }
0x182: {  	_ =	swait.ge [sflag:s13], $0x4000  }
0x183: {  	[sflag:s13] =	ssyncset.done $0x0  }
0x184: {  	[sflag:s13] =	ssyncadd.s32 $0xFFFFC000  }
0x185: {  	[tilespmem:$0x4B0] =	vst v32  }
0x186: {  	[tilespmem:$0x4C0] =	vst v33  }
0x187: {  	[tilespmem:$0x4D0] =	vst v34  }
0x188: {  	[tilespmem:$0x4E0] =	vst v35  }
0x189: {  	[tilespmem:$0x4F0] =	vst v36  }
0x18a: {  	[tilespmem:$0x500] =	vst v37  }
0x18b: {  	s31 =	simm.s32 $0x4B0;
	s25 =	simm.s32 $0x70;
	[tilespmem:$0x510] =	vst v38  }
0x18c: {  	[tilespmem:s26], [sflag:$0x1] =	stream.indirect.gather [spmem:s2], $0x80, s31, s25, $0xb8;
	[tilespmem:$0x1C5A0] =	vst v63  }
0x18d: {  	_ =	swait.ge [sflag:s11], $0x4000  }
0x18e: {  	[sflag:s11] =	ssyncset.done $0x0  }
0x18f: {  	s20 =	rddreg [dreg:$0x8];
	[sflag:s11] =	ssyncadd.s32 $0xFFFFC000  }
0x190: {  	[hbm4b:s20+s3] =	stream.linear.scatter [tilespmem:s9], [sflag:$0x4], $0x4000, $0x38;
	[tilespmem:$0x1C5A0] =	vst v63  }
0x191: {  	_ =	swait.ge [sflag:s10], $0x3800  }
0x192: {  	[sflag:s10] =	ssyncset.done $0x0  }
0x193: {  	s19 =	rddreg [dreg:$0x9];
	[sflag:s10] =	ssyncadd.s32 $0xFFFFC800  }
0x194: {  	[hbm4b:s19+s3] =	stream.linear.scatter [tilespmem:s26], [sflag:$0x3], $0x3800, $0x38;
	[tilespmem:$0x1C5A0] =	vst v63  }
0x195: {  	_ =	swait.ge [sflag:s14], $0x4000  }
0x196: {  	[sflag:s14] =	ssyncset.done $0x0  }
0x197: {  	[sflag:s14] =	ssyncadd.s32 $0xFFFFC000  }
0x198: {  	_ =	swait.ge [sflag:s13], $0x3800  }
0x199: {  	v39 =	vlaneseq.u32 @!p0;
	[sflag:s13] =	ssyncset.done $0x0  }
0x19a: {  	v39 =	vor.u32 @!p0 $0x2700, v39;
	[sflag:s13] =	ssyncadd.s32 $0xFFFFC800  }
0x19b: {  	s18 =	simm.s32 @!p0 $0x10;
	s20 =	simm.s32 @!p0 $0x8520;
	s19 =	simm.s32 @!p0 $0x420;
	[tilespmem:$0x420] =	vst @!p0 v39  }
0x19c: {  	[tilespmem:s20], [sflag:$0x1] =	stream.indirect.gather @!p0 [spmem:s2], $0x80, s19, s18, $0xb8;
	[tilespmem:$0x1C5A0] =	vst v63  }
0x19d: {  	s18 =	simm.s32 @!p0 $0x1  }
0x19e: {  	_ =	swait.ge @!p0 [sflag:s18], $0x800  }
0x19f: {  	[sflag:s18] =	ssyncset.done @!p0 $0x0  }
0x1a0: {  	s19 =	rddreg [dreg:$0xe];
	[sflag:s18] =	ssyncadd.s32 @!p0 $0xFFFFF800;
	s18 =	simm.s32 @!p0 $0x0  }
0x1a1: {  	[hbm4b:s19+s18] =	stream.linear.scatter @!p0 [tilespmem:s20], [sflag:$0x6], $0x800, $0x38;
	[tilespmem:$0x1C5A0] =	vst v63  }
0x1a2: {  	s18 =	simm.s32 @!p0 $0x6  }
0x1a3: {  	_ =	swait.ge @!p0 [sflag:s18], $0x800  }
0x1a4: {  	s22 =	sadd.s32 $0x1, s22;
	s20 =	rddreg [dreg:$0xf]  }
0x1a5: {  	p1 =	sne.s32 s22, s20  }
.Ltmp1:
0x1a6: {  	_ = 	snop;
	(pc) =	sbr.rel @p1 .LBB2_1-.Ltmp1, $3  }
0x1a7: {  	_ =	sdelay $0x1  }
0x1a8: {  	[sflag:s18] =	ssyncset.done @!p0 $0x0  }
0x1a9: {  	[sflag:s18] =	ssyncadd.s32 @!p0 $0xFFFFF800  }
0x1aa: {  	_ =	sfence.sel $0x180000  }
0x1ab: {  	[bflag:$0x0] =	sbarrier.arrive $0xFFFF  }
0x1ac: {  	_ =	strace $0x9000004A  }
0x1ad: {  	s0 =	stileid.u32;
	[bflag:$0x2] =	sbarrier.arrive $0xFFFF  }
0x1ae: {  	p0 =	sne.s32 s0, $0x0;
	s0 =	rddreg [dreg:$0x3]  }
0x1af: {  	s0 =	sadd.s32 @!p0 $0x100000, s0  }
0x1b0: {  	[sflag:s0] =	ssyncadd.tile.s32 @!p0 $0x1;
	_ =	shalt  }
.Lfunc_end2:
_tile_overlayer_lowered:
.L_overlay_start_2:
0x1b1: {  	(tag) =	ssettag $0x2  }
0x1b2: {  	s0 =	rddreg [dreg:$0x0];
	s2 =	stileid.u32  }
0x1b3: {  	s1 =	rddreg [dreg:$0x1];
	p0 =	sne.s32 s2, $0x0  }
0x1b4: {  	s3 =	rddreg [dreg:$0x2];
	[bflag:$0x3] =	sbarrier.arrive $0xFFFF;
	s2 =	simm.s32 @!p0 $0x1C06  }
0x1b5: {  	[timem:s3], [sflag:s2] =	dma.local @!p0 [hbm:s0], s1  }
0x1b6: {  	s0 =	simm.s32 @!p0 $0x6  }
0x1b7: {  	_ =	swait.ge @!p0 [sflag:s0], s1  }
0x1b8: {  	s1 =	ssub.s32 @!p0 $0x0, s1;
	[sflag:s0] =	ssyncset.done @!p0 $0x0  }
0x1b9: {  	[sflag:s0] =	ssyncadd.s32 @!p0 s1  }
0x1ba: {  	[bflag:$0x3] =	sbarrier.arrive $0xFFFF  }
0x1bb: {  	_ =	shalt  }

</sc_bundles>
